<compile_context>
chip_gen: v7x
topology: tpu7x:2x2x1
jax: 0.10.2.dev20260603
libtpu: 0.0.44.dev20260713+nightly
codegen_flags: <defaults>
</compile_context>

<pallas_src>
import functools

import jax
import jax.numpy as jnp
from jax import lax
from jax.experimental import pallas as pl
from jax.experimental.pallas import tpu as pltpu
from jax.experimental.pallas import tpu_sc as plsc

VOCAB = 100000
SUB = 128
NUM_TABLES = 8

_info = plsc.get_sparse_core_info()
_NC, _NS, _L = _info.num_cores, _info.num_subcores, _info.num_lanes
_NW = _NC * _NS

_ROWS_TOTAL = 4 * 2048 * 8
_ROWS_PER_W = _ROWS_TOTAL // _NW
_CHUNK = 128
_NCHUNK = _ROWS_PER_W // _CHUNK
_NBUF = 6
_NGRP = _CHUNK // _L


def _sc_gather(out_rows):
    mesh = plsc.VectorSubcoreMesh(core_axis_name="c", subcore_axis_name="s")

    @functools.partial(
        pl.kernel,
        mesh=mesh,
        out_type=out_rows,
        compiler_params=pltpu.CompilerParams(needs_layout_passes=False),
        scratch_types=(
            [
                pltpu.VMEM((2 * NUM_TABLES, SUB), jnp.int32),
                pltpu.VMEM((_NCHUNK, _CHUNK), jnp.int32),
            ]
            + [pltpu.VMEM((_CHUNK, SUB), jnp.float32) for _ in range(_NBUF)]
            + [pltpu.SemaphoreType.DMA for _ in range(2 * _NBUF)]
        ),
    )
    def k(x_hbm, tbl_hbm, out_hbm, xin_v, idx_v, *rest):
        bufs = rest[:_NBUF]
        sem_g = rest[_NBUF:2 * _NBUF]
        sem_w = rest[2 * _NBUF:]
        wid = lax.axis_index("s") * _NC + lax.axis_index("c")
        base = wid * _ROWS_PER_W

        pltpu.sync_copy(x_hbm.at[wid // 8, pl.ds((wid % 8) * 16, 16)], xin_v)

        io = lax.iota(jnp.int32, _L)
        lo = io % 8
        hi = jnp.where(io < 8, 0, 1)
        s_m = [hi + 2 * m for m in range(4)]
        soff_m = [s * VOCAB for s in s_m]
        row_ma = [[s + 8 * a for s in s_m] for a in range(2)]

        def fill(c):
            for g in range(_NGRP):
                G = c * _NGRP + g
                m = G % 4
                a = (G >> 2) >> 4
                cc = ((G >> 2) & 15) * 8
                gg = plsc.load_gather(xin_v, [row_ma[a][m], lo + cc])
                idx_v[c, pl.ds(g * _L, _L)] = gg + soff_m[m]

        def start_gather(c):
            return pltpu.async_copy(
                tbl_hbm.at[idx_v.at[c]], bufs[c % _NBUF], sem_g[c % _NBUF]
            )

        gcp = [None] * _NCHUNK
        wcp = [None] * _NCHUNK
        for c in range(_NBUF):
            fill(c)
            gcp[c] = start_gather(c)
        for c in range(_NCHUNK):
            gcp[c].wait()
            wcp[c] = pltpu.async_copy(
                bufs[c % _NBUF],
                out_hbm.at[pl.ds(base + c * _CHUNK, _CHUNK)],
                sem_w[c % _NBUF],
            )
            n = c + _NBUF
            if n < _NCHUNK:
                fill(n)
                wcp[c].wait()
                gcp[n] = start_gather(n)
        for c in range(_NCHUNK - _NBUF, _NCHUNK):
            wcp[c].wait()

    return k


def kernel(x, tables):
    B, S, T = x.shape
    xv = (
        x.astype(jnp.int32)
        .transpose(0, 2, 1)
        .reshape(B, T, S // SUB, SUB)
        .transpose(0, 2, 1, 3)
        .reshape(B, S // SUB * T, SUB)
    )
    big_table = tables.reshape(NUM_TABLES * VOCAB, SUB)
    out_rows = jax.ShapeDtypeStruct((_ROWS_TOTAL, SUB), jnp.float32)
    out = _sc_gather(out_rows)(xv, big_table)
    return (
        out.reshape(B * S // 8, 8, 8, SUB)
        .transpose(0, 2, 1, 3)
        .reshape(B, S, T * SUB)
    )

# --- scband reference (transcript-rebuilt; emitter-appended) ---
"""Pipeline reference for scband-concat-token-embedding-22814866277092 (READ-ONLY COPY).

The authoritative reference and input builder live on the scoring server;
editing this copy changes nothing except your own understanding.
"""

import jax, jax.numpy as jnp
import numpy as np

VOCAB = 100000
N_EMBD = 1024
SUB = N_EMBD // 8
B, S = 4, 2048

def setup_inputs(seed: int = 0) -> dict:
    key = jax.random.key(seed)
    k_x, k_w = jax.random.split(key)
    x = jax.random.randint(k_x, (B, S, 8), 0, VOCAB, dtype=jnp.int64 if jax.config.jax_enable_x64 else jnp.int32)
    # 8 independent embedding tables, stacked: [8, vocab, n_embd//8]
    tables = jax.random.normal(k_w, (8, VOCAB, SUB), dtype=jnp.float32) * 0.02
    return {"x": x, "tables": tables}

def reference(x, tables):
    # x: [B, S, 8] int; tables: [8, VOCAB, SUB]
    outs = [jnp.take(tables[i], x[:, :, i], axis=0) for i in range(8)]
    return jnp.concatenate(outs, axis=-1)  # [B, S, N_EMBD]

if __name__ == "__main__":
    import jax
    _d = setup_inputs()
    print(jax.jit(kernel)(*tuple(_d.values())))

</pallas_src>

<mosaic_0001>
#map = affine_map<(d0, d1) -> (0, 0, 0)>
#map1 = affine_map<(d0, d1) -> (0, 0)>
module attributes {stable_mosaic.version = 14 : i64} {
  func.func @k(%arg0: i32, %arg1: i32, %arg2: memref<4x128x128xi32, #tpu.memory_space<hbm>>, %arg3: memref<800000x128xf32, #tpu.memory_space<hbm>>, %arg4: memref<65536x128xf32, #tpu.memory_space<hbm>>, %arg5: memref<16x128xi32, #tpu.memory_space<vmem>>, %arg6: memref<16x128xi32, #tpu.memory_space<vmem>>, %arg7: memref<128x128xf32, #tpu.memory_space<vmem>>, %arg8: memref<128x128xf32, #tpu.memory_space<vmem>>, %arg9: memref<128x128xf32, #tpu.memory_space<vmem>>, %arg10: memref<128x128xf32, #tpu.memory_space<vmem>>, %arg11: memref<128x128xf32, #tpu.memory_space<vmem>>, %arg12: memref<128x128xf32, #tpu.memory_space<vmem>>, %arg13: memref<!tpu.dma_semaphore, #tpu.memory_space<semaphore_mem>>, %arg14: memref<!tpu.dma_semaphore, #tpu.memory_space<semaphore_mem>>, %arg15: memref<!tpu.dma_semaphore, #tpu.memory_space<semaphore_mem>>, %arg16: memref<!tpu.dma_semaphore, #tpu.memory_space<semaphore_mem>>, %arg17: memref<!tpu.dma_semaphore, #tpu.memory_space<semaphore_mem>>, %arg18: memref<!tpu.dma_semaphore, #tpu.memory_space<semaphore_mem>>, %arg19: memref<!tpu.dma_semaphore, #tpu.memory_space<semaphore_mem>>, %arg20: memref<!tpu.dma_semaphore, #tpu.memory_space<semaphore_mem>>, %arg21: memref<!tpu.dma_semaphore, #tpu.memory_space<semaphore_mem>>, %arg22: memref<!tpu.dma_semaphore, #tpu.memory_space<semaphore_mem>>, %arg23: memref<!tpu.dma_semaphore, #tpu.memory_space<semaphore_mem>>, %arg24: memref<!tpu.dma_semaphore, #tpu.memory_space<semaphore_mem>>) attributes {dimension_semantics = [#tpu.dimension_semantics<core_parallel>, #tpu.dimension_semantics<subcore_parallel>], iteration_bounds = array<i64: 2, 16>, scalar_prefetch = 0 : i64, scratch_operands = 20 : i64, tpu.core_type = #tpu.core_type<sc_vector_subcore>, window_params = [{transform_indices = #map}, {transform_indices = #map1}, {transform_indices = #map1}]} {
    %mul3A = arith.constant 2 : i32
    %mul3A_0 = arith.muli %arg1, %mul3A : i32
    %add3A = arith.addi %mul3A_0, %arg0 : i32
    %mul3A_1 = arith.constant 2048 : i32
    %mul3A_2 = arith.muli %add3A, %mul3A_1 : i32
    %jit3A = arith.constant 8 : i32
    %div3A = arith.divsi %add3A, %jit3A : i32
    %sign3A = arith.constant 0 : i32
    %sign3A_3 = arith.cmpi sgt, %add3A, %sign3A : i32
    %sign3A_4 = arith.extui %sign3A_3 : i1 to i32
    %sign3A_5 = arith.constant 0 : i32
    %sign3A_6 = arith.cmpi slt, %add3A, %sign3A_5 : i32
    %sign3A_7 = arith.extui %sign3A_6 : i1 to i32
    %sign3A_8 = arith.subi %sign3A_4, %sign3A_7 : i32
    %sign3A_9 = arith.constant 0 : i32
    %sign3A_10 = arith.cmpi sgt, %jit3A, %sign3A_9 : i32
    %sign3A_11 = arith.extui %sign3A_10 : i1 to i32
    %sign3A_12 = arith.constant 0 : i32
    %sign3A_13 = arith.cmpi slt, %jit3A, %sign3A_12 : i32
    %sign3A_14 = arith.extui %sign3A_13 : i1 to i32
    %sign3A_15 = arith.subi %sign3A_11, %sign3A_14 : i32
    %ne3A = arith.cmpi ne, %sign3A_8, %sign3A_15 : i32
    %rem3A = arith.remsi %add3A, %jit3A : i32
    %ne3A_16 = arith.constant 0 : i32
    %ne3A_17 = arith.cmpi ne, %rem3A, %ne3A_16 : i32
    %and3A = arith.andi %ne3A, %ne3A_17 : i1
    %sub3A = arith.constant 1 : i32
    %sub3A_18 = arith.subi %div3A, %sub3A : i32
    %select_n3A = arith.select %and3A, %sub3A_18, %div3A : i32
    %jit3A_19 = arith.constant 8 : i32
    %eq3A = arith.constant 0 : i32
    %eq3A_20 = arith.cmpi eq, %jit3A_19, %eq3A : i32
    %jit3A_21 = arith.constant 1 : i32
    %select_n3A_22 = arith.select %eq3A_20, %jit3A_21, %jit3A_19 : i32
    %rem3A_23 = arith.remsi %add3A, %select_n3A_22 : i32
    %ne3A_24 = arith.constant 0 : i32
    %ne3A_25 = arith.cmpi ne, %rem3A_23, %ne3A_24 : i32
    %lt3A = arith.constant 0 : i32
    %lt3A_26 = arith.cmpi slt, %rem3A_23, %lt3A : i32
    %lt3A_27 = arith.constant 0 : i32
    %lt3A_28 = arith.cmpi slt, %select_n3A_22, %lt3A_27 : i32
    %ne3A_29 = arith.xori %lt3A_26, %lt3A_28 : i1
    %and3A_30 = arith.andi %ne3A_29, %ne3A_25 : i1
    %add3A_31 = arith.addi %rem3A_23, %select_n3A_22 : i32
    %select_n3A_32 = arith.select %and3A_30, %add3A_31, %rem3A_23 : i32
    %mul3A_33 = arith.constant 16 : i32
    %mul3A_34 = arith.muli %select_n3A_32, %mul3A_33 : i32
    "tpu.region"() ({
      %run_scoped3A = tpu.sem_alloc : memref<!tpu.dma_semaphore, #tpu.memory_space<semaphore_mem>>
      %dma_start3A_1644 = arith.constant 0 : i32
      %dma_start3A_1645 = tpu.memref_slice %arg2[%select_n3A, %mul3A_34, %dma_start3A_1644] : memref<4x128x128xi32, #tpu.memory_space<hbm>> -> memref<1x16x128xi32, #tpu.memory_space<hbm>>
      %dma_start3A_1646 = tpu.memref_squeeze %dma_start3A_1645 : memref<1x16x128xi32, #tpu.memory_space<hbm>> -> memref<16x128xi32, #tpu.memory_space<hbm>>
      %dma_start3A_1647 = arith.constant 0 : i32
      %dma_start3A_1648 = tpu.memref_slice %arg2[%select_n3A, %mul3A_34, %dma_start3A_1647] : memref<4x128x128xi32, #tpu.memory_space<hbm>> -> memref<1x16x128xi32, #tpu.memory_space<hbm>>
      %dma_start3A_1649 = tpu.memref_squeeze %dma_start3A_1648 : memref<1x16x128xi32, #tpu.memory_space<hbm>> -> memref<16x128xi32, #tpu.memory_space<hbm>>
      tpu.enqueue_dma source(%dma_start3A_1649 : memref<16x128xi32, #tpu.memory_space<hbm>>) target(%arg5 : memref<16x128xi32, #tpu.memory_space<vmem>>) target_semaphore(%run_scoped3A : memref<!tpu.dma_semaphore, #tpu.memory_space<semaphore_mem>>)
      %dma_wait3A_1650 = arith.constant 0 : i32
      %dma_wait3A_1651 = tpu.memref_slice %arg2[%select_n3A, %mul3A_34, %dma_wait3A_1650] : memref<4x128x128xi32, #tpu.memory_space<hbm>> -> memref<1x16x128xi32, #tpu.memory_space<hbm>>
      %dma_wait3A_1652 = tpu.memref_squeeze %dma_wait3A_1651 : memref<1x16x128xi32, #tpu.memory_space<hbm>> -> memref<16x128xi32, #tpu.memory_space<hbm>>
      %dma_wait3A_1653 = arith.constant 0 : i32
      %dma_wait3A_1654 = tpu.memref_slice %arg2[%select_n3A, %mul3A_34, %dma_wait3A_1653] : memref<4x128x128xi32, #tpu.memory_space<hbm>> -> memref<1x16x128xi32, #tpu.memory_space<hbm>>
      %dma_wait3A_1655 = tpu.memref_squeeze %dma_wait3A_1654 : memref<1x16x128xi32, #tpu.memory_space<hbm>> -> memref<16x128xi32, #tpu.memory_space<hbm>>
      tpu.wait_dma2 semaphore(%run_scoped3A : memref<!tpu.dma_semaphore, #tpu.memory_space<semaphore_mem>>) src(%dma_wait3A_1655 : memref<16x128xi32, #tpu.memory_space<hbm>>) dst(%arg5 : memref<16x128xi32, #tpu.memory_space<vmem>>)
      tpu.yield
    }) : () -> ()
    %iota3A = tpu.iota {dimensions = array<i32: 0>} : vector<16xi32>
    %jit3A_35 = arith.constant 8 : i32
    %eq3A_36 = arith.constant 0 : i32
    %eq3A_37 = arith.cmpi eq, %jit3A_35, %eq3A_36 : i32
    %jit3A_38 = arith.constant 1 : i32
    %select_n3A_39 = arith.select %eq3A_37, %jit3A_38, %jit3A_35 : i32
    %rem3A_40 = vector.broadcast %select_n3A_39 : i32 to vector<16xi32>
    %rem3A_41 = arith.remsi %iota3A, %rem3A_40 : vector<16xi32>
    %ne3A_42 = arith.constant 0 : i32
    %ne3A_43 = vector.broadcast %ne3A_42 : i32 to vector<16xi32>
    %ne3A_44 = arith.cmpi ne, %rem3A_41, %ne3A_43 : vector<16xi32>
    %lt3A_45 = arith.constant 0 : i32
    %lt3A_46 = vector.broadcast %lt3A_45 : i32 to vector<16xi32>
    %lt3A_47 = arith.cmpi slt, %rem3A_41, %lt3A_46 : vector<16xi32>
    %lt3A_48 = arith.constant 0 : i32
    %lt3A_49 = arith.cmpi slt, %select_n3A_39, %lt3A_48 : i32
    %ne3A_50 = vector.broadcast %lt3A_49 : i1 to vector<16xi1>
    %ne3A_51 = vector.broadcast %ne3A_50 : vector<16xi1> to vector<16xi1>
    %ne3A_52 = arith.xori %lt3A_47, %ne3A_51 : vector<16xi1>
    %and3A_53 = arith.andi %ne3A_52, %ne3A_44 : vector<16xi1>
    %add3A_54 = vector.broadcast %select_n3A_39 : i32 to vector<16xi32>
    %add3A_55 = arith.addi %rem3A_41, %add3A_54 : vector<16xi32>
    %select_n3A_56 = arith.select %and3A_53, %add3A_55, %rem3A_41 : vector<16xi1>, vector<16xi32>
    %lt3A_57 = arith.constant 8 : i32
    %lt3A_58 = vector.broadcast %lt3A_57 : i32 to vector<16xi32>
    %lt3A_59 = arith.cmpi slt, %iota3A, %lt3A_58 : vector<16xi32>
    %jit3A_60 = arith.constant 0 : i32
    %jit3A_61 = arith.constant 1 : i32
    %broadcast_in_dim3A = vector.broadcast %jit3A_60 : i32 to vector<16xi32>
    %broadcast_in_dim3A_62 = vector.broadcast %jit3A_61 : i32 to vector<16xi32>
    %select_n3A_63 = arith.select %lt3A_59, %broadcast_in_dim3A, %broadcast_in_dim3A_62 : vector<16xi1>, vector<16xi32>
    %add3A_64 = arith.constant 0 : i32
    %add3A_65 = vector.broadcast %add3A_64 : i32 to vector<16xi32>
    %add3A_66 = arith.addi %select_n3A_63, %add3A_65 : vector<16xi32>
    %add3A_67 = arith.constant 2 : i32
    %add3A_68 = vector.broadcast %add3A_67 : i32 to vector<16xi32>
    %add3A_69 = arith.addi %select_n3A_63, %add3A_68 : vector<16xi32>
    %add3A_70 = arith.constant 4 : i32
    %add3A_71 = vector.broadcast %add3A_70 : i32 to vector<16xi32>
    %add3A_72 = arith.addi %select_n3A_63, %add3A_71 : vector<16xi32>
    %add3A_73 = arith.constant 6 : i32
    %add3A_74 = vector.broadcast %add3A_73 : i32 to vector<16xi32>
    %add3A_75 = arith.addi %select_n3A_63, %add3A_74 : vector<16xi32>
    %mul3A_76 = arith.constant 100000 : i32
    %mul3A_77 = vector.broadcast %mul3A_76 : i32 to vector<16xi32>
    %mul3A_78 = arith.muli %add3A_66, %mul3A_77 : vector<16xi32>
    %mul3A_79 = arith.constant 100000 : i32
    %mul3A_80 = vector.broadcast %mul3A_79 : i32 to vector<16xi32>
    %mul3A_81 = arith.muli %add3A_69, %mul3A_80 : vector<16xi32>
    %mul3A_82 = arith.constant 100000 : i32
    %mul3A_83 = vector.broadcast %mul3A_82 : i32 to vector<16xi32>
    %mul3A_84 = arith.muli %add3A_72, %mul3A_83 : vector<16xi32>
    %mul3A_85 = arith.constant 100000 : i32
    %mul3A_86 = vector.broadcast %mul3A_85 : i32 to vector<16xi32>
    %mul3A_87 = arith.muli %add3A_75, %mul3A_86 : vector<16xi32>
    %add3A_88 = arith.constant 0 : i32
    %add3A_89 = vector.broadcast %add3A_88 : i32 to vector<16xi32>
    %add3A_90 = arith.addi %add3A_66, %add3A_89 : vector<16xi32>
    %add3A_91 = arith.constant 0 : i32
    %add3A_92 = vector.broadcast %add3A_91 : i32 to vector<16xi32>
    %add3A_93 = arith.addi %add3A_69, %add3A_92 : vector<16xi32>
    %add3A_94 = arith.constant 0 : i32
    %add3A_95 = vector.broadcast %add3A_94 : i32 to vector<16xi32>
    %add3A_96 = arith.addi %add3A_72, %add3A_95 : vector<16xi32>
    %add3A_97 = arith.constant 0 : i32
    %add3A_98 = vector.broadcast %add3A_97 : i32 to vector<16xi32>
    %add3A_99 = arith.addi %add3A_75, %add3A_98 : vector<16xi32>
    %add3A_100 = arith.constant 8 : i32
    %add3A_101 = vector.broadcast %add3A_100 : i32 to vector<16xi32>
    %add3A_102 = arith.addi %add3A_66, %add3A_101 : vector<16xi32>
    %add3A_103 = arith.constant 8 : i32
    %add3A_104 = vector.broadcast %add3A_103 : i32 to vector<16xi32>
    %add3A_105 = arith.addi %add3A_69, %add3A_104 : vector<16xi32>
    %add3A_106 = arith.constant 8 : i32
    %add3A_107 = vector.broadcast %add3A_106 : i32 to vector<16xi32>
    %add3A_108 = arith.addi %add3A_72, %add3A_107 : vector<16xi32>
    %add3A_109 = arith.constant 8 : i32
    %add3A_110 = vector.broadcast %add3A_109 : i32 to vector<16xi32>
    %add3A_111 = arith.addi %add3A_75, %add3A_110 : vector<16xi32>
    %add3A_112 = arith.constant 0 : i32
    %add3A_113 = vector.broadcast %add3A_112 : i32 to vector<16xi32>
    %add3A_114 = arith.addi %select_n3A_56, %add3A_113 : vector<16xi32>
    %gather3A = tpu.vector_load_idx %arg5[%add3A_90, %add3A_114] : memref<16x128xi32, #tpu.memory_space<vmem>>[vector<16xi32>, vector<16xi32>], vector<16xi32>,
    %add3A_115 = arith.addi %gather3A, %mul3A_78 : vector<16xi32>
    %swap3A = arith.constant 0 : i32
    %swap3A_116 = arith.index_cast %swap3A : i32 to index
    %swap3A_117 = arith.constant 0 : index
    %swap3A_118 = tpu.vector_load %arg6[%swap3A_116, %swap3A_117] {strides = array<i32>} : memref<16x128xi32, #tpu.memory_space<vmem>>, vector<16xi32>,
    tpu.vector_store %arg6[%swap3A_116, %swap3A_117], %add3A_115 {strides = array<i32>} : memref<16x128xi32, #tpu.memory_space<vmem>>, vector<16xi32>,
    %add3A_119 = arith.constant 0 : i32
    %add3A_120 = vector.broadcast %add3A_119 : i32 to vector<16xi32>
    %add3A_121 = arith.addi %select_n3A_56, %add3A_120 : vector<16xi32>
    %gather3A_122 = tpu.vector_load_idx %arg5[%add3A_93, %add3A_121] : memref<16x128xi32, #tpu.memory_space<vmem>>[vector<16xi32>, vector<16xi32>], vector<16xi32>,
    %add3A_123 = arith.addi %gather3A_122, %mul3A_81 : vector<16xi32>
    %swap3A_124 = arith.constant 0 : i32
    %swap3A_125 = arith.index_cast %swap3A_124 : i32 to index
    %swap3A_126 = arith.constant 16 : index
    %swap3A_127 = tpu.vector_load %arg6[%swap3A_125, %swap3A_126] {strides = array<i32>} : memref<16x128xi32, #tpu.memory_space<vmem>>, vector<16xi32>,
    tpu.vector_store %arg6[%swap3A_125, %swap3A_126], %add3A_123 {strides = array<i32>} : memref<16x128xi32, #tpu.memory_space<vmem>>, vector<16xi32>,
    %add3A_128 = arith.constant 0 : i32
    %add3A_129 = vector.broadcast %add3A_128 : i32 to vector<16xi32>
    %add3A_130 = arith.addi %select_n3A_56, %add3A_129 : vector<16xi32>
    %gather3A_131 = tpu.vector_load_idx %arg5[%add3A_96, %add3A_130] : memref<16x128xi32, #tpu.memory_space<vmem>>[vector<16xi32>, vector<16xi32>], vector<16xi32>,
    %add3A_132 = arith.addi %gather3A_131, %mul3A_84 : vector<16xi32>
    %swap3A_133 = arith.constant 0 : i32
    %swap3A_134 = arith.index_cast %swap3A_133 : i32 to index
    %swap3A_135 = arith.constant 32 : index
    %swap3A_136 = tpu.vector_load %arg6[%swap3A_134, %swap3A_135] {strides = array<i32>} : memref<16x128xi32, #tpu.memory_space<vmem>>, vector<16xi32>,
    tpu.vector_store %arg6[%swap3A_134, %swap3A_135], %add3A_132 {strides = array<i32>} : memref<16x128xi32, #tpu.memory_space<vmem>>, vector<16xi32>,
    %add3A_137 = arith.constant 0 : i32
    %add3A_138 = vector.broadcast %add3A_137 : i32 to vector<16xi32>
    %add3A_139 = arith.addi %select_n3A_56, %add3A_138 : vector<16xi32>
    %gather3A_140 = tpu.vector_load_idx %arg5[%add3A_99, %add3A_139] : memref<16x128xi32, #tpu.memory_space<vmem>>[vector<16xi32>, vector<16xi32>], vector<16xi32>,
    %add3A_141 = arith.addi %gather3A_140, %mul3A_87 : vector<16xi32>
    %swap3A_142 = arith.constant 0 : i32
    %swap3A_143 = arith.index_cast %swap3A_142 : i32 to index
    %swap3A_144 = arith.constant 48 : index
    %swap3A_145 = tpu.vector_load %arg6[%swap3A_143, %swap3A_144] {strides = array<i32>} : memref<16x128xi32, #tpu.memory_space<vmem>>, vector<16xi32>,
    tpu.vector_store %arg6[%swap3A_143, %swap3A_144], %add3A_141 {strides = array<i32>} : memref<16x128xi32, #tpu.memory_space<vmem>>, vector<16xi32>,
    %add3A_146 = arith.constant 8 : i32
    %add3A_147 = vector.broadcast %add3A_146 : i32 to vector<16xi32>
    %add3A_148 = arith.addi %select_n3A_56, %add3A_147 : vector<16xi32>
    %gather3A_149 = tpu.vector_load_idx %arg5[%add3A_90, %add3A_148] : memref<16x128xi32, #tpu.memory_space<vmem>>[vector<16xi32>, vector<16xi32>], vector<16xi32>,
    %add3A_150 = arith.addi %gather3A_149, %mul3A_78 : vector<16xi32>
    %swap3A_151 = arith.constant 0 : i32
    %swap3A_152 = arith.index_cast %swap3A_151 : i32 to index
    %swap3A_153 = arith.constant 64 : index
    %swap3A_154 = tpu.vector_load %arg6[%swap3A_152, %swap3A_153] {strides = array<i32>} : memref<16x128xi32, #tpu.memory_space<vmem>>, vector<16xi32>,
    tpu.vector_store %arg6[%swap3A_152, %swap3A_153], %add3A_150 {strides = array<i32>} : memref<16x128xi32, #tpu.memory_space<vmem>>, vector<16xi32>,
    %add3A_155 = arith.constant 8 : i32
    %add3A_156 = vector.broadcast %add3A_155 : i32 to vector<16xi32>
    %add3A_157 = arith.addi %select_n3A_56, %add3A_156 : vector<16xi32>
    %gather3A_158 = tpu.vector_load_idx %arg5[%add3A_93, %add3A_157] : memref<16x128xi32, #tpu.memory_space<vmem>>[vector<16xi32>, vector<16xi32>], vector<16xi32>,
    %add3A_159 = arith.addi %gather3A_158, %mul3A_81 : vector<16xi32>
    %swap3A_160 = arith.constant 0 : i32
    %swap3A_161 = arith.index_cast %swap3A_160 : i32 to index
    %swap3A_162 = arith.constant 80 : index
    %swap3A_163 = tpu.vector_load %arg6[%swap3A_161, %swap3A_162] {strides = array<i32>} : memref<16x128xi32, #tpu.memory_space<vmem>>, vector<16xi32>,
    tpu.vector_store %arg6[%swap3A_161, %swap3A_162], %add3A_159 {strides = array<i32>} : memref<16x128xi32, #tpu.memory_space<vmem>>, vector<16xi32>,
    %add3A_164 = arith.constant 8 : i32
    %add3A_165 = vector.broadcast %add3A_164 : i32 to vector<16xi32>
    %add3A_166 = arith.addi %select_n3A_56, %add3A_165 : vector<16xi32>
    %gather3A_167 = tpu.vector_load_idx %arg5[%add3A_96, %add3A_166] : memref<16x128xi32, #tpu.memory_space<vmem>>[vector<16xi32>, vector<16xi32>], vector<16xi32>,
    %add3A_168 = arith.addi %gather3A_167, %mul3A_84 : vector<16xi32>
    %swap3A_169 = arith.constant 0 : i32
    %swap3A_170 = arith.index_cast %swap3A_169 : i32 to index
    %swap3A_171 = arith.constant 96 : index
    %swap3A_172 = tpu.vector_load %arg6[%swap3A_170, %swap3A_171] {strides = array<i32>} : memref<16x128xi32, #tpu.memory_space<vmem>>, vector<16xi32>,
    tpu.vector_store %arg6[%swap3A_170, %swap3A_171], %add3A_168 {strides = array<i32>} : memref<16x128xi32, #tpu.memory_space<vmem>>, vector<16xi32>,
    %add3A_173 = arith.constant 8 : i32
    %add3A_174 = vector.broadcast %add3A_173 : i32 to vector<16xi32>
    %add3A_175 = arith.addi %select_n3A_56, %add3A_174 : vector<16xi32>
    %gather3A_176 = tpu.vector_load_idx %arg5[%add3A_99, %add3A_175] : memref<16x128xi32, #tpu.memory_space<vmem>>[vector<16xi32>, vector<16xi32>], vector<16xi32>,
    %add3A_177 = arith.addi %gather3A_176, %mul3A_87 : vector<16xi32>
    %swap3A_178 = arith.constant 0 : i32
    %swap3A_179 = arith.index_cast %swap3A_178 : i32 to index
    %swap3A_180 = arith.constant 112 : index
    %swap3A_181 = tpu.vector_load %arg6[%swap3A_179, %swap3A_180] {strides = array<i32>} : memref<16x128xi32, #tpu.memory_space<vmem>>, vector<16xi32>,
    tpu.vector_store %arg6[%swap3A_179, %swap3A_180], %add3A_177 {strides = array<i32>} : memref<16x128xi32, #tpu.memory_space<vmem>>, vector<16xi32>,
    %dma_start3A = arith.constant 0 : i32
    %dma_start3A_182 = arith.constant 0 : i32
    %dma_start3A_183 = tpu.memref_slice %arg6[%dma_start3A, %dma_start3A_182] : memref<16x128xi32, #tpu.memory_space<vmem>> -> memref<1x128xi32, #tpu.memory_space<vmem>>
    %dma_start3A_184 = tpu.memref_squeeze %dma_start3A_183 : memref<1x128xi32, #tpu.memory_space<vmem>> -> memref<128xi32, #tpu.memory_space<vmem>>
    %dma_start3A_185 = arith.constant 0 : i32
    %dma_start3A_186 = arith.constant 0 : i32
    %dma_start3A_187 = tpu.memref_slice %arg3[%dma_start3A_185, %dma_start3A_186] : memref<800000x128xf32, #tpu.memory_space<hbm>> -> memref<800000x128xf32, #tpu.memory_space<hbm>>
    tpu.enqueue_indirect_dma source(%dma_start3A_187 : memref<800000x128xf32, #tpu.memory_space<hbm>>) target(%arg7 : memref<128x128xf32, #tpu.memory_space<vmem>>) offsets(%dma_start3A_184 : memref<128xi32, #tpu.memory_space<vmem>>) semaphore(%arg13 : memref<!tpu.dma_semaphore, #tpu.memory_space<semaphore_mem>>)
    %add3A_188 = arith.constant 16 : i32
    %add3A_189 = vector.broadcast %add3A_188 : i32 to vector<16xi32>
    %add3A_190 = arith.addi %select_n3A_56, %add3A_189 : vector<16xi32>
    %gather3A_191 = tpu.vector_load_idx %arg5[%add3A_90, %add3A_190] : memref<16x128xi32, #tpu.memory_space<vmem>>[vector<16xi32>, vector<16xi32>], vector<16xi32>,
    %add3A_192 = arith.addi %gather3A_191, %mul3A_78 : vector<16xi32>
    %swap3A_193 = arith.constant 1 : i32
    %swap3A_194 = arith.index_cast %swap3A_193 : i32 to index
    %swap3A_195 = arith.constant 0 : index
    %swap3A_196 = tpu.vector_load %arg6[%swap3A_194, %swap3A_195] {strides = array<i32>} : memref<16x128xi32, #tpu.memory_space<vmem>>, vector<16xi32>,
    tpu.vector_store %arg6[%swap3A_194, %swap3A_195], %add3A_192 {strides = array<i32>} : memref<16x128xi32, #tpu.memory_space<vmem>>, vector<16xi32>,
    %add3A_197 = arith.constant 16 : i32
    %add3A_198 = vector.broadcast %add3A_197 : i32 to vector<16xi32>
    %add3A_199 = arith.addi %select_n3A_56, %add3A_198 : vector<16xi32>
    %gather3A_200 = tpu.vector_load_idx %arg5[%add3A_93, %add3A_199] : memref<16x128xi32, #tpu.memory_space<vmem>>[vector<16xi32>, vector<16xi32>], vector<16xi32>,
    %add3A_201 = arith.addi %gather3A_200, %mul3A_81 : vector<16xi32>
    %swap3A_202 = arith.constant 1 : i32
    %swap3A_203 = arith.index_cast %swap3A_202 : i32 to index
    %swap3A_204 = arith.constant 16 : index
    %swap3A_205 = tpu.vector_load %arg6[%swap3A_203, %swap3A_204] {strides = array<i32>} : memref<16x128xi32, #tpu.memory_space<vmem>>, vector<16xi32>,
    tpu.vector_store %arg6[%swap3A_203, %swap3A_204], %add3A_201 {strides = array<i32>} : memref<16x128xi32, #tpu.memory_space<vmem>>, vector<16xi32>,
    %add3A_206 = arith.constant 16 : i32
    %add3A_207 = vector.broadcast %add3A_206 : i32 to vector<16xi32>
    %add3A_208 = arith.addi %select_n3A_56, %add3A_207 : vector<16xi32>
    %gather3A_209 = tpu.vector_load_idx %arg5[%add3A_96, %add3A_208] : memref<16x128xi32, #tpu.memory_space<vmem>>[vector<16xi32>, vector<16xi32>], vector<16xi32>,
    %add3A_210 = arith.addi %gather3A_209, %mul3A_84 : vector<16xi32>
    %swap3A_211 = arith.constant 1 : i32
    %swap3A_212 = arith.index_cast %swap3A_211 : i32 to index
    %swap3A_213 = arith.constant 32 : index
    %swap3A_214 = tpu.vector_load %arg6[%swap3A_212, %swap3A_213] {strides = array<i32>} : memref<16x128xi32, #tpu.memory_space<vmem>>, vector<16xi32>,
    tpu.vector_store %arg6[%swap3A_212, %swap3A_213], %add3A_210 {strides = array<i32>} : memref<16x128xi32, #tpu.memory_space<vmem>>, vector<16xi32>,
    %add3A_215 = arith.constant 16 : i32
    %add3A_216 = vector.broadcast %add3A_215 : i32 to vector<16xi32>
    %add3A_217 = arith.addi %select_n3A_56, %add3A_216 : vector<16xi32>
    %gather3A_218 = tpu.vector_load_idx %arg5[%add3A_99, %add3A_217] : memref<16x128xi32, #tpu.memory_space<vmem>>[vector<16xi32>, vector<16xi32>], vector<16xi32>,
    %add3A_219 = arith.addi %gather3A_218, %mul3A_87 : vector<16xi32>
    %swap3A_220 = arith.constant 1 : i32
    %swap3A_221 = arith.index_cast %swap3A_220 : i32 to index
    %swap3A_222 = arith.constant 48 : index
    %swap3A_223 = tpu.vector_load %arg6[%swap3A_221, %swap3A_222] {strides = array<i32>} : memref<16x128xi32, #tpu.memory_space<vmem>>, vector<16xi32>,
    tpu.vector_store %arg6[%swap3A_221, %swap3A_222], %add3A_219 {strides = array<i32>} : memref<16x128xi32, #tpu.memory_space<vmem>>, vector<16xi32>,
    %add3A_224 = arith.constant 24 : i32
    %add3A_225 = vector.broadcast %add3A_224 : i32 to vector<16xi32>
    %add3A_226 = arith.addi %select_n3A_56, %add3A_225 : vector<16xi32>
    %gather3A_227 = tpu.vector_load_idx %arg5[%add3A_90, %add3A_226] : memref<16x128xi32, #tpu.memory_space<vmem>>[vector<16xi32>, vector<16xi32>], vector<16xi32>,
    %add3A_228 = arith.addi %gather3A_227, %mul3A_78 : vector<16xi32>
    %swap3A_229 = arith.constant 1 : i32
    %swap3A_230 = arith.index_cast %swap3A_229 : i32 to index
    %swap3A_231 = arith.constant 64 : index
    %swap3A_232 = tpu.vector_load %arg6[%swap3A_230, %swap3A_231] {strides = array<i32>} : memref<16x128xi32, #tpu.memory_space<vmem>>, vector<16xi32>,
    tpu.vector_store %arg6[%swap3A_230, %swap3A_231], %add3A_228 {strides = array<i32>} : memref<16x128xi32, #tpu.memory_space<vmem>>, vector<16xi32>,
    %add3A_233 = arith.constant 24 : i32
    %add3A_234 = vector.broadcast %add3A_233 : i32 to vector<16xi32>
    %add3A_235 = arith.addi %select_n3A_56, %add3A_234 : vector<16xi32>
    %gather3A_236 = tpu.vector_load_idx %arg5[%add3A_93, %add3A_235] : memref<16x128xi32, #tpu.memory_space<vmem>>[vector<16xi32>, vector<16xi32>], vector<16xi32>,
    %add3A_237 = arith.addi %gather3A_236, %mul3A_81 : vector<16xi32>
    %swap3A_238 = arith.constant 1 : i32
    %swap3A_239 = arith.index_cast %swap3A_238 : i32 to index
    %swap3A_240 = arith.constant 80 : index
    %swap3A_241 = tpu.vector_load %arg6[%swap3A_239, %swap3A_240] {strides = array<i32>} : memref<16x128xi32, #tpu.memory_space<vmem>>, vector<16xi32>,
    tpu.vector_store %arg6[%swap3A_239, %swap3A_240], %add3A_237 {strides = array<i32>} : memref<16x128xi32, #tpu.memory_space<vmem>>, vector<16xi32>,
    %add3A_242 = arith.constant 24 : i32
    %add3A_243 = vector.broadcast %add3A_242 : i32 to vector<16xi32>
    %add3A_244 = arith.addi %select_n3A_56, %add3A_243 : vector<16xi32>
    %gather3A_245 = tpu.vector_load_idx %arg5[%add3A_96, %add3A_244] : memref<16x128xi32, #tpu.memory_space<vmem>>[vector<16xi32>, vector<16xi32>], vector<16xi32>,
    %add3A_246 = arith.addi %gather3A_245, %mul3A_84 : vector<16xi32>
    %swap3A_247 = arith.constant 1 : i32
    %swap3A_248 = arith.index_cast %swap3A_247 : i32 to index
    %swap3A_249 = arith.constant 96 : index
    %swap3A_250 = tpu.vector_load %arg6[%swap3A_248, %swap3A_249] {strides = array<i32>} : memref<16x128xi32, #tpu.memory_space<vmem>>, vector<16xi32>,
    tpu.vector_store %arg6[%swap3A_248, %swap3A_249], %add3A_246 {strides = array<i32>} : memref<16x128xi32, #tpu.memory_space<vmem>>, vector<16xi32>,
    %add3A_251 = arith.constant 24 : i32
    %add3A_252 = vector.broadcast %add3A_251 : i32 to vector<16xi32>
    %add3A_253 = arith.addi %select_n3A_56, %add3A_252 : vector<16xi32>
    %gather3A_254 = tpu.vector_load_idx %arg5[%add3A_99, %add3A_253] : memref<16x128xi32, #tpu.memory_space<vmem>>[vector<16xi32>, vector<16xi32>], vector<16xi32>,
    %add3A_255 = arith.addi %gather3A_254, %mul3A_87 : vector<16xi32>
    %swap3A_256 = arith.constant 1 : i32
    %swap3A_257 = arith.index_cast %swap3A_256 : i32 to index
    %swap3A_258 = arith.constant 112 : index
    %swap3A_259 = tpu.vector_load %arg6[%swap3A_257, %swap3A_258] {strides = array<i32>} : memref<16x128xi32, #tpu.memory_space<vmem>>, vector<16xi32>,
    tpu.vector_store %arg6[%swap3A_257, %swap3A_258], %add3A_255 {strides = array<i32>} : memref<16x128xi32, #tpu.memory_space<vmem>>, vector<16xi32>,
    %dma_start3A_260 = arith.constant 1 : i32
    %dma_start3A_261 = arith.constant 0 : i32
    %dma_start3A_262 = tpu.memref_slice %arg6[%dma_start3A_260, %dma_start3A_261] : memref<16x128xi32, #tpu.memory_space<vmem>> -> memref<1x128xi32, #tpu.memory_space<vmem>>
    %dma_start3A_263 = tpu.memref_squeeze %dma_start3A_262 : memref<1x128xi32, #tpu.memory_space<vmem>> -> memref<128xi32, #tpu.memory_space<vmem>>
    %dma_start3A_264 = arith.constant 0 : i32
    %dma_start3A_265 = arith.constant 0 : i32
    %dma_start3A_266 = tpu.memref_slice %arg3[%dma_start3A_264, %dma_start3A_265] : memref<800000x128xf32, #tpu.memory_space<hbm>> -> memref<800000x128xf32, #tpu.memory_space<hbm>>
    tpu.enqueue_indirect_dma source(%dma_start3A_266 : memref<800000x128xf32, #tpu.memory_space<hbm>>) target(%arg8 : memref<128x128xf32, #tpu.memory_space<vmem>>) offsets(%dma_start3A_263 : memref<128xi32, #tpu.memory_space<vmem>>) semaphore(%arg14 : memref<!tpu.dma_semaphore, #tpu.memory_space<semaphore_mem>>)
    %add3A_267 = arith.constant 32 : i32
    %add3A_268 = vector.broadcast %add3A_267 : i32 to vector<16xi32>
    %add3A_269 = arith.addi %select_n3A_56, %add3A_268 : vector<16xi32>
    %gather3A_270 = tpu.vector_load_idx %arg5[%add3A_90, %add3A_269] : memref<16x128xi32, #tpu.memory_space<vmem>>[vector<16xi32>, vector<16xi32>], vector<16xi32>,
    %add3A_271 = arith.addi %gather3A_270, %mul3A_78 : vector<16xi32>
    %swap3A_272 = arith.constant 2 : i32
    %swap3A_273 = arith.index_cast %swap3A_272 : i32 to index
    %swap3A_274 = arith.constant 0 : index
    %swap3A_275 = tpu.vector_load %arg6[%swap3A_273, %swap3A_274] {strides = array<i32>} : memref<16x128xi32, #tpu.memory_space<vmem>>, vector<16xi32>,
    tpu.vector_store %arg6[%swap3A_273, %swap3A_274], %add3A_271 {strides = array<i32>} : memref<16x128xi32, #tpu.memory_space<vmem>>, vector<16xi32>,
    %add3A_276 = arith.constant 32 : i32
    %add3A_277 = vector.broadcast %add3A_276 : i32 to vector<16xi32>
    %add3A_278 = arith.addi %select_n3A_56, %add3A_277 : vector<16xi32>
    %gather3A_279 = tpu.vector_load_idx %arg5[%add3A_93, %add3A_278] : memref<16x128xi32, #tpu.memory_space<vmem>>[vector<16xi32>, vector<16xi32>], vector<16xi32>,
    %add3A_280 = arith.addi %gather3A_279, %mul3A_81 : vector<16xi32>
    %swap3A_281 = arith.constant 2 : i32
    %swap3A_282 = arith.index_cast %swap3A_281 : i32 to index
    %swap3A_283 = arith.constant 16 : index
    %swap3A_284 = tpu.vector_load %arg6[%swap3A_282, %swap3A_283] {strides = array<i32>} : memref<16x128xi32, #tpu.memory_space<vmem>>, vector<16xi32>,
    tpu.vector_store %arg6[%swap3A_282, %swap3A_283], %add3A_280 {strides = array<i32>} : memref<16x128xi32, #tpu.memory_space<vmem>>, vector<16xi32>,
    %add3A_285 = arith.constant 32 : i32
    %add3A_286 = vector.broadcast %add3A_285 : i32 to vector<16xi32>
    %add3A_287 = arith.addi %select_n3A_56, %add3A_286 : vector<16xi32>
    %gather3A_288 = tpu.vector_load_idx %arg5[%add3A_96, %add3A_287] : memref<16x128xi32, #tpu.memory_space<vmem>>[vector<16xi32>, vector<16xi32>], vector<16xi32>,
    %add3A_289 = arith.addi %gather3A_288, %mul3A_84 : vector<16xi32>
    %swap3A_290 = arith.constant 2 : i32
    %swap3A_291 = arith.index_cast %swap3A_290 : i32 to index
    %swap3A_292 = arith.constant 32 : index
    %swap3A_293 = tpu.vector_load %arg6[%swap3A_291, %swap3A_292] {strides = array<i32>} : memref<16x128xi32, #tpu.memory_space<vmem>>, vector<16xi32>,
    tpu.vector_store %arg6[%swap3A_291, %swap3A_292], %add3A_289 {strides = array<i32>} : memref<16x128xi32, #tpu.memory_space<vmem>>, vector<16xi32>,
    %add3A_294 = arith.constant 32 : i32
    %add3A_295 = vector.broadcast %add3A_294 : i32 to vector<16xi32>
    %add3A_296 = arith.addi %select_n3A_56, %add3A_295 : vector<16xi32>
    %gather3A_297 = tpu.vector_load_idx %arg5[%add3A_99, %add3A_296] : memref<16x128xi32, #tpu.memory_space<vmem>>[vector<16xi32>, vector<16xi32>], vector<16xi32>,
    %add3A_298 = arith.addi %gather3A_297, %mul3A_87 : vector<16xi32>
    %swap3A_299 = arith.constant 2 : i32
    %swap3A_300 = arith.index_cast %swap3A_299 : i32 to index
    %swap3A_301 = arith.constant 48 : index
    %swap3A_302 = tpu.vector_load %arg6[%swap3A_300, %swap3A_301] {strides = array<i32>} : memref<16x128xi32, #tpu.memory_space<vmem>>, vector<16xi32>,
    tpu.vector_store %arg6[%swap3A_300, %swap3A_301], %add3A_298 {strides = array<i32>} : memref<16x128xi32, #tpu.memory_space<vmem>>, vector<16xi32>,
    %add3A_303 = arith.constant 40 : i32
    %add3A_304 = vector.broadcast %add3A_303 : i32 to vector<16xi32>
    %add3A_305 = arith.addi %select_n3A_56, %add3A_304 : vector<16xi32>
    %gather3A_306 = tpu.vector_load_idx %arg5[%add3A_90, %add3A_305] : memref<16x128xi32, #tpu.memory_space<vmem>>[vector<16xi32>, vector<16xi32>], vector<16xi32>,
    %add3A_307 = arith.addi %gather3A_306, %mul3A_78 : vector<16xi32>
    %swap3A_308 = arith.constant 2 : i32
    %swap3A_309 = arith.index_cast %swap3A_308 : i32 to index
    %swap3A_310 = arith.constant 64 : index
    %swap3A_311 = tpu.vector_load %arg6[%swap3A_309, %swap3A_310] {strides = array<i32>} : memref<16x128xi32, #tpu.memory_space<vmem>>, vector<16xi32>,
    tpu.vector_store %arg6[%swap3A_309, %swap3A_310], %add3A_307 {strides = array<i32>} : memref<16x128xi32, #tpu.memory_space<vmem>>, vector<16xi32>,
    %add3A_312 = arith.constant 40 : i32
    %add3A_313 = vector.broadcast %add3A_312 : i32 to vector<16xi32>
    %add3A_314 = arith.addi %select_n3A_56, %add3A_313 : vector<16xi32>
    %gather3A_315 = tpu.vector_load_idx %arg5[%add3A_93, %add3A_314] : memref<16x128xi32, #tpu.memory_space<vmem>>[vector<16xi32>, vector<16xi32>], vector<16xi32>,
    %add3A_316 = arith.addi %gather3A_315, %mul3A_81 : vector<16xi32>
    %swap3A_317 = arith.constant 2 : i32
    %swap3A_318 = arith.index_cast %swap3A_317 : i32 to index
    %swap3A_319 = arith.constant 80 : index
    %swap3A_320 = tpu.vector_load %arg6[%swap3A_318, %swap3A_319] {strides = array<i32>} : memref<16x128xi32, #tpu.memory_space<vmem>>, vector<16xi32>,
    tpu.vector_store %arg6[%swap3A_318, %swap3A_319], %add3A_316 {strides = array<i32>} : memref<16x128xi32, #tpu.memory_space<vmem>>, vector<16xi32>,
    %add3A_321 = arith.constant 40 : i32
    %add3A_322 = vector.broadcast %add3A_321 : i32 to vector<16xi32>
    %add3A_323 = arith.addi %select_n3A_56, %add3A_322 : vector<16xi32>
    %gather3A_324 = tpu.vector_load_idx %arg5[%add3A_96, %add3A_323] : memref<16x128xi32, #tpu.memory_space<vmem>>[vector<16xi32>, vector<16xi32>], vector<16xi32>,
    %add3A_325 = arith.addi %gather3A_324, %mul3A_84 : vector<16xi32>
    %swap3A_326 = arith.constant 2 : i32
    %swap3A_327 = arith.index_cast %swap3A_326 : i32 to index
    %swap3A_328 = arith.constant 96 : index
    %swap3A_329 = tpu.vector_load %arg6[%swap3A_327, %swap3A_328] {strides = array<i32>} : memref<16x128xi32, #tpu.memory_space<vmem>>, vector<16xi32>,
    tpu.vector_store %arg6[%swap3A_327, %swap3A_328], %add3A_325 {strides = array<i32>} : memref<16x128xi32, #tpu.memory_space<vmem>>, vector<16xi32>,
    %add3A_330 = arith.constant 40 : i32
    %add3A_331 = vector.broadcast %add3A_330 : i32 to vector<16xi32>
    %add3A_332 = arith.addi %select_n3A_56, %add3A_331 : vector<16xi32>
    %gather3A_333 = tpu.vector_load_idx %arg5[%add3A_99, %add3A_332] : memref<16x128xi32, #tpu.memory_space<vmem>>[vector<16xi32>, vector<16xi32>], vector<16xi32>,
    %add3A_334 = arith.addi %gather3A_333, %mul3A_87 : vector<16xi32>
    %swap3A_335 = arith.constant 2 : i32
    %swap3A_336 = arith.index_cast %swap3A_335 : i32 to index
    %swap3A_337 = arith.constant 112 : index
    %swap3A_338 = tpu.vector_load %arg6[%swap3A_336, %swap3A_337] {strides = array<i32>} : memref<16x128xi32, #tpu.memory_space<vmem>>, vector<16xi32>,
    tpu.vector_store %arg6[%swap3A_336, %swap3A_337], %add3A_334 {strides = array<i32>} : memref<16x128xi32, #tpu.memory_space<vmem>>, vector<16xi32>,
    %dma_start3A_339 = arith.constant 2 : i32
    %dma_start3A_340 = arith.constant 0 : i32
    %dma_start3A_341 = tpu.memref_slice %arg6[%dma_start3A_339, %dma_start3A_340] : memref<16x128xi32, #tpu.memory_space<vmem>> -> memref<1x128xi32, #tpu.memory_space<vmem>>
    %dma_start3A_342 = tpu.memref_squeeze %dma_start3A_341 : memref<1x128xi32, #tpu.memory_space<vmem>> -> memref<128xi32, #tpu.memory_space<vmem>>
    %dma_start3A_343 = arith.constant 0 : i32
    %dma_start3A_344 = arith.constant 0 : i32
    %dma_start3A_345 = tpu.memref_slice %arg3[%dma_start3A_343, %dma_start3A_344] : memref<800000x128xf32, #tpu.memory_space<hbm>> -> memref<800000x128xf32, #tpu.memory_space<hbm>>
    tpu.enqueue_indirect_dma source(%dma_start3A_345 : memref<800000x128xf32, #tpu.memory_space<hbm>>) target(%arg9 : memref<128x128xf32, #tpu.memory_space<vmem>>) offsets(%dma_start3A_342 : memref<128xi32, #tpu.memory_space<vmem>>) semaphore(%arg15 : memref<!tpu.dma_semaphore, #tpu.memory_space<semaphore_mem>>)
    %add3A_346 = arith.constant 48 : i32
    %add3A_347 = vector.broadcast %add3A_346 : i32 to vector<16xi32>
    %add3A_348 = arith.addi %select_n3A_56, %add3A_347 : vector<16xi32>
    %gather3A_349 = tpu.vector_load_idx %arg5[%add3A_90, %add3A_348] : memref<16x128xi32, #tpu.memory_space<vmem>>[vector<16xi32>, vector<16xi32>], vector<16xi32>,
    %add3A_350 = arith.addi %gather3A_349, %mul3A_78 : vector<16xi32>
    %swap3A_351 = arith.constant 3 : i32
    %swap3A_352 = arith.index_cast %swap3A_351 : i32 to index
    %swap3A_353 = arith.constant 0 : index
    %swap3A_354 = tpu.vector_load %arg6[%swap3A_352, %swap3A_353] {strides = array<i32>} : memref<16x128xi32, #tpu.memory_space<vmem>>, vector<16xi32>,
    tpu.vector_store %arg6[%swap3A_352, %swap3A_353], %add3A_350 {strides = array<i32>} : memref<16x128xi32, #tpu.memory_space<vmem>>, vector<16xi32>,
    %add3A_355 = arith.constant 48 : i32
    %add3A_356 = vector.broadcast %add3A_355 : i32 to vector<16xi32>
    %add3A_357 = arith.addi %select_n3A_56, %add3A_356 : vector<16xi32>
    %gather3A_358 = tpu.vector_load_idx %arg5[%add3A_93, %add3A_357] : memref<16x128xi32, #tpu.memory_space<vmem>>[vector<16xi32>, vector<16xi32>], vector<16xi32>,
    %add3A_359 = arith.addi %gather3A_358, %mul3A_81 : vector<16xi32>
    %swap3A_360 = arith.constant 3 : i32
    %swap3A_361 = arith.index_cast %swap3A_360 : i32 to index
    %swap3A_362 = arith.constant 16 : index
    %swap3A_363 = tpu.vector_load %arg6[%swap3A_361, %swap3A_362] {strides = array<i32>} : memref<16x128xi32, #tpu.memory_space<vmem>>, vector<16xi32>,
    tpu.vector_store %arg6[%swap3A_361, %swap3A_362], %add3A_359 {strides = array<i32>} : memref<16x128xi32, #tpu.memory_space<vmem>>, vector<16xi32>,
    %add3A_364 = arith.constant 48 : i32
    %add3A_365 = vector.broadcast %add3A_364 : i32 to vector<16xi32>
    %add3A_366 = arith.addi %select_n3A_56, %add3A_365 : vector<16xi32>
    %gather3A_367 = tpu.vector_load_idx %arg5[%add3A_96, %add3A_366] : memref<16x128xi32, #tpu.memory_space<vmem>>[vector<16xi32>, vector<16xi32>], vector<16xi32>,
    %add3A_368 = arith.addi %gather3A_367, %mul3A_84 : vector<16xi32>
    %swap3A_369 = arith.constant 3 : i32
    %swap3A_370 = arith.index_cast %swap3A_369 : i32 to index
    %swap3A_371 = arith.constant 32 : index
    %swap3A_372 = tpu.vector_load %arg6[%swap3A_370, %swap3A_371] {strides = array<i32>} : memref<16x128xi32, #tpu.memory_space<vmem>>, vector<16xi32>,
    tpu.vector_store %arg6[%swap3A_370, %swap3A_371], %add3A_368 {strides = array<i32>} : memref<16x128xi32, #tpu.memory_space<vmem>>, vector<16xi32>,
    %add3A_373 = arith.constant 48 : i32
    %add3A_374 = vector.broadcast %add3A_373 : i32 to vector<16xi32>
    %add3A_375 = arith.addi %select_n3A_56, %add3A_374 : vector<16xi32>
    %gather3A_376 = tpu.vector_load_idx %arg5[%add3A_99, %add3A_375] : memref<16x128xi32, #tpu.memory_space<vmem>>[vector<16xi32>, vector<16xi32>], vector<16xi32>,
    %add3A_377 = arith.addi %gather3A_376, %mul3A_87 : vector<16xi32>
    %swap3A_378 = arith.constant 3 : i32
    %swap3A_379 = arith.index_cast %swap3A_378 : i32 to index
    %swap3A_380 = arith.constant 48 : index
    %swap3A_381 = tpu.vector_load %arg6[%swap3A_379, %swap3A_380] {strides = array<i32>} : memref<16x128xi32, #tpu.memory_space<vmem>>, vector<16xi32>,
    tpu.vector_store %arg6[%swap3A_379, %swap3A_380], %add3A_377 {strides = array<i32>} : memref<16x128xi32, #tpu.memory_space<vmem>>, vector<16xi32>,
    %add3A_382 = arith.constant 56 : i32
    %add3A_383 = vector.broadcast %add3A_382 : i32 to vector<16xi32>
    %add3A_384 = arith.addi %select_n3A_56, %add3A_383 : vector<16xi32>
    %gather3A_385 = tpu.vector_load_idx %arg5[%add3A_90, %add3A_384] : memref<16x128xi32, #tpu.memory_space<vmem>>[vector<16xi32>, vector<16xi32>], vector<16xi32>,
    %add3A_386 = arith.addi %gather3A_385, %mul3A_78 : vector<16xi32>
    %swap3A_387 = arith.constant 3 : i32
    %swap3A_388 = arith.index_cast %swap3A_387 : i32 to index
    %swap3A_389 = arith.constant 64 : index
    %swap3A_390 = tpu.vector_load %arg6[%swap3A_388, %swap3A_389] {strides = array<i32>} : memref<16x128xi32, #tpu.memory_space<vmem>>, vector<16xi32>,
    tpu.vector_store %arg6[%swap3A_388, %swap3A_389], %add3A_386 {strides = array<i32>} : memref<16x128xi32, #tpu.memory_space<vmem>>, vector<16xi32>,
    %add3A_391 = arith.constant 56 : i32
    %add3A_392 = vector.broadcast %add3A_391 : i32 to vector<16xi32>
    %add3A_393 = arith.addi %select_n3A_56, %add3A_392 : vector<16xi32>
    %gather3A_394 = tpu.vector_load_idx %arg5[%add3A_93, %add3A_393] : memref<16x128xi32, #tpu.memory_space<vmem>>[vector<16xi32>, vector<16xi32>], vector<16xi32>,
    %add3A_395 = arith.addi %gather3A_394, %mul3A_81 : vector<16xi32>
    %swap3A_396 = arith.constant 3 : i32
    %swap3A_397 = arith.index_cast %swap3A_396 : i32 to index
    %swap3A_398 = arith.constant 80 : index
    %swap3A_399 = tpu.vector_load %arg6[%swap3A_397, %swap3A_398] {strides = array<i32>} : memref<16x128xi32, #tpu.memory_space<vmem>>, vector<16xi32>,
    tpu.vector_store %arg6[%swap3A_397, %swap3A_398], %add3A_395 {strides = array<i32>} : memref<16x128xi32, #tpu.memory_space<vmem>>, vector<16xi32>,
    %add3A_400 = arith.constant 56 : i32
    %add3A_401 = vector.broadcast %add3A_400 : i32 to vector<16xi32>
    %add3A_402 = arith.addi %select_n3A_56, %add3A_401 : vector<16xi32>
    %gather3A_403 = tpu.vector_load_idx %arg5[%add3A_96, %add3A_402] : memref<16x128xi32, #tpu.memory_space<vmem>>[vector<16xi32>, vector<16xi32>], vector<16xi32>,
    %add3A_404 = arith.addi %gather3A_403, %mul3A_84 : vector<16xi32>
    %swap3A_405 = arith.constant 3 : i32
    %swap3A_406 = arith.index_cast %swap3A_405 : i32 to index
    %swap3A_407 = arith.constant 96 : index
    %swap3A_408 = tpu.vector_load %arg6[%swap3A_406, %swap3A_407] {strides = array<i32>} : memref<16x128xi32, #tpu.memory_space<vmem>>, vector<16xi32>,
    tpu.vector_store %arg6[%swap3A_406, %swap3A_407], %add3A_404 {strides = array<i32>} : memref<16x128xi32, #tpu.memory_space<vmem>>, vector<16xi32>,
    %add3A_409 = arith.constant 56 : i32
    %add3A_410 = vector.broadcast %add3A_409 : i32 to vector<16xi32>
    %add3A_411 = arith.addi %select_n3A_56, %add3A_410 : vector<16xi32>
    %gather3A_412 = tpu.vector_load_idx %arg5[%add3A_99, %add3A_411] : memref<16x128xi32, #tpu.memory_space<vmem>>[vector<16xi32>, vector<16xi32>], vector<16xi32>,
    %add3A_413 = arith.addi %gather3A_412, %mul3A_87 : vector<16xi32>
    %swap3A_414 = arith.constant 3 : i32
    %swap3A_415 = arith.index_cast %swap3A_414 : i32 to index
    %swap3A_416 = arith.constant 112 : index
    %swap3A_417 = tpu.vector_load %arg6[%swap3A_415, %swap3A_416] {strides = array<i32>} : memref<16x128xi32, #tpu.memory_space<vmem>>, vector<16xi32>,
    tpu.vector_store %arg6[%swap3A_415, %swap3A_416], %add3A_413 {strides = array<i32>} : memref<16x128xi32, #tpu.memory_space<vmem>>, vector<16xi32>,
    %dma_start3A_418 = arith.constant 3 : i32
    %dma_start3A_419 = arith.constant 0 : i32
    %dma_start3A_420 = tpu.memref_slice %arg6[%dma_start3A_418, %dma_start3A_419] : memref<16x128xi32, #tpu.memory_space<vmem>> -> memref<1x128xi32, #tpu.memory_space<vmem>>
    %dma_start3A_421 = tpu.memref_squeeze %dma_start3A_420 : memref<1x128xi32, #tpu.memory_space<vmem>> -> memref<128xi32, #tpu.memory_space<vmem>>
    %dma_start3A_422 = arith.constant 0 : i32
    %dma_start3A_423 = arith.constant 0 : i32
    %dma_start3A_424 = tpu.memref_slice %arg3[%dma_start3A_422, %dma_start3A_423] : memref<800000x128xf32, #tpu.memory_space<hbm>> -> memref<800000x128xf32, #tpu.memory_space<hbm>>
    tpu.enqueue_indirect_dma source(%dma_start3A_424 : memref<800000x128xf32, #tpu.memory_space<hbm>>) target(%arg10 : memref<128x128xf32, #tpu.memory_space<vmem>>) offsets(%dma_start3A_421 : memref<128xi32, #tpu.memory_space<vmem>>) semaphore(%arg16 : memref<!tpu.dma_semaphore, #tpu.memory_space<semaphore_mem>>)
    %add3A_425 = arith.constant 64 : i32
    %add3A_426 = vector.broadcast %add3A_425 : i32 to vector<16xi32>
    %add3A_427 = arith.addi %select_n3A_56, %add3A_426 : vector<16xi32>
    %gather3A_428 = tpu.vector_load_idx %arg5[%add3A_90, %add3A_427] : memref<16x128xi32, #tpu.memory_space<vmem>>[vector<16xi32>, vector<16xi32>], vector<16xi32>,
    %add3A_429 = arith.addi %gather3A_428, %mul3A_78 : vector<16xi32>
    %swap3A_430 = arith.constant 4 : i32
    %swap3A_431 = arith.index_cast %swap3A_430 : i32 to index
    %swap3A_432 = arith.constant 0 : index
    %swap3A_433 = tpu.vector_load %arg6[%swap3A_431, %swap3A_432] {strides = array<i32>} : memref<16x128xi32, #tpu.memory_space<vmem>>, vector<16xi32>,
    tpu.vector_store %arg6[%swap3A_431, %swap3A_432], %add3A_429 {strides = array<i32>} : memref<16x128xi32, #tpu.memory_space<vmem>>, vector<16xi32>,
    %add3A_434 = arith.constant 64 : i32
    %add3A_435 = vector.broadcast %add3A_434 : i32 to vector<16xi32>
    %add3A_436 = arith.addi %select_n3A_56, %add3A_435 : vector<16xi32>
    %gather3A_437 = tpu.vector_load_idx %arg5[%add3A_93, %add3A_436] : memref<16x128xi32, #tpu.memory_space<vmem>>[vector<16xi32>, vector<16xi32>], vector<16xi32>,
    %add3A_438 = arith.addi %gather3A_437, %mul3A_81 : vector<16xi32>
    %swap3A_439 = arith.constant 4 : i32
    %swap3A_440 = arith.index_cast %swap3A_439 : i32 to index
    %swap3A_441 = arith.constant 16 : index
    %swap3A_442 = tpu.vector_load %arg6[%swap3A_440, %swap3A_441] {strides = array<i32>} : memref<16x128xi32, #tpu.memory_space<vmem>>, vector<16xi32>,
    tpu.vector_store %arg6[%swap3A_440, %swap3A_441], %add3A_438 {strides = array<i32>} : memref<16x128xi32, #tpu.memory_space<vmem>>, vector<16xi32>,
    %add3A_443 = arith.constant 64 : i32
    %add3A_444 = vector.broadcast %add3A_443 : i32 to vector<16xi32>
    %add3A_445 = arith.addi %select_n3A_56, %add3A_444 : vector<16xi32>
    %gather3A_446 = tpu.vector_load_idx %arg5[%add3A_96, %add3A_445] : memref<16x128xi32, #tpu.memory_space<vmem>>[vector<16xi32>, vector<16xi32>], vector<16xi32>,
    %add3A_447 = arith.addi %gather3A_446, %mul3A_84 : vector<16xi32>
    %swap3A_448 = arith.constant 4 : i32
    %swap3A_449 = arith.index_cast %swap3A_448 : i32 to index
    %swap3A_450 = arith.constant 32 : index
    %swap3A_451 = tpu.vector_load %arg6[%swap3A_449, %swap3A_450] {strides = array<i32>} : memref<16x128xi32, #tpu.memory_space<vmem>>, vector<16xi32>,
    tpu.vector_store %arg6[%swap3A_449, %swap3A_450], %add3A_447 {strides = array<i32>} : memref<16x128xi32, #tpu.memory_space<vmem>>, vector<16xi32>,
    %add3A_452 = arith.constant 64 : i32
    %add3A_453 = vector.broadcast %add3A_452 : i32 to vector<16xi32>
    %add3A_454 = arith.addi %select_n3A_56, %add3A_453 : vector<16xi32>
    %gather3A_455 = tpu.vector_load_idx %arg5[%add3A_99, %add3A_454] : memref<16x128xi32, #tpu.memory_space<vmem>>[vector<16xi32>, vector<16xi32>], vector<16xi32>,
    %add3A_456 = arith.addi %gather3A_455, %mul3A_87 : vector<16xi32>
    %swap3A_457 = arith.constant 4 : i32
    %swap3A_458 = arith.index_cast %swap3A_457 : i32 to index
    %swap3A_459 = arith.constant 48 : index
    %swap3A_460 = tpu.vector_load %arg6[%swap3A_458, %swap3A_459] {strides = array<i32>} : memref<16x128xi32, #tpu.memory_space<vmem>>, vector<16xi32>,
    tpu.vector_store %arg6[%swap3A_458, %swap3A_459], %add3A_456 {strides = array<i32>} : memref<16x128xi32, #tpu.memory_space<vmem>>, vector<16xi32>,
    %add3A_461 = arith.constant 72 : i32
    %add3A_462 = vector.broadcast %add3A_461 : i32 to vector<16xi32>
    %add3A_463 = arith.addi %select_n3A_56, %add3A_462 : vector<16xi32>
    %gather3A_464 = tpu.vector_load_idx %arg5[%add3A_90, %add3A_463] : memref<16x128xi32, #tpu.memory_space<vmem>>[vector<16xi32>, vector<16xi32>], vector<16xi32>,
    %add3A_465 = arith.addi %gather3A_464, %mul3A_78 : vector<16xi32>
    %swap3A_466 = arith.constant 4 : i32
    %swap3A_467 = arith.index_cast %swap3A_466 : i32 to index
    %swap3A_468 = arith.constant 64 : index
    %swap3A_469 = tpu.vector_load %arg6[%swap3A_467, %swap3A_468] {strides = array<i32>} : memref<16x128xi32, #tpu.memory_space<vmem>>, vector<16xi32>,
    tpu.vector_store %arg6[%swap3A_467, %swap3A_468], %add3A_465 {strides = array<i32>} : memref<16x128xi32, #tpu.memory_space<vmem>>, vector<16xi32>,
    %add3A_470 = arith.constant 72 : i32
    %add3A_471 = vector.broadcast %add3A_470 : i32 to vector<16xi32>
    %add3A_472 = arith.addi %select_n3A_56, %add3A_471 : vector<16xi32>
    %gather3A_473 = tpu.vector_load_idx %arg5[%add3A_93, %add3A_472] : memref<16x128xi32, #tpu.memory_space<vmem>>[vector<16xi32>, vector<16xi32>], vector<16xi32>,
    %add3A_474 = arith.addi %gather3A_473, %mul3A_81 : vector<16xi32>
    %swap3A_475 = arith.constant 4 : i32
    %swap3A_476 = arith.index_cast %swap3A_475 : i32 to index
    %swap3A_477 = arith.constant 80 : index
    %swap3A_478 = tpu.vector_load %arg6[%swap3A_476, %swap3A_477] {strides = array<i32>} : memref<16x128xi32, #tpu.memory_space<vmem>>, vector<16xi32>,
    tpu.vector_store %arg6[%swap3A_476, %swap3A_477], %add3A_474 {strides = array<i32>} : memref<16x128xi32, #tpu.memory_space<vmem>>, vector<16xi32>,
    %add3A_479 = arith.constant 72 : i32
    %add3A_480 = vector.broadcast %add3A_479 : i32 to vector<16xi32>
    %add3A_481 = arith.addi %select_n3A_56, %add3A_480 : vector<16xi32>
    %gather3A_482 = tpu.vector_load_idx %arg5[%add3A_96, %add3A_481] : memref<16x128xi32, #tpu.memory_space<vmem>>[vector<16xi32>, vector<16xi32>], vector<16xi32>,
    %add3A_483 = arith.addi %gather3A_482, %mul3A_84 : vector<16xi32>
    %swap3A_484 = arith.constant 4 : i32
    %swap3A_485 = arith.index_cast %swap3A_484 : i32 to index
    %swap3A_486 = arith.constant 96 : index
    %swap3A_487 = tpu.vector_load %arg6[%swap3A_485, %swap3A_486] {strides = array<i32>} : memref<16x128xi32, #tpu.memory_space<vmem>>, vector<16xi32>,
    tpu.vector_store %arg6[%swap3A_485, %swap3A_486], %add3A_483 {strides = array<i32>} : memref<16x128xi32, #tpu.memory_space<vmem>>, vector<16xi32>,
    %add3A_488 = arith.constant 72 : i32
    %add3A_489 = vector.broadcast %add3A_488 : i32 to vector<16xi32>
    %add3A_490 = arith.addi %select_n3A_56, %add3A_489 : vector<16xi32>
    %gather3A_491 = tpu.vector_load_idx %arg5[%add3A_99, %add3A_490] : memref<16x128xi32, #tpu.memory_space<vmem>>[vector<16xi32>, vector<16xi32>], vector<16xi32>,
    %add3A_492 = arith.addi %gather3A_491, %mul3A_87 : vector<16xi32>
    %swap3A_493 = arith.constant 4 : i32
    %swap3A_494 = arith.index_cast %swap3A_493 : i32 to index
    %swap3A_495 = arith.constant 112 : index
    %swap3A_496 = tpu.vector_load %arg6[%swap3A_494, %swap3A_495] {strides = array<i32>} : memref<16x128xi32, #tpu.memory_space<vmem>>, vector<16xi32>,
    tpu.vector_store %arg6[%swap3A_494, %swap3A_495], %add3A_492 {strides = array<i32>} : memref<16x128xi32, #tpu.memory_space<vmem>>, vector<16xi32>,
    %dma_start3A_497 = arith.constant 4 : i32
    %dma_start3A_498 = arith.constant 0 : i32
    %dma_start3A_499 = tpu.memref_slice %arg6[%dma_start3A_497, %dma_start3A_498] : memref<16x128xi32, #tpu.memory_space<vmem>> -> memref<1x128xi32, #tpu.memory_space<vmem>>
    %dma_start3A_500 = tpu.memref_squeeze %dma_start3A_499 : memref<1x128xi32, #tpu.memory_space<vmem>> -> memref<128xi32, #tpu.memory_space<vmem>>
    %dma_start3A_501 = arith.constant 0 : i32
    %dma_start3A_502 = arith.constant 0 : i32
    %dma_start3A_503 = tpu.memref_slice %arg3[%dma_start3A_501, %dma_start3A_502] : memref<800000x128xf32, #tpu.memory_space<hbm>> -> memref<800000x128xf32, #tpu.memory_space<hbm>>
    tpu.enqueue_indirect_dma source(%dma_start3A_503 : memref<800000x128xf32, #tpu.memory_space<hbm>>) target(%arg11 : memref<128x128xf32, #tpu.memory_space<vmem>>) offsets(%dma_start3A_500 : memref<128xi32, #tpu.memory_space<vmem>>) semaphore(%arg17 : memref<!tpu.dma_semaphore, #tpu.memory_space<semaphore_mem>>)
    %add3A_504 = arith.constant 80 : i32
    %add3A_505 = vector.broadcast %add3A_504 : i32 to vector<16xi32>
    %add3A_506 = arith.addi %select_n3A_56, %add3A_505 : vector<16xi32>
    %gather3A_507 = tpu.vector_load_idx %arg5[%add3A_90, %add3A_506] : memref<16x128xi32, #tpu.memory_space<vmem>>[vector<16xi32>, vector<16xi32>], vector<16xi32>,
    %add3A_508 = arith.addi %gather3A_507, %mul3A_78 : vector<16xi32>
    %swap3A_509 = arith.constant 5 : i32
    %swap3A_510 = arith.index_cast %swap3A_509 : i32 to index
    %swap3A_511 = arith.constant 0 : index
    %swap3A_512 = tpu.vector_load %arg6[%swap3A_510, %swap3A_511] {strides = array<i32>} : memref<16x128xi32, #tpu.memory_space<vmem>>, vector<16xi32>,
    tpu.vector_store %arg6[%swap3A_510, %swap3A_511], %add3A_508 {strides = array<i32>} : memref<16x128xi32, #tpu.memory_space<vmem>>, vector<16xi32>,
    %add3A_513 = arith.constant 80 : i32
    %add3A_514 = vector.broadcast %add3A_513 : i32 to vector<16xi32>
    %add3A_515 = arith.addi %select_n3A_56, %add3A_514 : vector<16xi32>
    %gather3A_516 = tpu.vector_load_idx %arg5[%add3A_93, %add3A_515] : memref<16x128xi32, #tpu.memory_space<vmem>>[vector<16xi32>, vector<16xi32>], vector<16xi32>,
    %add3A_517 = arith.addi %gather3A_516, %mul3A_81 : vector<16xi32>
    %swap3A_518 = arith.constant 5 : i32
    %swap3A_519 = arith.index_cast %swap3A_518 : i32 to index
    %swap3A_520 = arith.constant 16 : index
    %swap3A_521 = tpu.vector_load %arg6[%swap3A_519, %swap3A_520] {strides = array<i32>} : memref<16x128xi32, #tpu.memory_space<vmem>>, vector<16xi32>,
    tpu.vector_store %arg6[%swap3A_519, %swap3A_520], %add3A_517 {strides = array<i32>} : memref<16x128xi32, #tpu.memory_space<vmem>>, vector<16xi32>,
    %add3A_522 = arith.constant 80 : i32
    %add3A_523 = vector.broadcast %add3A_522 : i32 to vector<16xi32>
    %add3A_524 = arith.addi %select_n3A_56, %add3A_523 : vector<16xi32>
    %gather3A_525 = tpu.vector_load_idx %arg5[%add3A_96, %add3A_524] : memref<16x128xi32, #tpu.memory_space<vmem>>[vector<16xi32>, vector<16xi32>], vector<16xi32>,
    %add3A_526 = arith.addi %gather3A_525, %mul3A_84 : vector<16xi32>
    %swap3A_527 = arith.constant 5 : i32
    %swap3A_528 = arith.index_cast %swap3A_527 : i32 to index
    %swap3A_529 = arith.constant 32 : index
    %swap3A_530 = tpu.vector_load %arg6[%swap3A_528, %swap3A_529] {strides = array<i32>} : memref<16x128xi32, #tpu.memory_space<vmem>>, vector<16xi32>,
    tpu.vector_store %arg6[%swap3A_528, %swap3A_529], %add3A_526 {strides = array<i32>} : memref<16x128xi32, #tpu.memory_space<vmem>>, vector<16xi32>,
    %add3A_531 = arith.constant 80 : i32
    %add3A_532 = vector.broadcast %add3A_531 : i32 to vector<16xi32>
    %add3A_533 = arith.addi %select_n3A_56, %add3A_532 : vector<16xi32>
    %gather3A_534 = tpu.vector_load_idx %arg5[%add3A_99, %add3A_533] : memref<16x128xi32, #tpu.memory_space<vmem>>[vector<16xi32>, vector<16xi32>], vector<16xi32>,
    %add3A_535 = arith.addi %gather3A_534, %mul3A_87 : vector<16xi32>
    %swap3A_536 = arith.constant 5 : i32
    %swap3A_537 = arith.index_cast %swap3A_536 : i32 to index
    %swap3A_538 = arith.constant 48 : index
    %swap3A_539 = tpu.vector_load %arg6[%swap3A_537, %swap3A_538] {strides = array<i32>} : memref<16x128xi32, #tpu.memory_space<vmem>>, vector<16xi32>,
    tpu.vector_store %arg6[%swap3A_537, %swap3A_538], %add3A_535 {strides = array<i32>} : memref<16x128xi32, #tpu.memory_space<vmem>>, vector<16xi32>,
    %add3A_540 = arith.constant 88 : i32
    %add3A_541 = vector.broadcast %add3A_540 : i32 to vector<16xi32>
    %add3A_542 = arith.addi %select_n3A_56, %add3A_541 : vector<16xi32>
    %gather3A_543 = tpu.vector_load_idx %arg5[%add3A_90, %add3A_542] : memref<16x128xi32, #tpu.memory_space<vmem>>[vector<16xi32>, vector<16xi32>], vector<16xi32>,
    %add3A_544 = arith.addi %gather3A_543, %mul3A_78 : vector<16xi32>
    %swap3A_545 = arith.constant 5 : i32
    %swap3A_546 = arith.index_cast %swap3A_545 : i32 to index
    %swap3A_547 = arith.constant 64 : index
    %swap3A_548 = tpu.vector_load %arg6[%swap3A_546, %swap3A_547] {strides = array<i32>} : memref<16x128xi32, #tpu.memory_space<vmem>>, vector<16xi32>,
    tpu.vector_store %arg6[%swap3A_546, %swap3A_547], %add3A_544 {strides = array<i32>} : memref<16x128xi32, #tpu.memory_space<vmem>>, vector<16xi32>,
    %add3A_549 = arith.constant 88 : i32
    %add3A_550 = vector.broadcast %add3A_549 : i32 to vector<16xi32>
    %add3A_551 = arith.addi %select_n3A_56, %add3A_550 : vector<16xi32>
    %gather3A_552 = tpu.vector_load_idx %arg5[%add3A_93, %add3A_551] : memref<16x128xi32, #tpu.memory_space<vmem>>[vector<16xi32>, vector<16xi32>], vector<16xi32>,
    %add3A_553 = arith.addi %gather3A_552, %mul3A_81 : vector<16xi32>
    %swap3A_554 = arith.constant 5 : i32
    %swap3A_555 = arith.index_cast %swap3A_554 : i32 to index
    %swap3A_556 = arith.constant 80 : index
    %swap3A_557 = tpu.vector_load %arg6[%swap3A_555, %swap3A_556] {strides = array<i32>} : memref<16x128xi32, #tpu.memory_space<vmem>>, vector<16xi32>,
    tpu.vector_store %arg6[%swap3A_555, %swap3A_556], %add3A_553 {strides = array<i32>} : memref<16x128xi32, #tpu.memory_space<vmem>>, vector<16xi32>,
    %add3A_558 = arith.constant 88 : i32
    %add3A_559 = vector.broadcast %add3A_558 : i32 to vector<16xi32>
    %add3A_560 = arith.addi %select_n3A_56, %add3A_559 : vector<16xi32>
    %gather3A_561 = tpu.vector_load_idx %arg5[%add3A_96, %add3A_560] : memref<16x128xi32, #tpu.memory_space<vmem>>[vector<16xi32>, vector<16xi32>], vector<16xi32>,
    %add3A_562 = arith.addi %gather3A_561, %mul3A_84 : vector<16xi32>
    %swap3A_563 = arith.constant 5 : i32
    %swap3A_564 = arith.index_cast %swap3A_563 : i32 to index
    %swap3A_565 = arith.constant 96 : index
    %swap3A_566 = tpu.vector_load %arg6[%swap3A_564, %swap3A_565] {strides = array<i32>} : memref<16x128xi32, #tpu.memory_space<vmem>>, vector<16xi32>,
    tpu.vector_store %arg6[%swap3A_564, %swap3A_565], %add3A_562 {strides = array<i32>} : memref<16x128xi32, #tpu.memory_space<vmem>>, vector<16xi32>,
    %add3A_567 = arith.constant 88 : i32
    %add3A_568 = vector.broadcast %add3A_567 : i32 to vector<16xi32>
    %add3A_569 = arith.addi %select_n3A_56, %add3A_568 : vector<16xi32>
    %gather3A_570 = tpu.vector_load_idx %arg5[%add3A_99, %add3A_569] : memref<16x128xi32, #tpu.memory_space<vmem>>[vector<16xi32>, vector<16xi32>], vector<16xi32>,
    %add3A_571 = arith.addi %gather3A_570, %mul3A_87 : vector<16xi32>
    %swap3A_572 = arith.constant 5 : i32
    %swap3A_573 = arith.index_cast %swap3A_572 : i32 to index
    %swap3A_574 = arith.constant 112 : index
    %swap3A_575 = tpu.vector_load %arg6[%swap3A_573, %swap3A_574] {strides = array<i32>} : memref<16x128xi32, #tpu.memory_space<vmem>>, vector<16xi32>,
    tpu.vector_store %arg6[%swap3A_573, %swap3A_574], %add3A_571 {strides = array<i32>} : memref<16x128xi32, #tpu.memory_space<vmem>>, vector<16xi32>,
    %dma_start3A_576 = arith.constant 5 : i32
    %dma_start3A_577 = arith.constant 0 : i32
    %dma_start3A_578 = tpu.memref_slice %arg6[%dma_start3A_576, %dma_start3A_577] : memref<16x128xi32, #tpu.memory_space<vmem>> -> memref<1x128xi32, #tpu.memory_space<vmem>>
    %dma_start3A_579 = tpu.memref_squeeze %dma_start3A_578 : memref<1x128xi32, #tpu.memory_space<vmem>> -> memref<128xi32, #tpu.memory_space<vmem>>
    %dma_start3A_580 = arith.constant 0 : i32
    %dma_start3A_581 = arith.constant 0 : i32
    %dma_start3A_582 = tpu.memref_slice %arg3[%dma_start3A_580, %dma_start3A_581] : memref<800000x128xf32, #tpu.memory_space<hbm>> -> memref<800000x128xf32, #tpu.memory_space<hbm>>
    tpu.enqueue_indirect_dma source(%dma_start3A_582 : memref<800000x128xf32, #tpu.memory_space<hbm>>) target(%arg12 : memref<128x128xf32, #tpu.memory_space<vmem>>) offsets(%dma_start3A_579 : memref<128xi32, #tpu.memory_space<vmem>>) semaphore(%arg18 : memref<!tpu.dma_semaphore, #tpu.memory_space<semaphore_mem>>)
    %dma_wait3A = arith.constant 0 : i32
    %dma_wait3A_583 = arith.constant 0 : i32
    %dma_wait3A_584 = tpu.memref_slice %arg6[%dma_wait3A, %dma_wait3A_583] : memref<16x128xi32, #tpu.memory_space<vmem>> -> memref<1x128xi32, #tpu.memory_space<vmem>>
    %dma_wait3A_585 = tpu.memref_squeeze %dma_wait3A_584 : memref<1x128xi32, #tpu.memory_space<vmem>> -> memref<128xi32, #tpu.memory_space<vmem>>
    %dma_wait3A_586 = arith.constant 0 : i32
    %dma_wait3A_587 = arith.constant 0 : i32
    %dma_wait3A_588 = tpu.memref_slice %arg3[%dma_wait3A_586, %dma_wait3A_587] : memref<800000x128xf32, #tpu.memory_space<hbm>> -> memref<800000x128xf32, #tpu.memory_space<hbm>>
    tpu.wait_indirect_dma semaphore(%arg13 : memref<!tpu.dma_semaphore, #tpu.memory_space<semaphore_mem>>) src(%dma_wait3A_588 : memref<800000x128xf32, #tpu.memory_space<hbm>>) dst(%arg7 : memref<128x128xf32, #tpu.memory_space<vmem>>)
    %add3A_589 = arith.constant 0 : i32
    %add3A_590 = arith.addi %mul3A_2, %add3A_589 : i32
    %dma_start3A_591 = arith.constant 0 : i32
    %dma_start3A_592 = tpu.memref_slice %arg4[%add3A_590, %dma_start3A_591] : memref<65536x128xf32, #tpu.memory_space<hbm>> -> memref<128x128xf32, #tpu.memory_space<hbm>>
    %dma_start3A_593 = arith.constant 0 : i32
    %dma_start3A_594 = tpu.memref_slice %arg4[%add3A_590, %dma_start3A_593] : memref<65536x128xf32, #tpu.memory_space<hbm>> -> memref<128x128xf32, #tpu.memory_space<hbm>>
    tpu.enqueue_dma source(%arg7 : memref<128x128xf32, #tpu.memory_space<vmem>>) target(%dma_start3A_594 : memref<128x128xf32, #tpu.memory_space<hbm>>) target_semaphore(%arg19 : memref<!tpu.dma_semaphore, #tpu.memory_space<semaphore_mem>>)
    %add3A_595 = arith.constant 96 : i32
    %add3A_596 = vector.broadcast %add3A_595 : i32 to vector<16xi32>
    %add3A_597 = arith.addi %select_n3A_56, %add3A_596 : vector<16xi32>
    %gather3A_598 = tpu.vector_load_idx %arg5[%add3A_90, %add3A_597] : memref<16x128xi32, #tpu.memory_space<vmem>>[vector<16xi32>, vector<16xi32>], vector<16xi32>,
    %add3A_599 = arith.addi %gather3A_598, %mul3A_78 : vector<16xi32>
    %swap3A_600 = arith.constant 6 : i32
    %swap3A_601 = arith.index_cast %swap3A_600 : i32 to index
    %swap3A_602 = arith.constant 0 : index
    %swap3A_603 = tpu.vector_load %arg6[%swap3A_601, %swap3A_602] {strides = array<i32>} : memref<16x128xi32, #tpu.memory_space<vmem>>, vector<16xi32>,
    tpu.vector_store %arg6[%swap3A_601, %swap3A_602], %add3A_599 {strides = array<i32>} : memref<16x128xi32, #tpu.memory_space<vmem>>, vector<16xi32>,
    %add3A_604 = arith.constant 96 : i32
    %add3A_605 = vector.broadcast %add3A_604 : i32 to vector<16xi32>
    %add3A_606 = arith.addi %select_n3A_56, %add3A_605 : vector<16xi32>
    %gather3A_607 = tpu.vector_load_idx %arg5[%add3A_93, %add3A_606] : memref<16x128xi32, #tpu.memory_space<vmem>>[vector<16xi32>, vector<16xi32>], vector<16xi32>,
    %add3A_608 = arith.addi %gather3A_607, %mul3A_81 : vector<16xi32>
    %swap3A_609 = arith.constant 6 : i32
    %swap3A_610 = arith.index_cast %swap3A_609 : i32 to index
    %swap3A_611 = arith.constant 16 : index
    %swap3A_612 = tpu.vector_load %arg6[%swap3A_610, %swap3A_611] {strides = array<i32>} : memref<16x128xi32, #tpu.memory_space<vmem>>, vector<16xi32>,
    tpu.vector_store %arg6[%swap3A_610, %swap3A_611], %add3A_608 {strides = array<i32>} : memref<16x128xi32, #tpu.memory_space<vmem>>, vector<16xi32>,
    %add3A_613 = arith.constant 96 : i32
    %add3A_614 = vector.broadcast %add3A_613 : i32 to vector<16xi32>
    %add3A_615 = arith.addi %select_n3A_56, %add3A_614 : vector<16xi32>
    %gather3A_616 = tpu.vector_load_idx %arg5[%add3A_96, %add3A_615] : memref<16x128xi32, #tpu.memory_space<vmem>>[vector<16xi32>, vector<16xi32>], vector<16xi32>,
    %add3A_617 = arith.addi %gather3A_616, %mul3A_84 : vector<16xi32>
    %swap3A_618 = arith.constant 6 : i32
    %swap3A_619 = arith.index_cast %swap3A_618 : i32 to index
    %swap3A_620 = arith.constant 32 : index
    %swap3A_621 = tpu.vector_load %arg6[%swap3A_619, %swap3A_620] {strides = array<i32>} : memref<16x128xi32, #tpu.memory_space<vmem>>, vector<16xi32>,
    tpu.vector_store %arg6[%swap3A_619, %swap3A_620], %add3A_617 {strides = array<i32>} : memref<16x128xi32, #tpu.memory_space<vmem>>, vector<16xi32>,
    %add3A_622 = arith.constant 96 : i32
    %add3A_623 = vector.broadcast %add3A_622 : i32 to vector<16xi32>
    %add3A_624 = arith.addi %select_n3A_56, %add3A_623 : vector<16xi32>
    %gather3A_625 = tpu.vector_load_idx %arg5[%add3A_99, %add3A_624] : memref<16x128xi32, #tpu.memory_space<vmem>>[vector<16xi32>, vector<16xi32>], vector<16xi32>,
    %add3A_626 = arith.addi %gather3A_625, %mul3A_87 : vector<16xi32>
    %swap3A_627 = arith.constant 6 : i32
    %swap3A_628 = arith.index_cast %swap3A_627 : i32 to index
    %swap3A_629 = arith.constant 48 : index
    %swap3A_630 = tpu.vector_load %arg6[%swap3A_628, %swap3A_629] {strides = array<i32>} : memref<16x128xi32, #tpu.memory_space<vmem>>, vector<16xi32>,
    tpu.vector_store %arg6[%swap3A_628, %swap3A_629], %add3A_626 {strides = array<i32>} : memref<16x128xi32, #tpu.memory_space<vmem>>, vector<16xi32>,
    %add3A_631 = arith.constant 104 : i32
    %add3A_632 = vector.broadcast %add3A_631 : i32 to vector<16xi32>
    %add3A_633 = arith.addi %select_n3A_56, %add3A_632 : vector<16xi32>
    %gather3A_634 = tpu.vector_load_idx %arg5[%add3A_90, %add3A_633] : memref<16x128xi32, #tpu.memory_space<vmem>>[vector<16xi32>, vector<16xi32>], vector<16xi32>,
    %add3A_635 = arith.addi %gather3A_634, %mul3A_78 : vector<16xi32>
    %swap3A_636 = arith.constant 6 : i32
    %swap3A_637 = arith.index_cast %swap3A_636 : i32 to index
    %swap3A_638 = arith.constant 64 : index
    %swap3A_639 = tpu.vector_load %arg6[%swap3A_637, %swap3A_638] {strides = array<i32>} : memref<16x128xi32, #tpu.memory_space<vmem>>, vector<16xi32>,
    tpu.vector_store %arg6[%swap3A_637, %swap3A_638], %add3A_635 {strides = array<i32>} : memref<16x128xi32, #tpu.memory_space<vmem>>, vector<16xi32>,
    %add3A_640 = arith.constant 104 : i32
    %add3A_641 = vector.broadcast %add3A_640 : i32 to vector<16xi32>
    %add3A_642 = arith.addi %select_n3A_56, %add3A_641 : vector<16xi32>
    %gather3A_643 = tpu.vector_load_idx %arg5[%add3A_93, %add3A_642] : memref<16x128xi32, #tpu.memory_space<vmem>>[vector<16xi32>, vector<16xi32>], vector<16xi32>,
    %add3A_644 = arith.addi %gather3A_643, %mul3A_81 : vector<16xi32>
    %swap3A_645 = arith.constant 6 : i32
    %swap3A_646 = arith.index_cast %swap3A_645 : i32 to index
    %swap3A_647 = arith.constant 80 : index
    %swap3A_648 = tpu.vector_load %arg6[%swap3A_646, %swap3A_647] {strides = array<i32>} : memref<16x128xi32, #tpu.memory_space<vmem>>, vector<16xi32>,
    tpu.vector_store %arg6[%swap3A_646, %swap3A_647], %add3A_644 {strides = array<i32>} : memref<16x128xi32, #tpu.memory_space<vmem>>, vector<16xi32>,
    %add3A_649 = arith.constant 104 : i32
    %add3A_650 = vector.broadcast %add3A_649 : i32 to vector<16xi32>
    %add3A_651 = arith.addi %select_n3A_56, %add3A_650 : vector<16xi32>
    %gather3A_652 = tpu.vector_load_idx %arg5[%add3A_96, %add3A_651] : memref<16x128xi32, #tpu.memory_space<vmem>>[vector<16xi32>, vector<16xi32>], vector<16xi32>,
    %add3A_653 = arith.addi %gather3A_652, %mul3A_84 : vector<16xi32>
    %swap3A_654 = arith.constant 6 : i32
    %swap3A_655 = arith.index_cast %swap3A_654 : i32 to index
    %swap3A_656 = arith.constant 96 : index
    %swap3A_657 = tpu.vector_load %arg6[%swap3A_655, %swap3A_656] {strides = array<i32>} : memref<16x128xi32, #tpu.memory_space<vmem>>, vector<16xi32>,
    tpu.vector_store %arg6[%swap3A_655, %swap3A_656], %add3A_653 {strides = array<i32>} : memref<16x128xi32, #tpu.memory_space<vmem>>, vector<16xi32>,
    %add3A_658 = arith.constant 104 : i32
    %add3A_659 = vector.broadcast %add3A_658 : i32 to vector<16xi32>
    %add3A_660 = arith.addi %select_n3A_56, %add3A_659 : vector<16xi32>
    %gather3A_661 = tpu.vector_load_idx %arg5[%add3A_99, %add3A_660] : memref<16x128xi32, #tpu.memory_space<vmem>>[vector<16xi32>, vector<16xi32>], vector<16xi32>,
    %add3A_662 = arith.addi %gather3A_661, %mul3A_87 : vector<16xi32>
    %swap3A_663 = arith.constant 6 : i32
    %swap3A_664 = arith.index_cast %swap3A_663 : i32 to index
    %swap3A_665 = arith.constant 112 : index
    %swap3A_666 = tpu.vector_load %arg6[%swap3A_664, %swap3A_665] {strides = array<i32>} : memref<16x128xi32, #tpu.memory_space<vmem>>, vector<16xi32>,
    tpu.vector_store %arg6[%swap3A_664, %swap3A_665], %add3A_662 {strides = array<i32>} : memref<16x128xi32, #tpu.memory_space<vmem>>, vector<16xi32>,
    %dma_wait3A_667 = arith.constant 0 : i32
    %dma_wait3A_668 = tpu.memref_slice %arg4[%add3A_590, %dma_wait3A_667] : memref<65536x128xf32, #tpu.memory_space<hbm>> -> memref<128x128xf32, #tpu.memory_space<hbm>>
    %dma_wait3A_669 = arith.constant 0 : i32
    %dma_wait3A_670 = tpu.memref_slice %arg4[%add3A_590, %dma_wait3A_669] : memref<65536x128xf32, #tpu.memory_space<hbm>> -> memref<128x128xf32, #tpu.memory_space<hbm>>
    tpu.wait_dma2 semaphore(%arg19 : memref<!tpu.dma_semaphore, #tpu.memory_space<semaphore_mem>>) src(%arg7 : memref<128x128xf32, #tpu.memory_space<vmem>>) dst(%dma_wait3A_670 : memref<128x128xf32, #tpu.memory_space<hbm>>)
    %dma_start3A_671 = arith.constant 6 : i32
    %dma_start3A_672 = arith.constant 0 : i32
    %dma_start3A_673 = tpu.memref_slice %arg6[%dma_start3A_671, %dma_start3A_672] : memref<16x128xi32, #tpu.memory_space<vmem>> -> memref<1x128xi32, #tpu.memory_space<vmem>>
    %dma_start3A_674 = tpu.memref_squeeze %dma_start3A_673 : memref<1x128xi32, #tpu.memory_space<vmem>> -> memref<128xi32, #tpu.memory_space<vmem>>
    %dma_start3A_675 = arith.constant 0 : i32
    %dma_start3A_676 = arith.constant 0 : i32
    %dma_start3A_677 = tpu.memref_slice %arg3[%dma_start3A_675, %dma_start3A_676] : memref<800000x128xf32, #tpu.memory_space<hbm>> -> memref<800000x128xf32, #tpu.memory_space<hbm>>
    tpu.enqueue_indirect_dma source(%dma_start3A_677 : memref<800000x128xf32, #tpu.memory_space<hbm>>) target(%arg7 : memref<128x128xf32, #tpu.memory_space<vmem>>) offsets(%dma_start3A_674 : memref<128xi32, #tpu.memory_space<vmem>>) semaphore(%arg13 : memref<!tpu.dma_semaphore, #tpu.memory_space<semaphore_mem>>)
    %dma_wait3A_678 = arith.constant 1 : i32
    %dma_wait3A_679 = arith.constant 0 : i32
    %dma_wait3A_680 = tpu.memref_slice %arg6[%dma_wait3A_678, %dma_wait3A_679] : memref<16x128xi32, #tpu.memory_space<vmem>> -> memref<1x128xi32, #tpu.memory_space<vmem>>
    %dma_wait3A_681 = tpu.memref_squeeze %dma_wait3A_680 : memref<1x128xi32, #tpu.memory_space<vmem>> -> memref<128xi32, #tpu.memory_space<vmem>>
    %dma_wait3A_682 = arith.constant 0 : i32
    %dma_wait3A_683 = arith.constant 0 : i32
    %dma_wait3A_684 = tpu.memref_slice %arg3[%dma_wait3A_682, %dma_wait3A_683] : memref<800000x128xf32, #tpu.memory_space<hbm>> -> memref<800000x128xf32, #tpu.memory_space<hbm>>
    tpu.wait_indirect_dma semaphore(%arg14 : memref<!tpu.dma_semaphore, #tpu.memory_space<semaphore_mem>>) src(%dma_wait3A_684 : memref<800000x128xf32, #tpu.memory_space<hbm>>) dst(%arg8 : memref<128x128xf32, #tpu.memory_space<vmem>>)
    %add3A_685 = arith.constant 128 : i32
    %add3A_686 = arith.addi %mul3A_2, %add3A_685 : i32
    %dma_start3A_687 = arith.constant 0 : i32
    %dma_start3A_688 = tpu.memref_slice %arg4[%add3A_686, %dma_start3A_687] : memref<65536x128xf32, #tpu.memory_space<hbm>> -> memref<128x128xf32, #tpu.memory_space<hbm>>
    %dma_start3A_689 = arith.constant 0 : i32
    %dma_start3A_690 = tpu.memref_slice %arg4[%add3A_686, %dma_start3A_689] : memref<65536x128xf32, #tpu.memory_space<hbm>> -> memref<128x128xf32, #tpu.memory_space<hbm>>
    tpu.enqueue_dma source(%arg8 : memref<128x128xf32, #tpu.memory_space<vmem>>) target(%dma_start3A_690 : memref<128x128xf32, #tpu.memory_space<hbm>>) target_semaphore(%arg20 : memref<!tpu.dma_semaphore, #tpu.memory_space<semaphore_mem>>)
    %add3A_691 = arith.constant 112 : i32
    %add3A_692 = vector.broadcast %add3A_691 : i32 to vector<16xi32>
    %add3A_693 = arith.addi %select_n3A_56, %add3A_692 : vector<16xi32>
    %gather3A_694 = tpu.vector_load_idx %arg5[%add3A_90, %add3A_693] : memref<16x128xi32, #tpu.memory_space<vmem>>[vector<16xi32>, vector<16xi32>], vector<16xi32>,
    %add3A_695 = arith.addi %gather3A_694, %mul3A_78 : vector<16xi32>
    %swap3A_696 = arith.constant 7 : i32
    %swap3A_697 = arith.index_cast %swap3A_696 : i32 to index
    %swap3A_698 = arith.constant 0 : index
    %swap3A_699 = tpu.vector_load %arg6[%swap3A_697, %swap3A_698] {strides = array<i32>} : memref<16x128xi32, #tpu.memory_space<vmem>>, vector<16xi32>,
    tpu.vector_store %arg6[%swap3A_697, %swap3A_698], %add3A_695 {strides = array<i32>} : memref<16x128xi32, #tpu.memory_space<vmem>>, vector<16xi32>,
    %add3A_700 = arith.constant 112 : i32
    %add3A_701 = vector.broadcast %add3A_700 : i32 to vector<16xi32>
    %add3A_702 = arith.addi %select_n3A_56, %add3A_701 : vector<16xi32>
    %gather3A_703 = tpu.vector_load_idx %arg5[%add3A_93, %add3A_702] : memref<16x128xi32, #tpu.memory_space<vmem>>[vector<16xi32>, vector<16xi32>], vector<16xi32>,
    %add3A_704 = arith.addi %gather3A_703, %mul3A_81 : vector<16xi32>
    %swap3A_705 = arith.constant 7 : i32
    %swap3A_706 = arith.index_cast %swap3A_705 : i32 to index
    %swap3A_707 = arith.constant 16 : index
    %swap3A_708 = tpu.vector_load %arg6[%swap3A_706, %swap3A_707] {strides = array<i32>} : memref<16x128xi32, #tpu.memory_space<vmem>>, vector<16xi32>,
    tpu.vector_store %arg6[%swap3A_706, %swap3A_707], %add3A_704 {strides = array<i32>} : memref<16x128xi32, #tpu.memory_space<vmem>>, vector<16xi32>,
    %add3A_709 = arith.constant 112 : i32
    %add3A_710 = vector.broadcast %add3A_709 : i32 to vector<16xi32>
    %add3A_711 = arith.addi %select_n3A_56, %add3A_710 : vector<16xi32>
    %gather3A_712 = tpu.vector_load_idx %arg5[%add3A_96, %add3A_711] : memref<16x128xi32, #tpu.memory_space<vmem>>[vector<16xi32>, vector<16xi32>], vector<16xi32>,
    %add3A_713 = arith.addi %gather3A_712, %mul3A_84 : vector<16xi32>
    %swap3A_714 = arith.constant 7 : i32
    %swap3A_715 = arith.index_cast %swap3A_714 : i32 to index
    %swap3A_716 = arith.constant 32 : index
    %swap3A_717 = tpu.vector_load %arg6[%swap3A_715, %swap3A_716] {strides = array<i32>} : memref<16x128xi32, #tpu.memory_space<vmem>>, vector<16xi32>,
    tpu.vector_store %arg6[%swap3A_715, %swap3A_716], %add3A_713 {strides = array<i32>} : memref<16x128xi32, #tpu.memory_space<vmem>>, vector<16xi32>,
    %add3A_718 = arith.constant 112 : i32
    %add3A_719 = vector.broadcast %add3A_718 : i32 to vector<16xi32>
    %add3A_720 = arith.addi %select_n3A_56, %add3A_719 : vector<16xi32>
    %gather3A_721 = tpu.vector_load_idx %arg5[%add3A_99, %add3A_720] : memref<16x128xi32, #tpu.memory_space<vmem>>[vector<16xi32>, vector<16xi32>], vector<16xi32>,
    %add3A_722 = arith.addi %gather3A_721, %mul3A_87 : vector<16xi32>
    %swap3A_723 = arith.constant 7 : i32
    %swap3A_724 = arith.index_cast %swap3A_723 : i32 to index
    %swap3A_725 = arith.constant 48 : index
    %swap3A_726 = tpu.vector_load %arg6[%swap3A_724, %swap3A_725] {strides = array<i32>} : memref<16x128xi32, #tpu.memory_space<vmem>>, vector<16xi32>,
    tpu.vector_store %arg6[%swap3A_724, %swap3A_725], %add3A_722 {strides = array<i32>} : memref<16x128xi32, #tpu.memory_space<vmem>>, vector<16xi32>,
    %add3A_727 = arith.constant 120 : i32
    %add3A_728 = vector.broadcast %add3A_727 : i32 to vector<16xi32>
    %add3A_729 = arith.addi %select_n3A_56, %add3A_728 : vector<16xi32>
    %gather3A_730 = tpu.vector_load_idx %arg5[%add3A_90, %add3A_729] : memref<16x128xi32, #tpu.memory_space<vmem>>[vector<16xi32>, vector<16xi32>], vector<16xi32>,
    %add3A_731 = arith.addi %gather3A_730, %mul3A_78 : vector<16xi32>
    %swap3A_732 = arith.constant 7 : i32
    %swap3A_733 = arith.index_cast %swap3A_732 : i32 to index
    %swap3A_734 = arith.constant 64 : index
    %swap3A_735 = tpu.vector_load %arg6[%swap3A_733, %swap3A_734] {strides = array<i32>} : memref<16x128xi32, #tpu.memory_space<vmem>>, vector<16xi32>,
    tpu.vector_store %arg6[%swap3A_733, %swap3A_734], %add3A_731 {strides = array<i32>} : memref<16x128xi32, #tpu.memory_space<vmem>>, vector<16xi32>,
    %add3A_736 = arith.constant 120 : i32
    %add3A_737 = vector.broadcast %add3A_736 : i32 to vector<16xi32>
    %add3A_738 = arith.addi %select_n3A_56, %add3A_737 : vector<16xi32>
    %gather3A_739 = tpu.vector_load_idx %arg5[%add3A_93, %add3A_738] : memref<16x128xi32, #tpu.memory_space<vmem>>[vector<16xi32>, vector<16xi32>], vector<16xi32>,
    %add3A_740 = arith.addi %gather3A_739, %mul3A_81 : vector<16xi32>
    %swap3A_741 = arith.constant 7 : i32
    %swap3A_742 = arith.index_cast %swap3A_741 : i32 to index
    %swap3A_743 = arith.constant 80 : index
    %swap3A_744 = tpu.vector_load %arg6[%swap3A_742, %swap3A_743] {strides = array<i32>} : memref<16x128xi32, #tpu.memory_space<vmem>>, vector<16xi32>,
    tpu.vector_store %arg6[%swap3A_742, %swap3A_743], %add3A_740 {strides = array<i32>} : memref<16x128xi32, #tpu.memory_space<vmem>>, vector<16xi32>,
    %add3A_745 = arith.constant 120 : i32
    %add3A_746 = vector.broadcast %add3A_745 : i32 to vector<16xi32>
    %add3A_747 = arith.addi %select_n3A_56, %add3A_746 : vector<16xi32>
    %gather3A_748 = tpu.vector_load_idx %arg5[%add3A_96, %add3A_747] : memref<16x128xi32, #tpu.memory_space<vmem>>[vector<16xi32>, vector<16xi32>], vector<16xi32>,
    %add3A_749 = arith.addi %gather3A_748, %mul3A_84 : vector<16xi32>
    %swap3A_750 = arith.constant 7 : i32
    %swap3A_751 = arith.index_cast %swap3A_750 : i32 to index
    %swap3A_752 = arith.constant 96 : index
    %swap3A_753 = tpu.vector_load %arg6[%swap3A_751, %swap3A_752] {strides = array<i32>} : memref<16x128xi32, #tpu.memory_space<vmem>>, vector<16xi32>,
    tpu.vector_store %arg6[%swap3A_751, %swap3A_752], %add3A_749 {strides = array<i32>} : memref<16x128xi32, #tpu.memory_space<vmem>>, vector<16xi32>,
    %add3A_754 = arith.constant 120 : i32
    %add3A_755 = vector.broadcast %add3A_754 : i32 to vector<16xi32>
    %add3A_756 = arith.addi %select_n3A_56, %add3A_755 : vector<16xi32>
    %gather3A_757 = tpu.vector_load_idx %arg5[%add3A_99, %add3A_756] : memref<16x128xi32, #tpu.memory_space<vmem>>[vector<16xi32>, vector<16xi32>], vector<16xi32>,
    %add3A_758 = arith.addi %gather3A_757, %mul3A_87 : vector<16xi32>
    %swap3A_759 = arith.constant 7 : i32
    %swap3A_760 = arith.index_cast %swap3A_759 : i32 to index
    %swap3A_761 = arith.constant 112 : index
    %swap3A_762 = tpu.vector_load %arg6[%swap3A_760, %swap3A_761] {strides = array<i32>} : memref<16x128xi32, #tpu.memory_space<vmem>>, vector<16xi32>,
    tpu.vector_store %arg6[%swap3A_760, %swap3A_761], %add3A_758 {strides = array<i32>} : memref<16x128xi32, #tpu.memory_space<vmem>>, vector<16xi32>,
    %dma_wait3A_763 = arith.constant 0 : i32
    %dma_wait3A_764 = tpu.memref_slice %arg4[%add3A_686, %dma_wait3A_763] : memref<65536x128xf32, #tpu.memory_space<hbm>> -> memref<128x128xf32, #tpu.memory_space<hbm>>
    %dma_wait3A_765 = arith.constant 0 : i32
    %dma_wait3A_766 = tpu.memref_slice %arg4[%add3A_686, %dma_wait3A_765] : memref<65536x128xf32, #tpu.memory_space<hbm>> -> memref<128x128xf32, #tpu.memory_space<hbm>>
    tpu.wait_dma2 semaphore(%arg20 : memref<!tpu.dma_semaphore, #tpu.memory_space<semaphore_mem>>) src(%arg8 : memref<128x128xf32, #tpu.memory_space<vmem>>) dst(%dma_wait3A_766 : memref<128x128xf32, #tpu.memory_space<hbm>>)
    %dma_start3A_767 = arith.constant 7 : i32
    %dma_start3A_768 = arith.constant 0 : i32
    %dma_start3A_769 = tpu.memref_slice %arg6[%dma_start3A_767, %dma_start3A_768] : memref<16x128xi32, #tpu.memory_space<vmem>> -> memref<1x128xi32, #tpu.memory_space<vmem>>
    %dma_start3A_770 = tpu.memref_squeeze %dma_start3A_769 : memref<1x128xi32, #tpu.memory_space<vmem>> -> memref<128xi32, #tpu.memory_space<vmem>>
    %dma_start3A_771 = arith.constant 0 : i32
    %dma_start3A_772 = arith.constant 0 : i32
    %dma_start3A_773 = tpu.memref_slice %arg3[%dma_start3A_771, %dma_start3A_772] : memref<800000x128xf32, #tpu.memory_space<hbm>> -> memref<800000x128xf32, #tpu.memory_space<hbm>>
    tpu.enqueue_indirect_dma source(%dma_start3A_773 : memref<800000x128xf32, #tpu.memory_space<hbm>>) target(%arg8 : memref<128x128xf32, #tpu.memory_space<vmem>>) offsets(%dma_start3A_770 : memref<128xi32, #tpu.memory_space<vmem>>) semaphore(%arg14 : memref<!tpu.dma_semaphore, #tpu.memory_space<semaphore_mem>>)
    %dma_wait3A_774 = arith.constant 2 : i32
    %dma_wait3A_775 = arith.constant 0 : i32
    %dma_wait3A_776 = tpu.memref_slice %arg6[%dma_wait3A_774, %dma_wait3A_775] : memref<16x128xi32, #tpu.memory_space<vmem>> -> memref<1x128xi32, #tpu.memory_space<vmem>>
    %dma_wait3A_777 = tpu.memref_squeeze %dma_wait3A_776 : memref<1x128xi32, #tpu.memory_space<vmem>> -> memref<128xi32, #tpu.memory_space<vmem>>
    %dma_wait3A_778 = arith.constant 0 : i32
    %dma_wait3A_779 = arith.constant 0 : i32
    %dma_wait3A_780 = tpu.memref_slice %arg3[%dma_wait3A_778, %dma_wait3A_779] : memref<800000x128xf32, #tpu.memory_space<hbm>> -> memref<800000x128xf32, #tpu.memory_space<hbm>>
    tpu.wait_indirect_dma semaphore(%arg15 : memref<!tpu.dma_semaphore, #tpu.memory_space<semaphore_mem>>) src(%dma_wait3A_780 : memref<800000x128xf32, #tpu.memory_space<hbm>>) dst(%arg9 : memref<128x128xf32, #tpu.memory_space<vmem>>)
    %add3A_781 = arith.constant 256 : i32
    %add3A_782 = arith.addi %mul3A_2, %add3A_781 : i32
    %dma_start3A_783 = arith.constant 0 : i32
    %dma_start3A_784 = tpu.memref_slice %arg4[%add3A_782, %dma_start3A_783] : memref<65536x128xf32, #tpu.memory_space<hbm>> -> memref<128x128xf32, #tpu.memory_space<hbm>>
    %dma_start3A_785 = arith.constant 0 : i32
    %dma_start3A_786 = tpu.memref_slice %arg4[%add3A_782, %dma_start3A_785] : memref<65536x128xf32, #tpu.memory_space<hbm>> -> memref<128x128xf32, #tpu.memory_space<hbm>>
    tpu.enqueue_dma source(%arg9 : memref<128x128xf32, #tpu.memory_space<vmem>>) target(%dma_start3A_786 : memref<128x128xf32, #tpu.memory_space<hbm>>) target_semaphore(%arg21 : memref<!tpu.dma_semaphore, #tpu.memory_space<semaphore_mem>>)
    %add3A_787 = arith.constant 0 : i32
    %add3A_788 = vector.broadcast %add3A_787 : i32 to vector<16xi32>
    %add3A_789 = arith.addi %select_n3A_56, %add3A_788 : vector<16xi32>
    %gather3A_790 = tpu.vector_load_idx %arg5[%add3A_102, %add3A_789] : memref<16x128xi32, #tpu.memory_space<vmem>>[vector<16xi32>, vector<16xi32>], vector<16xi32>,
    %add3A_791 = arith.addi %gather3A_790, %mul3A_78 : vector<16xi32>
    %swap3A_792 = arith.constant 8 : i32
    %swap3A_793 = arith.index_cast %swap3A_792 : i32 to index
    %swap3A_794 = arith.constant 0 : index
    %swap3A_795 = tpu.vector_load %arg6[%swap3A_793, %swap3A_794] {strides = array<i32>} : memref<16x128xi32, #tpu.memory_space<vmem>>, vector<16xi32>,
    tpu.vector_store %arg6[%swap3A_793, %swap3A_794], %add3A_791 {strides = array<i32>} : memref<16x128xi32, #tpu.memory_space<vmem>>, vector<16xi32>,
    %add3A_796 = arith.constant 0 : i32
    %add3A_797 = vector.broadcast %add3A_796 : i32 to vector<16xi32>
    %add3A_798 = arith.addi %select_n3A_56, %add3A_797 : vector<16xi32>
    %gather3A_799 = tpu.vector_load_idx %arg5[%add3A_105, %add3A_798] : memref<16x128xi32, #tpu.memory_space<vmem>>[vector<16xi32>, vector<16xi32>], vector<16xi32>,
    %add3A_800 = arith.addi %gather3A_799, %mul3A_81 : vector<16xi32>
    %swap3A_801 = arith.constant 8 : i32
    %swap3A_802 = arith.index_cast %swap3A_801 : i32 to index
    %swap3A_803 = arith.constant 16 : index
    %swap3A_804 = tpu.vector_load %arg6[%swap3A_802, %swap3A_803] {strides = array<i32>} : memref<16x128xi32, #tpu.memory_space<vmem>>, vector<16xi32>,
    tpu.vector_store %arg6[%swap3A_802, %swap3A_803], %add3A_800 {strides = array<i32>} : memref<16x128xi32, #tpu.memory_space<vmem>>, vector<16xi32>,
    %add3A_805 = arith.constant 0 : i32
    %add3A_806 = vector.broadcast %add3A_805 : i32 to vector<16xi32>
    %add3A_807 = arith.addi %select_n3A_56, %add3A_806 : vector<16xi32>
    %gather3A_808 = tpu.vector_load_idx %arg5[%add3A_108, %add3A_807] : memref<16x128xi32, #tpu.memory_space<vmem>>[vector<16xi32>, vector<16xi32>], vector<16xi32>,
    %add3A_809 = arith.addi %gather3A_808, %mul3A_84 : vector<16xi32>
    %swap3A_810 = arith.constant 8 : i32
    %swap3A_811 = arith.index_cast %swap3A_810 : i32 to index
    %swap3A_812 = arith.constant 32 : index
    %swap3A_813 = tpu.vector_load %arg6[%swap3A_811, %swap3A_812] {strides = array<i32>} : memref<16x128xi32, #tpu.memory_space<vmem>>, vector<16xi32>,
    tpu.vector_store %arg6[%swap3A_811, %swap3A_812], %add3A_809 {strides = array<i32>} : memref<16x128xi32, #tpu.memory_space<vmem>>, vector<16xi32>,
    %add3A_814 = arith.constant 0 : i32
    %add3A_815 = vector.broadcast %add3A_814 : i32 to vector<16xi32>
    %add3A_816 = arith.addi %select_n3A_56, %add3A_815 : vector<16xi32>
    %gather3A_817 = tpu.vector_load_idx %arg5[%add3A_111, %add3A_816] : memref<16x128xi32, #tpu.memory_space<vmem>>[vector<16xi32>, vector<16xi32>], vector<16xi32>,
    %add3A_818 = arith.addi %gather3A_817, %mul3A_87 : vector<16xi32>
    %swap3A_819 = arith.constant 8 : i32
    %swap3A_820 = arith.index_cast %swap3A_819 : i32 to index
    %swap3A_821 = arith.constant 48 : index
    %swap3A_822 = tpu.vector_load %arg6[%swap3A_820, %swap3A_821] {strides = array<i32>} : memref<16x128xi32, #tpu.memory_space<vmem>>, vector<16xi32>,
    tpu.vector_store %arg6[%swap3A_820, %swap3A_821], %add3A_818 {strides = array<i32>} : memref<16x128xi32, #tpu.memory_space<vmem>>, vector<16xi32>,
    %add3A_823 = arith.constant 8 : i32
    %add3A_824 = vector.broadcast %add3A_823 : i32 to vector<16xi32>
    %add3A_825 = arith.addi %select_n3A_56, %add3A_824 : vector<16xi32>
    %gather3A_826 = tpu.vector_load_idx %arg5[%add3A_102, %add3A_825] : memref<16x128xi32, #tpu.memory_space<vmem>>[vector<16xi32>, vector<16xi32>], vector<16xi32>,
    %add3A_827 = arith.addi %gather3A_826, %mul3A_78 : vector<16xi32>
    %swap3A_828 = arith.constant 8 : i32
    %swap3A_829 = arith.index_cast %swap3A_828 : i32 to index
    %swap3A_830 = arith.constant 64 : index
    %swap3A_831 = tpu.vector_load %arg6[%swap3A_829, %swap3A_830] {strides = array<i32>} : memref<16x128xi32, #tpu.memory_space<vmem>>, vector<16xi32>,
    tpu.vector_store %arg6[%swap3A_829, %swap3A_830], %add3A_827 {strides = array<i32>} : memref<16x128xi32, #tpu.memory_space<vmem>>, vector<16xi32>,
    %add3A_832 = arith.constant 8 : i32
    %add3A_833 = vector.broadcast %add3A_832 : i32 to vector<16xi32>
    %add3A_834 = arith.addi %select_n3A_56, %add3A_833 : vector<16xi32>
    %gather3A_835 = tpu.vector_load_idx %arg5[%add3A_105, %add3A_834] : memref<16x128xi32, #tpu.memory_space<vmem>>[vector<16xi32>, vector<16xi32>], vector<16xi32>,
    %add3A_836 = arith.addi %gather3A_835, %mul3A_81 : vector<16xi32>
    %swap3A_837 = arith.constant 8 : i32
    %swap3A_838 = arith.index_cast %swap3A_837 : i32 to index
    %swap3A_839 = arith.constant 80 : index
    %swap3A_840 = tpu.vector_load %arg6[%swap3A_838, %swap3A_839] {strides = array<i32>} : memref<16x128xi32, #tpu.memory_space<vmem>>, vector<16xi32>,
    tpu.vector_store %arg6[%swap3A_838, %swap3A_839], %add3A_836 {strides = array<i32>} : memref<16x128xi32, #tpu.memory_space<vmem>>, vector<16xi32>,
    %add3A_841 = arith.constant 8 : i32
    %add3A_842 = vector.broadcast %add3A_841 : i32 to vector<16xi32>
    %add3A_843 = arith.addi %select_n3A_56, %add3A_842 : vector<16xi32>
    %gather3A_844 = tpu.vector_load_idx %arg5[%add3A_108, %add3A_843] : memref<16x128xi32, #tpu.memory_space<vmem>>[vector<16xi32>, vector<16xi32>], vector<16xi32>,
    %add3A_845 = arith.addi %gather3A_844, %mul3A_84 : vector<16xi32>
    %swap3A_846 = arith.constant 8 : i32
    %swap3A_847 = arith.index_cast %swap3A_846 : i32 to index
    %swap3A_848 = arith.constant 96 : index
    %swap3A_849 = tpu.vector_load %arg6[%swap3A_847, %swap3A_848] {strides = array<i32>} : memref<16x128xi32, #tpu.memory_space<vmem>>, vector<16xi32>,
    tpu.vector_store %arg6[%swap3A_847, %swap3A_848], %add3A_845 {strides = array<i32>} : memref<16x128xi32, #tpu.memory_space<vmem>>, vector<16xi32>,
    %add3A_850 = arith.constant 8 : i32
    %add3A_851 = vector.broadcast %add3A_850 : i32 to vector<16xi32>
    %add3A_852 = arith.addi %select_n3A_56, %add3A_851 : vector<16xi32>
    %gather3A_853 = tpu.vector_load_idx %arg5[%add3A_111, %add3A_852] : memref<16x128xi32, #tpu.memory_space<vmem>>[vector<16xi32>, vector<16xi32>], vector<16xi32>,
    %add3A_854 = arith.addi %gather3A_853, %mul3A_87 : vector<16xi32>
    %swap3A_855 = arith.constant 8 : i32
    %swap3A_856 = arith.index_cast %swap3A_855 : i32 to index
    %swap3A_857 = arith.constant 112 : index
    %swap3A_858 = tpu.vector_load %arg6[%swap3A_856, %swap3A_857] {strides = array<i32>} : memref<16x128xi32, #tpu.memory_space<vmem>>, vector<16xi32>,
    tpu.vector_store %arg6[%swap3A_856, %swap3A_857], %add3A_854 {strides = array<i32>} : memref<16x128xi32, #tpu.memory_space<vmem>>, vector<16xi32>,
    %dma_wait3A_859 = arith.constant 0 : i32
    %dma_wait3A_860 = tpu.memref_slice %arg4[%add3A_782, %dma_wait3A_859] : memref<65536x128xf32, #tpu.memory_space<hbm>> -> memref<128x128xf32, #tpu.memory_space<hbm>>
    %dma_wait3A_861 = arith.constant 0 : i32
    %dma_wait3A_862 = tpu.memref_slice %arg4[%add3A_782, %dma_wait3A_861] : memref<65536x128xf32, #tpu.memory_space<hbm>> -> memref<128x128xf32, #tpu.memory_space<hbm>>
    tpu.wait_dma2 semaphore(%arg21 : memref<!tpu.dma_semaphore, #tpu.memory_space<semaphore_mem>>) src(%arg9 : memref<128x128xf32, #tpu.memory_space<vmem>>) dst(%dma_wait3A_862 : memref<128x128xf32, #tpu.memory_space<hbm>>)
    %dma_start3A_863 = arith.constant 8 : i32
    %dma_start3A_864 = arith.constant 0 : i32
    %dma_start3A_865 = tpu.memref_slice %arg6[%dma_start3A_863, %dma_start3A_864] : memref<16x128xi32, #tpu.memory_space<vmem>> -> memref<1x128xi32, #tpu.memory_space<vmem>>
    %dma_start3A_866 = tpu.memref_squeeze %dma_start3A_865 : memref<1x128xi32, #tpu.memory_space<vmem>> -> memref<128xi32, #tpu.memory_space<vmem>>
    %dma_start3A_867 = arith.constant 0 : i32
    %dma_start3A_868 = arith.constant 0 : i32
    %dma_start3A_869 = tpu.memref_slice %arg3[%dma_start3A_867, %dma_start3A_868] : memref<800000x128xf32, #tpu.memory_space<hbm>> -> memref<800000x128xf32, #tpu.memory_space<hbm>>
    tpu.enqueue_indirect_dma source(%dma_start3A_869 : memref<800000x128xf32, #tpu.memory_space<hbm>>) target(%arg9 : memref<128x128xf32, #tpu.memory_space<vmem>>) offsets(%dma_start3A_866 : memref<128xi32, #tpu.memory_space<vmem>>) semaphore(%arg15 : memref<!tpu.dma_semaphore, #tpu.memory_space<semaphore_mem>>)
    %dma_wait3A_870 = arith.constant 3 : i32
    %dma_wait3A_871 = arith.constant 0 : i32
    %dma_wait3A_872 = tpu.memref_slice %arg6[%dma_wait3A_870, %dma_wait3A_871] : memref<16x128xi32, #tpu.memory_space<vmem>> -> memref<1x128xi32, #tpu.memory_space<vmem>>
    %dma_wait3A_873 = tpu.memref_squeeze %dma_wait3A_872 : memref<1x128xi32, #tpu.memory_space<vmem>> -> memref<128xi32, #tpu.memory_space<vmem>>
    %dma_wait3A_874 = arith.constant 0 : i32
    %dma_wait3A_875 = arith.constant 0 : i32
    %dma_wait3A_876 = tpu.memref_slice %arg3[%dma_wait3A_874, %dma_wait3A_875] : memref<800000x128xf32, #tpu.memory_space<hbm>> -> memref<800000x128xf32, #tpu.memory_space<hbm>>
    tpu.wait_indirect_dma semaphore(%arg16 : memref<!tpu.dma_semaphore, #tpu.memory_space<semaphore_mem>>) src(%dma_wait3A_876 : memref<800000x128xf32, #tpu.memory_space<hbm>>) dst(%arg10 : memref<128x128xf32, #tpu.memory_space<vmem>>)
    %add3A_877 = arith.constant 384 : i32
    %add3A_878 = arith.addi %mul3A_2, %add3A_877 : i32
    %dma_start3A_879 = arith.constant 0 : i32
    %dma_start3A_880 = tpu.memref_slice %arg4[%add3A_878, %dma_start3A_879] : memref<65536x128xf32, #tpu.memory_space<hbm>> -> memref<128x128xf32, #tpu.memory_space<hbm>>
    %dma_start3A_881 = arith.constant 0 : i32
    %dma_start3A_882 = tpu.memref_slice %arg4[%add3A_878, %dma_start3A_881] : memref<65536x128xf32, #tpu.memory_space<hbm>> -> memref<128x128xf32, #tpu.memory_space<hbm>>
    tpu.enqueue_dma source(%arg10 : memref<128x128xf32, #tpu.memory_space<vmem>>) target(%dma_start3A_882 : memref<128x128xf32, #tpu.memory_space<hbm>>) target_semaphore(%arg22 : memref<!tpu.dma_semaphore, #tpu.memory_space<semaphore_mem>>)
    %add3A_883 = arith.constant 16 : i32
    %add3A_884 = vector.broadcast %add3A_883 : i32 to vector<16xi32>
    %add3A_885 = arith.addi %select_n3A_56, %add3A_884 : vector<16xi32>
    %gather3A_886 = tpu.vector_load_idx %arg5[%add3A_102, %add3A_885] : memref<16x128xi32, #tpu.memory_space<vmem>>[vector<16xi32>, vector<16xi32>], vector<16xi32>,
    %add3A_887 = arith.addi %gather3A_886, %mul3A_78 : vector<16xi32>
    %swap3A_888 = arith.constant 9 : i32
    %swap3A_889 = arith.index_cast %swap3A_888 : i32 to index
    %swap3A_890 = arith.constant 0 : index
    %swap3A_891 = tpu.vector_load %arg6[%swap3A_889, %swap3A_890] {strides = array<i32>} : memref<16x128xi32, #tpu.memory_space<vmem>>, vector<16xi32>,
    tpu.vector_store %arg6[%swap3A_889, %swap3A_890], %add3A_887 {strides = array<i32>} : memref<16x128xi32, #tpu.memory_space<vmem>>, vector<16xi32>,
    %add3A_892 = arith.constant 16 : i32
    %add3A_893 = vector.broadcast %add3A_892 : i32 to vector<16xi32>
    %add3A_894 = arith.addi %select_n3A_56, %add3A_893 : vector<16xi32>
    %gather3A_895 = tpu.vector_load_idx %arg5[%add3A_105, %add3A_894] : memref<16x128xi32, #tpu.memory_space<vmem>>[vector<16xi32>, vector<16xi32>], vector<16xi32>,
    %add3A_896 = arith.addi %gather3A_895, %mul3A_81 : vector<16xi32>
    %swap3A_897 = arith.constant 9 : i32
    %swap3A_898 = arith.index_cast %swap3A_897 : i32 to index
    %swap3A_899 = arith.constant 16 : index
    %swap3A_900 = tpu.vector_load %arg6[%swap3A_898, %swap3A_899] {strides = array<i32>} : memref<16x128xi32, #tpu.memory_space<vmem>>, vector<16xi32>,
    tpu.vector_store %arg6[%swap3A_898, %swap3A_899], %add3A_896 {strides = array<i32>} : memref<16x128xi32, #tpu.memory_space<vmem>>, vector<16xi32>,
    %add3A_901 = arith.constant 16 : i32
    %add3A_902 = vector.broadcast %add3A_901 : i32 to vector<16xi32>
    %add3A_903 = arith.addi %select_n3A_56, %add3A_902 : vector<16xi32>
    %gather3A_904 = tpu.vector_load_idx %arg5[%add3A_108, %add3A_903] : memref<16x128xi32, #tpu.memory_space<vmem>>[vector<16xi32>, vector<16xi32>], vector<16xi32>,
    %add3A_905 = arith.addi %gather3A_904, %mul3A_84 : vector<16xi32>
    %swap3A_906 = arith.constant 9 : i32
    %swap3A_907 = arith.index_cast %swap3A_906 : i32 to index
    %swap3A_908 = arith.constant 32 : index
    %swap3A_909 = tpu.vector_load %arg6[%swap3A_907, %swap3A_908] {strides = array<i32>} : memref<16x128xi32, #tpu.memory_space<vmem>>, vector<16xi32>,
    tpu.vector_store %arg6[%swap3A_907, %swap3A_908], %add3A_905 {strides = array<i32>} : memref<16x128xi32, #tpu.memory_space<vmem>>, vector<16xi32>,
    %add3A_910 = arith.constant 16 : i32
    %add3A_911 = vector.broadcast %add3A_910 : i32 to vector<16xi32>
    %add3A_912 = arith.addi %select_n3A_56, %add3A_911 : vector<16xi32>
    %gather3A_913 = tpu.vector_load_idx %arg5[%add3A_111, %add3A_912] : memref<16x128xi32, #tpu.memory_space<vmem>>[vector<16xi32>, vector<16xi32>], vector<16xi32>,
    %add3A_914 = arith.addi %gather3A_913, %mul3A_87 : vector<16xi32>
    %swap3A_915 = arith.constant 9 : i32
    %swap3A_916 = arith.index_cast %swap3A_915 : i32 to index
    %swap3A_917 = arith.constant 48 : index
    %swap3A_918 = tpu.vector_load %arg6[%swap3A_916, %swap3A_917] {strides = array<i32>} : memref<16x128xi32, #tpu.memory_space<vmem>>, vector<16xi32>,
    tpu.vector_store %arg6[%swap3A_916, %swap3A_917], %add3A_914 {strides = array<i32>} : memref<16x128xi32, #tpu.memory_space<vmem>>, vector<16xi32>,
    %add3A_919 = arith.constant 24 : i32
    %add3A_920 = vector.broadcast %add3A_919 : i32 to vector<16xi32>
    %add3A_921 = arith.addi %select_n3A_56, %add3A_920 : vector<16xi32>
    %gather3A_922 = tpu.vector_load_idx %arg5[%add3A_102, %add3A_921] : memref<16x128xi32, #tpu.memory_space<vmem>>[vector<16xi32>, vector<16xi32>], vector<16xi32>,
    %add3A_923 = arith.addi %gather3A_922, %mul3A_78 : vector<16xi32>
    %swap3A_924 = arith.constant 9 : i32
    %swap3A_925 = arith.index_cast %swap3A_924 : i32 to index
    %swap3A_926 = arith.constant 64 : index
    %swap3A_927 = tpu.vector_load %arg6[%swap3A_925, %swap3A_926] {strides = array<i32>} : memref<16x128xi32, #tpu.memory_space<vmem>>, vector<16xi32>,
    tpu.vector_store %arg6[%swap3A_925, %swap3A_926], %add3A_923 {strides = array<i32>} : memref<16x128xi32, #tpu.memory_space<vmem>>, vector<16xi32>,
    %add3A_928 = arith.constant 24 : i32
    %add3A_929 = vector.broadcast %add3A_928 : i32 to vector<16xi32>
    %add3A_930 = arith.addi %select_n3A_56, %add3A_929 : vector<16xi32>
    %gather3A_931 = tpu.vector_load_idx %arg5[%add3A_105, %add3A_930] : memref<16x128xi32, #tpu.memory_space<vmem>>[vector<16xi32>, vector<16xi32>], vector<16xi32>,
    %add3A_932 = arith.addi %gather3A_931, %mul3A_81 : vector<16xi32>
    %swap3A_933 = arith.constant 9 : i32
    %swap3A_934 = arith.index_cast %swap3A_933 : i32 to index
    %swap3A_935 = arith.constant 80 : index
    %swap3A_936 = tpu.vector_load %arg6[%swap3A_934, %swap3A_935] {strides = array<i32>} : memref<16x128xi32, #tpu.memory_space<vmem>>, vector<16xi32>,
    tpu.vector_store %arg6[%swap3A_934, %swap3A_935], %add3A_932 {strides = array<i32>} : memref<16x128xi32, #tpu.memory_space<vmem>>, vector<16xi32>,
    %add3A_937 = arith.constant 24 : i32
    %add3A_938 = vector.broadcast %add3A_937 : i32 to vector<16xi32>
    %add3A_939 = arith.addi %select_n3A_56, %add3A_938 : vector<16xi32>
    %gather3A_940 = tpu.vector_load_idx %arg5[%add3A_108, %add3A_939] : memref<16x128xi32, #tpu.memory_space<vmem>>[vector<16xi32>, vector<16xi32>], vector<16xi32>,
    %add3A_941 = arith.addi %gather3A_940, %mul3A_84 : vector<16xi32>
    %swap3A_942 = arith.constant 9 : i32
    %swap3A_943 = arith.index_cast %swap3A_942 : i32 to index
    %swap3A_944 = arith.constant 96 : index
    %swap3A_945 = tpu.vector_load %arg6[%swap3A_943, %swap3A_944] {strides = array<i32>} : memref<16x128xi32, #tpu.memory_space<vmem>>, vector<16xi32>,
    tpu.vector_store %arg6[%swap3A_943, %swap3A_944], %add3A_941 {strides = array<i32>} : memref<16x128xi32, #tpu.memory_space<vmem>>, vector<16xi32>,
    %add3A_946 = arith.constant 24 : i32
    %add3A_947 = vector.broadcast %add3A_946 : i32 to vector<16xi32>
    %add3A_948 = arith.addi %select_n3A_56, %add3A_947 : vector<16xi32>
    %gather3A_949 = tpu.vector_load_idx %arg5[%add3A_111, %add3A_948] : memref<16x128xi32, #tpu.memory_space<vmem>>[vector<16xi32>, vector<16xi32>], vector<16xi32>,
    %add3A_950 = arith.addi %gather3A_949, %mul3A_87 : vector<16xi32>
    %swap3A_951 = arith.constant 9 : i32
    %swap3A_952 = arith.index_cast %swap3A_951 : i32 to index
    %swap3A_953 = arith.constant 112 : index
    %swap3A_954 = tpu.vector_load %arg6[%swap3A_952, %swap3A_953] {strides = array<i32>} : memref<16x128xi32, #tpu.memory_space<vmem>>, vector<16xi32>,
    tpu.vector_store %arg6[%swap3A_952, %swap3A_953], %add3A_950 {strides = array<i32>} : memref<16x128xi32, #tpu.memory_space<vmem>>, vector<16xi32>,
    %dma_wait3A_955 = arith.constant 0 : i32
    %dma_wait3A_956 = tpu.memref_slice %arg4[%add3A_878, %dma_wait3A_955] : memref<65536x128xf32, #tpu.memory_space<hbm>> -> memref<128x128xf32, #tpu.memory_space<hbm>>
    %dma_wait3A_957 = arith.constant 0 : i32
    %dma_wait3A_958 = tpu.memref_slice %arg4[%add3A_878, %dma_wait3A_957] : memref<65536x128xf32, #tpu.memory_space<hbm>> -> memref<128x128xf32, #tpu.memory_space<hbm>>
    tpu.wait_dma2 semaphore(%arg22 : memref<!tpu.dma_semaphore, #tpu.memory_space<semaphore_mem>>) src(%arg10 : memref<128x128xf32, #tpu.memory_space<vmem>>) dst(%dma_wait3A_958 : memref<128x128xf32, #tpu.memory_space<hbm>>)
    %dma_start3A_959 = arith.constant 9 : i32
    %dma_start3A_960 = arith.constant 0 : i32
    %dma_start3A_961 = tpu.memref_slice %arg6[%dma_start3A_959, %dma_start3A_960] : memref<16x128xi32, #tpu.memory_space<vmem>> -> memref<1x128xi32, #tpu.memory_space<vmem>>
    %dma_start3A_962 = tpu.memref_squeeze %dma_start3A_961 : memref<1x128xi32, #tpu.memory_space<vmem>> -> memref<128xi32, #tpu.memory_space<vmem>>
    %dma_start3A_963 = arith.constant 0 : i32
    %dma_start3A_964 = arith.constant 0 : i32
    %dma_start3A_965 = tpu.memref_slice %arg3[%dma_start3A_963, %dma_start3A_964] : memref<800000x128xf32, #tpu.memory_space<hbm>> -> memref<800000x128xf32, #tpu.memory_space<hbm>>
    tpu.enqueue_indirect_dma source(%dma_start3A_965 : memref<800000x128xf32, #tpu.memory_space<hbm>>) target(%arg10 : memref<128x128xf32, #tpu.memory_space<vmem>>) offsets(%dma_start3A_962 : memref<128xi32, #tpu.memory_space<vmem>>) semaphore(%arg16 : memref<!tpu.dma_semaphore, #tpu.memory_space<semaphore_mem>>)
    %dma_wait3A_966 = arith.constant 4 : i32
    %dma_wait3A_967 = arith.constant 0 : i32
    %dma_wait3A_968 = tpu.memref_slice %arg6[%dma_wait3A_966, %dma_wait3A_967] : memref<16x128xi32, #tpu.memory_space<vmem>> -> memref<1x128xi32, #tpu.memory_space<vmem>>
    %dma_wait3A_969 = tpu.memref_squeeze %dma_wait3A_968 : memref<1x128xi32, #tpu.memory_space<vmem>> -> memref<128xi32, #tpu.memory_space<vmem>>
    %dma_wait3A_970 = arith.constant 0 : i32
    %dma_wait3A_971 = arith.constant 0 : i32
    %dma_wait3A_972 = tpu.memref_slice %arg3[%dma_wait3A_970, %dma_wait3A_971] : memref<800000x128xf32, #tpu.memory_space<hbm>> -> memref<800000x128xf32, #tpu.memory_space<hbm>>
    tpu.wait_indirect_dma semaphore(%arg17 : memref<!tpu.dma_semaphore, #tpu.memory_space<semaphore_mem>>) src(%dma_wait3A_972 : memref<800000x128xf32, #tpu.memory_space<hbm>>) dst(%arg11 : memref<128x128xf32, #tpu.memory_space<vmem>>)
    %add3A_973 = arith.constant 512 : i32
    %add3A_974 = arith.addi %mul3A_2, %add3A_973 : i32
    %dma_start3A_975 = arith.constant 0 : i32
    %dma_start3A_976 = tpu.memref_slice %arg4[%add3A_974, %dma_start3A_975] : memref<65536x128xf32, #tpu.memory_space<hbm>> -> memref<128x128xf32, #tpu.memory_space<hbm>>
    %dma_start3A_977 = arith.constant 0 : i32
    %dma_start3A_978 = tpu.memref_slice %arg4[%add3A_974, %dma_start3A_977] : memref<65536x128xf32, #tpu.memory_space<hbm>> -> memref<128x128xf32, #tpu.memory_space<hbm>>
    tpu.enqueue_dma source(%arg11 : memref<128x128xf32, #tpu.memory_space<vmem>>) target(%dma_start3A_978 : memref<128x128xf32, #tpu.memory_space<hbm>>) target_semaphore(%arg23 : memref<!tpu.dma_semaphore, #tpu.memory_space<semaphore_mem>>)
    %add3A_979 = arith.constant 32 : i32
    %add3A_980 = vector.broadcast %add3A_979 : i32 to vector<16xi32>
    %add3A_981 = arith.addi %select_n3A_56, %add3A_980 : vector<16xi32>
    %gather3A_982 = tpu.vector_load_idx %arg5[%add3A_102, %add3A_981] : memref<16x128xi32, #tpu.memory_space<vmem>>[vector<16xi32>, vector<16xi32>], vector<16xi32>,
    %add3A_983 = arith.addi %gather3A_982, %mul3A_78 : vector<16xi32>
    %swap3A_984 = arith.constant 10 : i32
    %swap3A_985 = arith.index_cast %swap3A_984 : i32 to index
    %swap3A_986 = arith.constant 0 : index
    %swap3A_987 = tpu.vector_load %arg6[%swap3A_985, %swap3A_986] {strides = array<i32>} : memref<16x128xi32, #tpu.memory_space<vmem>>, vector<16xi32>,
    tpu.vector_store %arg6[%swap3A_985, %swap3A_986], %add3A_983 {strides = array<i32>} : memref<16x128xi32, #tpu.memory_space<vmem>>, vector<16xi32>,
    %add3A_988 = arith.constant 32 : i32
    %add3A_989 = vector.broadcast %add3A_988 : i32 to vector<16xi32>
    %add3A_990 = arith.addi %select_n3A_56, %add3A_989 : vector<16xi32>
    %gather3A_991 = tpu.vector_load_idx %arg5[%add3A_105, %add3A_990] : memref<16x128xi32, #tpu.memory_space<vmem>>[vector<16xi32>, vector<16xi32>], vector<16xi32>,
    %add3A_992 = arith.addi %gather3A_991, %mul3A_81 : vector<16xi32>
    %swap3A_993 = arith.constant 10 : i32
    %swap3A_994 = arith.index_cast %swap3A_993 : i32 to index
    %swap3A_995 = arith.constant 16 : index
    %swap3A_996 = tpu.vector_load %arg6[%swap3A_994, %swap3A_995] {strides = array<i32>} : memref<16x128xi32, #tpu.memory_space<vmem>>, vector<16xi32>,
    tpu.vector_store %arg6[%swap3A_994, %swap3A_995], %add3A_992 {strides = array<i32>} : memref<16x128xi32, #tpu.memory_space<vmem>>, vector<16xi32>,
    %add3A_997 = arith.constant 32 : i32
    %add3A_998 = vector.broadcast %add3A_997 : i32 to vector<16xi32>
    %add3A_999 = arith.addi %select_n3A_56, %add3A_998 : vector<16xi32>
    %gather3A_1000 = tpu.vector_load_idx %arg5[%add3A_108, %add3A_999] : memref<16x128xi32, #tpu.memory_space<vmem>>[vector<16xi32>, vector<16xi32>], vector<16xi32>,
    %add3A_1001 = arith.addi %gather3A_1000, %mul3A_84 : vector<16xi32>
    %swap3A_1002 = arith.constant 10 : i32
    %swap3A_1003 = arith.index_cast %swap3A_1002 : i32 to index
    %swap3A_1004 = arith.constant 32 : index
    %swap3A_1005 = tpu.vector_load %arg6[%swap3A_1003, %swap3A_1004] {strides = array<i32>} : memref<16x128xi32, #tpu.memory_space<vmem>>, vector<16xi32>,
    tpu.vector_store %arg6[%swap3A_1003, %swap3A_1004], %add3A_1001 {strides = array<i32>} : memref<16x128xi32, #tpu.memory_space<vmem>>, vector<16xi32>,
    %add3A_1006 = arith.constant 32 : i32
    %add3A_1007 = vector.broadcast %add3A_1006 : i32 to vector<16xi32>
    %add3A_1008 = arith.addi %select_n3A_56, %add3A_1007 : vector<16xi32>
    %gather3A_1009 = tpu.vector_load_idx %arg5[%add3A_111, %add3A_1008] : memref<16x128xi32, #tpu.memory_space<vmem>>[vector<16xi32>, vector<16xi32>], vector<16xi32>,
    %add3A_1010 = arith.addi %gather3A_1009, %mul3A_87 : vector<16xi32>
    %swap3A_1011 = arith.constant 10 : i32
    %swap3A_1012 = arith.index_cast %swap3A_1011 : i32 to index
    %swap3A_1013 = arith.constant 48 : index
    %swap3A_1014 = tpu.vector_load %arg6[%swap3A_1012, %swap3A_1013] {strides = array<i32>} : memref<16x128xi32, #tpu.memory_space<vmem>>, vector<16xi32>,
    tpu.vector_store %arg6[%swap3A_1012, %swap3A_1013], %add3A_1010 {strides = array<i32>} : memref<16x128xi32, #tpu.memory_space<vmem>>, vector<16xi32>,
    %add3A_1015 = arith.constant 40 : i32
    %add3A_1016 = vector.broadcast %add3A_1015 : i32 to vector<16xi32>
    %add3A_1017 = arith.addi %select_n3A_56, %add3A_1016 : vector<16xi32>
    %gather3A_1018 = tpu.vector_load_idx %arg5[%add3A_102, %add3A_1017] : memref<16x128xi32, #tpu.memory_space<vmem>>[vector<16xi32>, vector<16xi32>], vector<16xi32>,
    %add3A_1019 = arith.addi %gather3A_1018, %mul3A_78 : vector<16xi32>
    %swap3A_1020 = arith.constant 10 : i32
    %swap3A_1021 = arith.index_cast %swap3A_1020 : i32 to index
    %swap3A_1022 = arith.constant 64 : index
    %swap3A_1023 = tpu.vector_load %arg6[%swap3A_1021, %swap3A_1022] {strides = array<i32>} : memref<16x128xi32, #tpu.memory_space<vmem>>, vector<16xi32>,
    tpu.vector_store %arg6[%swap3A_1021, %swap3A_1022], %add3A_1019 {strides = array<i32>} : memref<16x128xi32, #tpu.memory_space<vmem>>, vector<16xi32>,
    %add3A_1024 = arith.constant 40 : i32
    %add3A_1025 = vector.broadcast %add3A_1024 : i32 to vector<16xi32>
    %add3A_1026 = arith.addi %select_n3A_56, %add3A_1025 : vector<16xi32>
    %gather3A_1027 = tpu.vector_load_idx %arg5[%add3A_105, %add3A_1026] : memref<16x128xi32, #tpu.memory_space<vmem>>[vector<16xi32>, vector<16xi32>], vector<16xi32>,
    %add3A_1028 = arith.addi %gather3A_1027, %mul3A_81 : vector<16xi32>
    %swap3A_1029 = arith.constant 10 : i32
    %swap3A_1030 = arith.index_cast %swap3A_1029 : i32 to index
    %swap3A_1031 = arith.constant 80 : index
    %swap3A_1032 = tpu.vector_load %arg6[%swap3A_1030, %swap3A_1031] {strides = array<i32>} : memref<16x128xi32, #tpu.memory_space<vmem>>, vector<16xi32>,
    tpu.vector_store %arg6[%swap3A_1030, %swap3A_1031], %add3A_1028 {strides = array<i32>} : memref<16x128xi32, #tpu.memory_space<vmem>>, vector<16xi32>,
    %add3A_1033 = arith.constant 40 : i32
    %add3A_1034 = vector.broadcast %add3A_1033 : i32 to vector<16xi32>
    %add3A_1035 = arith.addi %select_n3A_56, %add3A_1034 : vector<16xi32>
    %gather3A_1036 = tpu.vector_load_idx %arg5[%add3A_108, %add3A_1035] : memref<16x128xi32, #tpu.memory_space<vmem>>[vector<16xi32>, vector<16xi32>], vector<16xi32>,
    %add3A_1037 = arith.addi %gather3A_1036, %mul3A_84 : vector<16xi32>
    %swap3A_1038 = arith.constant 10 : i32
    %swap3A_1039 = arith.index_cast %swap3A_1038 : i32 to index
    %swap3A_1040 = arith.constant 96 : index
    %swap3A_1041 = tpu.vector_load %arg6[%swap3A_1039, %swap3A_1040] {strides = array<i32>} : memref<16x128xi32, #tpu.memory_space<vmem>>, vector<16xi32>,
    tpu.vector_store %arg6[%swap3A_1039, %swap3A_1040], %add3A_1037 {strides = array<i32>} : memref<16x128xi32, #tpu.memory_space<vmem>>, vector<16xi32>,
    %add3A_1042 = arith.constant 40 : i32
    %add3A_1043 = vector.broadcast %add3A_1042 : i32 to vector<16xi32>
    %add3A_1044 = arith.addi %select_n3A_56, %add3A_1043 : vector<16xi32>
    %gather3A_1045 = tpu.vector_load_idx %arg5[%add3A_111, %add3A_1044] : memref<16x128xi32, #tpu.memory_space<vmem>>[vector<16xi32>, vector<16xi32>], vector<16xi32>,
    %add3A_1046 = arith.addi %gather3A_1045, %mul3A_87 : vector<16xi32>
    %swap3A_1047 = arith.constant 10 : i32
    %swap3A_1048 = arith.index_cast %swap3A_1047 : i32 to index
    %swap3A_1049 = arith.constant 112 : index
    %swap3A_1050 = tpu.vector_load %arg6[%swap3A_1048, %swap3A_1049] {strides = array<i32>} : memref<16x128xi32, #tpu.memory_space<vmem>>, vector<16xi32>,
    tpu.vector_store %arg6[%swap3A_1048, %swap3A_1049], %add3A_1046 {strides = array<i32>} : memref<16x128xi32, #tpu.memory_space<vmem>>, vector<16xi32>,
    %dma_wait3A_1051 = arith.constant 0 : i32
    %dma_wait3A_1052 = tpu.memref_slice %arg4[%add3A_974, %dma_wait3A_1051] : memref<65536x128xf32, #tpu.memory_space<hbm>> -> memref<128x128xf32, #tpu.memory_space<hbm>>
    %dma_wait3A_1053 = arith.constant 0 : i32
    %dma_wait3A_1054 = tpu.memref_slice %arg4[%add3A_974, %dma_wait3A_1053] : memref<65536x128xf32, #tpu.memory_space<hbm>> -> memref<128x128xf32, #tpu.memory_space<hbm>>
    tpu.wait_dma2 semaphore(%arg23 : memref<!tpu.dma_semaphore, #tpu.memory_space<semaphore_mem>>) src(%arg11 : memref<128x128xf32, #tpu.memory_space<vmem>>) dst(%dma_wait3A_1054 : memref<128x128xf32, #tpu.memory_space<hbm>>)
    %dma_start3A_1055 = arith.constant 10 : i32
    %dma_start3A_1056 = arith.constant 0 : i32
    %dma_start3A_1057 = tpu.memref_slice %arg6[%dma_start3A_1055, %dma_start3A_1056] : memref<16x128xi32, #tpu.memory_space<vmem>> -> memref<1x128xi32, #tpu.memory_space<vmem>>
    %dma_start3A_1058 = tpu.memref_squeeze %dma_start3A_1057 : memref<1x128xi32, #tpu.memory_space<vmem>> -> memref<128xi32, #tpu.memory_space<vmem>>
    %dma_start3A_1059 = arith.constant 0 : i32
    %dma_start3A_1060 = arith.constant 0 : i32
    %dma_start3A_1061 = tpu.memref_slice %arg3[%dma_start3A_1059, %dma_start3A_1060] : memref<800000x128xf32, #tpu.memory_space<hbm>> -> memref<800000x128xf32, #tpu.memory_space<hbm>>
    tpu.enqueue_indirect_dma source(%dma_start3A_1061 : memref<800000x128xf32, #tpu.memory_space<hbm>>) target(%arg11 : memref<128x128xf32, #tpu.memory_space<vmem>>) offsets(%dma_start3A_1058 : memref<128xi32, #tpu.memory_space<vmem>>) semaphore(%arg17 : memref<!tpu.dma_semaphore, #tpu.memory_space<semaphore_mem>>)
    %dma_wait3A_1062 = arith.constant 5 : i32
    %dma_wait3A_1063 = arith.constant 0 : i32
    %dma_wait3A_1064 = tpu.memref_slice %arg6[%dma_wait3A_1062, %dma_wait3A_1063] : memref<16x128xi32, #tpu.memory_space<vmem>> -> memref<1x128xi32, #tpu.memory_space<vmem>>
    %dma_wait3A_1065 = tpu.memref_squeeze %dma_wait3A_1064 : memref<1x128xi32, #tpu.memory_space<vmem>> -> memref<128xi32, #tpu.memory_space<vmem>>
    %dma_wait3A_1066 = arith.constant 0 : i32
    %dma_wait3A_1067 = arith.constant 0 : i32
    %dma_wait3A_1068 = tpu.memref_slice %arg3[%dma_wait3A_1066, %dma_wait3A_1067] : memref<800000x128xf32, #tpu.memory_space<hbm>> -> memref<800000x128xf32, #tpu.memory_space<hbm>>
    tpu.wait_indirect_dma semaphore(%arg18 : memref<!tpu.dma_semaphore, #tpu.memory_space<semaphore_mem>>) src(%dma_wait3A_1068 : memref<800000x128xf32, #tpu.memory_space<hbm>>) dst(%arg12 : memref<128x128xf32, #tpu.memory_space<vmem>>)
    %add3A_1069 = arith.constant 640 : i32
    %add3A_1070 = arith.addi %mul3A_2, %add3A_1069 : i32
    %dma_start3A_1071 = arith.constant 0 : i32
    %dma_start3A_1072 = tpu.memref_slice %arg4[%add3A_1070, %dma_start3A_1071] : memref<65536x128xf32, #tpu.memory_space<hbm>> -> memref<128x128xf32, #tpu.memory_space<hbm>>
    %dma_start3A_1073 = arith.constant 0 : i32
    %dma_start3A_1074 = tpu.memref_slice %arg4[%add3A_1070, %dma_start3A_1073] : memref<65536x128xf32, #tpu.memory_space<hbm>> -> memref<128x128xf32, #tpu.memory_space<hbm>>
    tpu.enqueue_dma source(%arg12 : memref<128x128xf32, #tpu.memory_space<vmem>>) target(%dma_start3A_1074 : memref<128x128xf32, #tpu.memory_space<hbm>>) target_semaphore(%arg24 : memref<!tpu.dma_semaphore, #tpu.memory_space<semaphore_mem>>)
    %add3A_1075 = arith.constant 48 : i32
    %add3A_1076 = vector.broadcast %add3A_1075 : i32 to vector<16xi32>
    %add3A_1077 = arith.addi %select_n3A_56, %add3A_1076 : vector<16xi32>
    %gather3A_1078 = tpu.vector_load_idx %arg5[%add3A_102, %add3A_1077] : memref<16x128xi32, #tpu.memory_space<vmem>>[vector<16xi32>, vector<16xi32>], vector<16xi32>,
    %add3A_1079 = arith.addi %gather3A_1078, %mul3A_78 : vector<16xi32>
    %swap3A_1080 = arith.constant 11 : i32
    %swap3A_1081 = arith.index_cast %swap3A_1080 : i32 to index
    %swap3A_1082 = arith.constant 0 : index
    %swap3A_1083 = tpu.vector_load %arg6[%swap3A_1081, %swap3A_1082] {strides = array<i32>} : memref<16x128xi32, #tpu.memory_space<vmem>>, vector<16xi32>,
    tpu.vector_store %arg6[%swap3A_1081, %swap3A_1082], %add3A_1079 {strides = array<i32>} : memref<16x128xi32, #tpu.memory_space<vmem>>, vector<16xi32>,
    %add3A_1084 = arith.constant 48 : i32
    %add3A_1085 = vector.broadcast %add3A_1084 : i32 to vector<16xi32>
    %add3A_1086 = arith.addi %select_n3A_56, %add3A_1085 : vector<16xi32>
    %gather3A_1087 = tpu.vector_load_idx %arg5[%add3A_105, %add3A_1086] : memref<16x128xi32, #tpu.memory_space<vmem>>[vector<16xi32>, vector<16xi32>], vector<16xi32>,
    %add3A_1088 = arith.addi %gather3A_1087, %mul3A_81 : vector<16xi32>
    %swap3A_1089 = arith.constant 11 : i32
    %swap3A_1090 = arith.index_cast %swap3A_1089 : i32 to index
    %swap3A_1091 = arith.constant 16 : index
    %swap3A_1092 = tpu.vector_load %arg6[%swap3A_1090, %swap3A_1091] {strides = array<i32>} : memref<16x128xi32, #tpu.memory_space<vmem>>, vector<16xi32>,
    tpu.vector_store %arg6[%swap3A_1090, %swap3A_1091], %add3A_1088 {strides = array<i32>} : memref<16x128xi32, #tpu.memory_space<vmem>>, vector<16xi32>,
    %add3A_1093 = arith.constant 48 : i32
    %add3A_1094 = vector.broadcast %add3A_1093 : i32 to vector<16xi32>
    %add3A_1095 = arith.addi %select_n3A_56, %add3A_1094 : vector<16xi32>
    %gather3A_1096 = tpu.vector_load_idx %arg5[%add3A_108, %add3A_1095] : memref<16x128xi32, #tpu.memory_space<vmem>>[vector<16xi32>, vector<16xi32>], vector<16xi32>,
    %add3A_1097 = arith.addi %gather3A_1096, %mul3A_84 : vector<16xi32>
    %swap3A_1098 = arith.constant 11 : i32
    %swap3A_1099 = arith.index_cast %swap3A_1098 : i32 to index
    %swap3A_1100 = arith.constant 32 : index
    %swap3A_1101 = tpu.vector_load %arg6[%swap3A_1099, %swap3A_1100] {strides = array<i32>} : memref<16x128xi32, #tpu.memory_space<vmem>>, vector<16xi32>,
    tpu.vector_store %arg6[%swap3A_1099, %swap3A_1100], %add3A_1097 {strides = array<i32>} : memref<16x128xi32, #tpu.memory_space<vmem>>, vector<16xi32>,
    %add3A_1102 = arith.constant 48 : i32
    %add3A_1103 = vector.broadcast %add3A_1102 : i32 to vector<16xi32>
    %add3A_1104 = arith.addi %select_n3A_56, %add3A_1103 : vector<16xi32>
    %gather3A_1105 = tpu.vector_load_idx %arg5[%add3A_111, %add3A_1104] : memref<16x128xi32, #tpu.memory_space<vmem>>[vector<16xi32>, vector<16xi32>], vector<16xi32>,
    %add3A_1106 = arith.addi %gather3A_1105, %mul3A_87 : vector<16xi32>
    %swap3A_1107 = arith.constant 11 : i32
    %swap3A_1108 = arith.index_cast %swap3A_1107 : i32 to index
    %swap3A_1109 = arith.constant 48 : index
    %swap3A_1110 = tpu.vector_load %arg6[%swap3A_1108, %swap3A_1109] {strides = array<i32>} : memref<16x128xi32, #tpu.memory_space<vmem>>, vector<16xi32>,
    tpu.vector_store %arg6[%swap3A_1108, %swap3A_1109], %add3A_1106 {strides = array<i32>} : memref<16x128xi32, #tpu.memory_space<vmem>>, vector<16xi32>,
    %add3A_1111 = arith.constant 56 : i32
    %add3A_1112 = vector.broadcast %add3A_1111 : i32 to vector<16xi32>
    %add3A_1113 = arith.addi %select_n3A_56, %add3A_1112 : vector<16xi32>
    %gather3A_1114 = tpu.vector_load_idx %arg5[%add3A_102, %add3A_1113] : memref<16x128xi32, #tpu.memory_space<vmem>>[vector<16xi32>, vector<16xi32>], vector<16xi32>,
    %add3A_1115 = arith.addi %gather3A_1114, %mul3A_78 : vector<16xi32>
    %swap3A_1116 = arith.constant 11 : i32
    %swap3A_1117 = arith.index_cast %swap3A_1116 : i32 to index
    %swap3A_1118 = arith.constant 64 : index
    %swap3A_1119 = tpu.vector_load %arg6[%swap3A_1117, %swap3A_1118] {strides = array<i32>} : memref<16x128xi32, #tpu.memory_space<vmem>>, vector<16xi32>,
    tpu.vector_store %arg6[%swap3A_1117, %swap3A_1118], %add3A_1115 {strides = array<i32>} : memref<16x128xi32, #tpu.memory_space<vmem>>, vector<16xi32>,
    %add3A_1120 = arith.constant 56 : i32
    %add3A_1121 = vector.broadcast %add3A_1120 : i32 to vector<16xi32>
    %add3A_1122 = arith.addi %select_n3A_56, %add3A_1121 : vector<16xi32>
    %gather3A_1123 = tpu.vector_load_idx %arg5[%add3A_105, %add3A_1122] : memref<16x128xi32, #tpu.memory_space<vmem>>[vector<16xi32>, vector<16xi32>], vector<16xi32>,
    %add3A_1124 = arith.addi %gather3A_1123, %mul3A_81 : vector<16xi32>
    %swap3A_1125 = arith.constant 11 : i32
    %swap3A_1126 = arith.index_cast %swap3A_1125 : i32 to index
    %swap3A_1127 = arith.constant 80 : index
    %swap3A_1128 = tpu.vector_load %arg6[%swap3A_1126, %swap3A_1127] {strides = array<i32>} : memref<16x128xi32, #tpu.memory_space<vmem>>, vector<16xi32>,
    tpu.vector_store %arg6[%swap3A_1126, %swap3A_1127], %add3A_1124 {strides = array<i32>} : memref<16x128xi32, #tpu.memory_space<vmem>>, vector<16xi32>,
    %add3A_1129 = arith.constant 56 : i32
    %add3A_1130 = vector.broadcast %add3A_1129 : i32 to vector<16xi32>
    %add3A_1131 = arith.addi %select_n3A_56, %add3A_1130 : vector<16xi32>
    %gather3A_1132 = tpu.vector_load_idx %arg5[%add3A_108, %add3A_1131] : memref<16x128xi32, #tpu.memory_space<vmem>>[vector<16xi32>, vector<16xi32>], vector<16xi32>,
    %add3A_1133 = arith.addi %gather3A_1132, %mul3A_84 : vector<16xi32>
    %swap3A_1134 = arith.constant 11 : i32
    %swap3A_1135 = arith.index_cast %swap3A_1134 : i32 to index
    %swap3A_1136 = arith.constant 96 : index
    %swap3A_1137 = tpu.vector_load %arg6[%swap3A_1135, %swap3A_1136] {strides = array<i32>} : memref<16x128xi32, #tpu.memory_space<vmem>>, vector<16xi32>,
    tpu.vector_store %arg6[%swap3A_1135, %swap3A_1136], %add3A_1133 {strides = array<i32>} : memref<16x128xi32, #tpu.memory_space<vmem>>, vector<16xi32>,
    %add3A_1138 = arith.constant 56 : i32
    %add3A_1139 = vector.broadcast %add3A_1138 : i32 to vector<16xi32>
    %add3A_1140 = arith.addi %select_n3A_56, %add3A_1139 : vector<16xi32>
    %gather3A_1141 = tpu.vector_load_idx %arg5[%add3A_111, %add3A_1140] : memref<16x128xi32, #tpu.memory_space<vmem>>[vector<16xi32>, vector<16xi32>], vector<16xi32>,
    %add3A_1142 = arith.addi %gather3A_1141, %mul3A_87 : vector<16xi32>
    %swap3A_1143 = arith.constant 11 : i32
    %swap3A_1144 = arith.index_cast %swap3A_1143 : i32 to index
    %swap3A_1145 = arith.constant 112 : index
    %swap3A_1146 = tpu.vector_load %arg6[%swap3A_1144, %swap3A_1145] {strides = array<i32>} : memref<16x128xi32, #tpu.memory_space<vmem>>, vector<16xi32>,
    tpu.vector_store %arg6[%swap3A_1144, %swap3A_1145], %add3A_1142 {strides = array<i32>} : memref<16x128xi32, #tpu.memory_space<vmem>>, vector<16xi32>,
    %dma_wait3A_1147 = arith.constant 0 : i32
    %dma_wait3A_1148 = tpu.memref_slice %arg4[%add3A_1070, %dma_wait3A_1147] : memref<65536x128xf32, #tpu.memory_space<hbm>> -> memref<128x128xf32, #tpu.memory_space<hbm>>
    %dma_wait3A_1149 = arith.constant 0 : i32
    %dma_wait3A_1150 = tpu.memref_slice %arg4[%add3A_1070, %dma_wait3A_1149] : memref<65536x128xf32, #tpu.memory_space<hbm>> -> memref<128x128xf32, #tpu.memory_space<hbm>>
    tpu.wait_dma2 semaphore(%arg24 : memref<!tpu.dma_semaphore, #tpu.memory_space<semaphore_mem>>) src(%arg12 : memref<128x128xf32, #tpu.memory_space<vmem>>) dst(%dma_wait3A_1150 : memref<128x128xf32, #tpu.memory_space<hbm>>)
    %dma_start3A_1151 = arith.constant 11 : i32
    %dma_start3A_1152 = arith.constant 0 : i32
    %dma_start3A_1153 = tpu.memref_slice %arg6[%dma_start3A_1151, %dma_start3A_1152] : memref<16x128xi32, #tpu.memory_space<vmem>> -> memref<1x128xi32, #tpu.memory_space<vmem>>
    %dma_start3A_1154 = tpu.memref_squeeze %dma_start3A_1153 : memref<1x128xi32, #tpu.memory_space<vmem>> -> memref<128xi32, #tpu.memory_space<vmem>>
    %dma_start3A_1155 = arith.constant 0 : i32
    %dma_start3A_1156 = arith.constant 0 : i32
    %dma_start3A_1157 = tpu.memref_slice %arg3[%dma_start3A_1155, %dma_start3A_1156] : memref<800000x128xf32, #tpu.memory_space<hbm>> -> memref<800000x128xf32, #tpu.memory_space<hbm>>
    tpu.enqueue_indirect_dma source(%dma_start3A_1157 : memref<800000x128xf32, #tpu.memory_space<hbm>>) target(%arg12 : memref<128x128xf32, #tpu.memory_space<vmem>>) offsets(%dma_start3A_1154 : memref<128xi32, #tpu.memory_space<vmem>>) semaphore(%arg18 : memref<!tpu.dma_semaphore, #tpu.memory_space<semaphore_mem>>)
    %dma_wait3A_1158 = arith.constant 6 : i32
    %dma_wait3A_1159 = arith.constant 0 : i32
    %dma_wait3A_1160 = tpu.memref_slice %arg6[%dma_wait3A_1158, %dma_wait3A_1159] : memref<16x128xi32, #tpu.memory_space<vmem>> -> memref<1x128xi32, #tpu.memory_space<vmem>>
    %dma_wait3A_1161 = tpu.memref_squeeze %dma_wait3A_1160 : memref<1x128xi32, #tpu.memory_space<vmem>> -> memref<128xi32, #tpu.memory_space<vmem>>
    %dma_wait3A_1162 = arith.constant 0 : i32
    %dma_wait3A_1163 = arith.constant 0 : i32
    %dma_wait3A_1164 = tpu.memref_slice %arg3[%dma_wait3A_1162, %dma_wait3A_1163] : memref<800000x128xf32, #tpu.memory_space<hbm>> -> memref<800000x128xf32, #tpu.memory_space<hbm>>
    tpu.wait_indirect_dma semaphore(%arg13 : memref<!tpu.dma_semaphore, #tpu.memory_space<semaphore_mem>>) src(%dma_wait3A_1164 : memref<800000x128xf32, #tpu.memory_space<hbm>>) dst(%arg7 : memref<128x128xf32, #tpu.memory_space<vmem>>)
    %add3A_1165 = arith.constant 768 : i32
    %add3A_1166 = arith.addi %mul3A_2, %add3A_1165 : i32
    %dma_start3A_1167 = arith.constant 0 : i32
    %dma_start3A_1168 = tpu.memref_slice %arg4[%add3A_1166, %dma_start3A_1167] : memref<65536x128xf32, #tpu.memory_space<hbm>> -> memref<128x128xf32, #tpu.memory_space<hbm>>
    %dma_start3A_1169 = arith.constant 0 : i32
    %dma_start3A_1170 = tpu.memref_slice %arg4[%add3A_1166, %dma_start3A_1169] : memref<65536x128xf32, #tpu.memory_space<hbm>> -> memref<128x128xf32, #tpu.memory_space<hbm>>
    tpu.enqueue_dma source(%arg7 : memref<128x128xf32, #tpu.memory_space<vmem>>) target(%dma_start3A_1170 : memref<128x128xf32, #tpu.memory_space<hbm>>) target_semaphore(%arg19 : memref<!tpu.dma_semaphore, #tpu.memory_space<semaphore_mem>>)
    %add3A_1171 = arith.constant 64 : i32
    %add3A_1172 = vector.broadcast %add3A_1171 : i32 to vector<16xi32>
    %add3A_1173 = arith.addi %select_n3A_56, %add3A_1172 : vector<16xi32>
    %gather3A_1174 = tpu.vector_load_idx %arg5[%add3A_102, %add3A_1173] : memref<16x128xi32, #tpu.memory_space<vmem>>[vector<16xi32>, vector<16xi32>], vector<16xi32>,
    %add3A_1175 = arith.addi %gather3A_1174, %mul3A_78 : vector<16xi32>
    %swap3A_1176 = arith.constant 12 : i32
    %swap3A_1177 = arith.index_cast %swap3A_1176 : i32 to index
    %swap3A_1178 = arith.constant 0 : index
    %swap3A_1179 = tpu.vector_load %arg6[%swap3A_1177, %swap3A_1178] {strides = array<i32>} : memref<16x128xi32, #tpu.memory_space<vmem>>, vector<16xi32>,
    tpu.vector_store %arg6[%swap3A_1177, %swap3A_1178], %add3A_1175 {strides = array<i32>} : memref<16x128xi32, #tpu.memory_space<vmem>>, vector<16xi32>,
    %add3A_1180 = arith.constant 64 : i32
    %add3A_1181 = vector.broadcast %add3A_1180 : i32 to vector<16xi32>
    %add3A_1182 = arith.addi %select_n3A_56, %add3A_1181 : vector<16xi32>
    %gather3A_1183 = tpu.vector_load_idx %arg5[%add3A_105, %add3A_1182] : memref<16x128xi32, #tpu.memory_space<vmem>>[vector<16xi32>, vector<16xi32>], vector<16xi32>,
    %add3A_1184 = arith.addi %gather3A_1183, %mul3A_81 : vector<16xi32>
    %swap3A_1185 = arith.constant 12 : i32
    %swap3A_1186 = arith.index_cast %swap3A_1185 : i32 to index
    %swap3A_1187 = arith.constant 16 : index
    %swap3A_1188 = tpu.vector_load %arg6[%swap3A_1186, %swap3A_1187] {strides = array<i32>} : memref<16x128xi32, #tpu.memory_space<vmem>>, vector<16xi32>,
    tpu.vector_store %arg6[%swap3A_1186, %swap3A_1187], %add3A_1184 {strides = array<i32>} : memref<16x128xi32, #tpu.memory_space<vmem>>, vector<16xi32>,
    %add3A_1189 = arith.constant 64 : i32
    %add3A_1190 = vector.broadcast %add3A_1189 : i32 to vector<16xi32>
    %add3A_1191 = arith.addi %select_n3A_56, %add3A_1190 : vector<16xi32>
    %gather3A_1192 = tpu.vector_load_idx %arg5[%add3A_108, %add3A_1191] : memref<16x128xi32, #tpu.memory_space<vmem>>[vector<16xi32>, vector<16xi32>], vector<16xi32>,
    %add3A_1193 = arith.addi %gather3A_1192, %mul3A_84 : vector<16xi32>
    %swap3A_1194 = arith.constant 12 : i32
    %swap3A_1195 = arith.index_cast %swap3A_1194 : i32 to index
    %swap3A_1196 = arith.constant 32 : index
    %swap3A_1197 = tpu.vector_load %arg6[%swap3A_1195, %swap3A_1196] {strides = array<i32>} : memref<16x128xi32, #tpu.memory_space<vmem>>, vector<16xi32>,
    tpu.vector_store %arg6[%swap3A_1195, %swap3A_1196], %add3A_1193 {strides = array<i32>} : memref<16x128xi32, #tpu.memory_space<vmem>>, vector<16xi32>,
    %add3A_1198 = arith.constant 64 : i32
    %add3A_1199 = vector.broadcast %add3A_1198 : i32 to vector<16xi32>
    %add3A_1200 = arith.addi %select_n3A_56, %add3A_1199 : vector<16xi32>
    %gather3A_1201 = tpu.vector_load_idx %arg5[%add3A_111, %add3A_1200] : memref<16x128xi32, #tpu.memory_space<vmem>>[vector<16xi32>, vector<16xi32>], vector<16xi32>,
    %add3A_1202 = arith.addi %gather3A_1201, %mul3A_87 : vector<16xi32>
    %swap3A_1203 = arith.constant 12 : i32
    %swap3A_1204 = arith.index_cast %swap3A_1203 : i32 to index
    %swap3A_1205 = arith.constant 48 : index
    %swap3A_1206 = tpu.vector_load %arg6[%swap3A_1204, %swap3A_1205] {strides = array<i32>} : memref<16x128xi32, #tpu.memory_space<vmem>>, vector<16xi32>,
    tpu.vector_store %arg6[%swap3A_1204, %swap3A_1205], %add3A_1202 {strides = array<i32>} : memref<16x128xi32, #tpu.memory_space<vmem>>, vector<16xi32>,
    %add3A_1207 = arith.constant 72 : i32
    %add3A_1208 = vector.broadcast %add3A_1207 : i32 to vector<16xi32>
    %add3A_1209 = arith.addi %select_n3A_56, %add3A_1208 : vector<16xi32>
    %gather3A_1210 = tpu.vector_load_idx %arg5[%add3A_102, %add3A_1209] : memref<16x128xi32, #tpu.memory_space<vmem>>[vector<16xi32>, vector<16xi32>], vector<16xi32>,
    %add3A_1211 = arith.addi %gather3A_1210, %mul3A_78 : vector<16xi32>
    %swap3A_1212 = arith.constant 12 : i32
    %swap3A_1213 = arith.index_cast %swap3A_1212 : i32 to index
    %swap3A_1214 = arith.constant 64 : index
    %swap3A_1215 = tpu.vector_load %arg6[%swap3A_1213, %swap3A_1214] {strides = array<i32>} : memref<16x128xi32, #tpu.memory_space<vmem>>, vector<16xi32>,
    tpu.vector_store %arg6[%swap3A_1213, %swap3A_1214], %add3A_1211 {strides = array<i32>} : memref<16x128xi32, #tpu.memory_space<vmem>>, vector<16xi32>,
    %add3A_1216 = arith.constant 72 : i32
    %add3A_1217 = vector.broadcast %add3A_1216 : i32 to vector<16xi32>
    %add3A_1218 = arith.addi %select_n3A_56, %add3A_1217 : vector<16xi32>
    %gather3A_1219 = tpu.vector_load_idx %arg5[%add3A_105, %add3A_1218] : memref<16x128xi32, #tpu.memory_space<vmem>>[vector<16xi32>, vector<16xi32>], vector<16xi32>,
    %add3A_1220 = arith.addi %gather3A_1219, %mul3A_81 : vector<16xi32>
    %swap3A_1221 = arith.constant 12 : i32
    %swap3A_1222 = arith.index_cast %swap3A_1221 : i32 to index
    %swap3A_1223 = arith.constant 80 : index
    %swap3A_1224 = tpu.vector_load %arg6[%swap3A_1222, %swap3A_1223] {strides = array<i32>} : memref<16x128xi32, #tpu.memory_space<vmem>>, vector<16xi32>,
    tpu.vector_store %arg6[%swap3A_1222, %swap3A_1223], %add3A_1220 {strides = array<i32>} : memref<16x128xi32, #tpu.memory_space<vmem>>, vector<16xi32>,
    %add3A_1225 = arith.constant 72 : i32
    %add3A_1226 = vector.broadcast %add3A_1225 : i32 to vector<16xi32>
    %add3A_1227 = arith.addi %select_n3A_56, %add3A_1226 : vector<16xi32>
    %gather3A_1228 = tpu.vector_load_idx %arg5[%add3A_108, %add3A_1227] : memref<16x128xi32, #tpu.memory_space<vmem>>[vector<16xi32>, vector<16xi32>], vector<16xi32>,
    %add3A_1229 = arith.addi %gather3A_1228, %mul3A_84 : vector<16xi32>
    %swap3A_1230 = arith.constant 12 : i32
    %swap3A_1231 = arith.index_cast %swap3A_1230 : i32 to index
    %swap3A_1232 = arith.constant 96 : index
    %swap3A_1233 = tpu.vector_load %arg6[%swap3A_1231, %swap3A_1232] {strides = array<i32>} : memref<16x128xi32, #tpu.memory_space<vmem>>, vector<16xi32>,
    tpu.vector_store %arg6[%swap3A_1231, %swap3A_1232], %add3A_1229 {strides = array<i32>} : memref<16x128xi32, #tpu.memory_space<vmem>>, vector<16xi32>,
    %add3A_1234 = arith.constant 72 : i32
    %add3A_1235 = vector.broadcast %add3A_1234 : i32 to vector<16xi32>
    %add3A_1236 = arith.addi %select_n3A_56, %add3A_1235 : vector<16xi32>
    %gather3A_1237 = tpu.vector_load_idx %arg5[%add3A_111, %add3A_1236] : memref<16x128xi32, #tpu.memory_space<vmem>>[vector<16xi32>, vector<16xi32>], vector<16xi32>,
    %add3A_1238 = arith.addi %gather3A_1237, %mul3A_87 : vector<16xi32>
    %swap3A_1239 = arith.constant 12 : i32
    %swap3A_1240 = arith.index_cast %swap3A_1239 : i32 to index
    %swap3A_1241 = arith.constant 112 : index
    %swap3A_1242 = tpu.vector_load %arg6[%swap3A_1240, %swap3A_1241] {strides = array<i32>} : memref<16x128xi32, #tpu.memory_space<vmem>>, vector<16xi32>,
    tpu.vector_store %arg6[%swap3A_1240, %swap3A_1241], %add3A_1238 {strides = array<i32>} : memref<16x128xi32, #tpu.memory_space<vmem>>, vector<16xi32>,
    %dma_wait3A_1243 = arith.constant 0 : i32
    %dma_wait3A_1244 = tpu.memref_slice %arg4[%add3A_1166, %dma_wait3A_1243] : memref<65536x128xf32, #tpu.memory_space<hbm>> -> memref<128x128xf32, #tpu.memory_space<hbm>>
    %dma_wait3A_1245 = arith.constant 0 : i32
    %dma_wait3A_1246 = tpu.memref_slice %arg4[%add3A_1166, %dma_wait3A_1245] : memref<65536x128xf32, #tpu.memory_space<hbm>> -> memref<128x128xf32, #tpu.memory_space<hbm>>
    tpu.wait_dma2 semaphore(%arg19 : memref<!tpu.dma_semaphore, #tpu.memory_space<semaphore_mem>>) src(%arg7 : memref<128x128xf32, #tpu.memory_space<vmem>>) dst(%dma_wait3A_1246 : memref<128x128xf32, #tpu.memory_space<hbm>>)
    %dma_start3A_1247 = arith.constant 12 : i32
    %dma_start3A_1248 = arith.constant 0 : i32
    %dma_start3A_1249 = tpu.memref_slice %arg6[%dma_start3A_1247, %dma_start3A_1248] : memref<16x128xi32, #tpu.memory_space<vmem>> -> memref<1x128xi32, #tpu.memory_space<vmem>>
    %dma_start3A_1250 = tpu.memref_squeeze %dma_start3A_1249 : memref<1x128xi32, #tpu.memory_space<vmem>> -> memref<128xi32, #tpu.memory_space<vmem>>
    %dma_start3A_1251 = arith.constant 0 : i32
    %dma_start3A_1252 = arith.constant 0 : i32
    %dma_start3A_1253 = tpu.memref_slice %arg3[%dma_start3A_1251, %dma_start3A_1252] : memref<800000x128xf32, #tpu.memory_space<hbm>> -> memref<800000x128xf32, #tpu.memory_space<hbm>>
    tpu.enqueue_indirect_dma source(%dma_start3A_1253 : memref<800000x128xf32, #tpu.memory_space<hbm>>) target(%arg7 : memref<128x128xf32, #tpu.memory_space<vmem>>) offsets(%dma_start3A_1250 : memref<128xi32, #tpu.memory_space<vmem>>) semaphore(%arg13 : memref<!tpu.dma_semaphore, #tpu.memory_space<semaphore_mem>>)
    %dma_wait3A_1254 = arith.constant 7 : i32
    %dma_wait3A_1255 = arith.constant 0 : i32
    %dma_wait3A_1256 = tpu.memref_slice %arg6[%dma_wait3A_1254, %dma_wait3A_1255] : memref<16x128xi32, #tpu.memory_space<vmem>> -> memref<1x128xi32, #tpu.memory_space<vmem>>
    %dma_wait3A_1257 = tpu.memref_squeeze %dma_wait3A_1256 : memref<1x128xi32, #tpu.memory_space<vmem>> -> memref<128xi32, #tpu.memory_space<vmem>>
    %dma_wait3A_1258 = arith.constant 0 : i32
    %dma_wait3A_1259 = arith.constant 0 : i32
    %dma_wait3A_1260 = tpu.memref_slice %arg3[%dma_wait3A_1258, %dma_wait3A_1259] : memref<800000x128xf32, #tpu.memory_space<hbm>> -> memref<800000x128xf32, #tpu.memory_space<hbm>>
    tpu.wait_indirect_dma semaphore(%arg14 : memref<!tpu.dma_semaphore, #tpu.memory_space<semaphore_mem>>) src(%dma_wait3A_1260 : memref<800000x128xf32, #tpu.memory_space<hbm>>) dst(%arg8 : memref<128x128xf32, #tpu.memory_space<vmem>>)
    %add3A_1261 = arith.constant 896 : i32
    %add3A_1262 = arith.addi %mul3A_2, %add3A_1261 : i32
    %dma_start3A_1263 = arith.constant 0 : i32
    %dma_start3A_1264 = tpu.memref_slice %arg4[%add3A_1262, %dma_start3A_1263] : memref<65536x128xf32, #tpu.memory_space<hbm>> -> memref<128x128xf32, #tpu.memory_space<hbm>>
    %dma_start3A_1265 = arith.constant 0 : i32
    %dma_start3A_1266 = tpu.memref_slice %arg4[%add3A_1262, %dma_start3A_1265] : memref<65536x128xf32, #tpu.memory_space<hbm>> -> memref<128x128xf32, #tpu.memory_space<hbm>>
    tpu.enqueue_dma source(%arg8 : memref<128x128xf32, #tpu.memory_space<vmem>>) target(%dma_start3A_1266 : memref<128x128xf32, #tpu.memory_space<hbm>>) target_semaphore(%arg20 : memref<!tpu.dma_semaphore, #tpu.memory_space<semaphore_mem>>)
    %add3A_1267 = arith.constant 80 : i32
    %add3A_1268 = vector.broadcast %add3A_1267 : i32 to vector<16xi32>
    %add3A_1269 = arith.addi %select_n3A_56, %add3A_1268 : vector<16xi32>
    %gather3A_1270 = tpu.vector_load_idx %arg5[%add3A_102, %add3A_1269] : memref<16x128xi32, #tpu.memory_space<vmem>>[vector<16xi32>, vector<16xi32>], vector<16xi32>,
    %add3A_1271 = arith.addi %gather3A_1270, %mul3A_78 : vector<16xi32>
    %swap3A_1272 = arith.constant 13 : i32
    %swap3A_1273 = arith.index_cast %swap3A_1272 : i32 to index
    %swap3A_1274 = arith.constant 0 : index
    %swap3A_1275 = tpu.vector_load %arg6[%swap3A_1273, %swap3A_1274] {strides = array<i32>} : memref<16x128xi32, #tpu.memory_space<vmem>>, vector<16xi32>,
    tpu.vector_store %arg6[%swap3A_1273, %swap3A_1274], %add3A_1271 {strides = array<i32>} : memref<16x128xi32, #tpu.memory_space<vmem>>, vector<16xi32>,
    %add3A_1276 = arith.constant 80 : i32
    %add3A_1277 = vector.broadcast %add3A_1276 : i32 to vector<16xi32>
    %add3A_1278 = arith.addi %select_n3A_56, %add3A_1277 : vector<16xi32>
    %gather3A_1279 = tpu.vector_load_idx %arg5[%add3A_105, %add3A_1278] : memref<16x128xi32, #tpu.memory_space<vmem>>[vector<16xi32>, vector<16xi32>], vector<16xi32>,
    %add3A_1280 = arith.addi %gather3A_1279, %mul3A_81 : vector<16xi32>
    %swap3A_1281 = arith.constant 13 : i32
    %swap3A_1282 = arith.index_cast %swap3A_1281 : i32 to index
    %swap3A_1283 = arith.constant 16 : index
    %swap3A_1284 = tpu.vector_load %arg6[%swap3A_1282, %swap3A_1283] {strides = array<i32>} : memref<16x128xi32, #tpu.memory_space<vmem>>, vector<16xi32>,
    tpu.vector_store %arg6[%swap3A_1282, %swap3A_1283], %add3A_1280 {strides = array<i32>} : memref<16x128xi32, #tpu.memory_space<vmem>>, vector<16xi32>,
    %add3A_1285 = arith.constant 80 : i32
    %add3A_1286 = vector.broadcast %add3A_1285 : i32 to vector<16xi32>
    %add3A_1287 = arith.addi %select_n3A_56, %add3A_1286 : vector<16xi32>
    %gather3A_1288 = tpu.vector_load_idx %arg5[%add3A_108, %add3A_1287] : memref<16x128xi32, #tpu.memory_space<vmem>>[vector<16xi32>, vector<16xi32>], vector<16xi32>,
    %add3A_1289 = arith.addi %gather3A_1288, %mul3A_84 : vector<16xi32>
    %swap3A_1290 = arith.constant 13 : i32
    %swap3A_1291 = arith.index_cast %swap3A_1290 : i32 to index
    %swap3A_1292 = arith.constant 32 : index
    %swap3A_1293 = tpu.vector_load %arg6[%swap3A_1291, %swap3A_1292] {strides = array<i32>} : memref<16x128xi32, #tpu.memory_space<vmem>>, vector<16xi32>,
    tpu.vector_store %arg6[%swap3A_1291, %swap3A_1292], %add3A_1289 {strides = array<i32>} : memref<16x128xi32, #tpu.memory_space<vmem>>, vector<16xi32>,
    %add3A_1294 = arith.constant 80 : i32
    %add3A_1295 = vector.broadcast %add3A_1294 : i32 to vector<16xi32>
    %add3A_1296 = arith.addi %select_n3A_56, %add3A_1295 : vector<16xi32>
    %gather3A_1297 = tpu.vector_load_idx %arg5[%add3A_111, %add3A_1296] : memref<16x128xi32, #tpu.memory_space<vmem>>[vector<16xi32>, vector<16xi32>], vector<16xi32>,
    %add3A_1298 = arith.addi %gather3A_1297, %mul3A_87 : vector<16xi32>
    %swap3A_1299 = arith.constant 13 : i32
    %swap3A_1300 = arith.index_cast %swap3A_1299 : i32 to index
    %swap3A_1301 = arith.constant 48 : index
    %swap3A_1302 = tpu.vector_load %arg6[%swap3A_1300, %swap3A_1301] {strides = array<i32>} : memref<16x128xi32, #tpu.memory_space<vmem>>, vector<16xi32>,
    tpu.vector_store %arg6[%swap3A_1300, %swap3A_1301], %add3A_1298 {strides = array<i32>} : memref<16x128xi32, #tpu.memory_space<vmem>>, vector<16xi32>,
    %add3A_1303 = arith.constant 88 : i32
    %add3A_1304 = vector.broadcast %add3A_1303 : i32 to vector<16xi32>
    %add3A_1305 = arith.addi %select_n3A_56, %add3A_1304 : vector<16xi32>
    %gather3A_1306 = tpu.vector_load_idx %arg5[%add3A_102, %add3A_1305] : memref<16x128xi32, #tpu.memory_space<vmem>>[vector<16xi32>, vector<16xi32>], vector<16xi32>,
    %add3A_1307 = arith.addi %gather3A_1306, %mul3A_78 : vector<16xi32>
    %swap3A_1308 = arith.constant 13 : i32
    %swap3A_1309 = arith.index_cast %swap3A_1308 : i32 to index
    %swap3A_1310 = arith.constant 64 : index
    %swap3A_1311 = tpu.vector_load %arg6[%swap3A_1309, %swap3A_1310] {strides = array<i32>} : memref<16x128xi32, #tpu.memory_space<vmem>>, vector<16xi32>,
    tpu.vector_store %arg6[%swap3A_1309, %swap3A_1310], %add3A_1307 {strides = array<i32>} : memref<16x128xi32, #tpu.memory_space<vmem>>, vector<16xi32>,
    %add3A_1312 = arith.constant 88 : i32
    %add3A_1313 = vector.broadcast %add3A_1312 : i32 to vector<16xi32>
    %add3A_1314 = arith.addi %select_n3A_56, %add3A_1313 : vector<16xi32>
    %gather3A_1315 = tpu.vector_load_idx %arg5[%add3A_105, %add3A_1314] : memref<16x128xi32, #tpu.memory_space<vmem>>[vector<16xi32>, vector<16xi32>], vector<16xi32>,
    %add3A_1316 = arith.addi %gather3A_1315, %mul3A_81 : vector<16xi32>
    %swap3A_1317 = arith.constant 13 : i32
    %swap3A_1318 = arith.index_cast %swap3A_1317 : i32 to index
    %swap3A_1319 = arith.constant 80 : index
    %swap3A_1320 = tpu.vector_load %arg6[%swap3A_1318, %swap3A_1319] {strides = array<i32>} : memref<16x128xi32, #tpu.memory_space<vmem>>, vector<16xi32>,
    tpu.vector_store %arg6[%swap3A_1318, %swap3A_1319], %add3A_1316 {strides = array<i32>} : memref<16x128xi32, #tpu.memory_space<vmem>>, vector<16xi32>,
    %add3A_1321 = arith.constant 88 : i32
    %add3A_1322 = vector.broadcast %add3A_1321 : i32 to vector<16xi32>
    %add3A_1323 = arith.addi %select_n3A_56, %add3A_1322 : vector<16xi32>
    %gather3A_1324 = tpu.vector_load_idx %arg5[%add3A_108, %add3A_1323] : memref<16x128xi32, #tpu.memory_space<vmem>>[vector<16xi32>, vector<16xi32>], vector<16xi32>,
    %add3A_1325 = arith.addi %gather3A_1324, %mul3A_84 : vector<16xi32>
    %swap3A_1326 = arith.constant 13 : i32
    %swap3A_1327 = arith.index_cast %swap3A_1326 : i32 to index
    %swap3A_1328 = arith.constant 96 : index
    %swap3A_1329 = tpu.vector_load %arg6[%swap3A_1327, %swap3A_1328] {strides = array<i32>} : memref<16x128xi32, #tpu.memory_space<vmem>>, vector<16xi32>,
    tpu.vector_store %arg6[%swap3A_1327, %swap3A_1328], %add3A_1325 {strides = array<i32>} : memref<16x128xi32, #tpu.memory_space<vmem>>, vector<16xi32>,
    %add3A_1330 = arith.constant 88 : i32
    %add3A_1331 = vector.broadcast %add3A_1330 : i32 to vector<16xi32>
    %add3A_1332 = arith.addi %select_n3A_56, %add3A_1331 : vector<16xi32>
    %gather3A_1333 = tpu.vector_load_idx %arg5[%add3A_111, %add3A_1332] : memref<16x128xi32, #tpu.memory_space<vmem>>[vector<16xi32>, vector<16xi32>], vector<16xi32>,
    %add3A_1334 = arith.addi %gather3A_1333, %mul3A_87 : vector<16xi32>
    %swap3A_1335 = arith.constant 13 : i32
    %swap3A_1336 = arith.index_cast %swap3A_1335 : i32 to index
    %swap3A_1337 = arith.constant 112 : index
    %swap3A_1338 = tpu.vector_load %arg6[%swap3A_1336, %swap3A_1337] {strides = array<i32>} : memref<16x128xi32, #tpu.memory_space<vmem>>, vector<16xi32>,
    tpu.vector_store %arg6[%swap3A_1336, %swap3A_1337], %add3A_1334 {strides = array<i32>} : memref<16x128xi32, #tpu.memory_space<vmem>>, vector<16xi32>,
    %dma_wait3A_1339 = arith.constant 0 : i32
    %dma_wait3A_1340 = tpu.memref_slice %arg4[%add3A_1262, %dma_wait3A_1339] : memref<65536x128xf32, #tpu.memory_space<hbm>> -> memref<128x128xf32, #tpu.memory_space<hbm>>
    %dma_wait3A_1341 = arith.constant 0 : i32
    %dma_wait3A_1342 = tpu.memref_slice %arg4[%add3A_1262, %dma_wait3A_1341] : memref<65536x128xf32, #tpu.memory_space<hbm>> -> memref<128x128xf32, #tpu.memory_space<hbm>>
    tpu.wait_dma2 semaphore(%arg20 : memref<!tpu.dma_semaphore, #tpu.memory_space<semaphore_mem>>) src(%arg8 : memref<128x128xf32, #tpu.memory_space<vmem>>) dst(%dma_wait3A_1342 : memref<128x128xf32, #tpu.memory_space<hbm>>)
    %dma_start3A_1343 = arith.constant 13 : i32
    %dma_start3A_1344 = arith.constant 0 : i32
    %dma_start3A_1345 = tpu.memref_slice %arg6[%dma_start3A_1343, %dma_start3A_1344] : memref<16x128xi32, #tpu.memory_space<vmem>> -> memref<1x128xi32, #tpu.memory_space<vmem>>
    %dma_start3A_1346 = tpu.memref_squeeze %dma_start3A_1345 : memref<1x128xi32, #tpu.memory_space<vmem>> -> memref<128xi32, #tpu.memory_space<vmem>>
    %dma_start3A_1347 = arith.constant 0 : i32
    %dma_start3A_1348 = arith.constant 0 : i32
    %dma_start3A_1349 = tpu.memref_slice %arg3[%dma_start3A_1347, %dma_start3A_1348] : memref<800000x128xf32, #tpu.memory_space<hbm>> -> memref<800000x128xf32, #tpu.memory_space<hbm>>
    tpu.enqueue_indirect_dma source(%dma_start3A_1349 : memref<800000x128xf32, #tpu.memory_space<hbm>>) target(%arg8 : memref<128x128xf32, #tpu.memory_space<vmem>>) offsets(%dma_start3A_1346 : memref<128xi32, #tpu.memory_space<vmem>>) semaphore(%arg14 : memref<!tpu.dma_semaphore, #tpu.memory_space<semaphore_mem>>)
    %dma_wait3A_1350 = arith.constant 8 : i32
    %dma_wait3A_1351 = arith.constant 0 : i32
    %dma_wait3A_1352 = tpu.memref_slice %arg6[%dma_wait3A_1350, %dma_wait3A_1351] : memref<16x128xi32, #tpu.memory_space<vmem>> -> memref<1x128xi32, #tpu.memory_space<vmem>>
    %dma_wait3A_1353 = tpu.memref_squeeze %dma_wait3A_1352 : memref<1x128xi32, #tpu.memory_space<vmem>> -> memref<128xi32, #tpu.memory_space<vmem>>
    %dma_wait3A_1354 = arith.constant 0 : i32
    %dma_wait3A_1355 = arith.constant 0 : i32
    %dma_wait3A_1356 = tpu.memref_slice %arg3[%dma_wait3A_1354, %dma_wait3A_1355] : memref<800000x128xf32, #tpu.memory_space<hbm>> -> memref<800000x128xf32, #tpu.memory_space<hbm>>
    tpu.wait_indirect_dma semaphore(%arg15 : memref<!tpu.dma_semaphore, #tpu.memory_space<semaphore_mem>>) src(%dma_wait3A_1356 : memref<800000x128xf32, #tpu.memory_space<hbm>>) dst(%arg9 : memref<128x128xf32, #tpu.memory_space<vmem>>)
    %add3A_1357 = arith.constant 1024 : i32
    %add3A_1358 = arith.addi %mul3A_2, %add3A_1357 : i32
    %dma_start3A_1359 = arith.constant 0 : i32
    %dma_start3A_1360 = tpu.memref_slice %arg4[%add3A_1358, %dma_start3A_1359] : memref<65536x128xf32, #tpu.memory_space<hbm>> -> memref<128x128xf32, #tpu.memory_space<hbm>>
    %dma_start3A_1361 = arith.constant 0 : i32
    %dma_start3A_1362 = tpu.memref_slice %arg4[%add3A_1358, %dma_start3A_1361] : memref<65536x128xf32, #tpu.memory_space<hbm>> -> memref<128x128xf32, #tpu.memory_space<hbm>>
    tpu.enqueue_dma source(%arg9 : memref<128x128xf32, #tpu.memory_space<vmem>>) target(%dma_start3A_1362 : memref<128x128xf32, #tpu.memory_space<hbm>>) target_semaphore(%arg21 : memref<!tpu.dma_semaphore, #tpu.memory_space<semaphore_mem>>)
    %add3A_1363 = arith.constant 96 : i32
    %add3A_1364 = vector.broadcast %add3A_1363 : i32 to vector<16xi32>
    %add3A_1365 = arith.addi %select_n3A_56, %add3A_1364 : vector<16xi32>
    %gather3A_1366 = tpu.vector_load_idx %arg5[%add3A_102, %add3A_1365] : memref<16x128xi32, #tpu.memory_space<vmem>>[vector<16xi32>, vector<16xi32>], vector<16xi32>,
    %add3A_1367 = arith.addi %gather3A_1366, %mul3A_78 : vector<16xi32>
    %swap3A_1368 = arith.constant 14 : i32
    %swap3A_1369 = arith.index_cast %swap3A_1368 : i32 to index
    %swap3A_1370 = arith.constant 0 : index
    %swap3A_1371 = tpu.vector_load %arg6[%swap3A_1369, %swap3A_1370] {strides = array<i32>} : memref<16x128xi32, #tpu.memory_space<vmem>>, vector<16xi32>,
    tpu.vector_store %arg6[%swap3A_1369, %swap3A_1370], %add3A_1367 {strides = array<i32>} : memref<16x128xi32, #tpu.memory_space<vmem>>, vector<16xi32>,
    %add3A_1372 = arith.constant 96 : i32
    %add3A_1373 = vector.broadcast %add3A_1372 : i32 to vector<16xi32>
    %add3A_1374 = arith.addi %select_n3A_56, %add3A_1373 : vector<16xi32>
    %gather3A_1375 = tpu.vector_load_idx %arg5[%add3A_105, %add3A_1374] : memref<16x128xi32, #tpu.memory_space<vmem>>[vector<16xi32>, vector<16xi32>], vector<16xi32>,
    %add3A_1376 = arith.addi %gather3A_1375, %mul3A_81 : vector<16xi32>
    %swap3A_1377 = arith.constant 14 : i32
    %swap3A_1378 = arith.index_cast %swap3A_1377 : i32 to index
    %swap3A_1379 = arith.constant 16 : index
    %swap3A_1380 = tpu.vector_load %arg6[%swap3A_1378, %swap3A_1379] {strides = array<i32>} : memref<16x128xi32, #tpu.memory_space<vmem>>, vector<16xi32>,
    tpu.vector_store %arg6[%swap3A_1378, %swap3A_1379], %add3A_1376 {strides = array<i32>} : memref<16x128xi32, #tpu.memory_space<vmem>>, vector<16xi32>,
    %add3A_1381 = arith.constant 96 : i32
    %add3A_1382 = vector.broadcast %add3A_1381 : i32 to vector<16xi32>
    %add3A_1383 = arith.addi %select_n3A_56, %add3A_1382 : vector<16xi32>
    %gather3A_1384 = tpu.vector_load_idx %arg5[%add3A_108, %add3A_1383] : memref<16x128xi32, #tpu.memory_space<vmem>>[vector<16xi32>, vector<16xi32>], vector<16xi32>,
    %add3A_1385 = arith.addi %gather3A_1384, %mul3A_84 : vector<16xi32>
    %swap3A_1386 = arith.constant 14 : i32
    %swap3A_1387 = arith.index_cast %swap3A_1386 : i32 to index
    %swap3A_1388 = arith.constant 32 : index
    %swap3A_1389 = tpu.vector_load %arg6[%swap3A_1387, %swap3A_1388] {strides = array<i32>} : memref<16x128xi32, #tpu.memory_space<vmem>>, vector<16xi32>,
    tpu.vector_store %arg6[%swap3A_1387, %swap3A_1388], %add3A_1385 {strides = array<i32>} : memref<16x128xi32, #tpu.memory_space<vmem>>, vector<16xi32>,
    %add3A_1390 = arith.constant 96 : i32
    %add3A_1391 = vector.broadcast %add3A_1390 : i32 to vector<16xi32>
    %add3A_1392 = arith.addi %select_n3A_56, %add3A_1391 : vector<16xi32>
    %gather3A_1393 = tpu.vector_load_idx %arg5[%add3A_111, %add3A_1392] : memref<16x128xi32, #tpu.memory_space<vmem>>[vector<16xi32>, vector<16xi32>], vector<16xi32>,
    %add3A_1394 = arith.addi %gather3A_1393, %mul3A_87 : vector<16xi32>
    %swap3A_1395 = arith.constant 14 : i32
    %swap3A_1396 = arith.index_cast %swap3A_1395 : i32 to index
    %swap3A_1397 = arith.constant 48 : index
    %swap3A_1398 = tpu.vector_load %arg6[%swap3A_1396, %swap3A_1397] {strides = array<i32>} : memref<16x128xi32, #tpu.memory_space<vmem>>, vector<16xi32>,
    tpu.vector_store %arg6[%swap3A_1396, %swap3A_1397], %add3A_1394 {strides = array<i32>} : memref<16x128xi32, #tpu.memory_space<vmem>>, vector<16xi32>,
    %add3A_1399 = arith.constant 104 : i32
    %add3A_1400 = vector.broadcast %add3A_1399 : i32 to vector<16xi32>
    %add3A_1401 = arith.addi %select_n3A_56, %add3A_1400 : vector<16xi32>
    %gather3A_1402 = tpu.vector_load_idx %arg5[%add3A_102, %add3A_1401] : memref<16x128xi32, #tpu.memory_space<vmem>>[vector<16xi32>, vector<16xi32>], vector<16xi32>,
    %add3A_1403 = arith.addi %gather3A_1402, %mul3A_78 : vector<16xi32>
    %swap3A_1404 = arith.constant 14 : i32
    %swap3A_1405 = arith.index_cast %swap3A_1404 : i32 to index
    %swap3A_1406 = arith.constant 64 : index
    %swap3A_1407 = tpu.vector_load %arg6[%swap3A_1405, %swap3A_1406] {strides = array<i32>} : memref<16x128xi32, #tpu.memory_space<vmem>>, vector<16xi32>,
    tpu.vector_store %arg6[%swap3A_1405, %swap3A_1406], %add3A_1403 {strides = array<i32>} : memref<16x128xi32, #tpu.memory_space<vmem>>, vector<16xi32>,
    %add3A_1408 = arith.constant 104 : i32
    %add3A_1409 = vector.broadcast %add3A_1408 : i32 to vector<16xi32>
    %add3A_1410 = arith.addi %select_n3A_56, %add3A_1409 : vector<16xi32>
    %gather3A_1411 = tpu.vector_load_idx %arg5[%add3A_105, %add3A_1410] : memref<16x128xi32, #tpu.memory_space<vmem>>[vector<16xi32>, vector<16xi32>], vector<16xi32>,
    %add3A_1412 = arith.addi %gather3A_1411, %mul3A_81 : vector<16xi32>
    %swap3A_1413 = arith.constant 14 : i32
    %swap3A_1414 = arith.index_cast %swap3A_1413 : i32 to index
    %swap3A_1415 = arith.constant 80 : index
    %swap3A_1416 = tpu.vector_load %arg6[%swap3A_1414, %swap3A_1415] {strides = array<i32>} : memref<16x128xi32, #tpu.memory_space<vmem>>, vector<16xi32>,
    tpu.vector_store %arg6[%swap3A_1414, %swap3A_1415], %add3A_1412 {strides = array<i32>} : memref<16x128xi32, #tpu.memory_space<vmem>>, vector<16xi32>,
    %add3A_1417 = arith.constant 104 : i32
    %add3A_1418 = vector.broadcast %add3A_1417 : i32 to vector<16xi32>
    %add3A_1419 = arith.addi %select_n3A_56, %add3A_1418 : vector<16xi32>
    %gather3A_1420 = tpu.vector_load_idx %arg5[%add3A_108, %add3A_1419] : memref<16x128xi32, #tpu.memory_space<vmem>>[vector<16xi32>, vector<16xi32>], vector<16xi32>,
    %add3A_1421 = arith.addi %gather3A_1420, %mul3A_84 : vector<16xi32>
    %swap3A_1422 = arith.constant 14 : i32
    %swap3A_1423 = arith.index_cast %swap3A_1422 : i32 to index
    %swap3A_1424 = arith.constant 96 : index
    %swap3A_1425 = tpu.vector_load %arg6[%swap3A_1423, %swap3A_1424] {strides = array<i32>} : memref<16x128xi32, #tpu.memory_space<vmem>>, vector<16xi32>,
    tpu.vector_store %arg6[%swap3A_1423, %swap3A_1424], %add3A_1421 {strides = array<i32>} : memref<16x128xi32, #tpu.memory_space<vmem>>, vector<16xi32>,
    %add3A_1426 = arith.constant 104 : i32
    %add3A_1427 = vector.broadcast %add3A_1426 : i32 to vector<16xi32>
    %add3A_1428 = arith.addi %select_n3A_56, %add3A_1427 : vector<16xi32>
    %gather3A_1429 = tpu.vector_load_idx %arg5[%add3A_111, %add3A_1428] : memref<16x128xi32, #tpu.memory_space<vmem>>[vector<16xi32>, vector<16xi32>], vector<16xi32>,
    %add3A_1430 = arith.addi %gather3A_1429, %mul3A_87 : vector<16xi32>
    %swap3A_1431 = arith.constant 14 : i32
    %swap3A_1432 = arith.index_cast %swap3A_1431 : i32 to index
    %swap3A_1433 = arith.constant 112 : index
    %swap3A_1434 = tpu.vector_load %arg6[%swap3A_1432, %swap3A_1433] {strides = array<i32>} : memref<16x128xi32, #tpu.memory_space<vmem>>, vector<16xi32>,
    tpu.vector_store %arg6[%swap3A_1432, %swap3A_1433], %add3A_1430 {strides = array<i32>} : memref<16x128xi32, #tpu.memory_space<vmem>>, vector<16xi32>,
    %dma_wait3A_1435 = arith.constant 0 : i32
    %dma_wait3A_1436 = tpu.memref_slice %arg4[%add3A_1358, %dma_wait3A_1435] : memref<65536x128xf32, #tpu.memory_space<hbm>> -> memref<128x128xf32, #tpu.memory_space<hbm>>
    %dma_wait3A_1437 = arith.constant 0 : i32
    %dma_wait3A_1438 = tpu.memref_slice %arg4[%add3A_1358, %dma_wait3A_1437] : memref<65536x128xf32, #tpu.memory_space<hbm>> -> memref<128x128xf32, #tpu.memory_space<hbm>>
    tpu.wait_dma2 semaphore(%arg21 : memref<!tpu.dma_semaphore, #tpu.memory_space<semaphore_mem>>) src(%arg9 : memref<128x128xf32, #tpu.memory_space<vmem>>) dst(%dma_wait3A_1438 : memref<128x128xf32, #tpu.memory_space<hbm>>)
    %dma_start3A_1439 = arith.constant 14 : i32
    %dma_start3A_1440 = arith.constant 0 : i32
    %dma_start3A_1441 = tpu.memref_slice %arg6[%dma_start3A_1439, %dma_start3A_1440] : memref<16x128xi32, #tpu.memory_space<vmem>> -> memref<1x128xi32, #tpu.memory_space<vmem>>
    %dma_start3A_1442 = tpu.memref_squeeze %dma_start3A_1441 : memref<1x128xi32, #tpu.memory_space<vmem>> -> memref<128xi32, #tpu.memory_space<vmem>>
    %dma_start3A_1443 = arith.constant 0 : i32
    %dma_start3A_1444 = arith.constant 0 : i32
    %dma_start3A_1445 = tpu.memref_slice %arg3[%dma_start3A_1443, %dma_start3A_1444] : memref<800000x128xf32, #tpu.memory_space<hbm>> -> memref<800000x128xf32, #tpu.memory_space<hbm>>
    tpu.enqueue_indirect_dma source(%dma_start3A_1445 : memref<800000x128xf32, #tpu.memory_space<hbm>>) target(%arg9 : memref<128x128xf32, #tpu.memory_space<vmem>>) offsets(%dma_start3A_1442 : memref<128xi32, #tpu.memory_space<vmem>>) semaphore(%arg15 : memref<!tpu.dma_semaphore, #tpu.memory_space<semaphore_mem>>)
    %dma_wait3A_1446 = arith.constant 9 : i32
    %dma_wait3A_1447 = arith.constant 0 : i32
    %dma_wait3A_1448 = tpu.memref_slice %arg6[%dma_wait3A_1446, %dma_wait3A_1447] : memref<16x128xi32, #tpu.memory_space<vmem>> -> memref<1x128xi32, #tpu.memory_space<vmem>>
    %dma_wait3A_1449 = tpu.memref_squeeze %dma_wait3A_1448 : memref<1x128xi32, #tpu.memory_space<vmem>> -> memref<128xi32, #tpu.memory_space<vmem>>
    %dma_wait3A_1450 = arith.constant 0 : i32
    %dma_wait3A_1451 = arith.constant 0 : i32
    %dma_wait3A_1452 = tpu.memref_slice %arg3[%dma_wait3A_1450, %dma_wait3A_1451] : memref<800000x128xf32, #tpu.memory_space<hbm>> -> memref<800000x128xf32, #tpu.memory_space<hbm>>
    tpu.wait_indirect_dma semaphore(%arg16 : memref<!tpu.dma_semaphore, #tpu.memory_space<semaphore_mem>>) src(%dma_wait3A_1452 : memref<800000x128xf32, #tpu.memory_space<hbm>>) dst(%arg10 : memref<128x128xf32, #tpu.memory_space<vmem>>)
    %add3A_1453 = arith.constant 1152 : i32
    %add3A_1454 = arith.addi %mul3A_2, %add3A_1453 : i32
    %dma_start3A_1455 = arith.constant 0 : i32
    %dma_start3A_1456 = tpu.memref_slice %arg4[%add3A_1454, %dma_start3A_1455] : memref<65536x128xf32, #tpu.memory_space<hbm>> -> memref<128x128xf32, #tpu.memory_space<hbm>>
    %dma_start3A_1457 = arith.constant 0 : i32
    %dma_start3A_1458 = tpu.memref_slice %arg4[%add3A_1454, %dma_start3A_1457] : memref<65536x128xf32, #tpu.memory_space<hbm>> -> memref<128x128xf32, #tpu.memory_space<hbm>>
    tpu.enqueue_dma source(%arg10 : memref<128x128xf32, #tpu.memory_space<vmem>>) target(%dma_start3A_1458 : memref<128x128xf32, #tpu.memory_space<hbm>>) target_semaphore(%arg22 : memref<!tpu.dma_semaphore, #tpu.memory_space<semaphore_mem>>)
    %add3A_1459 = arith.constant 112 : i32
    %add3A_1460 = vector.broadcast %add3A_1459 : i32 to vector<16xi32>
    %add3A_1461 = arith.addi %select_n3A_56, %add3A_1460 : vector<16xi32>
    %gather3A_1462 = tpu.vector_load_idx %arg5[%add3A_102, %add3A_1461] : memref<16x128xi32, #tpu.memory_space<vmem>>[vector<16xi32>, vector<16xi32>], vector<16xi32>,
    %add3A_1463 = arith.addi %gather3A_1462, %mul3A_78 : vector<16xi32>
    %swap3A_1464 = arith.constant 15 : i32
    %swap3A_1465 = arith.index_cast %swap3A_1464 : i32 to index
    %swap3A_1466 = arith.constant 0 : index
    %swap3A_1467 = tpu.vector_load %arg6[%swap3A_1465, %swap3A_1466] {strides = array<i32>} : memref<16x128xi32, #tpu.memory_space<vmem>>, vector<16xi32>,
    tpu.vector_store %arg6[%swap3A_1465, %swap3A_1466], %add3A_1463 {strides = array<i32>} : memref<16x128xi32, #tpu.memory_space<vmem>>, vector<16xi32>,
    %add3A_1468 = arith.constant 112 : i32
    %add3A_1469 = vector.broadcast %add3A_1468 : i32 to vector<16xi32>
    %add3A_1470 = arith.addi %select_n3A_56, %add3A_1469 : vector<16xi32>
    %gather3A_1471 = tpu.vector_load_idx %arg5[%add3A_105, %add3A_1470] : memref<16x128xi32, #tpu.memory_space<vmem>>[vector<16xi32>, vector<16xi32>], vector<16xi32>,
    %add3A_1472 = arith.addi %gather3A_1471, %mul3A_81 : vector<16xi32>
    %swap3A_1473 = arith.constant 15 : i32
    %swap3A_1474 = arith.index_cast %swap3A_1473 : i32 to index
    %swap3A_1475 = arith.constant 16 : index
    %swap3A_1476 = tpu.vector_load %arg6[%swap3A_1474, %swap3A_1475] {strides = array<i32>} : memref<16x128xi32, #tpu.memory_space<vmem>>, vector<16xi32>,
    tpu.vector_store %arg6[%swap3A_1474, %swap3A_1475], %add3A_1472 {strides = array<i32>} : memref<16x128xi32, #tpu.memory_space<vmem>>, vector<16xi32>,
    %add3A_1477 = arith.constant 112 : i32
    %add3A_1478 = vector.broadcast %add3A_1477 : i32 to vector<16xi32>
    %add3A_1479 = arith.addi %select_n3A_56, %add3A_1478 : vector<16xi32>
    %gather3A_1480 = tpu.vector_load_idx %arg5[%add3A_108, %add3A_1479] : memref<16x128xi32, #tpu.memory_space<vmem>>[vector<16xi32>, vector<16xi32>], vector<16xi32>,
    %add3A_1481 = arith.addi %gather3A_1480, %mul3A_84 : vector<16xi32>
    %swap3A_1482 = arith.constant 15 : i32
    %swap3A_1483 = arith.index_cast %swap3A_1482 : i32 to index
    %swap3A_1484 = arith.constant 32 : index
    %swap3A_1485 = tpu.vector_load %arg6[%swap3A_1483, %swap3A_1484] {strides = array<i32>} : memref<16x128xi32, #tpu.memory_space<vmem>>, vector<16xi32>,
    tpu.vector_store %arg6[%swap3A_1483, %swap3A_1484], %add3A_1481 {strides = array<i32>} : memref<16x128xi32, #tpu.memory_space<vmem>>, vector<16xi32>,
    %add3A_1486 = arith.constant 112 : i32
    %add3A_1487 = vector.broadcast %add3A_1486 : i32 to vector<16xi32>
    %add3A_1488 = arith.addi %select_n3A_56, %add3A_1487 : vector<16xi32>
    %gather3A_1489 = tpu.vector_load_idx %arg5[%add3A_111, %add3A_1488] : memref<16x128xi32, #tpu.memory_space<vmem>>[vector<16xi32>, vector<16xi32>], vector<16xi32>,
    %add3A_1490 = arith.addi %gather3A_1489, %mul3A_87 : vector<16xi32>
    %swap3A_1491 = arith.constant 15 : i32
    %swap3A_1492 = arith.index_cast %swap3A_1491 : i32 to index
    %swap3A_1493 = arith.constant 48 : index
    %swap3A_1494 = tpu.vector_load %arg6[%swap3A_1492, %swap3A_1493] {strides = array<i32>} : memref<16x128xi32, #tpu.memory_space<vmem>>, vector<16xi32>,
    tpu.vector_store %arg6[%swap3A_1492, %swap3A_1493], %add3A_1490 {strides = array<i32>} : memref<16x128xi32, #tpu.memory_space<vmem>>, vector<16xi32>,
    %add3A_1495 = arith.constant 120 : i32
    %add3A_1496 = vector.broadcast %add3A_1495 : i32 to vector<16xi32>
    %add3A_1497 = arith.addi %select_n3A_56, %add3A_1496 : vector<16xi32>
    %gather3A_1498 = tpu.vector_load_idx %arg5[%add3A_102, %add3A_1497] : memref<16x128xi32, #tpu.memory_space<vmem>>[vector<16xi32>, vector<16xi32>], vector<16xi32>,
    %add3A_1499 = arith.addi %gather3A_1498, %mul3A_78 : vector<16xi32>
    %swap3A_1500 = arith.constant 15 : i32
    %swap3A_1501 = arith.index_cast %swap3A_1500 : i32 to index
    %swap3A_1502 = arith.constant 64 : index
    %swap3A_1503 = tpu.vector_load %arg6[%swap3A_1501, %swap3A_1502] {strides = array<i32>} : memref<16x128xi32, #tpu.memory_space<vmem>>, vector<16xi32>,
    tpu.vector_store %arg6[%swap3A_1501, %swap3A_1502], %add3A_1499 {strides = array<i32>} : memref<16x128xi32, #tpu.memory_space<vmem>>, vector<16xi32>,
    %add3A_1504 = arith.constant 120 : i32
    %add3A_1505 = vector.broadcast %add3A_1504 : i32 to vector<16xi32>
    %add3A_1506 = arith.addi %select_n3A_56, %add3A_1505 : vector<16xi32>
    %gather3A_1507 = tpu.vector_load_idx %arg5[%add3A_105, %add3A_1506] : memref<16x128xi32, #tpu.memory_space<vmem>>[vector<16xi32>, vector<16xi32>], vector<16xi32>,
    %add3A_1508 = arith.addi %gather3A_1507, %mul3A_81 : vector<16xi32>
    %swap3A_1509 = arith.constant 15 : i32
    %swap3A_1510 = arith.index_cast %swap3A_1509 : i32 to index
    %swap3A_1511 = arith.constant 80 : index
    %swap3A_1512 = tpu.vector_load %arg6[%swap3A_1510, %swap3A_1511] {strides = array<i32>} : memref<16x128xi32, #tpu.memory_space<vmem>>, vector<16xi32>,
    tpu.vector_store %arg6[%swap3A_1510, %swap3A_1511], %add3A_1508 {strides = array<i32>} : memref<16x128xi32, #tpu.memory_space<vmem>>, vector<16xi32>,
    %add3A_1513 = arith.constant 120 : i32
    %add3A_1514 = vector.broadcast %add3A_1513 : i32 to vector<16xi32>
    %add3A_1515 = arith.addi %select_n3A_56, %add3A_1514 : vector<16xi32>
    %gather3A_1516 = tpu.vector_load_idx %arg5[%add3A_108, %add3A_1515] : memref<16x128xi32, #tpu.memory_space<vmem>>[vector<16xi32>, vector<16xi32>], vector<16xi32>,
    %add3A_1517 = arith.addi %gather3A_1516, %mul3A_84 : vector<16xi32>
    %swap3A_1518 = arith.constant 15 : i32
    %swap3A_1519 = arith.index_cast %swap3A_1518 : i32 to index
    %swap3A_1520 = arith.constant 96 : index
    %swap3A_1521 = tpu.vector_load %arg6[%swap3A_1519, %swap3A_1520] {strides = array<i32>} : memref<16x128xi32, #tpu.memory_space<vmem>>, vector<16xi32>,
    tpu.vector_store %arg6[%swap3A_1519, %swap3A_1520], %add3A_1517 {strides = array<i32>} : memref<16x128xi32, #tpu.memory_space<vmem>>, vector<16xi32>,
    %add3A_1522 = arith.constant 120 : i32
    %add3A_1523 = vector.broadcast %add3A_1522 : i32 to vector<16xi32>
    %add3A_1524 = arith.addi %select_n3A_56, %add3A_1523 : vector<16xi32>
    %gather3A_1525 = tpu.vector_load_idx %arg5[%add3A_111, %add3A_1524] : memref<16x128xi32, #tpu.memory_space<vmem>>[vector<16xi32>, vector<16xi32>], vector<16xi32>,
    %add3A_1526 = arith.addi %gather3A_1525, %mul3A_87 : vector<16xi32>
    %swap3A_1527 = arith.constant 15 : i32
    %swap3A_1528 = arith.index_cast %swap3A_1527 : i32 to index
    %swap3A_1529 = arith.constant 112 : index
    %swap3A_1530 = tpu.vector_load %arg6[%swap3A_1528, %swap3A_1529] {strides = array<i32>} : memref<16x128xi32, #tpu.memory_space<vmem>>, vector<16xi32>,
    tpu.vector_store %arg6[%swap3A_1528, %swap3A_1529], %add3A_1526 {strides = array<i32>} : memref<16x128xi32, #tpu.memory_space<vmem>>, vector<16xi32>,
    %dma_wait3A_1531 = arith.constant 0 : i32
    %dma_wait3A_1532 = tpu.memref_slice %arg4[%add3A_1454, %dma_wait3A_1531] : memref<65536x128xf32, #tpu.memory_space<hbm>> -> memref<128x128xf32, #tpu.memory_space<hbm>>
    %dma_wait3A_1533 = arith.constant 0 : i32
    %dma_wait3A_1534 = tpu.memref_slice %arg4[%add3A_1454, %dma_wait3A_1533] : memref<65536x128xf32, #tpu.memory_space<hbm>> -> memref<128x128xf32, #tpu.memory_space<hbm>>
    tpu.wait_dma2 semaphore(%arg22 : memref<!tpu.dma_semaphore, #tpu.memory_space<semaphore_mem>>) src(%arg10 : memref<128x128xf32, #tpu.memory_space<vmem>>) dst(%dma_wait3A_1534 : memref<128x128xf32, #tpu.memory_space<hbm>>)
    %dma_start3A_1535 = arith.constant 15 : i32
    %dma_start3A_1536 = arith.constant 0 : i32
    %dma_start3A_1537 = tpu.memref_slice %arg6[%dma_start3A_1535, %dma_start3A_1536] : memref<16x128xi32, #tpu.memory_space<vmem>> -> memref<1x128xi32, #tpu.memory_space<vmem>>
    %dma_start3A_1538 = tpu.memref_squeeze %dma_start3A_1537 : memref<1x128xi32, #tpu.memory_space<vmem>> -> memref<128xi32, #tpu.memory_space<vmem>>
    %dma_start3A_1539 = arith.constant 0 : i32
    %dma_start3A_1540 = arith.constant 0 : i32
    %dma_start3A_1541 = tpu.memref_slice %arg3[%dma_start3A_1539, %dma_start3A_1540] : memref<800000x128xf32, #tpu.memory_space<hbm>> -> memref<800000x128xf32, #tpu.memory_space<hbm>>
    tpu.enqueue_indirect_dma source(%dma_start3A_1541 : memref<800000x128xf32, #tpu.memory_space<hbm>>) target(%arg10 : memref<128x128xf32, #tpu.memory_space<vmem>>) offsets(%dma_start3A_1538 : memref<128xi32, #tpu.memory_space<vmem>>) semaphore(%arg16 : memref<!tpu.dma_semaphore, #tpu.memory_space<semaphore_mem>>)
    %dma_wait3A_1542 = arith.constant 10 : i32
    %dma_wait3A_1543 = arith.constant 0 : i32
    %dma_wait3A_1544 = tpu.memref_slice %arg6[%dma_wait3A_1542, %dma_wait3A_1543] : memref<16x128xi32, #tpu.memory_space<vmem>> -> memref<1x128xi32, #tpu.memory_space<vmem>>
    %dma_wait3A_1545 = tpu.memref_squeeze %dma_wait3A_1544 : memref<1x128xi32, #tpu.memory_space<vmem>> -> memref<128xi32, #tpu.memory_space<vmem>>
    %dma_wait3A_1546 = arith.constant 0 : i32
    %dma_wait3A_1547 = arith.constant 0 : i32
    %dma_wait3A_1548 = tpu.memref_slice %arg3[%dma_wait3A_1546, %dma_wait3A_1547] : memref<800000x128xf32, #tpu.memory_space<hbm>> -> memref<800000x128xf32, #tpu.memory_space<hbm>>
    tpu.wait_indirect_dma semaphore(%arg17 : memref<!tpu.dma_semaphore, #tpu.memory_space<semaphore_mem>>) src(%dma_wait3A_1548 : memref<800000x128xf32, #tpu.memory_space<hbm>>) dst(%arg11 : memref<128x128xf32, #tpu.memory_space<vmem>>)
    %add3A_1549 = arith.constant 1280 : i32
    %add3A_1550 = arith.addi %mul3A_2, %add3A_1549 : i32
    %dma_start3A_1551 = arith.constant 0 : i32
    %dma_start3A_1552 = tpu.memref_slice %arg4[%add3A_1550, %dma_start3A_1551] : memref<65536x128xf32, #tpu.memory_space<hbm>> -> memref<128x128xf32, #tpu.memory_space<hbm>>
    %dma_start3A_1553 = arith.constant 0 : i32
    %dma_start3A_1554 = tpu.memref_slice %arg4[%add3A_1550, %dma_start3A_1553] : memref<65536x128xf32, #tpu.memory_space<hbm>> -> memref<128x128xf32, #tpu.memory_space<hbm>>
    tpu.enqueue_dma source(%arg11 : memref<128x128xf32, #tpu.memory_space<vmem>>) target(%dma_start3A_1554 : memref<128x128xf32, #tpu.memory_space<hbm>>) target_semaphore(%arg23 : memref<!tpu.dma_semaphore, #tpu.memory_space<semaphore_mem>>)
    %dma_wait3A_1555 = arith.constant 11 : i32
    %dma_wait3A_1556 = arith.constant 0 : i32
    %dma_wait3A_1557 = tpu.memref_slice %arg6[%dma_wait3A_1555, %dma_wait3A_1556] : memref<16x128xi32, #tpu.memory_space<vmem>> -> memref<1x128xi32, #tpu.memory_space<vmem>>
    %dma_wait3A_1558 = tpu.memref_squeeze %dma_wait3A_1557 : memref<1x128xi32, #tpu.memory_space<vmem>> -> memref<128xi32, #tpu.memory_space<vmem>>
    %dma_wait3A_1559 = arith.constant 0 : i32
    %dma_wait3A_1560 = arith.constant 0 : i32
    %dma_wait3A_1561 = tpu.memref_slice %arg3[%dma_wait3A_1559, %dma_wait3A_1560] : memref<800000x128xf32, #tpu.memory_space<hbm>> -> memref<800000x128xf32, #tpu.memory_space<hbm>>
    tpu.wait_indirect_dma semaphore(%arg18 : memref<!tpu.dma_semaphore, #tpu.memory_space<semaphore_mem>>) src(%dma_wait3A_1561 : memref<800000x128xf32, #tpu.memory_space<hbm>>) dst(%arg12 : memref<128x128xf32, #tpu.memory_space<vmem>>)
    %add3A_1562 = arith.constant 1408 : i32
    %add3A_1563 = arith.addi %mul3A_2, %add3A_1562 : i32
    %dma_start3A_1564 = arith.constant 0 : i32
    %dma_start3A_1565 = tpu.memref_slice %arg4[%add3A_1563, %dma_start3A_1564] : memref<65536x128xf32, #tpu.memory_space<hbm>> -> memref<128x128xf32, #tpu.memory_space<hbm>>
    %dma_start3A_1566 = arith.constant 0 : i32
    %dma_start3A_1567 = tpu.memref_slice %arg4[%add3A_1563, %dma_start3A_1566] : memref<65536x128xf32, #tpu.memory_space<hbm>> -> memref<128x128xf32, #tpu.memory_space<hbm>>
    tpu.enqueue_dma source(%arg12 : memref<128x128xf32, #tpu.memory_space<vmem>>) target(%dma_start3A_1567 : memref<128x128xf32, #tpu.memory_space<hbm>>) target_semaphore(%arg24 : memref<!tpu.dma_semaphore, #tpu.memory_space<semaphore_mem>>)
    %dma_wait3A_1568 = arith.constant 12 : i32
    %dma_wait3A_1569 = arith.constant 0 : i32
    %dma_wait3A_1570 = tpu.memref_slice %arg6[%dma_wait3A_1568, %dma_wait3A_1569] : memref<16x128xi32, #tpu.memory_space<vmem>> -> memref<1x128xi32, #tpu.memory_space<vmem>>
    %dma_wait3A_1571 = tpu.memref_squeeze %dma_wait3A_1570 : memref<1x128xi32, #tpu.memory_space<vmem>> -> memref<128xi32, #tpu.memory_space<vmem>>
    %dma_wait3A_1572 = arith.constant 0 : i32
    %dma_wait3A_1573 = arith.constant 0 : i32
    %dma_wait3A_1574 = tpu.memref_slice %arg3[%dma_wait3A_1572, %dma_wait3A_1573] : memref<800000x128xf32, #tpu.memory_space<hbm>> -> memref<800000x128xf32, #tpu.memory_space<hbm>>
    tpu.wait_indirect_dma semaphore(%arg13 : memref<!tpu.dma_semaphore, #tpu.memory_space<semaphore_mem>>) src(%dma_wait3A_1574 : memref<800000x128xf32, #tpu.memory_space<hbm>>) dst(%arg7 : memref<128x128xf32, #tpu.memory_space<vmem>>)
    %add3A_1575 = arith.constant 1536 : i32
    %add3A_1576 = arith.addi %mul3A_2, %add3A_1575 : i32
    %dma_start3A_1577 = arith.constant 0 : i32
    %dma_start3A_1578 = tpu.memref_slice %arg4[%add3A_1576, %dma_start3A_1577] : memref<65536x128xf32, #tpu.memory_space<hbm>> -> memref<128x128xf32, #tpu.memory_space<hbm>>
    %dma_start3A_1579 = arith.constant 0 : i32
    %dma_start3A_1580 = tpu.memref_slice %arg4[%add3A_1576, %dma_start3A_1579] : memref<65536x128xf32, #tpu.memory_space<hbm>> -> memref<128x128xf32, #tpu.memory_space<hbm>>
    tpu.enqueue_dma source(%arg7 : memref<128x128xf32, #tpu.memory_space<vmem>>) target(%dma_start3A_1580 : memref<128x128xf32, #tpu.memory_space<hbm>>) target_semaphore(%arg19 : memref<!tpu.dma_semaphore, #tpu.memory_space<semaphore_mem>>)
    %dma_wait3A_1581 = arith.constant 13 : i32
    %dma_wait3A_1582 = arith.constant 0 : i32
    %dma_wait3A_1583 = tpu.memref_slice %arg6[%dma_wait3A_1581, %dma_wait3A_1582] : memref<16x128xi32, #tpu.memory_space<vmem>> -> memref<1x128xi32, #tpu.memory_space<vmem>>
    %dma_wait3A_1584 = tpu.memref_squeeze %dma_wait3A_1583 : memref<1x128xi32, #tpu.memory_space<vmem>> -> memref<128xi32, #tpu.memory_space<vmem>>
    %dma_wait3A_1585 = arith.constant 0 : i32
    %dma_wait3A_1586 = arith.constant 0 : i32
    %dma_wait3A_1587 = tpu.memref_slice %arg3[%dma_wait3A_1585, %dma_wait3A_1586] : memref<800000x128xf32, #tpu.memory_space<hbm>> -> memref<800000x128xf32, #tpu.memory_space<hbm>>
    tpu.wait_indirect_dma semaphore(%arg14 : memref<!tpu.dma_semaphore, #tpu.memory_space<semaphore_mem>>) src(%dma_wait3A_1587 : memref<800000x128xf32, #tpu.memory_space<hbm>>) dst(%arg8 : memref<128x128xf32, #tpu.memory_space<vmem>>)
    %add3A_1588 = arith.constant 1664 : i32
    %add3A_1589 = arith.addi %mul3A_2, %add3A_1588 : i32
    %dma_start3A_1590 = arith.constant 0 : i32
    %dma_start3A_1591 = tpu.memref_slice %arg4[%add3A_1589, %dma_start3A_1590] : memref<65536x128xf32, #tpu.memory_space<hbm>> -> memref<128x128xf32, #tpu.memory_space<hbm>>
    %dma_start3A_1592 = arith.constant 0 : i32
    %dma_start3A_1593 = tpu.memref_slice %arg4[%add3A_1589, %dma_start3A_1592] : memref<65536x128xf32, #tpu.memory_space<hbm>> -> memref<128x128xf32, #tpu.memory_space<hbm>>
    tpu.enqueue_dma source(%arg8 : memref<128x128xf32, #tpu.memory_space<vmem>>) target(%dma_start3A_1593 : memref<128x128xf32, #tpu.memory_space<hbm>>) target_semaphore(%arg20 : memref<!tpu.dma_semaphore, #tpu.memory_space<semaphore_mem>>)
    %dma_wait3A_1594 = arith.constant 14 : i32
    %dma_wait3A_1595 = arith.constant 0 : i32
    %dma_wait3A_1596 = tpu.memref_slice %arg6[%dma_wait3A_1594, %dma_wait3A_1595] : memref<16x128xi32, #tpu.memory_space<vmem>> -> memref<1x128xi32, #tpu.memory_space<vmem>>
    %dma_wait3A_1597 = tpu.memref_squeeze %dma_wait3A_1596 : memref<1x128xi32, #tpu.memory_space<vmem>> -> memref<128xi32, #tpu.memory_space<vmem>>
    %dma_wait3A_1598 = arith.constant 0 : i32
    %dma_wait3A_1599 = arith.constant 0 : i32
    %dma_wait3A_1600 = tpu.memref_slice %arg3[%dma_wait3A_1598, %dma_wait3A_1599] : memref<800000x128xf32, #tpu.memory_space<hbm>> -> memref<800000x128xf32, #tpu.memory_space<hbm>>
    tpu.wait_indirect_dma semaphore(%arg15 : memref<!tpu.dma_semaphore, #tpu.memory_space<semaphore_mem>>) src(%dma_wait3A_1600 : memref<800000x128xf32, #tpu.memory_space<hbm>>) dst(%arg9 : memref<128x128xf32, #tpu.memory_space<vmem>>)
    %add3A_1601 = arith.constant 1792 : i32
    %add3A_1602 = arith.addi %mul3A_2, %add3A_1601 : i32
    %dma_start3A_1603 = arith.constant 0 : i32
    %dma_start3A_1604 = tpu.memref_slice %arg4[%add3A_1602, %dma_start3A_1603] : memref<65536x128xf32, #tpu.memory_space<hbm>> -> memref<128x128xf32, #tpu.memory_space<hbm>>
    %dma_start3A_1605 = arith.constant 0 : i32
    %dma_start3A_1606 = tpu.memref_slice %arg4[%add3A_1602, %dma_start3A_1605] : memref<65536x128xf32, #tpu.memory_space<hbm>> -> memref<128x128xf32, #tpu.memory_space<hbm>>
    tpu.enqueue_dma source(%arg9 : memref<128x128xf32, #tpu.memory_space<vmem>>) target(%dma_start3A_1606 : memref<128x128xf32, #tpu.memory_space<hbm>>) target_semaphore(%arg21 : memref<!tpu.dma_semaphore, #tpu.memory_space<semaphore_mem>>)
    %dma_wait3A_1607 = arith.constant 15 : i32
    %dma_wait3A_1608 = arith.constant 0 : i32
    %dma_wait3A_1609 = tpu.memref_slice %arg6[%dma_wait3A_1607, %dma_wait3A_1608] : memref<16x128xi32, #tpu.memory_space<vmem>> -> memref<1x128xi32, #tpu.memory_space<vmem>>
    %dma_wait3A_1610 = tpu.memref_squeeze %dma_wait3A_1609 : memref<1x128xi32, #tpu.memory_space<vmem>> -> memref<128xi32, #tpu.memory_space<vmem>>
    %dma_wait3A_1611 = arith.constant 0 : i32
    %dma_wait3A_1612 = arith.constant 0 : i32
    %dma_wait3A_1613 = tpu.memref_slice %arg3[%dma_wait3A_1611, %dma_wait3A_1612] : memref<800000x128xf32, #tpu.memory_space<hbm>> -> memref<800000x128xf32, #tpu.memory_space<hbm>>
    tpu.wait_indirect_dma semaphore(%arg16 : memref<!tpu.dma_semaphore, #tpu.memory_space<semaphore_mem>>) src(%dma_wait3A_1613 : memref<800000x128xf32, #tpu.memory_space<hbm>>) dst(%arg10 : memref<128x128xf32, #tpu.memory_space<vmem>>)
    %add3A_1614 = arith.constant 1920 : i32
    %add3A_1615 = arith.addi %mul3A_2, %add3A_1614 : i32
    %dma_start3A_1616 = arith.constant 0 : i32
    %dma_start3A_1617 = tpu.memref_slice %arg4[%add3A_1615, %dma_start3A_1616] : memref<65536x128xf32, #tpu.memory_space<hbm>> -> memref<128x128xf32, #tpu.memory_space<hbm>>
    %dma_start3A_1618 = arith.constant 0 : i32
    %dma_start3A_1619 = tpu.memref_slice %arg4[%add3A_1615, %dma_start3A_1618] : memref<65536x128xf32, #tpu.memory_space<hbm>> -> memref<128x128xf32, #tpu.memory_space<hbm>>
    tpu.enqueue_dma source(%arg10 : memref<128x128xf32, #tpu.memory_space<vmem>>) target(%dma_start3A_1619 : memref<128x128xf32, #tpu.memory_space<hbm>>) target_semaphore(%arg22 : memref<!tpu.dma_semaphore, #tpu.memory_space<semaphore_mem>>)
    %dma_wait3A_1620 = arith.constant 0 : i32
    %dma_wait3A_1621 = tpu.memref_slice %arg4[%add3A_1550, %dma_wait3A_1620] : memref<65536x128xf32, #tpu.memory_space<hbm>> -> memref<128x128xf32, #tpu.memory_space<hbm>>
    %dma_wait3A_1622 = arith.constant 0 : i32
    %dma_wait3A_1623 = tpu.memref_slice %arg4[%add3A_1550, %dma_wait3A_1622] : memref<65536x128xf32, #tpu.memory_space<hbm>> -> memref<128x128xf32, #tpu.memory_space<hbm>>
    tpu.wait_dma2 semaphore(%arg23 : memref<!tpu.dma_semaphore, #tpu.memory_space<semaphore_mem>>) src(%arg11 : memref<128x128xf32, #tpu.memory_space<vmem>>) dst(%dma_wait3A_1623 : memref<128x128xf32, #tpu.memory_space<hbm>>)
    %dma_wait3A_1624 = arith.constant 0 : i32
    %dma_wait3A_1625 = tpu.memref_slice %arg4[%add3A_1563, %dma_wait3A_1624] : memref<65536x128xf32, #tpu.memory_space<hbm>> -> memref<128x128xf32, #tpu.memory_space<hbm>>
    %dma_wait3A_1626 = arith.constant 0 : i32
    %dma_wait3A_1627 = tpu.memref_slice %arg4[%add3A_1563, %dma_wait3A_1626] : memref<65536x128xf32, #tpu.memory_space<hbm>> -> memref<128x128xf32, #tpu.memory_space<hbm>>
    tpu.wait_dma2 semaphore(%arg24 : memref<!tpu.dma_semaphore, #tpu.memory_space<semaphore_mem>>) src(%arg12 : memref<128x128xf32, #tpu.memory_space<vmem>>) dst(%dma_wait3A_1627 : memref<128x128xf32, #tpu.memory_space<hbm>>)
    %dma_wait3A_1628 = arith.constant 0 : i32
    %dma_wait3A_1629 = tpu.memref_slice %arg4[%add3A_1576, %dma_wait3A_1628] : memref<65536x128xf32, #tpu.memory_space<hbm>> -> memref<128x128xf32, #tpu.memory_space<hbm>>
    %dma_wait3A_1630 = arith.constant 0 : i32
    %dma_wait3A_1631 = tpu.memref_slice %arg4[%add3A_1576, %dma_wait3A_1630] : memref<65536x128xf32, #tpu.memory_space<hbm>> -> memref<128x128xf32, #tpu.memory_space<hbm>>
    tpu.wait_dma2 semaphore(%arg19 : memref<!tpu.dma_semaphore, #tpu.memory_space<semaphore_mem>>) src(%arg7 : memref<128x128xf32, #tpu.memory_space<vmem>>) dst(%dma_wait3A_1631 : memref<128x128xf32, #tpu.memory_space<hbm>>)
    %dma_wait3A_1632 = arith.constant 0 : i32
    %dma_wait3A_1633 = tpu.memref_slice %arg4[%add3A_1589, %dma_wait3A_1632] : memref<65536x128xf32, #tpu.memory_space<hbm>> -> memref<128x128xf32, #tpu.memory_space<hbm>>
    %dma_wait3A_1634 = arith.constant 0 : i32
    %dma_wait3A_1635 = tpu.memref_slice %arg4[%add3A_1589, %dma_wait3A_1634] : memref<65536x128xf32, #tpu.memory_space<hbm>> -> memref<128x128xf32, #tpu.memory_space<hbm>>
    tpu.wait_dma2 semaphore(%arg20 : memref<!tpu.dma_semaphore, #tpu.memory_space<semaphore_mem>>) src(%arg8 : memref<128x128xf32, #tpu.memory_space<vmem>>) dst(%dma_wait3A_1635 : memref<128x128xf32, #tpu.memory_space<hbm>>)
    %dma_wait3A_1636 = arith.constant 0 : i32
    %dma_wait3A_1637 = tpu.memref_slice %arg4[%add3A_1602, %dma_wait3A_1636] : memref<65536x128xf32, #tpu.memory_space<hbm>> -> memref<128x128xf32, #tpu.memory_space<hbm>>
    %dma_wait3A_1638 = arith.constant 0 : i32
    %dma_wait3A_1639 = tpu.memref_slice %arg4[%add3A_1602, %dma_wait3A_1638] : memref<65536x128xf32, #tpu.memory_space<hbm>> -> memref<128x128xf32, #tpu.memory_space<hbm>>
    tpu.wait_dma2 semaphore(%arg21 : memref<!tpu.dma_semaphore, #tpu.memory_space<semaphore_mem>>) src(%arg9 : memref<128x128xf32, #tpu.memory_space<vmem>>) dst(%dma_wait3A_1639 : memref<128x128xf32, #tpu.memory_space<hbm>>)
    %dma_wait3A_1640 = arith.constant 0 : i32
    %dma_wait3A_1641 = tpu.memref_slice %arg4[%add3A_1615, %dma_wait3A_1640] : memref<65536x128xf32, #tpu.memory_space<hbm>> -> memref<128x128xf32, #tpu.memory_space<hbm>>
    %dma_wait3A_1642 = arith.constant 0 : i32
    %dma_wait3A_1643 = tpu.memref_slice %arg4[%add3A_1615, %dma_wait3A_1642] : memref<65536x128xf32, #tpu.memory_space<hbm>> -> memref<128x128xf32, #tpu.memory_space<hbm>>
    tpu.wait_dma2 semaphore(%arg22 : memref<!tpu.dma_semaphore, #tpu.memory_space<semaphore_mem>>) src(%arg10 : memref<128x128xf32, #tpu.memory_space<vmem>>) dst(%dma_wait3A_1643 : memref<128x128xf32, #tpu.memory_space<hbm>>)
    return
  }
}

</mosaic_0001>

<sc_bundles>
// kernel: kernel.3.cloned.1.call-start
scs
__scs_entry_jumppad:
0x0: {  	(pc) =	sbr.rel $0x88, $3  }
0x1: {  	(tag) =	ssettag $0x0;
	lr =	simm.s32 $0x1  }
0x2: {  	[smem:$0x3F9F] =	sst lr;
	_ =	strace $0xD0000000  }
0x3: {  	_ = 	snop  }
0x4: {  	_ = 	snop  }
0x5: {  	_ = 	snop  }
0x6: {  	_ = 	snop  }
0x7: {  	_ = 	snop  }
__scs_overlays_trampoline_lowered:
0x8: {  	[smem:$0x3FAE] =	sst s0  }
0x9: {  	[smem:$0x3FAF] =	sst s1  }
0xa: {  	[smem:$0x3FB0] =	sst s2  }
0xb: {  	[smem:$0x3FB1] =	sst s3  }
0xc: {  	[smem:$0x3FB2] =	sst s4  }
0xd: {  	[smem:$0x3FB3] =	sst s5  }
0xe: {  	[smem:$0x3FB4] =	sst s6  }
0xf: {  	[smem:$0x3FB5] =	sst s7  }
0x10: {  	[smem:$0x3FB6] =	sst s8  }
0x11: {  	[smem:$0x3FB7] =	sst s9;
	s0 =	simm.s32 @!p0 $0x0  }
0x12: {  	s1 =	sld [smem:$0x3F9D];
	s0 =	simm.s32 @p0 $0x1  }
0x13: {  	[smem:$0x3FB8] =	sst s0;
	s0 =	simm.s32 @!p1 $0x0  }
0x14: {  	s2 =	sld [smem:$0x3F9C];
	s0 =	simm.s32 @p1 $0x1  }
0x15: {  	[smem:$0x3FB9] =	sst s0;
	s0 =	simm.s32 @!p2 $0x0  }
0x16: {  	s3 =	sld [smem:$0x3FDB];
	s0 =	simm.s32 @p2 $0x1  }
0x17: {  	s4 =	simm.s32 $0x1BF5;
	[smem:$0x3FBB] =	sst s0  }
0x18: {  	s0 =	sld [smem:$0x3F9E];
	_ =	swait.ge [sflag:s4], $0x0  }
0x19: {  	s7 =	sld [smem:$0x3F9F]  }
0x1a: {  	s8 =	sadd.s32 $0xFFFFE003, lr  }
0x1b: {  	s9 =	sadd.s32 $0xFFFFFEF7, lr;
	s5 =	simm.s32 $0xFFFFFFFF;
	p2 =	slt.u32 s8, $0xFFFFF086  }
0x1c: {  	p1 =	slt.u32 s9, $0xF7A;
	s5 =	simm.s32 @!p2 $0x0  }
0x1d: {  	s5 =	simm.s32 @p1 $0x1;
	p0 =	seq.s32 s7, s2  }
0x1e: {  	s7 =	smul.u32 @!p0 $0xF7A, s2;
	p2 =	seq.s32 @!p0 s5, $0x0  }
0x1f: {  	s9 =	smul.u32 $0xF7A, s1;
	s8 =	simm.s32 @!p0 $0x1BF5;
	p2 =	por !p2, p0  }
0x20: {  	[sflag:s8] =	ssyncset.s32 @!p0 $0xFFFFF086;
	s6 =	sadd.s32 @!p0 s3, s7;
	s7 =	simm.s32 @!p0 $0x108  }
0x21: {  	s3 =	sadd.s32 s3, s9;
	s6 =	sadd.s32 @!p0 $0x88, s6;
	s7 =	simm.s32 @p2 $0x1082  }
0x22: {  	[simem:s7], [sflag:s8] =	dma.local @!p0 [hbm:s6], $0xF7A  }
0x23: {  	s9 =	sor.u32 $0xD0000000, s2;
	s6 =	simm.s32 $0x108;
	_ =	swait.ge @!p0 [sflag:s8], $0x0  }
0x24: {  	s3 =	sadd.s32 $0x88, s3;
	s6 =	simm.s32 @!p1 $0x1082;
	[sflag:s4] =	ssyncset.s32 $0xFFFFF086  }
0x25: {  	[simem:s6], [sflag:s4] =	dma.local [hbm:s3], $0xF7A  }
0x26: {  	[smem:$0x3F9F] =	sst s1;
	(tag) =	ssettag s2;
	_ =	strace s9  }
0x27: {  	s1 =	sld [smem:$0x3FAF]  }
0x28: {  	s2 =	sld [smem:$0x3FB0]  }
0x29: {  	s4 =	sld [smem:$0x3FB2]  }
0x2a: {  	p0 =	seq.s32 s5, $0x0;
	s5 =	sld [smem:$0x3FB3]  }
0x2b: {  	s6 =	sld [smem:$0x3FB4]  }
0x2c: {  	s7 =	sld [smem:$0x3FB5]  }
0x2d: {  	s3 =	simm.s32 $0x108;
	s8 =	sld [smem:$0x3FB6]  }
0x2e: {  	s3 =	simm.s32 @!p0 $0x1082;
	s9 =	sld [smem:$0x3FB7]  }
0x2f: {  	lr =	sadd.s32 s0, s3;
	s0 =	sld [smem:$0x3FAE]  }
0x30: {  	s3 =	sld [smem:$0x3FB1]  }
0x31: {  	[smem:$0x3FBA] =	sst s10  }
0x32: {  	s10 =	sld [smem:$0x3FB8];
	_ =	sdelay $0x3  }
0x33: {  	p0 =	seq.s32 s10, $0x1;
	s10 =	sld [smem:$0x3FBA];
	_ =	sdelay $0x3  }
0x34: {  	[smem:$0x3FBA] =	sst s10  }
0x35: {  	s10 =	sld [smem:$0x3FB9];
	_ =	sdelay $0x3  }
0x36: {  	p1 =	seq.s32 s10, $0x1;
	s10 =	sld [smem:$0x3FBA];
	_ =	sdelay $0x3  }
0x37: {  	[smem:$0x3FBA] =	sst s10  }
0x38: {  	s10 =	sld [smem:$0x3FBB]  }
0x39: {  	_ = 	snop;
	(pc) =	sbr.ind lr, $3  }
0x3a: {  	_ = 	snop  }
0x3b: {  	_ = 	snop  }
0x3c: {  	p2 =	seq.s32 s10, $0x1;
	s10 =	sld [smem:$0x3FBA]  }
0x3d: {  	_ =	shalt  }
0x3e: {  	_ =	shalt  }
0x3f: {  	_ =	shalt  }
0x40: {  	_ =	shalt  }
0x41: {  	_ =	shalt  }
0x42: {  	_ =	shalt  }
0x43: {  	_ =	shalt  }
0x44: {  	_ =	shalt  }
0x45: {  	_ =	shalt  }
0x46: {  	_ =	shalt  }
0x47: {  	_ =	shalt  }
0x48: {  	_ =	shalt  }
0x49: {  	_ =	shalt  }
0x4a: {  	_ =	shalt  }
0x4b: {  	_ =	shalt  }
0x4c: {  	_ =	shalt  }
0x4d: {  	_ =	shalt  }
0x4e: {  	_ =	shalt  }
0x4f: {  	_ =	shalt  }
0x50: {  	_ =	shalt  }
0x51: {  	_ =	shalt  }
0x52: {  	_ =	shalt  }
0x53: {  	_ =	shalt  }
0x54: {  	_ =	shalt  }
0x55: {  	_ =	shalt  }
0x56: {  	_ =	shalt  }
0x57: {  	_ =	shalt  }
0x58: {  	_ =	shalt  }
0x59: {  	_ =	shalt  }
0x5a: {  	_ =	shalt  }
0x5b: {  	_ =	shalt  }
0x5c: {  	_ =	shalt  }
0x5d: {  	_ =	shalt  }
0x5e: {  	_ =	shalt  }
0x5f: {  	_ =	shalt  }
0x60: {  	_ =	shalt  }
0x61: {  	_ =	shalt  }
0x62: {  	_ =	shalt  }
0x63: {  	_ =	shalt  }
0x64: {  	_ =	shalt  }
0x65: {  	_ =	shalt  }
0x66: {  	_ =	shalt  }
0x67: {  	_ =	shalt  }
0x68: {  	_ =	shalt  }
0x69: {  	_ =	shalt  }
0x6a: {  	_ =	shalt  }
0x6b: {  	_ =	shalt  }
0x6c: {  	_ =	shalt  }
0x6d: {  	_ =	shalt  }
0x6e: {  	_ =	shalt  }
0x6f: {  	_ =	shalt  }
0x70: {  	_ =	shalt  }
0x71: {  	_ =	shalt  }
0x72: {  	_ =	shalt  }
0x73: {  	_ =	shalt  }
0x74: {  	_ =	shalt  }
0x75: {  	_ =	shalt  }
0x76: {  	_ =	shalt  }
0x77: {  	_ =	shalt  }
0x78: {  	_ =	shalt  }
0x79: {  	_ =	shalt  }
0x7a: {  	_ =	shalt  }
0x7b: {  	_ =	shalt  }
0x7c: {  	_ =	shalt  }
0x7d: {  	_ =	shalt  }
0x7e: {  	_ =	shalt  }
0x7f: {  	_ =	shalt  }
0x80: {  	_ =	shalt  }
0x81: {  	_ =	shalt  }
0x82: {  	_ =	shalt  }
0x83: {  	_ =	shalt  }
0x84: {  	_ =	shalt  }
0x85: {  	_ =	shalt  }
0x86: {  	_ =	shalt  }
0x87: {  	_ =	shalt  }
.Lfunc_end0:
.L_simem_size_0:
called_computation_lowered:
.L_overlay_start_0:
0x88: {  	s2 =	sld [smem:$0x3FD9]  }
0x89: {  	s3 =	sld [smem:$0x3FFE];
	_ =	sdelay $0x1  }
0x8a: {  	s1 =	srdreg.scid  }
0x8b: {  	s0 =	sand.u32 $0x1, s1  }
0x8c: {  	s18 =	sshll.u32 s0, $0xA;
	s2 =	sadd.s32 s3, s2  }
0x8d: {  	s2 =	sadd.s32 s2, s18  }
0x8e: {  	[smem:$0x3FC6] =	sst s2  }
0x8f: {  	_ = 	snop  }
0x90: {  	s2 =	sld [smem:$0x3FC9]  }
0x91: {  	s19 =	sld [smem:$0x3FC8]  }
0x92: {  	s4 =	sld [smem:$0x3FD0];
	(tm) =	ssettm $0x1  }
0x93: {  	s5 =	sld [smem:$0x3FFB];
	_ =	sdelay $0x3  }
0x94: {  	_ =	strace s5  }
0x95: {  	s5 =	sld [smem:$0x3FFC];
	_ =	sdelay $0x3  }
0x96: {  	_ =	strace s5  }
0x97: {  	s5 =	sld [smem:$0x3FFD];
	_ =	sdelay $0x3  }
0x98: {  	_ =	strace s5  }
0x99: {  	_ =	strace $0x8FFFFFFF  }
0x9a: {  	s20 =	sld [smem:$0x3FDB];
	_ =	sdelay $0x1  }
0x9b: {  	s6 =	simm.s32 $_scs_section_size  }
0x9c: {  	s7 =	simm.s32 $_size__tile_overlayer_lowered;
	s8 =	simm.s32 $_tile_overlayer_lowered  }
0x9d: {  	s23 =	simm.s32 $0x1BFF;
	s22 =	sshll.u32 s8, $0x1;
	s5 =	sadd.s32 s6, s20  }
0x9e: {  	s9 =	simm.s32 $0x0;
	s21 =	sshll.u32 s7, $0x1;
	s7 =	sadd.s32 s22, s5  }
0x9f: {  	[timem:s9], [sflag:s23] =	dma.local [hbm:s7], s21  }
0xa0: {  	_ =	swait.ge [sflag:s23], s21  }
0xa1: {  	s6 =	ssub.s32 $0x0, s21;
	[sflag:s23] =	ssyncset.done $0x0  }
0xa2: {  	[sflag:s23] =	ssyncadd.s32 s6;
	_ =	sdelay $0x1  }
0xa3: {  	s24 =	simm.s32 $0x1B8B  }
0xa4: {  	_ =	swait.ge [sflag:s24], $0x1  }
0xa5: {  	[sflag:s24] =	ssyncset.done $0x0  }
0xa6: {  	s25 =	simm.s32 $0x1B8E;
	[sflag:s24] =	ssyncadd.s32 $0xFFFFFFFF  }
0xa7: {  	s26 =	simm.s32 $execute0_lowered;
	[smem:$0x3FD2] =	sst s25  }
0xa8: {  	s6 =	sshll.u32 s26, $0x1;
	_ =	strace $0x80000046;
	[dreg:$0x1] =	wrdreg $0xFFFFFFFF  }
0xa9: {  	s28 =	simm.s32 $_size_execute0_lowered;
	s5 =	sadd.s32 s5, s6;
	[dreg:$0x0] =	wrdreg $0x0  }
0xaa: {  	s6 =	sshll.u32 s28, $0x1;
	[dreg:$0x2] =	wrdreg s5  }
0xab: {  	[dreg:$0x3] =	wrdreg s6  }
0xac: {  	[dreg:$0x4] =	wrdreg $0xC0  }
0xad: {  	_ =	task [dreg:s9], $0x5FFFF  }
0xae: {  	[dreg:$0x1] =	wrdreg $0xFFFFFFFF  }
0xaf: {  	[dreg:$0x0] =	wrdreg $0x60  }
0xb0: {  	[dreg:$0x2] =	wrdreg s2  }
0xb1: {  	[dreg:$0x3] =	wrdreg s19  }
0xb2: {  	[dreg:$0x4] =	wrdreg s4  }
0xb3: {  	[dreg:$0x5] =	wrdreg $0x9  }
0xb4: {  	_ =	task.clear_ibuf [dreg:s9], $0x6FFFF;
	_ =	strace $0x90000046  }
0xb5: {  	s29 =	simm.s32 $0x9;
	_ =	strace $0x80000048  }
0xb6: {  	_ =	swait.ge [sflag:s29], $0x1  }
0xb7: {  	[sflag:s29] =	ssyncadd.s32 $0xFFFFFFFF  }
0xb8: {  	_ =	strace $0x90000048  }
0xb9: {  	_ =	sfence  }
0xba: {  	s30 =	sld [smem:$0x0];
	_ =	sdelay $0x2  }
0xbb: {  	s31 =	sshll.u32 s1, $0xD;
	s1 =	sshrl.u32 s1, $0x2  }
0xbc: {  	s3 =	sand.u32 $0x4000, s31;
	s1 =	sadd.s32 s1, s30  }
0xbd: {  	s0 =	sor.u32 s3, s0;
	s1 =	sshll.u32 s1, $0x11  }
0xbe: {  	s0 =	sor.u32 s1, s0  }
0xbf: {  	s0 =	sadd.s32 $0x8F2B, s0  }
0xc0: {  	[sflag:s0] =	ssyncadd.remote.s32 $0x1  }
0xc1: {  	_ =	sfence.sel $0xFFFF  }
0xc2: {  	[dreg:$0x0] =	wrdreg $0xFFFFFFFF;
	(pc) =	sbr.abs _section_cstart, $3  }
0xc3: {  	[dreg:$0x1] =	wrdreg $0xFFFFFFFF  }
0xc4: {  	_ =	task.clear_ibuf [dreg:s9], $0x2FFFF;
	_ =	strace $0x9FFFFFFF  }
0xc5: {  	(tm) =	ssettm $0x7FFFFFFF  }
tec
execute0_lowered:
.L_overlay_start_1:
0x0: {  	(tag) =	ssettag $0x1  }
0x1: {  	v0 =	vimm.s32 $0x76543210  }
0x2: {  	v1 =	vimm.s32 $0x83828180;
	v2 =	vimm.s32 $0x87868584;
	v0 =	vunpack.c.l.s4.s8 v0  }
0x3: {  	vm1 =	vcmask $0x1F10;
	v1 =	vunpack.c.0.s8.s32 v1;
	v2 =	vunpack.c.0.s8.s32 v2  }
0x4: {  	vm0 =	vcmask $0x300;
	v3 =	vimm.s32 $0x8B8A8988;
	v0 =	vunpack.c.0.s8.s32 v0  }
0x5: {  	v4 =	vimm.s32 $0x8F8E8D8C;
	v5 =	vimm.s32 $0x13121110;
	v1 =	vsel vm1, v2, v1  }
0x6: {  	v6 =	vimm.s32 $0x17161514;
	v7 =	vimm.s32 $0x1F1E1D1C;
	v0 =	vcombine.low v0, v1  }
0x7: {  	v3 =	vunpack.c.0.s8.s32 v3;
	v4 =	vunpack.c.0.s8.s32 v4;
	v5 =	vunpack.c.0.s8.s32 v5  }
0x8: {  	v6 =	vunpack.c.0.s8.s32 v6;
	v2 =	vimm.s32 $0x287;
	[tilespmem:$0x1FEF0] =	vst v0;
	v0 =	vimm.s32 $0xFEDCBA98  }
0x9: {  	v9 =	vsel vm0, $0x200, v2;
	v2 =	vimm.s32 $0x28F;
	v0 =	vunpack.c.l.s4.s8 v0  }
0xa: {  	v7 =	vunpack.c.0.s8.s32 v7;
	v1 =	vimm.s32 $0x187;
	v12 =	vsel vm0, $0x208, v2  }
0xb: {  	v8 =	vsel vm0, $0x100, v1;
	v1 =	vimm.s32 $0x387;
	v0 =	vunpack.c.0.s8.s32 v0  }
0xc: {  	v2 =	vimm.s32 $0x9B9A9998;
	v10 =	vsel vm0, $0x300, v1;
	v1 =	vsel vm1, v4, v3  }
0xd: {  	v3 =	vimm.s32 $0x38F;
	v4 =	vimm.s32 $0x97969594;
	v0 =	vand.u32 $0xF, v0  }
0xe: {  	v4 =	vunpack.c.0.s8.s32 v4;
	v0 =	vcombine.low v0, v1;
	v1 =	vimm.s32 $0x93929190  }
0xf: {  	v13 =	vsel vm0, $0x308, v3;
	v3 =	vimm.s32 $0x197;
	v1 =	vunpack.c.0.s8.s32 v1  }
0x10: {  	v2 =	vunpack.c.0.s8.s32 v2;
	v14 =	vsel vm0, $0x110, v3;
	[tilespmem:$0x1FF10] =	vst v0;
	v0 =	vimm.s32 $0x18F  }
0x11: {  	v3 =	vimm.s32 $0xA7A6A5A4;
	v11 =	vsel vm0, $0x108, v0;
	v0 =	vsel vm1, v4, v1  }
0x12: {  	v1 =	vsel vm1, v6, v5;
	v4 =	vimm.s32 $0x297;
	v5 =	vimm.s32 $0x9F9E9D9C  }
0x13: {  	v6 =	vimm.s32 $0x1B1A1918;
	v5 =	vunpack.c.0.s8.s32 v5;
	v0 =	vcombine.low v1, v0  }
0x14: {  	v6 =	vunpack.c.0.s8.s32 v6;
	v15 =	vsel vm0, $0x210, v4;
	v4 =	vimm.s32 $0x23222120  }
0x15: {  	v3 =	vunpack.c.0.s8.s32 v3;
	v4 =	vunpack.c.0.s8.s32 v4;
	[tilespmem:$0x1FF20] =	vst v0;
	v0 =	vimm.s32 $0x397  }
0x16: {  	v1 =	vsel vm1, v5, v2;
	v2 =	vsel vm1, v7, v6;
	v5 =	vimm.s32 $0x27262524  }
0x17: {  	v6 =	vimm.s32 $0x2F2E2D2C;
	v7 =	vimm.s32 $0x37363534;
	v16 =	vsel vm0, $0x310, v0  }
0x18: {  	v0 =	vcombine.low v2, v1;
	v1 =	vimm.s32 $0x19F;
	v2 =	vimm.s32 $0x29F  }
0x19: {  	v5 =	vunpack.c.0.s8.s32 v5;
	v6 =	vunpack.c.0.s8.s32 v6;
	v7 =	vunpack.c.0.s8.s32 v7  }
0x1a: {  	v17 =	vsel vm0, $0x118, v1;
	v18 =	vsel vm0, $0x218, v2;
	v1 =	vimm.s32 $0x39F  }
0x1b: {  	v2 =	vimm.s32 $0x2A7;
	[tilespmem:$0x1FF30] =	vst v0;
	v0 =	vimm.s32 $0xA3A2A1A0;
	v19 =	vsel vm0, $0x318, v1  }
0x1c: {  	v1 =	vsel vm1, v5, v4;
	v4 =	vimm.s32 $0xAFAEADAC;
	v0 =	vunpack.c.0.s8.s32 v0  }
0x1d: {  	v5 =	vimm.s32 $0x2B2A2928;
	v21 =	vsel vm0, $0x220, v2;
	v2 =	vimm.s32 $0xB3B2B1B0  }
0x1e: {  	v4 =	vunpack.c.0.s8.s32 v4;
	v5 =	vunpack.c.0.s8.s32 v5;
	v0 =	vsel vm1, v3, v0  }
0x1f: {  	v3 =	vimm.s32 $0x3A7;
	v0 =	vcombine.low v1, v0;
	v1 =	vimm.s32 $0xABAAA9A8  }
0x20: {  	v22 =	vsel vm0, $0x320, v3;
	v3 =	vimm.s32 $0x1AF;
	v1 =	vunpack.c.0.s8.s32 v1  }
0x21: {  	v2 =	vunpack.c.0.s8.s32 v2;
	v23 =	vsel vm0, $0x128, v3;
	[tilespmem:$0x1FF40] =	vst v0;
	v0 =	vimm.s32 $0x1A7  }
0x22: {  	v3 =	vimm.s32 $0xBFBEBDBC;
	v20 =	vsel vm0, $0x120, v0;
	v0 =	vsel vm1, v4, v1  }
0x23: {  	v1 =	vsel vm1, v6, v5;
	v4 =	vimm.s32 $0x2AF;
	v5 =	vimm.s32 $0xB7B6B5B4  }
0x24: {  	v6 =	vimm.s32 $0x33323130;
	v5 =	vunpack.c.0.s8.s32 v5;
	v0 =	vcombine.low v1, v0  }
0x25: {  	v6 =	vunpack.c.0.s8.s32 v6;
	v24 =	vsel vm0, $0x228, v4;
	v4 =	vimm.s32 $0x3B3A3938  }
0x26: {  	v3 =	vunpack.c.0.s8.s32 v3;
	v4 =	vunpack.c.0.s8.s32 v4;
	[tilespmem:$0x1FF50] =	vst v0;
	v0 =	vimm.s32 $0x3AF  }
0x27: {  	v1 =	vsel vm1, v5, v2;
	v2 =	vsel vm1, v7, v6;
	v5 =	vimm.s32 $0x3F3E3D3C  }
0x28: {  	v6 =	vimm.s32 $0x47464544;
	v7 =	vimm.s32 $0x4F4E4D4C;
	v25 =	vsel vm0, $0x328, v0  }
0x29: {  	v0 =	vcombine.low v2, v1;
	v1 =	vimm.s32 $0x1B7;
	v2 =	vimm.s32 $0x2B7  }
0x2a: {  	v5 =	vunpack.c.0.s8.s32 v5;
	v6 =	vunpack.c.0.s8.s32 v6;
	v7 =	vunpack.c.0.s8.s32 v7  }
0x2b: {  	v26 =	vsel vm0, $0x130, v1;
	v27 =	vsel vm0, $0x230, v2;
	v1 =	vimm.s32 $0x3B7  }
0x2c: {  	v2 =	vimm.s32 $0x2BF;
	[tilespmem:$0x1FF60] =	vst v0;
	v0 =	vimm.s32 $0xBBBAB9B8;
	v28 =	vsel vm0, $0x330, v1  }
0x2d: {  	v1 =	vsel vm1, v5, v4;
	v4 =	vimm.s32 $0xC7C6C5C4;
	v0 =	vunpack.c.0.s8.s32 v0  }
0x2e: {  	v5 =	vimm.s32 $0x43424140;
	v30 =	vsel vm0, $0x238, v2;
	v2 =	vimm.s32 $0xCBCAC9C8  }
0x2f: {  	v4 =	vunpack.c.0.s8.s32 v4;
	v5 =	vunpack.c.0.s8.s32 v5;
	v0 =	vsel vm1, v3, v0  }
0x30: {  	v3 =	vimm.s32 $0x3BF;
	v0 =	vcombine.low v1, v0;
	v1 =	vimm.s32 $0xC3C2C1C0  }
0x31: {  	v31 =	vsel vm0, $0x338, v3;
	v3 =	vimm.s32 $0x1C7;
	v1 =	vunpack.c.0.s8.s32 v1  }
0x32: {  	v2 =	vunpack.c.0.s8.s32 v2;
	v32 =	vsel vm0, $0x140, v3;
	[tilespmem:$0x1FF70] =	vst v0;
	v0 =	vimm.s32 $0x1BF  }
0x33: {  	v3 =	vimm.s32 $0xD7D6D5D4;
	v29 =	vsel vm0, $0x138, v0;
	v0 =	vsel vm1, v4, v1  }
0x34: {  	v1 =	vsel vm1, v6, v5;
	v4 =	vimm.s32 $0x2C7;
	v5 =	vimm.s32 $0xCFCECDCC  }
0x35: {  	v6 =	vimm.s32 $0x4B4A4948;
	v5 =	vunpack.c.0.s8.s32 v5;
	v0 =	vcombine.low v1, v0  }
0x36: {  	v6 =	vunpack.c.0.s8.s32 v6;
	v33 =	vsel vm0, $0x240, v4;
	v4 =	vimm.s32 $0x53525150  }
0x37: {  	v3 =	vunpack.c.0.s8.s32 v3;
	v4 =	vunpack.c.0.s8.s32 v4;
	[tilespmem:$0x1FF80] =	vst v0;
	v0 =	vimm.s32 $0x3C7  }
0x38: {  	v1 =	vsel vm1, v5, v2;
	v2 =	vsel vm1, v7, v6;
	v5 =	vimm.s32 $0x57565554  }
0x39: {  	v6 =	vimm.s32 $0x5F5E5D5C;
	v7 =	vimm.s32 $0x67666564;
	v34 =	vsel vm0, $0x340, v0  }
0x3a: {  	v0 =	vcombine.low v2, v1;
	v1 =	vimm.s32 $0x1CF;
	v2 =	vimm.s32 $0x2CF  }
0x3b: {  	v5 =	vunpack.c.0.s8.s32 v5;
	v6 =	vunpack.c.0.s8.s32 v6;
	v7 =	vunpack.c.0.s8.s32 v7  }
0x3c: {  	v35 =	vsel vm0, $0x148, v1;
	v36 =	vsel vm0, $0x248, v2;
	v1 =	vimm.s32 $0x3CF  }
0x3d: {  	v2 =	vimm.s32 $0x2D7;
	[tilespmem:$0x1FF90] =	vst v0;
	v0 =	vimm.s32 $0xD3D2D1D0;
	v37 =	vsel vm0, $0x348, v1  }
0x3e: {  	v1 =	vsel vm1, v5, v4;
	v4 =	vimm.s32 $0xDFDEDDDC;
	v0 =	vunpack.c.0.s8.s32 v0  }
0x3f: {  	v5 =	vimm.s32 $0x5B5A5958;
	v39 =	vsel vm0, $0x250, v2;
	v2 =	vimm.s32 $0xE3E2E1E0  }
0x40: {  	v4 =	vunpack.c.0.s8.s32 v4;
	v5 =	vunpack.c.0.s8.s32 v5;
	v0 =	vsel vm1, v3, v0  }
0x41: {  	v3 =	vimm.s32 $0x3D7;
	v0 =	vcombine.low v1, v0;
	v1 =	vimm.s32 $0xDBDAD9D8  }
0x42: {  	v40 =	vsel vm0, $0x350, v3;
	v3 =	vimm.s32 $0x1DF;
	v1 =	vunpack.c.0.s8.s32 v1  }
0x43: {  	v2 =	vunpack.c.0.s8.s32 v2;
	v41 =	vsel vm0, $0x158, v3;
	[tilespmem:$0x1FFA0] =	vst v0;
	v0 =	vimm.s32 $0x1D7  }
0x44: {  	v3 =	vimm.s32 $0xEFEEEDEC;
	v38 =	vsel vm0, $0x150, v0;
	v0 =	vsel vm1, v4, v1  }
0x45: {  	v1 =	vsel vm1, v6, v5;
	v5 =	vimm.s32 $0xE7E6E5E4;
	v6 =	vimm.s32 $0x63626160  }
0x46: {  	v4 =	vimm.s32 $0x2DF;
	v5 =	vunpack.c.0.s8.s32 v5;
	v6 =	vunpack.c.0.s8.s32 v6  }
0x47: {  	v0 =	vcombine.low v1, v0;
	v42 =	vsel vm0, $0x258, v4;
	v4 =	vimm.s32 $0x6B6A6968  }
0x48: {  	v3 =	vunpack.c.0.s8.s32 v3;
	v4 =	vunpack.c.0.s8.s32 v4  }
0x49: {  	[tilespmem:$0x1FFB0] =	vst v0;
	v0 =	vimm.s32 $0x3DF;
	v1 =	vsel vm1, v5, v2;
	v2 =	vsel vm1, v7, v6  }
0x4a: {  	v5 =	vimm.s32 $0x6F6E6D6C;
	v43 =	vsel vm0, $0x358, v0;
	v0 =	vcombine.low v2, v1  }
0x4b: {  	v6 =	vimm.s32 $0x77767574;
	v1 =	vimm.s32 $0x1E7;
	v2 =	vimm.s32 $0x2E7  }
0x4c: {  	v5 =	vunpack.c.0.s8.s32 v5;
	v6 =	vunpack.c.0.s8.s32 v6;
	[tilespmem:$0x1FFC0] =	vst v0;
	v0 =	vimm.s32 $0xEBEAE9E8  }
0x4d: {  	v44 =	vsel vm0, $0x160, v1;
	v1 =	vimm.s32 $0x3E7;
	v0 =	vunpack.c.0.s8.s32 v0  }
0x4e: {  	v45 =	vsel vm0, $0x260, v2;
	v2 =	vimm.s32 $0x2EF;
	v46 =	vsel vm0, $0x360, v1  }
0x4f: {  	v1 =	vsel vm1, v5, v4;
	v4 =	vimm.s32 $0xF7F6F5F4;
	v0 =	vsel vm1, v3, v0  }
0x50: {  	v5 =	vimm.s32 $0x73727170;
	v0 =	vcombine.low v1, v0;
	v1 =	vimm.s32 $0xF3F2F1F0  }
0x51: {  	v4 =	vunpack.c.0.s8.s32 v4;
	v5 =	vunpack.c.0.s8.s32 v5;
	v1 =	vunpack.c.0.s8.s32 v1  }
0x52: {  	v48 =	vsel vm0, $0x268, v2;
	v2 =	vimm.s32 $0x1F7;
	[tilespmem:$0x1FFD0] =	vst v0;
	v0 =	vimm.s32 $0x1EF  }
0x53: {  	v47 =	vsel vm0, $0x168, v0;
	v0 =	vsel vm1, v4, v1;
	v1 =	vsel vm1, v6, v5  }
0x54: {  	v50 =	vsel vm0, $0x170, v2;
	v3 =	vimm.s32 $0x3EF;
	v0 =	vcombine.low v1, v0  }
0x55: {  	v2 =	vimm.s32 $0xFFFEFDFC;
	v49 =	vsel vm0, $0x368, v3;
	v3 =	vimm.s32 $0x7B7A7978  }
0x56: {  	v2 =	vunpack.c.0.s8.s32 v2;
	v4 =	vimm.s32 $0x7F7E7D7C;
	[tilespmem:$0x1FFE0] =	vst v0;
	v0 =	vimm.s32 $0xFBFAF9F8  }
0x57: {  	v3 =	vunpack.c.0.s8.s32 v3;
	v4 =	vunpack.c.0.s8.s32 v4;
	v0 =	vunpack.c.0.s8.s32 v0  }
0x58: {  	v1 =	vimm.s32 $0x2F7  }
0x59: {  	v51 =	vsel vm0, $0x270, v1;
	v1 =	vsel vm1, v4, v3;
	v0 =	vsel vm1, v2, v0  }
0x5a: {  	v2 =	vimm.s32 $0x1FF;
	v0 =	vcombine.low v1, v0  }
0x5b: {  	v53 =	vsel vm0, $0x178, v2;
	v1 =	vimm.s32 $0x487;
	v2 =	vimm.s32 $0x587  }
0x5c: {  	v56 =	vsel vm0, $0x400, v1;
	v57 =	vsel vm0, $0x500, v2;
	v1 =	vimm.s32 $0x787  }
0x5d: {  	v2 =	vimm.s32 $0x48F;
	[tilespmem:$0x1FFF0] =	vst v0;
	v0 =	vimm.s32 $0x3FF;
	v59 =	vsel vm0, $0x700, v1  }
0x5e: {  	v60 =	vsel vm0, $0x408, v2;
	v55 =	vsel vm0, $0x378, v0;
	v0 =	vimm.s32 $0x687  }
0x5f: {  	v1 =	vimm.s32 $0x68F;
	v58 =	vsel vm0, $0x600, v0;
	v0 =	vimm.s32 $0x58F  }
0x60: {  	v2 =	vimm.s32 $0x78F;
	v61 =	vsel vm0, $0x508, v0;
	v0 =	vimm.s32 $0x497  }
0x61: {  	v62 =	vsel vm0, $0x608, v1;
	v1 =	vimm.s32 $0x597;
	v0 =	vsel vm0, $0x410, v0  }
0x62: {  	v63 =	vsel vm0, $0x708, v2;
	v2 =	vimm.s32 $0x697;
	[tilespmem:$0x1CF20] =	vst v0;
	v0 =	vsel vm0, $0x510, v1  }
0x63: {  	[tilespmem:$0x1CF30] =	vst v0;
	v0 =	vsel vm0, $0x610, v2  }
0x64: {  	[tilespmem:$0x1CF40] =	vst v0;
	v0 =	vimm.s32 $0x797  }
0x65: {  	v1 =	vimm.s32 $0x49F;
	v0 =	vsel vm0, $0x710, v0  }
0x66: {  	v2 =	vimm.s32 $0x59F;
	[tilespmem:$0x1CF50] =	vst v0;
	v0 =	vsel vm0, $0x418, v1  }
0x67: {  	[tilespmem:$0x1CF60] =	vst v0;
	v0 =	vsel vm0, $0x518, v2  }
0x68: {  	[tilespmem:$0x1CF70] =	vst v0;
	v0 =	vimm.s32 $0x69F  }
0x69: {  	v1 =	vimm.s32 $0x79F;
	v0 =	vsel vm0, $0x618, v0  }
0x6a: {  	v2 =	vimm.s32 $0x4A7;
	[tilespmem:$0x1CF80] =	vst v0;
	v0 =	vsel vm0, $0x718, v1  }
0x6b: {  	[tilespmem:$0x1CF90] =	vst v0;
	v0 =	vsel vm0, $0x420, v2  }
0x6c: {  	[tilespmem:$0x1CFA0] =	vst v0;
	v0 =	vimm.s32 $0x5A7  }
0x6d: {  	v1 =	vimm.s32 $0x6A7;
	v0 =	vsel vm0, $0x520, v0  }
0x6e: {  	v2 =	vimm.s32 $0x7A7;
	[tilespmem:$0x1CFB0] =	vst v0;
	v0 =	vsel vm0, $0x620, v1  }
0x6f: {  	[tilespmem:$0x1CFC0] =	vst v0;
	v0 =	vsel vm0, $0x720, v2  }
0x70: {  	[tilespmem:$0x1CFD0] =	vst v0;
	v0 =	vimm.s32 $0x4AF  }
0x71: {  	v1 =	vimm.s32 $0x5AF;
	v0 =	vsel vm0, $0x428, v0  }
0x72: {  	v2 =	vimm.s32 $0x6AF;
	[tilespmem:$0x1CFE0] =	vst v0;
	v0 =	vsel vm0, $0x528, v1  }
0x73: {  	[tilespmem:$0x1CFF0] =	vst v0;
	v0 =	vsel vm0, $0x628, v2  }
0x74: {  	[tilespmem:$0x1D000] =	vst v0;
	v0 =	vimm.s32 $0x7AF  }
0x75: {  	v1 =	vimm.s32 $0x4B7;
	v0 =	vsel vm0, $0x728, v0  }
0x76: {  	v2 =	vimm.s32 $0x5B7;
	[tilespmem:$0x1D010] =	vst v0;
	v0 =	vsel vm0, $0x430, v1  }
0x77: {  	[tilespmem:$0x1D020] =	vst v0;
	v0 =	vsel vm0, $0x530, v2  }
0x78: {  	[tilespmem:$0x1D030] =	vst v0;
	v0 =	vimm.s32 $0x6B7  }
0x79: {  	v1 =	vimm.s32 $0x7B7;
	v0 =	vsel vm0, $0x630, v0  }
0x7a: {  	v2 =	vimm.s32 $0x4BF;
	[tilespmem:$0x1D040] =	vst v0;
	v0 =	vsel vm0, $0x730, v1  }
0x7b: {  	[tilespmem:$0x1D050] =	vst v0;
	v0 =	vsel vm0, $0x438, v2  }
0x7c: {  	[tilespmem:$0x1D060] =	vst v0;
	v0 =	vimm.s32 $0x5BF  }
0x7d: {  	v1 =	vimm.s32 $0x6BF;
	v0 =	vsel vm0, $0x538, v0  }
0x7e: {  	v2 =	vimm.s32 $0x7BF;
	[tilespmem:$0x1D070] =	vst v0;
	v0 =	vsel vm0, $0x638, v1  }
0x7f: {  	[tilespmem:$0x1D080] =	vst v0;
	v0 =	vsel vm0, $0x738, v2  }
0x80: {  	[tilespmem:$0x1D090] =	vst v0;
	v0 =	vimm.s32 $0x4C7  }
0x81: {  	v1 =	vimm.s32 $0x5C7;
	v0 =	vsel vm0, $0x440, v0  }
0x82: {  	v2 =	vimm.s32 $0x6C7;
	[tilespmem:$0x1D0A0] =	vst v0;
	v0 =	vsel vm0, $0x540, v1  }
0x83: {  	[tilespmem:$0x1D0B0] =	vst v0;
	v0 =	vsel vm0, $0x640, v2  }
0x84: {  	[tilespmem:$0x1D0C0] =	vst v0;
	v0 =	vimm.s32 $0x7C7  }
0x85: {  	v1 =	vimm.s32 $0x4CF;
	v0 =	vsel vm0, $0x740, v0  }
0x86: {  	v2 =	vimm.s32 $0x5CF;
	[tilespmem:$0x1D0D0] =	vst v0;
	v0 =	vsel vm0, $0x448, v1  }
0x87: {  	[tilespmem:$0x1D0E0] =	vst v0;
	v0 =	vsel vm0, $0x548, v2  }
0x88: {  	[tilespmem:$0x1D0F0] =	vst v0;
	v0 =	vimm.s32 $0x6CF  }
0x89: {  	v1 =	vimm.s32 $0x7CF;
	v0 =	vsel vm0, $0x648, v0  }
0x8a: {  	v2 =	vimm.s32 $0x4D7;
	[tilespmem:$0x1D100] =	vst v0;
	v0 =	vsel vm0, $0x748, v1  }
0x8b: {  	[tilespmem:$0x1D110] =	vst v0;
	v0 =	vsel vm0, $0x450, v2  }
0x8c: {  	[tilespmem:$0x1D120] =	vst v0;
	v0 =	vimm.s32 $0x5D7  }
0x8d: {  	v1 =	vimm.s32 $0x6D7;
	v0 =	vsel vm0, $0x550, v0  }
0x8e: {  	v2 =	vimm.s32 $0x7D7;
	[tilespmem:$0x1D130] =	vst v0;
	v0 =	vsel vm0, $0x650, v1  }
0x8f: {  	[tilespmem:$0x1D140] =	vst v0;
	v0 =	vsel vm0, $0x750, v2  }
0x90: {  	[tilespmem:$0x1D150] =	vst v0;
	v0 =	vimm.s32 $0x4DF  }
0x91: {  	v1 =	vimm.s32 $0x5DF;
	v0 =	vsel vm0, $0x458, v0  }
0x92: {  	v2 =	vimm.s32 $0x6DF;
	[tilespmem:$0x1D160] =	vst v0;
	v0 =	vsel vm0, $0x558, v1  }
0x93: {  	[tilespmem:$0x1D170] =	vst v0;
	v0 =	vsel vm0, $0x658, v2  }
0x94: {  	[tilespmem:$0x1D180] =	vst v0;
	v0 =	vimm.s32 $0x7DF  }
0x95: {  	v1 =	vimm.s32 $0x4E7;
	v0 =	vsel vm0, $0x758, v0  }
0x96: {  	v2 =	vimm.s32 $0x5E7;
	[tilespmem:$0x1D190] =	vst v0;
	v0 =	vsel vm0, $0x460, v1  }
0x97: {  	[tilespmem:$0x1D1A0] =	vst v0;
	v0 =	vsel vm0, $0x560, v2  }
0x98: {  	[tilespmem:$0x1D1B0] =	vst v0;
	v0 =	vimm.s32 $0x6E7  }
0x99: {  	v1 =	vimm.s32 $0x7E7;
	v0 =	vsel vm0, $0x660, v0  }
0x9a: {  	v2 =	vimm.s32 $0x4EF;
	[tilespmem:$0x1D1C0] =	vst v0;
	v0 =	vsel vm0, $0x760, v1  }
0x9b: {  	[tilespmem:$0x1D1D0] =	vst v0;
	v0 =	vsel vm0, $0x468, v2  }
0x9c: {  	[tilespmem:$0x1D1E0] =	vst v0;
	v0 =	vimm.s32 $0x5EF  }
0x9d: {  	v1 =	vimm.s32 $0x6EF;
	v0 =	vsel vm0, $0x568, v0  }
0x9e: {  	v2 =	vimm.s32 $0x7EF;
	[tilespmem:$0x1D1F0] =	vst v0;
	v0 =	vsel vm0, $0x668, v1  }
0x9f: {  	[tilespmem:$0x1D200] =	vst v0;
	v0 =	vsel vm0, $0x768, v2  }
0xa0: {  	[tilespmem:$0x1D210] =	vst v0;
	v0 =	vimm.s32 $0x4F7  }
0xa1: {  	v1 =	vimm.s32 $0x5F7;
	v0 =	vsel vm0, $0x470, v0  }
0xa2: {  	v2 =	vimm.s32 $0x6F7;
	[tilespmem:$0x1D220] =	vst v0;
	v0 =	vsel vm0, $0x570, v1  }
0xa3: {  	[tilespmem:$0x1D230] =	vst v0;
	v0 =	vsel vm0, $0x670, v2  }
0xa4: {  	[tilespmem:$0x1D240] =	vst v0;
	v0 =	vimm.s32 $0x7F7  }
0xa5: {  	v1 =	vimm.s32 $0x4FF;
	v0 =	vsel vm0, $0x770, v0  }
0xa6: {  	[tilespmem:$0x1D250] =	vst v0;
	v0 =	vsel vm0, $0x478, v1;
	v1 =	vimm.s32 $0x7FF  }
0xa7: {  	v1 =	vsel vm0, $0x778, v1  }
0xa8: {  	[tilespmem:$0x1D280] =	vst v1;
	v1 =	vld [tilespmem:$0x1CF80];
	_ =	sdelay $0x3  }
0xa9: {  	vm14 =	vcmask $0x704  }
0xaa: {  	v1 =	vsel vm14, $0x619, v1  }
0xab: {  	[tilespmem:$0x1D290] =	vst v1;
	v1 =	vld [tilespmem:$0x1CF90];
	_ =	sdelay $0x4  }
0xac: {  	v1 =	vsel vm14, $0x719, v1  }
0xad: {  	[tilespmem:$0x1D2A0] =	vst v1;
	v1 =	vld [tilespmem:$0x1CFA0];
	_ =	sdelay $0x4  }
0xae: {  	v1 =	vsel vm14, $0x421, v1  }
0xaf: {  	[tilespmem:$0x1D2B0] =	vst v1;
	v1 =	vld [tilespmem:$0x1CFB0];
	_ =	sdelay $0x4  }
0xb0: {  	v1 =	vsel vm14, $0x521, v1  }
0xb1: {  	[tilespmem:$0x1D2C0] =	vst v1;
	v1 =	vld [tilespmem:$0x1CFC0];
	_ =	sdelay $0x4  }
0xb2: {  	v1 =	vsel vm14, $0x621, v1  }
0xb3: {  	[tilespmem:$0x1D2D0] =	vst v1;
	v1 =	vld [tilespmem:$0x1CFD0];
	_ =	sdelay $0x4  }
0xb4: {  	v1 =	vsel vm14, $0x721, v1  }
0xb5: {  	[tilespmem:$0x1D2E0] =	vst v1;
	v1 =	vld [tilespmem:$0x1CFE0];
	_ =	sdelay $0x4  }
0xb6: {  	v1 =	vsel vm14, $0x429, v1  }
0xb7: {  	[tilespmem:$0x1D2F0] =	vst v1;
	v1 =	vld [tilespmem:$0x1CFF0];
	_ =	sdelay $0x4  }
0xb8: {  	v1 =	vsel vm14, $0x529, v1  }
0xb9: {  	[tilespmem:$0x1D300] =	vst v1;
	v1 =	vld [tilespmem:$0x1D000];
	_ =	sdelay $0x4  }
0xba: {  	v1 =	vsel vm14, $0x629, v1  }
0xbb: {  	[tilespmem:$0x1D310] =	vst v1;
	v1 =	vld [tilespmem:$0x1D010];
	_ =	sdelay $0x4  }
0xbc: {  	v1 =	vsel vm14, $0x729, v1  }
0xbd: {  	[tilespmem:$0x1D320] =	vst v1;
	v1 =	vld [tilespmem:$0x1D020];
	_ =	sdelay $0x4  }
0xbe: {  	v1 =	vsel vm14, $0x431, v1  }
0xbf: {  	[tilespmem:$0x1D330] =	vst v1;
	v1 =	vld [tilespmem:$0x1D030];
	_ =	sdelay $0x4  }
0xc0: {  	v1 =	vsel vm14, $0x531, v1  }
0xc1: {  	[tilespmem:$0x1D340] =	vst v1;
	v1 =	vld [tilespmem:$0x1D040];
	_ =	sdelay $0x4  }
0xc2: {  	v1 =	vsel vm14, $0x631, v1  }
0xc3: {  	[tilespmem:$0x1D350] =	vst v1;
	v1 =	vld [tilespmem:$0x1D050];
	_ =	sdelay $0x4  }
0xc4: {  	v1 =	vsel vm14, $0x731, v1  }
0xc5: {  	[tilespmem:$0x1D360] =	vst v1;
	v1 =	vld [tilespmem:$0x1D060];
	_ =	sdelay $0x4  }
0xc6: {  	v1 =	vsel vm14, $0x439, v1  }
0xc7: {  	[tilespmem:$0x1D370] =	vst v1;
	v1 =	vld [tilespmem:$0x1D070];
	_ =	sdelay $0x4  }
0xc8: {  	v1 =	vsel vm14, $0x539, v1  }
0xc9: {  	[tilespmem:$0x1D380] =	vst v1;
	v1 =	vld [tilespmem:$0x1D080];
	_ =	sdelay $0x4  }
0xca: {  	v1 =	vsel vm14, $0x639, v1  }
0xcb: {  	[tilespmem:$0x1D390] =	vst v1;
	v1 =	vld [tilespmem:$0x1D090];
	_ =	sdelay $0x4  }
0xcc: {  	v1 =	vsel vm14, $0x739, v1  }
0xcd: {  	[tilespmem:$0x1D3A0] =	vst v1;
	v1 =	vld [tilespmem:$0x1D0A0];
	_ =	sdelay $0x4  }
0xce: {  	v1 =	vsel vm14, $0x441, v1  }
0xcf: {  	[tilespmem:$0x1D3B0] =	vst v1;
	v1 =	vld [tilespmem:$0x1D0B0];
	_ =	sdelay $0x4  }
0xd0: {  	v1 =	vsel vm14, $0x541, v1  }
0xd1: {  	[tilespmem:$0x1D3C0] =	vst v1;
	v1 =	vld [tilespmem:$0x1D0C0];
	_ =	sdelay $0x4  }
0xd2: {  	v1 =	vsel vm14, $0x641, v1  }
0xd3: {  	[tilespmem:$0x1D3D0] =	vst v1;
	v1 =	vld [tilespmem:$0x1D0D0];
	_ =	sdelay $0x4  }
0xd4: {  	v1 =	vsel vm14, $0x741, v1  }
0xd5: {  	[tilespmem:$0x1D3E0] =	vst v1;
	v1 =	vld [tilespmem:$0x1D0E0];
	_ =	sdelay $0x4  }
0xd6: {  	v1 =	vsel vm14, $0x449, v1  }
0xd7: {  	[tilespmem:$0x1D3F0] =	vst v1;
	v1 =	vld [tilespmem:$0x1D0F0];
	_ =	sdelay $0x4  }
0xd8: {  	v1 =	vsel vm14, $0x549, v1  }
0xd9: {  	[tilespmem:$0x1D400] =	vst v1;
	v1 =	vld [tilespmem:$0x1D100];
	_ =	sdelay $0x4  }
0xda: {  	v1 =	vsel vm14, $0x649, v1  }
0xdb: {  	[tilespmem:$0x1D410] =	vst v1;
	v1 =	vld [tilespmem:$0x1D110];
	_ =	sdelay $0x4  }
0xdc: {  	v1 =	vsel vm14, $0x749, v1  }
0xdd: {  	[tilespmem:$0x1D420] =	vst v1;
	v1 =	vld [tilespmem:$0x1D120];
	_ =	sdelay $0x4  }
0xde: {  	v1 =	vsel vm14, $0x451, v1  }
0xdf: {  	[tilespmem:$0x1D430] =	vst v1;
	v1 =	vld [tilespmem:$0x1D130];
	_ =	sdelay $0x4  }
0xe0: {  	v1 =	vsel vm14, $0x551, v1  }
0xe1: {  	[tilespmem:$0x1D440] =	vst v1;
	v1 =	vld [tilespmem:$0x1D140];
	_ =	sdelay $0x4  }
0xe2: {  	v1 =	vsel vm14, $0x651, v1  }
0xe3: {  	[tilespmem:$0x1D450] =	vst v1;
	v1 =	vld [tilespmem:$0x1D150];
	_ =	sdelay $0x4  }
0xe4: {  	v1 =	vsel vm14, $0x751, v1  }
0xe5: {  	[tilespmem:$0x1D460] =	vst v1;
	v1 =	vld [tilespmem:$0x1D160];
	_ =	sdelay $0x4  }
0xe6: {  	v1 =	vsel vm14, $0x459, v1  }
0xe7: {  	[tilespmem:$0x1D470] =	vst v1;
	v1 =	vld [tilespmem:$0x1D170];
	_ =	sdelay $0x4  }
0xe8: {  	v1 =	vsel vm14, $0x559, v1  }
0xe9: {  	[tilespmem:$0x1D480] =	vst v1;
	v1 =	vld [tilespmem:$0x1D180];
	_ =	sdelay $0x4  }
0xea: {  	v1 =	vsel vm14, $0x659, v1  }
0xeb: {  	[tilespmem:$0x1D490] =	vst v1;
	v1 =	vld [tilespmem:$0x1D190];
	_ =	sdelay $0x4  }
0xec: {  	v1 =	vsel vm14, $0x759, v1  }
0xed: {  	[tilespmem:$0x1D4A0] =	vst v1;
	v1 =	vld [tilespmem:$0x1D1A0];
	_ =	sdelay $0x4  }
0xee: {  	v1 =	vsel vm14, $0x461, v1  }
0xef: {  	[tilespmem:$0x1D4B0] =	vst v1;
	v1 =	vld [tilespmem:$0x1D1B0];
	_ =	sdelay $0x4  }
0xf0: {  	v1 =	vsel vm14, $0x561, v1  }
0xf1: {  	[tilespmem:$0x1D4C0] =	vst v1;
	v1 =	vld [tilespmem:$0x1D1C0];
	_ =	sdelay $0x4  }
0xf2: {  	v1 =	vsel vm14, $0x661, v1  }
0xf3: {  	[tilespmem:$0x1D4D0] =	vst v1;
	v1 =	vld [tilespmem:$0x1D1D0];
	_ =	sdelay $0x4  }
0xf4: {  	v1 =	vsel vm14, $0x761, v1  }
0xf5: {  	[tilespmem:$0x1D4E0] =	vst v1;
	v1 =	vld [tilespmem:$0x1D1E0];
	_ =	sdelay $0x4  }
0xf6: {  	v1 =	vsel vm14, $0x469, v1  }
0xf7: {  	[tilespmem:$0x1D4F0] =	vst v1;
	v1 =	vld [tilespmem:$0x1D1F0];
	_ =	sdelay $0x4  }
0xf8: {  	v1 =	vsel vm14, $0x569, v1  }
0xf9: {  	[tilespmem:$0x1D500] =	vst v1;
	v1 =	vld [tilespmem:$0x1D200];
	_ =	sdelay $0x4  }
0xfa: {  	v1 =	vsel vm14, $0x669, v1  }
0xfb: {  	[tilespmem:$0x1D510] =	vst v1;
	v1 =	vld [tilespmem:$0x1D210];
	_ =	sdelay $0x4  }
0xfc: {  	v1 =	vsel vm14, $0x769, v1  }
0xfd: {  	[tilespmem:$0x1D520] =	vst v1;
	v1 =	vld [tilespmem:$0x1D220];
	_ =	sdelay $0x4  }
0xfe: {  	v1 =	vsel vm14, $0x471, v1  }
0xff: {  	[tilespmem:$0x1D530] =	vst v1;
	v1 =	vld [tilespmem:$0x1D230];
	_ =	sdelay $0x4  }
0x100: {  	v1 =	vsel vm14, $0x571, v1  }
0x101: {  	[tilespmem:$0x1D540] =	vst v1;
	v1 =	vld [tilespmem:$0x1D240];
	_ =	sdelay $0x4  }
0x102: {  	v1 =	vsel vm14, $0x671, v1  }
0x103: {  	[tilespmem:$0x1D550] =	vst v1;
	v1 =	vld [tilespmem:$0x1D250];
	_ =	sdelay $0x4  }
0x104: {  	[tilespmem:$0x1D260] =	vst v0;
	v1 =	vsel vm14, $0x771, v1  }
0x105: {  	[tilespmem:$0x1D560] =	vst v1;
	v1 =	vld [tilespmem:$0x1D260];
	_ =	sdelay $0x1  }
0x106: {  	v2 =	vimm.s32 $0x5FF  }
0x107: {  	v0 =	vsel vm0, $0x578, v2  }
0x108: {  	[tilespmem:$0x1D270] =	vst v0;
	v0 =	vimm.s32 $0x6FF  }
0x109: {  	v0 =	vsel vm0, $0x678, v0;
	v1 =	vsel vm14, $0x479, v1  }
0x10a: {  	v0 =	vsel vm14, $0x679, v0;
	[tilespmem:$0x1D570] =	vst v1;
	v1 =	vld [tilespmem:$0x1D270]  }
0x10b: {  	[tilespmem:$0x1D590] =	vst v0;
	v0 =	vld [tilespmem:$0x1D280];
	_ =	sdelay $0x3  }
0x10c: {  	v1 =	vsel vm14, $0x579, v1  }
0x10d: {  	[tilespmem:$0x1D580] =	vst v1;
	v1 =	vsel vm14, $0x779, v0;
	v0 =	vld [tilespmem:$0x1D290];
	_ =	sdelay $0x3  }
0x10e: {  	vm15 =	vcmask $0xB08  }
0x10f: {  	v0 =	vsel vm15, $0x61A, v0  }
0x110: {  	v1 =	vsel vm15, $0x77A, v1;
	[tilespmem:$0x1D5A0] =	vst v0;
	v0 =	vld [tilespmem:$0x1D2A0]  }
0x111: {  	[tilespmem:$0x1D8A0] =	vst v1;
	v1 =	vld [tilespmem:$0x1D5A0];
	_ =	sdelay $0x3  }
0x112: {  	vm4 =	vcmask $0xF0C;
	v0 =	vsel vm15, $0x71A, v0  }
0x113: {  	[tilespmem:$0x1D5B0] =	vst v0;
	v0 =	vld [tilespmem:$0x1D2B0];
	v1 =	vsel vm4, $0x61B, v1  }
0x114: {  	[tilespmem:$0x1D8B0] =	vst v1;
	v1 =	vld [tilespmem:$0x1D5B0];
	_ =	sdelay $0x3  }
0x115: {  	v0 =	vsel vm15, $0x422, v0  }
0x116: {  	[tilespmem:$0x1D5C0] =	vst v0;
	v0 =	vld [tilespmem:$0x1D2C0];
	v1 =	vsel vm4, $0x71B, v1  }
0x117: {  	[tilespmem:$0x1D8C0] =	vst v1;
	v1 =	vld [tilespmem:$0x1D5C0];
	_ =	sdelay $0x3  }
0x118: {  	v0 =	vsel vm15, $0x522, v0  }
0x119: {  	[tilespmem:$0x1D5D0] =	vst v0;
	v0 =	vld [tilespmem:$0x1D2D0];
	v1 =	vsel vm4, $0x423, v1  }
0x11a: {  	[tilespmem:$0x1D8D0] =	vst v1;
	v1 =	vld [tilespmem:$0x1D5D0];
	_ =	sdelay $0x3  }
0x11b: {  	v0 =	vsel vm15, $0x622, v0  }
0x11c: {  	[tilespmem:$0x1D5E0] =	vst v0;
	v0 =	vld [tilespmem:$0x1D2E0];
	v1 =	vsel vm4, $0x523, v1  }
0x11d: {  	[tilespmem:$0x1D8E0] =	vst v1;
	v1 =	vld [tilespmem:$0x1D5E0];
	_ =	sdelay $0x3  }
0x11e: {  	v0 =	vsel vm15, $0x722, v0  }
0x11f: {  	[tilespmem:$0x1D5F0] =	vst v0;
	v0 =	vld [tilespmem:$0x1D2F0];
	v1 =	vsel vm4, $0x623, v1  }
0x120: {  	[tilespmem:$0x1D8F0] =	vst v1;
	v1 =	vld [tilespmem:$0x1D5F0];
	_ =	sdelay $0x3  }
0x121: {  	v0 =	vsel vm15, $0x42A, v0  }
0x122: {  	[tilespmem:$0x1D600] =	vst v0;
	v0 =	vld [tilespmem:$0x1D300];
	v1 =	vsel vm4, $0x723, v1  }
0x123: {  	[tilespmem:$0x1D900] =	vst v1;
	v1 =	vld [tilespmem:$0x1D600];
	_ =	sdelay $0x3  }
0x124: {  	v0 =	vsel vm15, $0x52A, v0  }
0x125: {  	[tilespmem:$0x1D610] =	vst v0;
	v0 =	vld [tilespmem:$0x1D310];
	v1 =	vsel vm4, $0x42B, v1  }
0x126: {  	[tilespmem:$0x1D910] =	vst v1;
	v1 =	vld [tilespmem:$0x1D610];
	_ =	sdelay $0x3  }
0x127: {  	v0 =	vsel vm15, $0x62A, v0  }
0x128: {  	[tilespmem:$0x1D620] =	vst v0;
	v0 =	vld [tilespmem:$0x1D320];
	v1 =	vsel vm4, $0x52B, v1  }
0x129: {  	[tilespmem:$0x1D920] =	vst v1;
	v1 =	vld [tilespmem:$0x1D620];
	_ =	sdelay $0x3  }
0x12a: {  	v0 =	vsel vm15, $0x72A, v0  }
0x12b: {  	[tilespmem:$0x1D630] =	vst v0;
	v0 =	vld [tilespmem:$0x1D330];
	v1 =	vsel vm4, $0x62B, v1  }
0x12c: {  	[tilespmem:$0x1D930] =	vst v1;
	v1 =	vld [tilespmem:$0x1D630];
	_ =	sdelay $0x3  }
0x12d: {  	v0 =	vsel vm15, $0x432, v0  }
0x12e: {  	[tilespmem:$0x1D640] =	vst v0;
	v0 =	vld [tilespmem:$0x1D340];
	v1 =	vsel vm4, $0x72B, v1  }
0x12f: {  	[tilespmem:$0x1D940] =	vst v1;
	v1 =	vld [tilespmem:$0x1D640];
	_ =	sdelay $0x3  }
0x130: {  	v0 =	vsel vm15, $0x532, v0  }
0x131: {  	[tilespmem:$0x1D650] =	vst v0;
	v0 =	vld [tilespmem:$0x1D350];
	v1 =	vsel vm4, $0x433, v1  }
0x132: {  	[tilespmem:$0x1D950] =	vst v1;
	v1 =	vld [tilespmem:$0x1D650];
	_ =	sdelay $0x3  }
0x133: {  	v0 =	vsel vm15, $0x632, v0  }
0x134: {  	[tilespmem:$0x1D660] =	vst v0;
	v0 =	vld [tilespmem:$0x1D360];
	v1 =	vsel vm4, $0x533, v1  }
0x135: {  	[tilespmem:$0x1D960] =	vst v1;
	v1 =	vld [tilespmem:$0x1D660];
	_ =	sdelay $0x3  }
0x136: {  	v0 =	vsel vm15, $0x732, v0  }
0x137: {  	[tilespmem:$0x1D670] =	vst v0;
	v0 =	vld [tilespmem:$0x1D370];
	v1 =	vsel vm4, $0x633, v1  }
0x138: {  	[tilespmem:$0x1D970] =	vst v1;
	v1 =	vld [tilespmem:$0x1D670];
	_ =	sdelay $0x3  }
0x139: {  	v0 =	vsel vm15, $0x43A, v0  }
0x13a: {  	[tilespmem:$0x1D680] =	vst v0;
	v0 =	vld [tilespmem:$0x1D380];
	v1 =	vsel vm4, $0x733, v1  }
0x13b: {  	[tilespmem:$0x1D980] =	vst v1;
	v1 =	vld [tilespmem:$0x1D680];
	_ =	sdelay $0x3  }
0x13c: {  	v0 =	vsel vm15, $0x53A, v0  }
0x13d: {  	[tilespmem:$0x1D690] =	vst v0;
	v0 =	vld [tilespmem:$0x1D390];
	v1 =	vsel vm4, $0x43B, v1  }
0x13e: {  	[tilespmem:$0x1D990] =	vst v1;
	v1 =	vld [tilespmem:$0x1D690];
	_ =	sdelay $0x3  }
0x13f: {  	v0 =	vsel vm15, $0x63A, v0  }
0x140: {  	[tilespmem:$0x1D6A0] =	vst v0;
	v0 =	vld [tilespmem:$0x1D3A0];
	v1 =	vsel vm4, $0x53B, v1  }
0x141: {  	[tilespmem:$0x1D9A0] =	vst v1;
	v1 =	vld [tilespmem:$0x1D6A0];
	_ =	sdelay $0x3  }
0x142: {  	v0 =	vsel vm15, $0x73A, v0  }
0x143: {  	[tilespmem:$0x1D6B0] =	vst v0;
	v0 =	vld [tilespmem:$0x1D3B0];
	v1 =	vsel vm4, $0x63B, v1  }
0x144: {  	[tilespmem:$0x1D9B0] =	vst v1;
	v1 =	vld [tilespmem:$0x1D6B0];
	_ =	sdelay $0x3  }
0x145: {  	v0 =	vsel vm15, $0x442, v0  }
0x146: {  	[tilespmem:$0x1D6C0] =	vst v0;
	v0 =	vld [tilespmem:$0x1D3C0];
	v1 =	vsel vm4, $0x73B, v1  }
0x147: {  	[tilespmem:$0x1D9C0] =	vst v1;
	v1 =	vld [tilespmem:$0x1D6C0];
	_ =	sdelay $0x3  }
0x148: {  	v0 =	vsel vm15, $0x542, v0  }
0x149: {  	[tilespmem:$0x1D6D0] =	vst v0;
	v0 =	vld [tilespmem:$0x1D3D0];
	v1 =	vsel vm4, $0x443, v1  }
0x14a: {  	[tilespmem:$0x1D9D0] =	vst v1;
	v1 =	vld [tilespmem:$0x1D6D0];
	_ =	sdelay $0x3  }
0x14b: {  	v0 =	vsel vm15, $0x642, v0  }
0x14c: {  	[tilespmem:$0x1D6E0] =	vst v0;
	v0 =	vld [tilespmem:$0x1D3E0];
	v1 =	vsel vm4, $0x543, v1  }
0x14d: {  	[tilespmem:$0x1D9E0] =	vst v1;
	v1 =	vld [tilespmem:$0x1D6E0];
	_ =	sdelay $0x3  }
0x14e: {  	v0 =	vsel vm15, $0x742, v0  }
0x14f: {  	[tilespmem:$0x1D6F0] =	vst v0;
	v0 =	vld [tilespmem:$0x1D3F0];
	v1 =	vsel vm4, $0x643, v1  }
0x150: {  	[tilespmem:$0x1D9F0] =	vst v1;
	v1 =	vld [tilespmem:$0x1D6F0];
	_ =	sdelay $0x3  }
0x151: {  	v0 =	vsel vm15, $0x44A, v0  }
0x152: {  	[tilespmem:$0x1D700] =	vst v0;
	v0 =	vld [tilespmem:$0x1D400];
	v1 =	vsel vm4, $0x743, v1  }
0x153: {  	[tilespmem:$0x1DA00] =	vst v1;
	v1 =	vld [tilespmem:$0x1D700];
	_ =	sdelay $0x3  }
0x154: {  	v0 =	vsel vm15, $0x54A, v0  }
0x155: {  	[tilespmem:$0x1D710] =	vst v0;
	v0 =	vld [tilespmem:$0x1D410];
	v1 =	vsel vm4, $0x44B, v1  }
0x156: {  	[tilespmem:$0x1DA10] =	vst v1;
	v1 =	vld [tilespmem:$0x1D710];
	_ =	sdelay $0x3  }
0x157: {  	v0 =	vsel vm15, $0x64A, v0  }
0x158: {  	[tilespmem:$0x1D720] =	vst v0;
	v0 =	vld [tilespmem:$0x1D420];
	v1 =	vsel vm4, $0x54B, v1  }
0x159: {  	[tilespmem:$0x1DA20] =	vst v1;
	v1 =	vld [tilespmem:$0x1D720];
	_ =	sdelay $0x3  }
0x15a: {  	v0 =	vsel vm15, $0x74A, v0  }
0x15b: {  	[tilespmem:$0x1D730] =	vst v0;
	v0 =	vld [tilespmem:$0x1D430];
	v1 =	vsel vm4, $0x64B, v1  }
0x15c: {  	[tilespmem:$0x1DA30] =	vst v1;
	v1 =	vld [tilespmem:$0x1D730];
	_ =	sdelay $0x3  }
0x15d: {  	v0 =	vsel vm15, $0x452, v0  }
0x15e: {  	[tilespmem:$0x1D740] =	vst v0;
	v0 =	vld [tilespmem:$0x1D440];
	v1 =	vsel vm4, $0x74B, v1  }
0x15f: {  	[tilespmem:$0x1DA40] =	vst v1;
	v1 =	vld [tilespmem:$0x1D740];
	_ =	sdelay $0x3  }
0x160: {  	v0 =	vsel vm15, $0x552, v0  }
0x161: {  	[tilespmem:$0x1D750] =	vst v0;
	v0 =	vld [tilespmem:$0x1D450];
	v1 =	vsel vm4, $0x453, v1  }
0x162: {  	[tilespmem:$0x1DA50] =	vst v1;
	v1 =	vld [tilespmem:$0x1D750];
	_ =	sdelay $0x3  }
0x163: {  	v0 =	vsel vm15, $0x652, v0  }
0x164: {  	[tilespmem:$0x1D760] =	vst v0;
	v0 =	vld [tilespmem:$0x1D460];
	v1 =	vsel vm4, $0x553, v1  }
0x165: {  	[tilespmem:$0x1DA60] =	vst v1;
	v1 =	vld [tilespmem:$0x1D760];
	_ =	sdelay $0x3  }
0x166: {  	v0 =	vsel vm15, $0x752, v0  }
0x167: {  	[tilespmem:$0x1D770] =	vst v0;
	v0 =	vld [tilespmem:$0x1D470];
	v1 =	vsel vm4, $0x653, v1  }
0x168: {  	[tilespmem:$0x1DA70] =	vst v1;
	v1 =	vld [tilespmem:$0x1D770];
	_ =	sdelay $0x3  }
0x169: {  	v0 =	vsel vm15, $0x45A, v0  }
0x16a: {  	[tilespmem:$0x1D780] =	vst v0;
	v0 =	vld [tilespmem:$0x1D480];
	v1 =	vsel vm4, $0x753, v1  }
0x16b: {  	[tilespmem:$0x1DA80] =	vst v1;
	v1 =	vld [tilespmem:$0x1D780];
	_ =	sdelay $0x3  }
0x16c: {  	v0 =	vsel vm15, $0x55A, v0  }
0x16d: {  	[tilespmem:$0x1D790] =	vst v0;
	v0 =	vld [tilespmem:$0x1D490];
	v1 =	vsel vm4, $0x45B, v1  }
0x16e: {  	[tilespmem:$0x1DA90] =	vst v1;
	v1 =	vld [tilespmem:$0x1D790];
	_ =	sdelay $0x3  }
0x16f: {  	v0 =	vsel vm15, $0x65A, v0  }
0x170: {  	[tilespmem:$0x1D7A0] =	vst v0;
	v0 =	vld [tilespmem:$0x1D4A0];
	v1 =	vsel vm4, $0x55B, v1  }
0x171: {  	[tilespmem:$0x1DAA0] =	vst v1;
	v1 =	vld [tilespmem:$0x1D7A0];
	_ =	sdelay $0x3  }
0x172: {  	v0 =	vsel vm15, $0x75A, v0  }
0x173: {  	[tilespmem:$0x1D7B0] =	vst v0;
	v0 =	vld [tilespmem:$0x1D4B0];
	v1 =	vsel vm4, $0x65B, v1  }
0x174: {  	[tilespmem:$0x1DAB0] =	vst v1;
	v1 =	vld [tilespmem:$0x1D7B0];
	_ =	sdelay $0x3  }
0x175: {  	v0 =	vsel vm15, $0x462, v0  }
0x176: {  	[tilespmem:$0x1D7C0] =	vst v0;
	v0 =	vld [tilespmem:$0x1D4C0];
	v1 =	vsel vm4, $0x75B, v1  }
0x177: {  	[tilespmem:$0x1DAC0] =	vst v1;
	v1 =	vld [tilespmem:$0x1D7C0];
	_ =	sdelay $0x3  }
0x178: {  	v0 =	vsel vm15, $0x562, v0  }
0x179: {  	[tilespmem:$0x1D7D0] =	vst v0;
	v0 =	vld [tilespmem:$0x1D4D0];
	v1 =	vsel vm4, $0x463, v1  }
0x17a: {  	[tilespmem:$0x1DAD0] =	vst v1;
	v1 =	vld [tilespmem:$0x1D7D0];
	_ =	sdelay $0x3  }
0x17b: {  	v0 =	vsel vm15, $0x662, v0  }
0x17c: {  	[tilespmem:$0x1D7E0] =	vst v0;
	v0 =	vld [tilespmem:$0x1D4E0];
	v1 =	vsel vm4, $0x563, v1  }
0x17d: {  	[tilespmem:$0x1DAE0] =	vst v1;
	v1 =	vld [tilespmem:$0x1D7E0];
	_ =	sdelay $0x3  }
0x17e: {  	v0 =	vsel vm15, $0x762, v0  }
0x17f: {  	[tilespmem:$0x1D7F0] =	vst v0;
	v0 =	vld [tilespmem:$0x1D4F0];
	v1 =	vsel vm4, $0x663, v1  }
0x180: {  	[tilespmem:$0x1DAF0] =	vst v1;
	v1 =	vld [tilespmem:$0x1D7F0];
	_ =	sdelay $0x3  }
0x181: {  	v0 =	vsel vm15, $0x46A, v0  }
0x182: {  	[tilespmem:$0x1D800] =	vst v0;
	v0 =	vld [tilespmem:$0x1D500];
	v1 =	vsel vm4, $0x763, v1  }
0x183: {  	[tilespmem:$0x1DB00] =	vst v1;
	v1 =	vld [tilespmem:$0x1D800];
	_ =	sdelay $0x3  }
0x184: {  	v0 =	vsel vm15, $0x56A, v0  }
0x185: {  	[tilespmem:$0x1D810] =	vst v0;
	v0 =	vld [tilespmem:$0x1D510];
	v1 =	vsel vm4, $0x46B, v1  }
0x186: {  	[tilespmem:$0x1DB10] =	vst v1;
	v1 =	vld [tilespmem:$0x1D810];
	_ =	sdelay $0x3  }
0x187: {  	v0 =	vsel vm15, $0x66A, v0  }
0x188: {  	[tilespmem:$0x1D820] =	vst v0;
	v0 =	vld [tilespmem:$0x1D520];
	v1 =	vsel vm4, $0x56B, v1  }
0x189: {  	[tilespmem:$0x1DB20] =	vst v1;
	v1 =	vld [tilespmem:$0x1D820];
	_ =	sdelay $0x3  }
0x18a: {  	v0 =	vsel vm15, $0x76A, v0  }
0x18b: {  	[tilespmem:$0x1D830] =	vst v0;
	v0 =	vld [tilespmem:$0x1D530];
	v1 =	vsel vm4, $0x66B, v1  }
0x18c: {  	[tilespmem:$0x1DB30] =	vst v1;
	v1 =	vld [tilespmem:$0x1D830];
	_ =	sdelay $0x3  }
0x18d: {  	v0 =	vsel vm15, $0x472, v0  }
0x18e: {  	[tilespmem:$0x1D840] =	vst v0;
	v0 =	vld [tilespmem:$0x1D540];
	v1 =	vsel vm4, $0x76B, v1  }
0x18f: {  	[tilespmem:$0x1DB40] =	vst v1;
	v1 =	vld [tilespmem:$0x1D840];
	_ =	sdelay $0x3  }
0x190: {  	v0 =	vsel vm15, $0x572, v0  }
0x191: {  	[tilespmem:$0x1D850] =	vst v0;
	v0 =	vld [tilespmem:$0x1D550];
	v1 =	vsel vm4, $0x473, v1  }
0x192: {  	[tilespmem:$0x1DB50] =	vst v1;
	v1 =	vld [tilespmem:$0x1D850];
	_ =	sdelay $0x3  }
0x193: {  	v0 =	vsel vm15, $0x672, v0  }
0x194: {  	[tilespmem:$0x1D860] =	vst v0;
	v0 =	vld [tilespmem:$0x1D560];
	v1 =	vsel vm4, $0x573, v1  }
0x195: {  	[tilespmem:$0x1DB60] =	vst v1;
	v1 =	vld [tilespmem:$0x1D860];
	_ =	sdelay $0x3  }
0x196: {  	v0 =	vsel vm15, $0x772, v0  }
0x197: {  	[tilespmem:$0x1D870] =	vst v0;
	v0 =	vld [tilespmem:$0x1D570];
	v1 =	vsel vm4, $0x673, v1  }
0x198: {  	[tilespmem:$0x1DB70] =	vst v1;
	v1 =	vld [tilespmem:$0x1D870];
	_ =	sdelay $0x3  }
0x199: {  	v0 =	vsel vm15, $0x47A, v0  }
0x19a: {  	[tilespmem:$0x1D880] =	vst v0;
	v0 =	vld [tilespmem:$0x1D580];
	v1 =	vsel vm4, $0x773, v1  }
0x19b: {  	[tilespmem:$0x1DB80] =	vst v1;
	v1 =	vld [tilespmem:$0x1D880];
	_ =	sdelay $0x3  }
0x19c: {  	v0 =	vsel vm15, $0x57A, v0  }
0x19d: {  	[tilespmem:$0x1D890] =	vst v0;
	v1 =	vsel vm4, $0x47B, v1  }
0x19e: {  	[tilespmem:$0x1DB90] =	vst v1;
	v1 =	vld [tilespmem:$0x1D890];
	_ =	sdelay $0x4  }
0x19f: {  	v1 =	vsel vm4, $0x57B, v1  }
0x1a0: {  	[tilespmem:$0x1DBA0] =	vst v1;
	v1 =	vld [tilespmem:$0x1D8A0];
	_ =	sdelay $0x4  }
0x1a1: {  	v1 =	vsel vm4, $0x77B, v1  }
0x1a2: {  	[tilespmem:$0x1DBB0] =	vst v1;
	v1 =	vld [tilespmem:$0x1D8B0];
	_ =	sdelay $0x3  }
0x1a3: {  	vm5 =	vcmask $0x1310  }
0x1a4: {  	v1 =	vsel vm5, $0x61C, v1  }
0x1a5: {  	[tilespmem:$0x1DBC0] =	vst v1;
	v1 =	vld [tilespmem:$0x1D8C0];
	_ =	sdelay $0x4  }
0x1a6: {  	v1 =	vsel vm5, $0x71C, v1  }
0x1a7: {  	[tilespmem:$0x1DBD0] =	vst v1;
	v1 =	vld [tilespmem:$0x1D8D0];
	_ =	sdelay $0x4  }
0x1a8: {  	v1 =	vsel vm5, $0x424, v1  }
0x1a9: {  	[tilespmem:$0x1DBE0] =	vst v1;
	v1 =	vld [tilespmem:$0x1D8E0];
	_ =	sdelay $0x4  }
0x1aa: {  	v1 =	vsel vm5, $0x524, v1  }
0x1ab: {  	[tilespmem:$0x1DBF0] =	vst v1;
	v1 =	vld [tilespmem:$0x1D8F0];
	_ =	sdelay $0x4  }
0x1ac: {  	v1 =	vsel vm5, $0x624, v1  }
0x1ad: {  	[tilespmem:$0x1DC00] =	vst v1;
	v1 =	vld [tilespmem:$0x1D900];
	_ =	sdelay $0x4  }
0x1ae: {  	v1 =	vsel vm5, $0x724, v1  }
0x1af: {  	[tilespmem:$0x1DC10] =	vst v1;
	v1 =	vld [tilespmem:$0x1D910];
	_ =	sdelay $0x4  }
0x1b0: {  	v1 =	vsel vm5, $0x42C, v1  }
0x1b1: {  	[tilespmem:$0x1DC20] =	vst v1;
	v1 =	vld [tilespmem:$0x1D920];
	_ =	sdelay $0x4  }
0x1b2: {  	v1 =	vsel vm5, $0x52C, v1  }
0x1b3: {  	[tilespmem:$0x1DC30] =	vst v1;
	v1 =	vld [tilespmem:$0x1D930];
	_ =	sdelay $0x4  }
0x1b4: {  	v1 =	vsel vm5, $0x62C, v1  }
0x1b5: {  	[tilespmem:$0x1DC40] =	vst v1;
	v1 =	vld [tilespmem:$0x1D940];
	_ =	sdelay $0x4  }
0x1b6: {  	v1 =	vsel vm5, $0x72C, v1  }
0x1b7: {  	[tilespmem:$0x1DC50] =	vst v1;
	v1 =	vld [tilespmem:$0x1D950];
	_ =	sdelay $0x4  }
0x1b8: {  	v1 =	vsel vm5, $0x434, v1  }
0x1b9: {  	[tilespmem:$0x1DC60] =	vst v1;
	v1 =	vld [tilespmem:$0x1D960];
	_ =	sdelay $0x4  }
0x1ba: {  	v1 =	vsel vm5, $0x534, v1  }
0x1bb: {  	[tilespmem:$0x1DC70] =	vst v1;
	v1 =	vld [tilespmem:$0x1D970];
	_ =	sdelay $0x4  }
0x1bc: {  	v1 =	vsel vm5, $0x634, v1  }
0x1bd: {  	[tilespmem:$0x1DC80] =	vst v1;
	v1 =	vld [tilespmem:$0x1D980];
	_ =	sdelay $0x4  }
0x1be: {  	v1 =	vsel vm5, $0x734, v1  }
0x1bf: {  	[tilespmem:$0x1DC90] =	vst v1;
	v1 =	vld [tilespmem:$0x1D990];
	_ =	sdelay $0x4  }
0x1c0: {  	v1 =	vsel vm5, $0x43C, v1  }
0x1c1: {  	[tilespmem:$0x1DCA0] =	vst v1;
	v1 =	vld [tilespmem:$0x1D9A0];
	_ =	sdelay $0x4  }
0x1c2: {  	v1 =	vsel vm5, $0x53C, v1  }
0x1c3: {  	[tilespmem:$0x1DCB0] =	vst v1;
	v1 =	vld [tilespmem:$0x1D9B0];
	_ =	sdelay $0x4  }
0x1c4: {  	v1 =	vsel vm5, $0x63C, v1  }
0x1c5: {  	[tilespmem:$0x1DCC0] =	vst v1;
	v1 =	vld [tilespmem:$0x1D9C0];
	_ =	sdelay $0x4  }
0x1c6: {  	v1 =	vsel vm5, $0x73C, v1  }
0x1c7: {  	[tilespmem:$0x1DCD0] =	vst v1;
	v1 =	vld [tilespmem:$0x1D9D0];
	_ =	sdelay $0x4  }
0x1c8: {  	v1 =	vsel vm5, $0x444, v1  }
0x1c9: {  	[tilespmem:$0x1DCE0] =	vst v1;
	v1 =	vld [tilespmem:$0x1D9E0];
	_ =	sdelay $0x4  }
0x1ca: {  	v1 =	vsel vm5, $0x544, v1  }
0x1cb: {  	[tilespmem:$0x1DCF0] =	vst v1;
	v1 =	vld [tilespmem:$0x1D9F0];
	_ =	sdelay $0x4  }
0x1cc: {  	v1 =	vsel vm5, $0x644, v1  }
0x1cd: {  	[tilespmem:$0x1DD00] =	vst v1;
	v1 =	vld [tilespmem:$0x1DA00];
	_ =	sdelay $0x4  }
0x1ce: {  	v1 =	vsel vm5, $0x744, v1  }
0x1cf: {  	[tilespmem:$0x1DD10] =	vst v1;
	v1 =	vld [tilespmem:$0x1DA10];
	_ =	sdelay $0x4  }
0x1d0: {  	v1 =	vsel vm5, $0x44C, v1  }
0x1d1: {  	[tilespmem:$0x1DD20] =	vst v1;
	v1 =	vld [tilespmem:$0x1DA20];
	_ =	sdelay $0x4  }
0x1d2: {  	v1 =	vsel vm5, $0x54C, v1  }
0x1d3: {  	[tilespmem:$0x1DD30] =	vst v1;
	v1 =	vld [tilespmem:$0x1DA30];
	_ =	sdelay $0x4  }
0x1d4: {  	v1 =	vsel vm5, $0x64C, v1  }
0x1d5: {  	[tilespmem:$0x1DD40] =	vst v1;
	v1 =	vld [tilespmem:$0x1DA40];
	_ =	sdelay $0x4  }
0x1d6: {  	v1 =	vsel vm5, $0x74C, v1  }
0x1d7: {  	[tilespmem:$0x1DD50] =	vst v1;
	v1 =	vld [tilespmem:$0x1DA50];
	_ =	sdelay $0x4  }
0x1d8: {  	v1 =	vsel vm5, $0x454, v1  }
0x1d9: {  	[tilespmem:$0x1DD60] =	vst v1;
	v1 =	vld [tilespmem:$0x1DA60];
	_ =	sdelay $0x4  }
0x1da: {  	v1 =	vsel vm5, $0x554, v1  }
0x1db: {  	[tilespmem:$0x1DD70] =	vst v1;
	v1 =	vld [tilespmem:$0x1DA70];
	_ =	sdelay $0x4  }
0x1dc: {  	v1 =	vsel vm5, $0x654, v1  }
0x1dd: {  	[tilespmem:$0x1DD80] =	vst v1;
	v1 =	vld [tilespmem:$0x1DA80];
	_ =	sdelay $0x4  }
0x1de: {  	v1 =	vsel vm5, $0x754, v1  }
0x1df: {  	[tilespmem:$0x1DD90] =	vst v1;
	v1 =	vld [tilespmem:$0x1DA90];
	_ =	sdelay $0x4  }
0x1e0: {  	v1 =	vsel vm5, $0x45C, v1  }
0x1e1: {  	[tilespmem:$0x1DDA0] =	vst v1;
	v1 =	vld [tilespmem:$0x1DAA0];
	_ =	sdelay $0x4  }
0x1e2: {  	v1 =	vsel vm5, $0x55C, v1  }
0x1e3: {  	[tilespmem:$0x1DDB0] =	vst v1;
	v1 =	vld [tilespmem:$0x1DAB0];
	_ =	sdelay $0x4  }
0x1e4: {  	v1 =	vsel vm5, $0x65C, v1  }
0x1e5: {  	[tilespmem:$0x1DDC0] =	vst v1;
	v1 =	vld [tilespmem:$0x1DAC0];
	_ =	sdelay $0x4  }
0x1e6: {  	v1 =	vsel vm5, $0x75C, v1  }
0x1e7: {  	[tilespmem:$0x1DDD0] =	vst v1;
	v1 =	vld [tilespmem:$0x1DAD0];
	_ =	sdelay $0x4  }
0x1e8: {  	v1 =	vsel vm5, $0x464, v1  }
0x1e9: {  	[tilespmem:$0x1DDE0] =	vst v1;
	v1 =	vld [tilespmem:$0x1DAE0];
	_ =	sdelay $0x4  }
0x1ea: {  	v1 =	vsel vm5, $0x564, v1  }
0x1eb: {  	[tilespmem:$0x1DDF0] =	vst v1;
	v1 =	vld [tilespmem:$0x1DAF0];
	_ =	sdelay $0x4  }
0x1ec: {  	v1 =	vsel vm5, $0x664, v1  }
0x1ed: {  	[tilespmem:$0x1DE00] =	vst v1;
	v1 =	vld [tilespmem:$0x1DB00];
	_ =	sdelay $0x4  }
0x1ee: {  	v1 =	vsel vm5, $0x764, v1  }
0x1ef: {  	[tilespmem:$0x1DE10] =	vst v1;
	v1 =	vld [tilespmem:$0x1DB10];
	_ =	sdelay $0x4  }
0x1f0: {  	v1 =	vsel vm5, $0x46C, v1  }
0x1f1: {  	[tilespmem:$0x1DE20] =	vst v1;
	v1 =	vld [tilespmem:$0x1DB20];
	_ =	sdelay $0x4  }
0x1f2: {  	v1 =	vsel vm5, $0x56C, v1  }
0x1f3: {  	[tilespmem:$0x1DE30] =	vst v1;
	v1 =	vld [tilespmem:$0x1DB30];
	_ =	sdelay $0x4  }
0x1f4: {  	v1 =	vsel vm5, $0x66C, v1  }
0x1f5: {  	[tilespmem:$0x1DE40] =	vst v1;
	v1 =	vld [tilespmem:$0x1DB40];
	_ =	sdelay $0x4  }
0x1f6: {  	v1 =	vsel vm5, $0x76C, v1  }
0x1f7: {  	[tilespmem:$0x1DE50] =	vst v1;
	v1 =	vld [tilespmem:$0x1DB50];
	_ =	sdelay $0x4  }
0x1f8: {  	v1 =	vsel vm5, $0x474, v1  }
0x1f9: {  	[tilespmem:$0x1DE60] =	vst v1;
	v1 =	vld [tilespmem:$0x1DB60];
	_ =	sdelay $0x4  }
0x1fa: {  	v1 =	vsel vm5, $0x574, v1  }
0x1fb: {  	[tilespmem:$0x1DE70] =	vst v1;
	v1 =	vld [tilespmem:$0x1DB70];
	_ =	sdelay $0x4  }
0x1fc: {  	v1 =	vsel vm5, $0x674, v1  }
0x1fd: {  	[tilespmem:$0x1DE80] =	vst v1;
	v1 =	vld [tilespmem:$0x1DB80];
	_ =	sdelay $0x4  }
0x1fe: {  	v1 =	vsel vm5, $0x774, v1  }
0x1ff: {  	[tilespmem:$0x1DE90] =	vst v1;
	v1 =	vld [tilespmem:$0x1DB90];
	_ =	sdelay $0x4  }
0x200: {  	v1 =	vsel vm5, $0x47C, v1  }
0x201: {  	[tilespmem:$0x1DEA0] =	vst v1;
	v1 =	vld [tilespmem:$0x1DBA0];
	_ =	sdelay $0x4  }
0x202: {  	v1 =	vsel vm5, $0x57C, v1  }
0x203: {  	[tilespmem:$0x1DEB0] =	vst v1;
	v1 =	vld [tilespmem:$0x1DBC0];
	_ =	sdelay $0x3  }
0x204: {  	vm6 =	vcmask $0x1714  }
0x205: {  	v1 =	vsel vm6, $0x61D, v1  }
0x206: {  	[tilespmem:$0x1DED0] =	vst v1;
	v1 =	vld [tilespmem:$0x1DBD0];
	_ =	sdelay $0x4  }
0x207: {  	v1 =	vsel vm6, $0x71D, v1  }
0x208: {  	[tilespmem:$0x1DEE0] =	vst v1;
	v1 =	vld [tilespmem:$0x1DBE0];
	_ =	sdelay $0x4  }
0x209: {  	v1 =	vsel vm6, $0x425, v1  }
0x20a: {  	[tilespmem:$0x1DEF0] =	vst v1;
	v1 =	vld [tilespmem:$0x1DBF0];
	_ =	sdelay $0x4  }
0x20b: {  	v1 =	vsel vm6, $0x525, v1  }
0x20c: {  	[tilespmem:$0x1DF00] =	vst v1;
	v1 =	vld [tilespmem:$0x1DC00];
	_ =	sdelay $0x4  }
0x20d: {  	v1 =	vsel vm6, $0x625, v1  }
0x20e: {  	[tilespmem:$0x1DF10] =	vst v1;
	v1 =	vld [tilespmem:$0x1DC10];
	_ =	sdelay $0x4  }
0x20f: {  	v1 =	vsel vm6, $0x725, v1  }
0x210: {  	[tilespmem:$0x1DF20] =	vst v1;
	v1 =	vld [tilespmem:$0x1DC20];
	_ =	sdelay $0x4  }
0x211: {  	v1 =	vsel vm6, $0x42D, v1  }
0x212: {  	[tilespmem:$0x1DF30] =	vst v1;
	v1 =	vld [tilespmem:$0x1DC30];
	_ =	sdelay $0x4  }
0x213: {  	v1 =	vsel vm6, $0x52D, v1  }
0x214: {  	[tilespmem:$0x1DF40] =	vst v1;
	v1 =	vld [tilespmem:$0x1DC40];
	_ =	sdelay $0x4  }
0x215: {  	v1 =	vsel vm6, $0x62D, v1  }
0x216: {  	[tilespmem:$0x1DF50] =	vst v1;
	v1 =	vld [tilespmem:$0x1DC50];
	_ =	sdelay $0x4  }
0x217: {  	v1 =	vsel vm6, $0x72D, v1  }
0x218: {  	[tilespmem:$0x1DF60] =	vst v1;
	v1 =	vld [tilespmem:$0x1DC60];
	_ =	sdelay $0x4  }
0x219: {  	v1 =	vsel vm6, $0x435, v1  }
0x21a: {  	[tilespmem:$0x1DF70] =	vst v1;
	v1 =	vld [tilespmem:$0x1DC70];
	_ =	sdelay $0x4  }
0x21b: {  	v1 =	vsel vm6, $0x535, v1  }
0x21c: {  	[tilespmem:$0x1DF80] =	vst v1;
	v1 =	vld [tilespmem:$0x1DC80];
	_ =	sdelay $0x4  }
0x21d: {  	v1 =	vsel vm6, $0x635, v1  }
0x21e: {  	[tilespmem:$0x1DF90] =	vst v1;
	v1 =	vld [tilespmem:$0x1DC90];
	_ =	sdelay $0x4  }
0x21f: {  	v1 =	vsel vm6, $0x735, v1  }
0x220: {  	[tilespmem:$0x1DFA0] =	vst v1;
	v1 =	vld [tilespmem:$0x1DCA0];
	_ =	sdelay $0x4  }
0x221: {  	v1 =	vsel vm6, $0x43D, v1  }
0x222: {  	[tilespmem:$0x1DFB0] =	vst v1;
	v1 =	vld [tilespmem:$0x1DCB0];
	_ =	sdelay $0x4  }
0x223: {  	v1 =	vsel vm6, $0x53D, v1  }
0x224: {  	[tilespmem:$0x1DFC0] =	vst v1;
	v1 =	vld [tilespmem:$0x1DCC0];
	_ =	sdelay $0x4  }
0x225: {  	v1 =	vsel vm6, $0x63D, v1  }
0x226: {  	[tilespmem:$0x1DFD0] =	vst v1;
	v1 =	vld [tilespmem:$0x1DCD0];
	_ =	sdelay $0x4  }
0x227: {  	v1 =	vsel vm6, $0x73D, v1  }
0x228: {  	[tilespmem:$0x1DFE0] =	vst v1;
	v1 =	vld [tilespmem:$0x1DCE0];
	_ =	sdelay $0x4  }
0x229: {  	v1 =	vsel vm6, $0x445, v1  }
0x22a: {  	[tilespmem:$0x1DFF0] =	vst v1;
	v1 =	vld [tilespmem:$0x1DCF0];
	_ =	sdelay $0x4  }
0x22b: {  	v1 =	vsel vm6, $0x545, v1  }
0x22c: {  	[tilespmem:$0x1E000] =	vst v1;
	v1 =	vld [tilespmem:$0x1DD00];
	_ =	sdelay $0x4  }
0x22d: {  	v1 =	vsel vm6, $0x645, v1  }
0x22e: {  	[tilespmem:$0x1E010] =	vst v1;
	v1 =	vld [tilespmem:$0x1DD10];
	_ =	sdelay $0x4  }
0x22f: {  	v1 =	vsel vm6, $0x745, v1  }
0x230: {  	[tilespmem:$0x1E020] =	vst v1;
	v1 =	vld [tilespmem:$0x1DD20];
	_ =	sdelay $0x4  }
0x231: {  	v1 =	vsel vm6, $0x44D, v1  }
0x232: {  	[tilespmem:$0x1E030] =	vst v1;
	v1 =	vld [tilespmem:$0x1DD30];
	_ =	sdelay $0x4  }
0x233: {  	v1 =	vsel vm6, $0x54D, v1  }
0x234: {  	[tilespmem:$0x1E040] =	vst v1;
	v1 =	vld [tilespmem:$0x1DD40]  }
0x235: {  	v7 =	vsel vm14, $0x309, v13;
	v13 =	vsel vm14, $0x319, v19;
	v19 =	vsel vm14, $0x329, v25  }
0x236: {  	v25 =	vsel vm14, $0x339, v31;
	v31 =	vsel vm14, $0x349, v37;
	v37 =	vsel vm14, $0x359, v43  }
0x237: {  	v43 =	vsel vm14, $0x369, v49;
	v5 =	vimm.s32 $0x3F7;
	v6 =	vsel vm14, $0x209, v12  }
0x238: {  	v12 =	vsel vm14, $0x219, v18;
	v18 =	vsel vm14, $0x229, v24;
	v24 =	vsel vm14, $0x239, v30  }
0x239: {  	v30 =	vsel vm14, $0x249, v36;
	v36 =	vsel vm14, $0x259, v42;
	v1 =	vsel vm6, $0x64D, v1  }
0x23a: {  	v42 =	vsel vm14, $0x269, v48;
	v52 =	vsel vm0, $0x370, v5;
	v5 =	vsel vm14, $0x109, v11;
	[tilespmem:$0x1E050] =	vst v1;
	v1 =	vld [tilespmem:$0x1DD50]  }
0x23b: {  	v11 =	vsel vm14, $0x119, v17;
	v17 =	vsel vm14, $0x129, v23;
	v23 =	vsel vm14, $0x139, v29  }
0x23c: {  	v29 =	vsel vm14, $0x149, v35;
	v35 =	vsel vm14, $0x159, v41;
	v41 =	vsel vm14, $0x169, v47  }
0x23d: {  	v3 =	vimm.s32 $0x2FF;
	v4 =	vsel vm14, $0x301, v10;
	v10 =	vsel vm14, $0x311, v16  }
0x23e: {  	v16 =	vsel vm14, $0x321, v22;
	v54 =	vsel vm0, $0x278, v3;
	v3 =	vsel vm14, $0x201, v9  }
0x23f: {  	v9 =	vsel vm14, $0x211, v15;
	v15 =	vsel vm14, $0x221, v21;
	v1 =	vsel vm6, $0x74D, v1  }
0x240: {  	v21 =	vsel vm14, $0x231, v27;
	v27 =	vsel vm14, $0x241, v33;
	v33 =	vsel vm14, $0x251, v39;
	[tilespmem:$0x1E060] =	vst v1;
	v1 =	vld [tilespmem:$0x1DD60]  }
0x241: {  	v39 =	vsel vm14, $0x261, v45;
	v45 =	vsel vm14, $0x271, v51;
	v51 =	vsel vm14, $0x501, v57  }
0x242: {  	v57 =	vsel vm14, $0x709, v63;
	v2 =	vsel vm14, $0x101, v8;
	v8 =	vsel vm14, $0x111, v14  }
0x243: {  	v14 =	vsel vm14, $0x121, v20;
	v20 =	vsel vm14, $0x131, v26;
	v26 =	vsel vm14, $0x141, v32;
	v0 =	vld [tilespmem:$0x1D590]  }
0x244: {  	v63 =	vld [tilespmem:$0x1CF30];
	v32 =	vsel vm14, $0x151, v38;
	v38 =	vsel vm14, $0x161, v44;
	v44 =	vsel vm14, $0x171, v50  }
0x245: {  	v50 =	vsel vm14, $0x401, v56;
	v56 =	vsel vm14, $0x609, v62;
	v62 =	vld [tilespmem:$0x1CF20];
	v1 =	vsel vm6, $0x455, v1  }
0x246: {  	v22 =	vsel vm14, $0x331, v28;
	v28 =	vsel vm14, $0x341, v34;
	v34 =	vsel vm14, $0x351, v40;
	[tilespmem:$0x1E070] =	vst v1;
	v1 =	vld [tilespmem:$0x1DD70]  }
0x247: {  	v40 =	vsel vm14, $0x361, v46;
	v46 =	vsel vm14, $0x371, v52;
	v48 =	vsel vm14, $0x279, v54  }
0x248: {  	v47 =	vsel vm14, $0x179, v53;
	v54 =	vsel vm14, $0x409, v60;
	v60 =	vld [tilespmem:$0x1CF40];
	v0 =	vsel vm15, $0x67A, v0  }
0x249: {  	v49 =	vsel vm14, $0x379, v55;
	v55 =	vsel vm14, $0x509, v61;
	v61 =	vld [tilespmem:$0x1CF50];
	v0 =	vsel vm4, $0x67B, v0  }
0x24a: {  	v53 =	vsel vm14, $0x701, v59;
	v59 =	vsel vm14, $0x511, v63;
	v63 =	vld [tilespmem:$0x1CF70];
	v0 =	vsel vm5, $0x67C, v0  }
0x24b: {  	v52 =	vsel vm14, $0x601, v58;
	v58 =	vsel vm14, $0x411, v62;
	v62 =	vld [tilespmem:$0x1CF60];
	[tilespmem:$0x1DEC0] =	vst v0;
	v1 =	vsel vm6, $0x555, v1  }
0x24c: {  	v0 =	vld [tilespmem:$0x1DBB0];
	[tilespmem:$0x1E080] =	vst v1  }
0x24d: {  	v1 =	vld [tilespmem:$0x1DD80];
	_ =	sdelay $0x4  }
0x24e: {  	v1 =	vsel vm6, $0x655, v1  }
0x24f: {  	[tilespmem:$0x1E090] =	vst v1;
	v1 =	vld [tilespmem:$0x1DD90];
	_ =	sdelay $0x4  }
0x250: {  	v1 =	vsel vm6, $0x755, v1  }
0x251: {  	[tilespmem:$0x1E0A0] =	vst v1;
	v1 =	vld [tilespmem:$0x1DDA0];
	_ =	sdelay $0x4  }
0x252: {  	v1 =	vsel vm6, $0x45D, v1  }
0x253: {  	[tilespmem:$0x1E0B0] =	vst v1;
	v1 =	vld [tilespmem:$0x1DDB0];
	_ =	sdelay $0x4  }
0x254: {  	v1 =	vsel vm6, $0x55D, v1  }
0x255: {  	[tilespmem:$0x1E0C0] =	vst v1;
	v1 =	vld [tilespmem:$0x1DDC0];
	_ =	sdelay $0x4  }
0x256: {  	v1 =	vsel vm6, $0x65D, v1  }
0x257: {  	[tilespmem:$0x1E0D0] =	vst v1;
	v1 =	vld [tilespmem:$0x1DDD0];
	_ =	sdelay $0x4  }
0x258: {  	v1 =	vsel vm6, $0x75D, v1  }
0x259: {  	[tilespmem:$0x1E0E0] =	vst v1;
	v1 =	vld [tilespmem:$0x1DDE0];
	_ =	sdelay $0x4  }
0x25a: {  	v1 =	vsel vm6, $0x465, v1  }
0x25b: {  	[tilespmem:$0x1E0F0] =	vst v1;
	v1 =	vld [tilespmem:$0x1DDF0];
	_ =	sdelay $0x4  }
0x25c: {  	v1 =	vsel vm6, $0x565, v1  }
0x25d: {  	[tilespmem:$0x1E100] =	vst v1;
	v1 =	vld [tilespmem:$0x1DE00];
	_ =	sdelay $0x4  }
0x25e: {  	v1 =	vsel vm6, $0x665, v1  }
0x25f: {  	[tilespmem:$0x1E110] =	vst v1;
	v1 =	vld [tilespmem:$0x1DE10];
	_ =	sdelay $0x4  }
0x260: {  	v1 =	vsel vm6, $0x765, v1  }
0x261: {  	[tilespmem:$0x1E120] =	vst v1;
	v1 =	vld [tilespmem:$0x1DE20];
	_ =	sdelay $0x4  }
0x262: {  	v1 =	vsel vm6, $0x46D, v1  }
0x263: {  	[tilespmem:$0x1E130] =	vst v1;
	v1 =	vld [tilespmem:$0x1DE30];
	_ =	sdelay $0x4  }
0x264: {  	v1 =	vsel vm6, $0x56D, v1  }
0x265: {  	[tilespmem:$0x1E140] =	vst v1;
	v1 =	vld [tilespmem:$0x1DE40];
	_ =	sdelay $0x4  }
0x266: {  	v1 =	vsel vm6, $0x66D, v1  }
0x267: {  	[tilespmem:$0x1E150] =	vst v1;
	v1 =	vld [tilespmem:$0x1DE50];
	_ =	sdelay $0x4  }
0x268: {  	v1 =	vsel vm6, $0x76D, v1  }
0x269: {  	[tilespmem:$0x1E160] =	vst v1;
	v1 =	vld [tilespmem:$0x1DE60];
	_ =	sdelay $0x4  }
0x26a: {  	v1 =	vsel vm6, $0x475, v1  }
0x26b: {  	[tilespmem:$0x1E170] =	vst v1;
	v1 =	vld [tilespmem:$0x1DE70];
	_ =	sdelay $0x4  }
0x26c: {  	v1 =	vsel vm6, $0x575, v1  }
0x26d: {  	[tilespmem:$0x1E180] =	vst v1;
	v1 =	vld [tilespmem:$0x1DE80];
	_ =	sdelay $0x4  }
0x26e: {  	v1 =	vsel vm6, $0x675, v1  }
0x26f: {  	[tilespmem:$0x1E190] =	vst v1;
	v1 =	vld [tilespmem:$0x1DE90];
	_ =	sdelay $0x4  }
0x270: {  	v1 =	vsel vm6, $0x775, v1  }
0x271: {  	[tilespmem:$0x1E1A0] =	vst v1;
	v1 =	vld [tilespmem:$0x1DEA0];
	_ =	sdelay $0x4  }
0x272: {  	v1 =	vsel vm6, $0x47D, v1  }
0x273: {  	[tilespmem:$0x1E1B0] =	vst v1;
	v1 =	vld [tilespmem:$0x1DEB0];
	_ =	sdelay $0x4  }
0x274: {  	v1 =	vsel vm6, $0x57D, v1  }
0x275: {  	[tilespmem:$0x1E1C0] =	vst v1;
	v1 =	vld [tilespmem:$0x1DEC0];
	_ =	sdelay $0x2  }
0x276: {  	v0 =	vsel vm5, $0x77C, v0  }
0x277: {  	v0 =	vsel vm6, $0x77D, v0  }
0x278: {  	[tilespmem:$0x1E1E0] =	vst v0;
	v0 =	vld [tilespmem:$0x1DED0];
	v1 =	vsel vm6, $0x67D, v1  }
0x279: {  	[tilespmem:$0x1E1D0] =	vst v1;
	v1 =	vld [tilespmem:$0x1E1E0];
	_ =	sdelay $0x2  }
0x27a: {  	vm7 =	vcmask $0x1B18  }
0x27b: {  	v0 =	vsel vm7, $0x61E, v0  }
0x27c: {  	[tilespmem:$0x1E1F0] =	vst v0;
	v0 =	vld [tilespmem:$0x1DEE0];
	v1 =	vsel vm7, $0x77E, v1  }
0x27d: {  	[tilespmem:$0x1E4F0] =	vst v1;
	v1 =	vld [tilespmem:$0x1E1F0];
	_ =	sdelay $0x3  }
0x27e: {  	vm8 =	vcmask $0x1F1C;
	v0 =	vsel vm7, $0x71E, v0  }
0x27f: {  	[tilespmem:$0x1E200] =	vst v0;
	v0 =	vld [tilespmem:$0x1DEF0];
	v1 =	vsel vm8, $0x61F, v1  }
0x280: {  	[tilespmem:$0x1E500] =	vst v1;
	v1 =	vld [tilespmem:$0x1E200];
	_ =	sdelay $0x3  }
0x281: {  	v0 =	vsel vm7, $0x426, v0  }
0x282: {  	[tilespmem:$0x1E210] =	vst v0;
	v0 =	vld [tilespmem:$0x1DF00];
	v1 =	vsel vm8, $0x71F, v1  }
0x283: {  	[tilespmem:$0x1E510] =	vst v1;
	v1 =	vld [tilespmem:$0x1E210];
	_ =	sdelay $0x3  }
0x284: {  	v0 =	vsel vm7, $0x526, v0  }
0x285: {  	[tilespmem:$0x1E220] =	vst v0;
	v0 =	vld [tilespmem:$0x1DF10];
	v1 =	vsel vm8, $0x427, v1  }
0x286: {  	[tilespmem:$0x1E520] =	vst v1;
	v1 =	vld [tilespmem:$0x1E220];
	_ =	sdelay $0x3  }
0x287: {  	v0 =	vsel vm7, $0x626, v0  }
0x288: {  	[tilespmem:$0x1E230] =	vst v0;
	v0 =	vld [tilespmem:$0x1DF20];
	v1 =	vsel vm8, $0x527, v1  }
0x289: {  	[tilespmem:$0x1E530] =	vst v1;
	v1 =	vld [tilespmem:$0x1E230];
	_ =	sdelay $0x3  }
0x28a: {  	v0 =	vsel vm7, $0x726, v0  }
0x28b: {  	[tilespmem:$0x1E240] =	vst v0;
	v0 =	vld [tilespmem:$0x1DF30];
	v1 =	vsel vm8, $0x627, v1  }
0x28c: {  	[tilespmem:$0x1E540] =	vst v1;
	v1 =	vld [tilespmem:$0x1E240];
	_ =	sdelay $0x3  }
0x28d: {  	v0 =	vsel vm7, $0x42E, v0  }
0x28e: {  	[tilespmem:$0x1E250] =	vst v0;
	v0 =	vld [tilespmem:$0x1DF40];
	v1 =	vsel vm8, $0x727, v1  }
0x28f: {  	[tilespmem:$0x1E550] =	vst v1;
	v1 =	vld [tilespmem:$0x1E250];
	_ =	sdelay $0x3  }
0x290: {  	v0 =	vsel vm7, $0x52E, v0  }
0x291: {  	[tilespmem:$0x1E260] =	vst v0;
	v0 =	vld [tilespmem:$0x1DF50];
	v1 =	vsel vm8, $0x42F, v1  }
0x292: {  	[tilespmem:$0x1E560] =	vst v1;
	v1 =	vld [tilespmem:$0x1E260];
	_ =	sdelay $0x3  }
0x293: {  	v0 =	vsel vm7, $0x62E, v0  }
0x294: {  	[tilespmem:$0x1E270] =	vst v0;
	v0 =	vld [tilespmem:$0x1DF60];
	v1 =	vsel vm8, $0x52F, v1  }
0x295: {  	[tilespmem:$0x1E570] =	vst v1;
	v1 =	vld [tilespmem:$0x1E270];
	_ =	sdelay $0x3  }
0x296: {  	v0 =	vsel vm7, $0x72E, v0  }
0x297: {  	[tilespmem:$0x1E280] =	vst v0;
	v0 =	vld [tilespmem:$0x1DF70];
	v1 =	vsel vm8, $0x62F, v1  }
0x298: {  	[tilespmem:$0x1E580] =	vst v1;
	v1 =	vld [tilespmem:$0x1E280];
	_ =	sdelay $0x3  }
0x299: {  	v0 =	vsel vm7, $0x436, v0  }
0x29a: {  	[tilespmem:$0x1E290] =	vst v0;
	v0 =	vld [tilespmem:$0x1DF80];
	v1 =	vsel vm8, $0x72F, v1  }
0x29b: {  	[tilespmem:$0x1E590] =	vst v1;
	v1 =	vld [tilespmem:$0x1E290];
	_ =	sdelay $0x3  }
0x29c: {  	v0 =	vsel vm7, $0x536, v0  }
0x29d: {  	[tilespmem:$0x1E2A0] =	vst v0;
	v0 =	vld [tilespmem:$0x1DF90];
	v1 =	vsel vm8, $0x437, v1  }
0x29e: {  	[tilespmem:$0x1E5A0] =	vst v1;
	v1 =	vld [tilespmem:$0x1E2A0];
	_ =	sdelay $0x3  }
0x29f: {  	v0 =	vsel vm7, $0x636, v0  }
0x2a0: {  	[tilespmem:$0x1E2B0] =	vst v0;
	v0 =	vld [tilespmem:$0x1DFA0];
	v1 =	vsel vm8, $0x537, v1  }
0x2a1: {  	[tilespmem:$0x1E5B0] =	vst v1;
	v1 =	vld [tilespmem:$0x1E2B0];
	_ =	sdelay $0x3  }
0x2a2: {  	v0 =	vsel vm7, $0x736, v0  }
0x2a3: {  	[tilespmem:$0x1E2C0] =	vst v0;
	v0 =	vld [tilespmem:$0x1DFB0];
	v1 =	vsel vm8, $0x637, v1  }
0x2a4: {  	[tilespmem:$0x1E5C0] =	vst v1;
	v1 =	vld [tilespmem:$0x1E2C0];
	_ =	sdelay $0x3  }
0x2a5: {  	v0 =	vsel vm7, $0x43E, v0  }
0x2a6: {  	[tilespmem:$0x1E2D0] =	vst v0;
	v0 =	vld [tilespmem:$0x1DFC0];
	v1 =	vsel vm8, $0x737, v1  }
0x2a7: {  	[tilespmem:$0x1E5D0] =	vst v1;
	v1 =	vld [tilespmem:$0x1E2D0];
	_ =	sdelay $0x3  }
0x2a8: {  	v0 =	vsel vm7, $0x53E, v0  }
0x2a9: {  	[tilespmem:$0x1E2E0] =	vst v0;
	v0 =	vld [tilespmem:$0x1DFD0];
	v1 =	vsel vm8, $0x43F, v1  }
0x2aa: {  	[tilespmem:$0x1E5E0] =	vst v1;
	v1 =	vld [tilespmem:$0x1E2E0];
	_ =	sdelay $0x3  }
0x2ab: {  	v0 =	vsel vm7, $0x63E, v0  }
0x2ac: {  	[tilespmem:$0x1E2F0] =	vst v0;
	v0 =	vld [tilespmem:$0x1DFE0];
	v1 =	vsel vm8, $0x53F, v1  }
0x2ad: {  	[tilespmem:$0x1E5F0] =	vst v1;
	v1 =	vld [tilespmem:$0x1E2F0];
	_ =	sdelay $0x3  }
0x2ae: {  	v0 =	vsel vm7, $0x73E, v0  }
0x2af: {  	[tilespmem:$0x1E300] =	vst v0;
	v0 =	vld [tilespmem:$0x1DFF0];
	v1 =	vsel vm8, $0x63F, v1  }
0x2b0: {  	[tilespmem:$0x1E600] =	vst v1;
	v1 =	vld [tilespmem:$0x1E300];
	_ =	sdelay $0x3  }
0x2b1: {  	v0 =	vsel vm7, $0x446, v0  }
0x2b2: {  	[tilespmem:$0x1E310] =	vst v0;
	v0 =	vld [tilespmem:$0x1E000];
	v1 =	vsel vm8, $0x73F, v1  }
0x2b3: {  	[tilespmem:$0x1E610] =	vst v1;
	v1 =	vld [tilespmem:$0x1E310];
	_ =	sdelay $0x3  }
0x2b4: {  	v0 =	vsel vm7, $0x546, v0  }
0x2b5: {  	[tilespmem:$0x1E320] =	vst v0;
	v0 =	vld [tilespmem:$0x1E010];
	v1 =	vsel vm8, $0x447, v1  }
0x2b6: {  	[tilespmem:$0x1E620] =	vst v1;
	v1 =	vld [tilespmem:$0x1E320];
	_ =	sdelay $0x3  }
0x2b7: {  	v0 =	vsel vm7, $0x646, v0  }
0x2b8: {  	[tilespmem:$0x1E330] =	vst v0;
	v0 =	vld [tilespmem:$0x1E020];
	v1 =	vsel vm8, $0x547, v1  }
0x2b9: {  	[tilespmem:$0x1E630] =	vst v1;
	v1 =	vld [tilespmem:$0x1E330];
	_ =	sdelay $0x3  }
0x2ba: {  	v0 =	vsel vm7, $0x746, v0  }
0x2bb: {  	[tilespmem:$0x1E340] =	vst v0;
	v0 =	vld [tilespmem:$0x1E030];
	v1 =	vsel vm8, $0x647, v1  }
0x2bc: {  	[tilespmem:$0x1E640] =	vst v1;
	v1 =	vld [tilespmem:$0x1E340];
	_ =	sdelay $0x3  }
0x2bd: {  	v0 =	vsel vm7, $0x44E, v0  }
0x2be: {  	[tilespmem:$0x1E350] =	vst v0;
	v0 =	vld [tilespmem:$0x1E040];
	v1 =	vsel vm8, $0x747, v1  }
0x2bf: {  	[tilespmem:$0x1E650] =	vst v1;
	v1 =	vld [tilespmem:$0x1E350];
	_ =	sdelay $0x3  }
0x2c0: {  	v0 =	vsel vm7, $0x54E, v0  }
0x2c1: {  	[tilespmem:$0x1E360] =	vst v0;
	v0 =	vld [tilespmem:$0x1E050];
	v1 =	vsel vm8, $0x44F, v1  }
0x2c2: {  	[tilespmem:$0x1E660] =	vst v1;
	v1 =	vld [tilespmem:$0x1E360];
	_ =	sdelay $0x3  }
0x2c3: {  	v0 =	vsel vm7, $0x64E, v0  }
0x2c4: {  	[tilespmem:$0x1E370] =	vst v0;
	v0 =	vld [tilespmem:$0x1E060];
	v1 =	vsel vm8, $0x54F, v1  }
0x2c5: {  	[tilespmem:$0x1E670] =	vst v1;
	v1 =	vld [tilespmem:$0x1E370];
	_ =	sdelay $0x3  }
0x2c6: {  	v0 =	vsel vm7, $0x74E, v0  }
0x2c7: {  	[tilespmem:$0x1E380] =	vst v0;
	v0 =	vld [tilespmem:$0x1E070];
	v1 =	vsel vm8, $0x64F, v1  }
0x2c8: {  	[tilespmem:$0x1E680] =	vst v1;
	v1 =	vld [tilespmem:$0x1E380];
	_ =	sdelay $0x3  }
0x2c9: {  	v0 =	vsel vm7, $0x456, v0  }
0x2ca: {  	[tilespmem:$0x1E390] =	vst v0;
	v0 =	vld [tilespmem:$0x1E080];
	v1 =	vsel vm8, $0x74F, v1  }
0x2cb: {  	[tilespmem:$0x1E690] =	vst v1;
	v1 =	vld [tilespmem:$0x1E390];
	_ =	sdelay $0x3  }
0x2cc: {  	v0 =	vsel vm7, $0x556, v0  }
0x2cd: {  	[tilespmem:$0x1E3A0] =	vst v0;
	v0 =	vld [tilespmem:$0x1E090];
	v1 =	vsel vm8, $0x457, v1  }
0x2ce: {  	[tilespmem:$0x1E6A0] =	vst v1;
	v1 =	vld [tilespmem:$0x1E3A0];
	_ =	sdelay $0x3  }
0x2cf: {  	v0 =	vsel vm7, $0x656, v0  }
0x2d0: {  	[tilespmem:$0x1E3B0] =	vst v0;
	v0 =	vld [tilespmem:$0x1E0A0];
	v1 =	vsel vm8, $0x557, v1  }
0x2d1: {  	[tilespmem:$0x1E6B0] =	vst v1;
	v1 =	vld [tilespmem:$0x1E3B0];
	_ =	sdelay $0x3  }
0x2d2: {  	v0 =	vsel vm7, $0x756, v0  }
0x2d3: {  	[tilespmem:$0x1E3C0] =	vst v0;
	v0 =	vld [tilespmem:$0x1E0B0];
	v1 =	vsel vm8, $0x657, v1  }
0x2d4: {  	[tilespmem:$0x1E6C0] =	vst v1;
	v1 =	vld [tilespmem:$0x1E3C0];
	_ =	sdelay $0x3  }
0x2d5: {  	v0 =	vsel vm7, $0x45E, v0  }
0x2d6: {  	[tilespmem:$0x1E3D0] =	vst v0;
	v0 =	vld [tilespmem:$0x1E0C0];
	v1 =	vsel vm8, $0x757, v1  }
0x2d7: {  	[tilespmem:$0x1E6D0] =	vst v1;
	v1 =	vld [tilespmem:$0x1E3D0];
	_ =	sdelay $0x3  }
0x2d8: {  	v0 =	vsel vm7, $0x55E, v0  }
0x2d9: {  	[tilespmem:$0x1E3E0] =	vst v0;
	v0 =	vld [tilespmem:$0x1E0D0];
	v1 =	vsel vm8, $0x45F, v1  }
0x2da: {  	[tilespmem:$0x1E6E0] =	vst v1;
	v1 =	vld [tilespmem:$0x1E3E0];
	_ =	sdelay $0x3  }
0x2db: {  	v0 =	vsel vm7, $0x65E, v0  }
0x2dc: {  	[tilespmem:$0x1E3F0] =	vst v0;
	v0 =	vld [tilespmem:$0x1E0E0];
	v1 =	vsel vm8, $0x55F, v1  }
0x2dd: {  	[tilespmem:$0x1E6F0] =	vst v1;
	v1 =	vld [tilespmem:$0x1E3F0];
	_ =	sdelay $0x3  }
0x2de: {  	v0 =	vsel vm7, $0x75E, v0  }
0x2df: {  	[tilespmem:$0x1E400] =	vst v0;
	v0 =	vld [tilespmem:$0x1E0F0];
	v1 =	vsel vm8, $0x65F, v1  }
0x2e0: {  	[tilespmem:$0x1E700] =	vst v1;
	v1 =	vld [tilespmem:$0x1E400];
	_ =	sdelay $0x3  }
0x2e1: {  	v0 =	vsel vm7, $0x466, v0  }
0x2e2: {  	[tilespmem:$0x1E410] =	vst v0;
	v0 =	vld [tilespmem:$0x1E100];
	v1 =	vsel vm8, $0x75F, v1  }
0x2e3: {  	[tilespmem:$0x1E710] =	vst v1;
	v1 =	vld [tilespmem:$0x1E410];
	_ =	sdelay $0x3  }
0x2e4: {  	v0 =	vsel vm7, $0x566, v0  }
0x2e5: {  	[tilespmem:$0x1E420] =	vst v0;
	v0 =	vld [tilespmem:$0x1E110];
	v1 =	vsel vm8, $0x467, v1  }
0x2e6: {  	[tilespmem:$0x1E720] =	vst v1;
	v1 =	vld [tilespmem:$0x1E420];
	_ =	sdelay $0x3  }
0x2e7: {  	v0 =	vsel vm7, $0x666, v0  }
0x2e8: {  	[tilespmem:$0x1E430] =	vst v0;
	v0 =	vld [tilespmem:$0x1E120];
	v1 =	vsel vm8, $0x567, v1  }
0x2e9: {  	[tilespmem:$0x1E730] =	vst v1;
	v1 =	vld [tilespmem:$0x1E430];
	_ =	sdelay $0x3  }
0x2ea: {  	v0 =	vsel vm7, $0x766, v0  }
0x2eb: {  	[tilespmem:$0x1E440] =	vst v0;
	v0 =	vld [tilespmem:$0x1E130];
	v1 =	vsel vm8, $0x667, v1  }
0x2ec: {  	[tilespmem:$0x1E740] =	vst v1;
	v1 =	vld [tilespmem:$0x1E440];
	_ =	sdelay $0x3  }
0x2ed: {  	v0 =	vsel vm7, $0x46E, v0  }
0x2ee: {  	[tilespmem:$0x1E450] =	vst v0;
	v0 =	vld [tilespmem:$0x1E140];
	v1 =	vsel vm8, $0x767, v1  }
0x2ef: {  	[tilespmem:$0x1E750] =	vst v1;
	v1 =	vld [tilespmem:$0x1E450];
	_ =	sdelay $0x3  }
0x2f0: {  	v0 =	vsel vm7, $0x56E, v0  }
0x2f1: {  	[tilespmem:$0x1E460] =	vst v0;
	v0 =	vld [tilespmem:$0x1E150];
	v1 =	vsel vm8, $0x46F, v1  }
0x2f2: {  	[tilespmem:$0x1E760] =	vst v1;
	v1 =	vld [tilespmem:$0x1E460];
	_ =	sdelay $0x3  }
0x2f3: {  	v0 =	vsel vm7, $0x66E, v0  }
0x2f4: {  	[tilespmem:$0x1E470] =	vst v0;
	v0 =	vld [tilespmem:$0x1E160];
	v1 =	vsel vm8, $0x56F, v1  }
0x2f5: {  	[tilespmem:$0x1E770] =	vst v1;
	v1 =	vld [tilespmem:$0x1E470];
	_ =	sdelay $0x3  }
0x2f6: {  	v0 =	vsel vm7, $0x76E, v0  }
0x2f7: {  	[tilespmem:$0x1E480] =	vst v0;
	v0 =	vld [tilespmem:$0x1E170];
	v1 =	vsel vm8, $0x66F, v1  }
0x2f8: {  	[tilespmem:$0x1E780] =	vst v1;
	v1 =	vld [tilespmem:$0x1E480];
	_ =	sdelay $0x3  }
0x2f9: {  	v0 =	vsel vm7, $0x476, v0  }
0x2fa: {  	[tilespmem:$0x1E490] =	vst v0;
	v0 =	vld [tilespmem:$0x1E180];
	v1 =	vsel vm8, $0x76F, v1  }
0x2fb: {  	[tilespmem:$0x1E790] =	vst v1;
	v1 =	vld [tilespmem:$0x1E490];
	_ =	sdelay $0x3  }
0x2fc: {  	v0 =	vsel vm7, $0x576, v0  }
0x2fd: {  	[tilespmem:$0x1E4A0] =	vst v0;
	v0 =	vld [tilespmem:$0x1E190];
	v1 =	vsel vm8, $0x477, v1  }
0x2fe: {  	[tilespmem:$0x1E7A0] =	vst v1;
	v1 =	vld [tilespmem:$0x1E4A0];
	_ =	sdelay $0x3  }
0x2ff: {  	v0 =	vsel vm7, $0x676, v0  }
0x300: {  	[tilespmem:$0x1E4B0] =	vst v0;
	v0 =	vld [tilespmem:$0x1E1A0];
	v1 =	vsel vm8, $0x577, v1  }
0x301: {  	[tilespmem:$0x1E7B0] =	vst v1;
	v1 =	vld [tilespmem:$0x1E4B0];
	_ =	sdelay $0x3  }
0x302: {  	v0 =	vsel vm7, $0x776, v0  }
0x303: {  	[tilespmem:$0x1E4C0] =	vst v0;
	v0 =	vld [tilespmem:$0x1E1B0];
	v1 =	vsel vm8, $0x677, v1  }
0x304: {  	[tilespmem:$0x1E7C0] =	vst v1;
	v1 =	vld [tilespmem:$0x1E4C0];
	_ =	sdelay $0x3  }
0x305: {  	v0 =	vsel vm7, $0x47E, v0  }
0x306: {  	[tilespmem:$0x1E4D0] =	vst v0;
	v0 =	vld [tilespmem:$0x1E1C0];
	v1 =	vsel vm8, $0x777, v1  }
0x307: {  	[tilespmem:$0x1E7D0] =	vst v1;
	v1 =	vld [tilespmem:$0x1E4D0];
	_ =	sdelay $0x3  }
0x308: {  	v0 =	vsel vm7, $0x57E, v0  }
0x309: {  	[tilespmem:$0x1E4E0] =	vst v0;
	v1 =	vsel vm8, $0x47F, v1  }
0x30a: {  	[tilespmem:$0x1E7E0] =	vst v1;
	v1 =	vld [tilespmem:$0x1E4E0];
	_ =	sdelay $0x4  }
0x30b: {  	v1 =	vsel vm8, $0x57F, v1  }
0x30c: {  	[tilespmem:$0x1E7F0] =	vst v1;
	v1 =	vld [tilespmem:$0x1E500];
	_ =	sdelay $0x3  }
0x30d: {  	vm9 =	vcmask $0x2320  }
0x30e: {  	v1 =	vsel vm9, $0x698, v1  }
0x30f: {  	[tilespmem:$0x1E810] =	vst v1;
	v1 =	vld [tilespmem:$0x1E510];
	_ =	sdelay $0x4  }
0x310: {  	v1 =	vsel vm9, $0x798, v1  }
0x311: {  	[tilespmem:$0x1E820] =	vst v1;
	v1 =	vld [tilespmem:$0x1E520];
	_ =	sdelay $0x4  }
0x312: {  	v1 =	vsel vm9, $0x4A0, v1  }
0x313: {  	[tilespmem:$0x1E830] =	vst v1;
	v1 =	vld [tilespmem:$0x1E530];
	_ =	sdelay $0x4  }
0x314: {  	v1 =	vsel vm9, $0x5A0, v1  }
0x315: {  	[tilespmem:$0x1E840] =	vst v1;
	v1 =	vld [tilespmem:$0x1E540];
	_ =	sdelay $0x4  }
0x316: {  	v1 =	vsel vm9, $0x6A0, v1  }
0x317: {  	[tilespmem:$0x1E850] =	vst v1;
	v1 =	vld [tilespmem:$0x1E550];
	_ =	sdelay $0x4  }
0x318: {  	v1 =	vsel vm9, $0x7A0, v1  }
0x319: {  	[tilespmem:$0x1E860] =	vst v1;
	v1 =	vld [tilespmem:$0x1E560];
	_ =	sdelay $0x4  }
0x31a: {  	v1 =	vsel vm9, $0x4A8, v1  }
0x31b: {  	[tilespmem:$0x1E870] =	vst v1;
	v1 =	vld [tilespmem:$0x1E570];
	_ =	sdelay $0x4  }
0x31c: {  	v1 =	vsel vm9, $0x5A8, v1  }
0x31d: {  	[tilespmem:$0x1E880] =	vst v1;
	v1 =	vld [tilespmem:$0x1E580];
	_ =	sdelay $0x4  }
0x31e: {  	v1 =	vsel vm9, $0x6A8, v1  }
0x31f: {  	[tilespmem:$0x1E890] =	vst v1;
	v1 =	vld [tilespmem:$0x1E590];
	_ =	sdelay $0x4  }
0x320: {  	v1 =	vsel vm9, $0x7A8, v1  }
0x321: {  	[tilespmem:$0x1E8A0] =	vst v1;
	v1 =	vld [tilespmem:$0x1E5A0];
	_ =	sdelay $0x4  }
0x322: {  	v1 =	vsel vm9, $0x4B0, v1  }
0x323: {  	[tilespmem:$0x1E8B0] =	vst v1;
	v1 =	vld [tilespmem:$0x1E5B0];
	_ =	sdelay $0x4  }
0x324: {  	v1 =	vsel vm9, $0x5B0, v1  }
0x325: {  	[tilespmem:$0x1E8C0] =	vst v1;
	v1 =	vld [tilespmem:$0x1E5C0];
	_ =	sdelay $0x4  }
0x326: {  	v1 =	vsel vm9, $0x6B0, v1  }
0x327: {  	[tilespmem:$0x1E8D0] =	vst v1;
	v1 =	vld [tilespmem:$0x1E5D0];
	_ =	sdelay $0x4  }
0x328: {  	v1 =	vsel vm9, $0x7B0, v1  }
0x329: {  	[tilespmem:$0x1E8E0] =	vst v1;
	v1 =	vld [tilespmem:$0x1E5E0];
	_ =	sdelay $0x4  }
0x32a: {  	v1 =	vsel vm9, $0x4B8, v1  }
0x32b: {  	[tilespmem:$0x1E8F0] =	vst v1;
	v1 =	vld [tilespmem:$0x1E5F0];
	_ =	sdelay $0x4  }
0x32c: {  	v1 =	vsel vm9, $0x5B8, v1  }
0x32d: {  	[tilespmem:$0x1E900] =	vst v1;
	v1 =	vld [tilespmem:$0x1E600];
	_ =	sdelay $0x4  }
0x32e: {  	v1 =	vsel vm9, $0x6B8, v1  }
0x32f: {  	[tilespmem:$0x1E910] =	vst v1;
	v1 =	vld [tilespmem:$0x1E610];
	_ =	sdelay $0x4  }
0x330: {  	v1 =	vsel vm9, $0x7B8, v1  }
0x331: {  	[tilespmem:$0x1E920] =	vst v1;
	v1 =	vld [tilespmem:$0x1E620];
	_ =	sdelay $0x4  }
0x332: {  	v1 =	vsel vm9, $0x4C0, v1  }
0x333: {  	[tilespmem:$0x1E930] =	vst v1;
	v1 =	vld [tilespmem:$0x1E630];
	_ =	sdelay $0x4  }
0x334: {  	v1 =	vsel vm9, $0x5C0, v1  }
0x335: {  	[tilespmem:$0x1E940] =	vst v1;
	v1 =	vld [tilespmem:$0x1E640];
	_ =	sdelay $0x4  }
0x336: {  	v1 =	vsel vm9, $0x6C0, v1  }
0x337: {  	[tilespmem:$0x1E950] =	vst v1;
	v1 =	vld [tilespmem:$0x1E650];
	_ =	sdelay $0x4  }
0x338: {  	v1 =	vsel vm9, $0x7C0, v1  }
0x339: {  	[tilespmem:$0x1E960] =	vst v1;
	v1 =	vld [tilespmem:$0x1E660];
	_ =	sdelay $0x4  }
0x33a: {  	v1 =	vsel vm9, $0x4C8, v1  }
0x33b: {  	[tilespmem:$0x1E970] =	vst v1;
	v1 =	vld [tilespmem:$0x1E670];
	_ =	sdelay $0x4  }
0x33c: {  	v1 =	vsel vm9, $0x5C8, v1  }
0x33d: {  	[tilespmem:$0x1E980] =	vst v1;
	v1 =	vld [tilespmem:$0x1E680];
	_ =	sdelay $0x4  }
0x33e: {  	v1 =	vsel vm9, $0x6C8, v1  }
0x33f: {  	[tilespmem:$0x1E990] =	vst v1;
	v1 =	vld [tilespmem:$0x1E690];
	_ =	sdelay $0x4  }
0x340: {  	v1 =	vsel vm9, $0x7C8, v1  }
0x341: {  	[tilespmem:$0x1E9A0] =	vst v1;
	v1 =	vld [tilespmem:$0x1E6A0];
	_ =	sdelay $0x4  }
0x342: {  	v1 =	vsel vm9, $0x4D0, v1  }
0x343: {  	[tilespmem:$0x1E9B0] =	vst v1;
	v1 =	vld [tilespmem:$0x1E6B0];
	_ =	sdelay $0x4  }
0x344: {  	v1 =	vsel vm9, $0x5D0, v1  }
0x345: {  	[tilespmem:$0x1E9C0] =	vst v1;
	v1 =	vld [tilespmem:$0x1E6C0];
	_ =	sdelay $0x4  }
0x346: {  	v1 =	vsel vm9, $0x6D0, v1  }
0x347: {  	[tilespmem:$0x1E9D0] =	vst v1;
	v1 =	vld [tilespmem:$0x1E6D0];
	_ =	sdelay $0x4  }
0x348: {  	v1 =	vsel vm9, $0x7D0, v1  }
0x349: {  	[tilespmem:$0x1E9E0] =	vst v1;
	v1 =	vld [tilespmem:$0x1E6E0];
	_ =	sdelay $0x2  }
0x34a: {  	v0 =	vld [tilespmem:$0x1E1D0];
	_ =	sdelay $0x1  }
0x34b: {  	v1 =	vsel vm9, $0x4D8, v1  }
0x34c: {  	[tilespmem:$0x1E9F0] =	vst v1;
	v1 =	vld [tilespmem:$0x1E6F0];
	_ =	sdelay $0x1  }
0x34d: {  	v0 =	vsel vm7, $0x67E, v0  }
0x34e: {  	v0 =	vsel vm8, $0x67F, v0  }
0x34f: {  	[tilespmem:$0x1E800] =	vst v0;
	v0 =	vld [tilespmem:$0x1E4F0]  }
0x350: {  	v1 =	vsel vm9, $0x5D8, v1  }
0x351: {  	[tilespmem:$0x1EA00] =	vst v1;
	v1 =	vld [tilespmem:$0x1E700];
	_ =	sdelay $0x2  }
0x352: {  	v0 =	vsel vm8, $0x77F, v0  }
0x353: {  	v0 =	vsel vm9, $0x7F8, v0  }
0x354: {  	[tilespmem:$0x1EB20] =	vst v0;
	v0 =	vld [tilespmem:$0x1E810];
	v1 =	vsel vm9, $0x6D8, v1  }
0x355: {  	[tilespmem:$0x1EA10] =	vst v1;
	v1 =	vld [tilespmem:$0x1E710];
	_ =	sdelay $0x2  }
0x356: {  	vm10 =	vcmask $0x2724  }
0x357: {  	v0 =	vsel vm10, $0x699, v0  }
0x358: {  	[tilespmem:$0x1EB30] =	vst v0;
	v0 =	vld [tilespmem:$0x1E820];
	v1 =	vsel vm9, $0x7D8, v1  }
0x359: {  	[tilespmem:$0x1EA20] =	vst v1;
	v1 =	vld [tilespmem:$0x1E720];
	_ =	sdelay $0x3  }
0x35a: {  	v0 =	vsel vm10, $0x799, v0  }
0x35b: {  	[tilespmem:$0x1EB40] =	vst v0;
	v0 =	vld [tilespmem:$0x1E830];
	v1 =	vsel vm9, $0x4E0, v1  }
0x35c: {  	[tilespmem:$0x1EA30] =	vst v1;
	v1 =	vld [tilespmem:$0x1E730];
	_ =	sdelay $0x3  }
0x35d: {  	v0 =	vsel vm10, $0x4A1, v0  }
0x35e: {  	[tilespmem:$0x1EB50] =	vst v0;
	v0 =	vld [tilespmem:$0x1E840];
	v1 =	vsel vm9, $0x5E0, v1  }
0x35f: {  	[tilespmem:$0x1EA40] =	vst v1;
	v1 =	vld [tilespmem:$0x1E740];
	_ =	sdelay $0x3  }
0x360: {  	v0 =	vsel vm10, $0x5A1, v0  }
0x361: {  	[tilespmem:$0x1EB60] =	vst v0;
	v0 =	vld [tilespmem:$0x1E850];
	v1 =	vsel vm9, $0x6E0, v1  }
0x362: {  	[tilespmem:$0x1EA50] =	vst v1;
	v1 =	vld [tilespmem:$0x1E750];
	_ =	sdelay $0x3  }
0x363: {  	v0 =	vsel vm10, $0x6A1, v0  }
0x364: {  	[tilespmem:$0x1EB70] =	vst v0;
	v0 =	vld [tilespmem:$0x1E860];
	v1 =	vsel vm9, $0x7E0, v1  }
0x365: {  	[tilespmem:$0x1EA60] =	vst v1;
	v1 =	vld [tilespmem:$0x1E760];
	_ =	sdelay $0x3  }
0x366: {  	v0 =	vsel vm10, $0x7A1, v0  }
0x367: {  	[tilespmem:$0x1EB80] =	vst v0;
	v0 =	vld [tilespmem:$0x1E870];
	v1 =	vsel vm9, $0x4E8, v1  }
0x368: {  	[tilespmem:$0x1EA70] =	vst v1;
	v1 =	vld [tilespmem:$0x1E770];
	_ =	sdelay $0x3  }
0x369: {  	v0 =	vsel vm10, $0x4A9, v0  }
0x36a: {  	[tilespmem:$0x1EB90] =	vst v0;
	v0 =	vld [tilespmem:$0x1E880];
	v1 =	vsel vm9, $0x5E8, v1  }
0x36b: {  	[tilespmem:$0x1EA80] =	vst v1;
	v1 =	vld [tilespmem:$0x1E780];
	_ =	sdelay $0x3  }
0x36c: {  	v0 =	vsel vm10, $0x5A9, v0  }
0x36d: {  	[tilespmem:$0x1EBA0] =	vst v0;
	v0 =	vld [tilespmem:$0x1E890];
	v1 =	vsel vm9, $0x6E8, v1  }
0x36e: {  	[tilespmem:$0x1EA90] =	vst v1;
	v1 =	vld [tilespmem:$0x1E790];
	_ =	sdelay $0x3  }
0x36f: {  	v0 =	vsel vm10, $0x6A9, v0  }
0x370: {  	[tilespmem:$0x1EBB0] =	vst v0;
	v0 =	vld [tilespmem:$0x1E8A0];
	v1 =	vsel vm9, $0x7E8, v1  }
0x371: {  	[tilespmem:$0x1EAA0] =	vst v1;
	v1 =	vld [tilespmem:$0x1E7A0];
	_ =	sdelay $0x3  }
0x372: {  	v0 =	vsel vm10, $0x7A9, v0  }
0x373: {  	[tilespmem:$0x1EBC0] =	vst v0;
	v0 =	vld [tilespmem:$0x1E8B0];
	v1 =	vsel vm9, $0x4F0, v1  }
0x374: {  	[tilespmem:$0x1EAB0] =	vst v1;
	v1 =	vld [tilespmem:$0x1E7B0];
	_ =	sdelay $0x3  }
0x375: {  	v0 =	vsel vm10, $0x4B1, v0  }
0x376: {  	[tilespmem:$0x1EBD0] =	vst v0;
	v0 =	vld [tilespmem:$0x1E8C0];
	v1 =	vsel vm9, $0x5F0, v1  }
0x377: {  	[tilespmem:$0x1EAC0] =	vst v1;
	v1 =	vld [tilespmem:$0x1E7C0];
	_ =	sdelay $0x3  }
0x378: {  	v0 =	vsel vm10, $0x5B1, v0  }
0x379: {  	[tilespmem:$0x1EBE0] =	vst v0;
	v0 =	vld [tilespmem:$0x1E8D0];
	v1 =	vsel vm9, $0x6F0, v1  }
0x37a: {  	[tilespmem:$0x1EAD0] =	vst v1;
	v1 =	vld [tilespmem:$0x1E7D0];
	_ =	sdelay $0x3  }
0x37b: {  	v0 =	vsel vm10, $0x6B1, v0  }
0x37c: {  	[tilespmem:$0x1EBF0] =	vst v0;
	v0 =	vld [tilespmem:$0x1E8E0];
	v1 =	vsel vm9, $0x7F0, v1  }
0x37d: {  	[tilespmem:$0x1EAE0] =	vst v1;
	v1 =	vld [tilespmem:$0x1E7E0];
	_ =	sdelay $0x3  }
0x37e: {  	v0 =	vsel vm10, $0x7B1, v0  }
0x37f: {  	[tilespmem:$0x1EC00] =	vst v0;
	v0 =	vld [tilespmem:$0x1E8F0];
	v1 =	vsel vm9, $0x4F8, v1  }
0x380: {  	[tilespmem:$0x1EAF0] =	vst v1;
	v1 =	vld [tilespmem:$0x1E7F0];
	_ =	sdelay $0x3  }
0x381: {  	v0 =	vsel vm10, $0x4B9, v0  }
0x382: {  	[tilespmem:$0x1EC10] =	vst v0;
	v0 =	vld [tilespmem:$0x1E900];
	v1 =	vsel vm9, $0x5F8, v1  }
0x383: {  	[tilespmem:$0x1EB00] =	vst v1;
	v1 =	vld [tilespmem:$0x1E800];
	_ =	sdelay $0x3  }
0x384: {  	v0 =	vsel vm10, $0x5B9, v0  }
0x385: {  	[tilespmem:$0x1EC20] =	vst v0;
	v0 =	vld [tilespmem:$0x1E910];
	v1 =	vsel vm9, $0x6F8, v1  }
0x386: {  	[tilespmem:$0x1EB10] =	vst v1;
	v1 =	vld [tilespmem:$0x1EB20];
	_ =	sdelay $0x3  }
0x387: {  	v0 =	vsel vm10, $0x6B9, v0  }
0x388: {  	[tilespmem:$0x1EC30] =	vst v0;
	v0 =	vld [tilespmem:$0x1E920];
	v1 =	vsel vm10, $0x7F9, v1  }
0x389: {  	[tilespmem:$0x1EE30] =	vst v1;
	v1 =	vld [tilespmem:$0x1EB30];
	_ =	sdelay $0x3  }
0x38a: {  	vm11 =	vcmask $0x2B28;
	v0 =	vsel vm10, $0x7B9, v0  }
0x38b: {  	[tilespmem:$0x1EC40] =	vst v0;
	v0 =	vld [tilespmem:$0x1E930];
	v1 =	vsel vm11, $0x69A, v1  }
0x38c: {  	[tilespmem:$0x1EE40] =	vst v1;
	v1 =	vld [tilespmem:$0x1EB40];
	_ =	sdelay $0x3  }
0x38d: {  	v0 =	vsel vm10, $0x4C1, v0  }
0x38e: {  	[tilespmem:$0x1EC50] =	vst v0;
	v0 =	vld [tilespmem:$0x1E940];
	v1 =	vsel vm11, $0x79A, v1  }
0x38f: {  	[tilespmem:$0x1EE50] =	vst v1;
	v1 =	vld [tilespmem:$0x1EB50];
	_ =	sdelay $0x3  }
0x390: {  	v0 =	vsel vm10, $0x5C1, v0  }
0x391: {  	[tilespmem:$0x1EC60] =	vst v0;
	v0 =	vld [tilespmem:$0x1E950];
	v1 =	vsel vm11, $0x4A2, v1  }
0x392: {  	[tilespmem:$0x1EE60] =	vst v1;
	v1 =	vld [tilespmem:$0x1EB60];
	_ =	sdelay $0x3  }
0x393: {  	v0 =	vsel vm10, $0x6C1, v0  }
0x394: {  	[tilespmem:$0x1EC70] =	vst v0;
	v0 =	vld [tilespmem:$0x1E960];
	v1 =	vsel vm11, $0x5A2, v1  }
0x395: {  	[tilespmem:$0x1EE70] =	vst v1;
	v1 =	vld [tilespmem:$0x1EB70];
	_ =	sdelay $0x3  }
0x396: {  	v0 =	vsel vm10, $0x7C1, v0  }
0x397: {  	[tilespmem:$0x1EC80] =	vst v0;
	v0 =	vld [tilespmem:$0x1E970];
	v1 =	vsel vm11, $0x6A2, v1  }
0x398: {  	[tilespmem:$0x1EE80] =	vst v1;
	v1 =	vld [tilespmem:$0x1EB80];
	_ =	sdelay $0x3  }
0x399: {  	v0 =	vsel vm10, $0x4C9, v0  }
0x39a: {  	[tilespmem:$0x1EC90] =	vst v0;
	v0 =	vld [tilespmem:$0x1E980];
	v1 =	vsel vm11, $0x7A2, v1  }
0x39b: {  	[tilespmem:$0x1EE90] =	vst v1;
	v1 =	vld [tilespmem:$0x1EB90];
	_ =	sdelay $0x3  }
0x39c: {  	v0 =	vsel vm10, $0x5C9, v0  }
0x39d: {  	[tilespmem:$0x1ECA0] =	vst v0;
	v0 =	vld [tilespmem:$0x1E990];
	v1 =	vsel vm11, $0x4AA, v1  }
0x39e: {  	[tilespmem:$0x1EEA0] =	vst v1;
	v1 =	vld [tilespmem:$0x1EBA0];
	_ =	sdelay $0x3  }
0x39f: {  	v0 =	vsel vm10, $0x6C9, v0  }
0x3a0: {  	[tilespmem:$0x1ECB0] =	vst v0;
	v0 =	vld [tilespmem:$0x1E9A0];
	v1 =	vsel vm11, $0x5AA, v1  }
0x3a1: {  	[tilespmem:$0x1EEB0] =	vst v1;
	v1 =	vld [tilespmem:$0x1EBB0];
	_ =	sdelay $0x3  }
0x3a2: {  	v0 =	vsel vm10, $0x7C9, v0  }
0x3a3: {  	[tilespmem:$0x1ECC0] =	vst v0;
	v0 =	vld [tilespmem:$0x1E9B0];
	v1 =	vsel vm11, $0x6AA, v1  }
0x3a4: {  	[tilespmem:$0x1EEC0] =	vst v1;
	v1 =	vld [tilespmem:$0x1EBC0];
	_ =	sdelay $0x3  }
0x3a5: {  	v0 =	vsel vm10, $0x4D1, v0  }
0x3a6: {  	[tilespmem:$0x1ECD0] =	vst v0;
	v0 =	vld [tilespmem:$0x1E9C0];
	v1 =	vsel vm11, $0x7AA, v1  }
0x3a7: {  	[tilespmem:$0x1EED0] =	vst v1;
	v1 =	vld [tilespmem:$0x1EBD0];
	_ =	sdelay $0x3  }
0x3a8: {  	v0 =	vsel vm10, $0x5D1, v0  }
0x3a9: {  	[tilespmem:$0x1ECE0] =	vst v0;
	v0 =	vld [tilespmem:$0x1E9D0];
	v1 =	vsel vm11, $0x4B2, v1  }
0x3aa: {  	[tilespmem:$0x1EEE0] =	vst v1;
	v1 =	vld [tilespmem:$0x1EBE0];
	_ =	sdelay $0x3  }
0x3ab: {  	v0 =	vsel vm10, $0x6D1, v0  }
0x3ac: {  	[tilespmem:$0x1ECF0] =	vst v0;
	v0 =	vld [tilespmem:$0x1E9E0];
	v1 =	vsel vm11, $0x5B2, v1  }
0x3ad: {  	[tilespmem:$0x1EEF0] =	vst v1;
	v1 =	vld [tilespmem:$0x1EBF0];
	_ =	sdelay $0x3  }
0x3ae: {  	v0 =	vsel vm10, $0x7D1, v0  }
0x3af: {  	[tilespmem:$0x1ED00] =	vst v0;
	v0 =	vld [tilespmem:$0x1E9F0];
	v1 =	vsel vm11, $0x6B2, v1  }
0x3b0: {  	[tilespmem:$0x1EF00] =	vst v1;
	v1 =	vld [tilespmem:$0x1EC00];
	_ =	sdelay $0x3  }
0x3b1: {  	v0 =	vsel vm10, $0x4D9, v0  }
0x3b2: {  	[tilespmem:$0x1ED10] =	vst v0;
	v0 =	vld [tilespmem:$0x1EA00];
	v1 =	vsel vm11, $0x7B2, v1  }
0x3b3: {  	[tilespmem:$0x1EF10] =	vst v1;
	v1 =	vld [tilespmem:$0x1EC10];
	_ =	sdelay $0x3  }
0x3b4: {  	v0 =	vsel vm10, $0x5D9, v0  }
0x3b5: {  	[tilespmem:$0x1ED20] =	vst v0;
	v0 =	vld [tilespmem:$0x1EA10];
	v1 =	vsel vm11, $0x4BA, v1  }
0x3b6: {  	[tilespmem:$0x1EF20] =	vst v1;
	v1 =	vld [tilespmem:$0x1EC20];
	_ =	sdelay $0x3  }
0x3b7: {  	v0 =	vsel vm10, $0x6D9, v0  }
0x3b8: {  	[tilespmem:$0x1ED30] =	vst v0;
	v0 =	vld [tilespmem:$0x1EA20];
	v1 =	vsel vm11, $0x5BA, v1  }
0x3b9: {  	[tilespmem:$0x1EF30] =	vst v1;
	v1 =	vld [tilespmem:$0x1EC30];
	_ =	sdelay $0x3  }
0x3ba: {  	v0 =	vsel vm10, $0x7D9, v0  }
0x3bb: {  	[tilespmem:$0x1ED40] =	vst v0;
	v0 =	vld [tilespmem:$0x1EA30];
	v1 =	vsel vm11, $0x6BA, v1  }
0x3bc: {  	[tilespmem:$0x1EF40] =	vst v1;
	v1 =	vld [tilespmem:$0x1EC40];
	_ =	sdelay $0x3  }
0x3bd: {  	v0 =	vsel vm10, $0x4E1, v0  }
0x3be: {  	[tilespmem:$0x1ED50] =	vst v0;
	v0 =	vld [tilespmem:$0x1EA40];
	v1 =	vsel vm11, $0x7BA, v1  }
0x3bf: {  	[tilespmem:$0x1EF50] =	vst v1;
	v1 =	vld [tilespmem:$0x1EC50];
	_ =	sdelay $0x3  }
0x3c0: {  	v0 =	vsel vm10, $0x5E1, v0  }
0x3c1: {  	[tilespmem:$0x1ED60] =	vst v0;
	v0 =	vld [tilespmem:$0x1EA50];
	v1 =	vsel vm11, $0x4C2, v1  }
0x3c2: {  	[tilespmem:$0x1EF60] =	vst v1;
	v1 =	vld [tilespmem:$0x1EC60];
	_ =	sdelay $0x3  }
0x3c3: {  	v0 =	vsel vm10, $0x6E1, v0  }
0x3c4: {  	[tilespmem:$0x1ED70] =	vst v0;
	v0 =	vld [tilespmem:$0x1EA60];
	v1 =	vsel vm11, $0x5C2, v1  }
0x3c5: {  	[tilespmem:$0x1EF70] =	vst v1;
	v1 =	vld [tilespmem:$0x1EC70];
	_ =	sdelay $0x3  }
0x3c6: {  	v0 =	vsel vm10, $0x7E1, v0  }
0x3c7: {  	[tilespmem:$0x1ED80] =	vst v0;
	v0 =	vld [tilespmem:$0x1EA70];
	v1 =	vsel vm11, $0x6C2, v1  }
0x3c8: {  	[tilespmem:$0x1EF80] =	vst v1;
	v1 =	vld [tilespmem:$0x1EC80];
	_ =	sdelay $0x3  }
0x3c9: {  	v0 =	vsel vm10, $0x4E9, v0  }
0x3ca: {  	[tilespmem:$0x1ED90] =	vst v0;
	v0 =	vld [tilespmem:$0x1EA80];
	v1 =	vsel vm11, $0x7C2, v1  }
0x3cb: {  	[tilespmem:$0x1EF90] =	vst v1;
	v1 =	vld [tilespmem:$0x1EC90];
	_ =	sdelay $0x3  }
0x3cc: {  	v0 =	vsel vm10, $0x5E9, v0  }
0x3cd: {  	[tilespmem:$0x1EDA0] =	vst v0;
	v0 =	vld [tilespmem:$0x1EA90];
	v1 =	vsel vm11, $0x4CA, v1  }
0x3ce: {  	[tilespmem:$0x1EFA0] =	vst v1;
	v1 =	vld [tilespmem:$0x1ECA0];
	_ =	sdelay $0x3  }
0x3cf: {  	v0 =	vsel vm10, $0x6E9, v0  }
0x3d0: {  	[tilespmem:$0x1EDB0] =	vst v0;
	v0 =	vld [tilespmem:$0x1EAA0];
	v1 =	vsel vm11, $0x5CA, v1  }
0x3d1: {  	[tilespmem:$0x1EFB0] =	vst v1;
	v1 =	vld [tilespmem:$0x1ECB0];
	_ =	sdelay $0x3  }
0x3d2: {  	v0 =	vsel vm10, $0x7E9, v0  }
0x3d3: {  	[tilespmem:$0x1EDC0] =	vst v0;
	v0 =	vld [tilespmem:$0x1EAB0];
	v1 =	vsel vm11, $0x6CA, v1  }
0x3d4: {  	[tilespmem:$0x1EFC0] =	vst v1;
	v1 =	vld [tilespmem:$0x1ECC0];
	_ =	sdelay $0x3  }
0x3d5: {  	v0 =	vsel vm10, $0x4F1, v0  }
0x3d6: {  	[tilespmem:$0x1EDD0] =	vst v0;
	v0 =	vld [tilespmem:$0x1EAC0];
	v1 =	vsel vm11, $0x7CA, v1  }
0x3d7: {  	[tilespmem:$0x1EFD0] =	vst v1;
	v1 =	vld [tilespmem:$0x1ECD0];
	_ =	sdelay $0x3  }
0x3d8: {  	v0 =	vsel vm10, $0x5F1, v0  }
0x3d9: {  	[tilespmem:$0x1EDE0] =	vst v0;
	v0 =	vld [tilespmem:$0x1EAD0];
	v1 =	vsel vm11, $0x4D2, v1  }
0x3da: {  	[tilespmem:$0x1EFE0] =	vst v1;
	v1 =	vld [tilespmem:$0x1ECE0];
	_ =	sdelay $0x3  }
0x3db: {  	v0 =	vsel vm10, $0x6F1, v0  }
0x3dc: {  	[tilespmem:$0x1EDF0] =	vst v0;
	v0 =	vld [tilespmem:$0x1EAE0];
	v1 =	vsel vm11, $0x5D2, v1  }
0x3dd: {  	[tilespmem:$0x1EFF0] =	vst v1;
	v1 =	vld [tilespmem:$0x1ECF0];
	_ =	sdelay $0x3  }
0x3de: {  	v0 =	vsel vm10, $0x7F1, v0  }
0x3df: {  	[tilespmem:$0x1EE00] =	vst v0;
	v0 =	vld [tilespmem:$0x1EAF0];
	v1 =	vsel vm11, $0x6D2, v1  }
0x3e0: {  	[tilespmem:$0x1F000] =	vst v1;
	v1 =	vld [tilespmem:$0x1ED00];
	_ =	sdelay $0x3  }
0x3e1: {  	v0 =	vsel vm10, $0x4F9, v0  }
0x3e2: {  	[tilespmem:$0x1EE10] =	vst v0;
	v0 =	vld [tilespmem:$0x1EB00];
	v1 =	vsel vm11, $0x7D2, v1  }
0x3e3: {  	[tilespmem:$0x1F010] =	vst v1;
	v1 =	vld [tilespmem:$0x1ED10];
	_ =	sdelay $0x3  }
0x3e4: {  	v0 =	vsel vm10, $0x5F9, v0  }
0x3e5: {  	[tilespmem:$0x1EE20] =	vst v0;
	v1 =	vsel vm11, $0x4DA, v1  }
0x3e6: {  	v0 =	vld [tilespmem:$0x1EB10];
	[tilespmem:$0x1F020] =	vst v1  }
0x3e7: {  	v1 =	vld [tilespmem:$0x1ED20];
	_ =	sdelay $0x4  }
0x3e8: {  	v1 =	vsel vm11, $0x5DA, v1  }
0x3e9: {  	[tilespmem:$0x1F030] =	vst v1;
	v1 =	vld [tilespmem:$0x1ED30];
	_ =	sdelay $0x4  }
0x3ea: {  	v1 =	vsel vm11, $0x6DA, v1  }
0x3eb: {  	[tilespmem:$0x1F040] =	vst v1;
	v1 =	vld [tilespmem:$0x1ED40];
	_ =	sdelay $0x4  }
0x3ec: {  	v1 =	vsel vm11, $0x7DA, v1  }
0x3ed: {  	[tilespmem:$0x1F050] =	vst v1;
	v1 =	vld [tilespmem:$0x1ED50];
	_ =	sdelay $0x4  }
0x3ee: {  	v1 =	vsel vm11, $0x4E2, v1  }
0x3ef: {  	[tilespmem:$0x1F060] =	vst v1;
	v1 =	vld [tilespmem:$0x1ED60];
	_ =	sdelay $0x4  }
0x3f0: {  	v1 =	vsel vm11, $0x5E2, v1  }
0x3f1: {  	[tilespmem:$0x1F070] =	vst v1;
	v1 =	vld [tilespmem:$0x1ED70];
	_ =	sdelay $0x4  }
0x3f2: {  	v1 =	vsel vm11, $0x6E2, v1  }
0x3f3: {  	[tilespmem:$0x1F080] =	vst v1;
	v1 =	vld [tilespmem:$0x1ED80];
	_ =	sdelay $0x4  }
0x3f4: {  	v1 =	vsel vm11, $0x7E2, v1  }
0x3f5: {  	[tilespmem:$0x1F090] =	vst v1;
	v1 =	vld [tilespmem:$0x1ED90];
	_ =	sdelay $0x4  }
0x3f6: {  	v1 =	vsel vm11, $0x4EA, v1  }
0x3f7: {  	[tilespmem:$0x1F0A0] =	vst v1;
	v1 =	vld [tilespmem:$0x1EDA0];
	_ =	sdelay $0x4  }
0x3f8: {  	v1 =	vsel vm11, $0x5EA, v1  }
0x3f9: {  	[tilespmem:$0x1F0B0] =	vst v1;
	v1 =	vld [tilespmem:$0x1EDB0];
	_ =	sdelay $0x4  }
0x3fa: {  	v1 =	vsel vm11, $0x6EA, v1  }
0x3fb: {  	[tilespmem:$0x1F0C0] =	vst v1;
	v1 =	vld [tilespmem:$0x1EDC0];
	_ =	sdelay $0x4  }
0x3fc: {  	v1 =	vsel vm11, $0x7EA, v1  }
0x3fd: {  	[tilespmem:$0x1F0D0] =	vst v1;
	v1 =	vld [tilespmem:$0x1EDD0];
	_ =	sdelay $0x4  }
0x3fe: {  	v1 =	vsel vm11, $0x4F2, v1  }
0x3ff: {  	[tilespmem:$0x1F0E0] =	vst v1;
	v1 =	vld [tilespmem:$0x1EDE0];
	_ =	sdelay $0x4  }
0x400: {  	v1 =	vsel vm11, $0x5F2, v1  }
0x401: {  	[tilespmem:$0x1F0F0] =	vst v1;
	v1 =	vld [tilespmem:$0x1EDF0];
	_ =	sdelay $0x4  }
0x402: {  	v1 =	vsel vm11, $0x6F2, v1  }
0x403: {  	[tilespmem:$0x1F100] =	vst v1;
	v1 =	vld [tilespmem:$0x1EE00];
	_ =	sdelay $0x4  }
0x404: {  	v1 =	vsel vm11, $0x7F2, v1  }
0x405: {  	[tilespmem:$0x1F110] =	vst v1;
	v1 =	vld [tilespmem:$0x1EE10];
	_ =	sdelay $0x4  }
0x406: {  	v1 =	vsel vm11, $0x4FA, v1  }
0x407: {  	[tilespmem:$0x1F120] =	vst v1;
	v1 =	vld [tilespmem:$0x1EE20];
	_ =	sdelay $0x4  }
0x408: {  	v1 =	vsel vm11, $0x5FA, v1  }
0x409: {  	[tilespmem:$0x1F130] =	vst v1;
	v1 =	vld [tilespmem:$0x1EE40];
	_ =	sdelay $0x3  }
0x40a: {  	vm12 =	vcmask $0x2F2C  }
0x40b: {  	v1 =	vsel vm12, $0x69B, v1  }
0x40c: {  	[tilespmem:$0x1F150] =	vst v1;
	v1 =	vld [tilespmem:$0x1EE50];
	_ =	sdelay $0x4  }
0x40d: {  	v1 =	vsel vm12, $0x79B, v1  }
0x40e: {  	[tilespmem:$0x1F160] =	vst v1;
	v1 =	vld [tilespmem:$0x1EE60];
	_ =	sdelay $0x4  }
0x40f: {  	v1 =	vsel vm12, $0x4A3, v1  }
0x410: {  	[tilespmem:$0x1F170] =	vst v1;
	v1 =	vld [tilespmem:$0x1EE70];
	_ =	sdelay $0x4  }
0x411: {  	v1 =	vsel vm12, $0x5A3, v1  }
0x412: {  	[tilespmem:$0x1F180] =	vst v1;
	v1 =	vld [tilespmem:$0x1EE80];
	_ =	sdelay $0x4  }
0x413: {  	v1 =	vsel vm12, $0x6A3, v1  }
0x414: {  	[tilespmem:$0x1F190] =	vst v1;
	v1 =	vld [tilespmem:$0x1EE90];
	_ =	sdelay $0x4  }
0x415: {  	v1 =	vsel vm12, $0x7A3, v1  }
0x416: {  	[tilespmem:$0x1F1A0] =	vst v1;
	v1 =	vld [tilespmem:$0x1EEA0];
	_ =	sdelay $0x4  }
0x417: {  	v1 =	vsel vm12, $0x4AB, v1  }
0x418: {  	[tilespmem:$0x1F1B0] =	vst v1;
	v1 =	vld [tilespmem:$0x1EEB0];
	_ =	sdelay $0x4  }
0x419: {  	v1 =	vsel vm12, $0x5AB, v1  }
0x41a: {  	[tilespmem:$0x1F1C0] =	vst v1;
	v1 =	vld [tilespmem:$0x1EEC0];
	_ =	sdelay $0x4  }
0x41b: {  	v1 =	vsel vm12, $0x6AB, v1  }
0x41c: {  	[tilespmem:$0x1F1D0] =	vst v1;
	v1 =	vld [tilespmem:$0x1EED0];
	_ =	sdelay $0x4  }
0x41d: {  	v1 =	vsel vm12, $0x7AB, v1  }
0x41e: {  	[tilespmem:$0x1F1E0] =	vst v1;
	v1 =	vld [tilespmem:$0x1EEE0];
	_ =	sdelay $0x4  }
0x41f: {  	v1 =	vsel vm12, $0x4B3, v1  }
0x420: {  	[tilespmem:$0x1F1F0] =	vst v1;
	v1 =	vld [tilespmem:$0x1EEF0];
	_ =	sdelay $0x4  }
0x421: {  	v1 =	vsel vm12, $0x5B3, v1  }
0x422: {  	[tilespmem:$0x1F200] =	vst v1;
	v1 =	vld [tilespmem:$0x1EF00];
	_ =	sdelay $0x4  }
0x423: {  	v1 =	vsel vm12, $0x6B3, v1  }
0x424: {  	[tilespmem:$0x1F210] =	vst v1;
	v1 =	vld [tilespmem:$0x1EF10];
	_ =	sdelay $0x4  }
0x425: {  	v1 =	vsel vm12, $0x7B3, v1  }
0x426: {  	[tilespmem:$0x1F220] =	vst v1;
	v1 =	vld [tilespmem:$0x1EF20];
	_ =	sdelay $0x4  }
0x427: {  	v1 =	vsel vm12, $0x4BB, v1  }
0x428: {  	[tilespmem:$0x1F230] =	vst v1;
	v1 =	vld [tilespmem:$0x1EF30];
	_ =	sdelay $0x4  }
0x429: {  	v1 =	vsel vm12, $0x5BB, v1  }
0x42a: {  	[tilespmem:$0x1F240] =	vst v1;
	v1 =	vld [tilespmem:$0x1EF40];
	_ =	sdelay $0x4  }
0x42b: {  	v1 =	vsel vm12, $0x6BB, v1  }
0x42c: {  	[tilespmem:$0x1F250] =	vst v1;
	v1 =	vld [tilespmem:$0x1EF50];
	_ =	sdelay $0x4  }
0x42d: {  	v1 =	vsel vm12, $0x7BB, v1  }
0x42e: {  	[tilespmem:$0x1F260] =	vst v1;
	v1 =	vld [tilespmem:$0x1EF60];
	_ =	sdelay $0x4  }
0x42f: {  	v1 =	vsel vm12, $0x4C3, v1  }
0x430: {  	[tilespmem:$0x1F270] =	vst v1;
	v1 =	vld [tilespmem:$0x1EF70];
	_ =	sdelay $0x4  }
0x431: {  	v1 =	vsel vm12, $0x5C3, v1  }
0x432: {  	[tilespmem:$0x1F280] =	vst v1;
	v1 =	vld [tilespmem:$0x1EF80];
	_ =	sdelay $0x4  }
0x433: {  	v1 =	vsel vm12, $0x6C3, v1  }
0x434: {  	[tilespmem:$0x1F290] =	vst v1;
	v1 =	vld [tilespmem:$0x1EF90];
	_ =	sdelay $0x4  }
0x435: {  	v1 =	vsel vm12, $0x7C3, v1  }
0x436: {  	[tilespmem:$0x1F2A0] =	vst v1;
	v1 =	vld [tilespmem:$0x1EFA0];
	_ =	sdelay $0x4  }
0x437: {  	v1 =	vsel vm12, $0x4CB, v1  }
0x438: {  	[tilespmem:$0x1F2B0] =	vst v1;
	v1 =	vld [tilespmem:$0x1EFB0];
	_ =	sdelay $0x4  }
0x439: {  	v1 =	vsel vm12, $0x5CB, v1  }
0x43a: {  	[tilespmem:$0x1F2C0] =	vst v1;
	v1 =	vld [tilespmem:$0x1EFC0];
	_ =	sdelay $0x4  }
0x43b: {  	v1 =	vsel vm12, $0x6CB, v1  }
0x43c: {  	[tilespmem:$0x1F2D0] =	vst v1;
	v1 =	vld [tilespmem:$0x1EFD0];
	_ =	sdelay $0x4  }
0x43d: {  	v1 =	vsel vm12, $0x7CB, v1  }
0x43e: {  	[tilespmem:$0x1F2E0] =	vst v1;
	v1 =	vld [tilespmem:$0x1EFE0];
	_ =	sdelay $0x4  }
0x43f: {  	v1 =	vsel vm12, $0x4D3, v1  }
0x440: {  	[tilespmem:$0x1F2F0] =	vst v1;
	v1 =	vld [tilespmem:$0x1EFF0];
	_ =	sdelay $0x4  }
0x441: {  	v1 =	vsel vm12, $0x5D3, v1  }
0x442: {  	[tilespmem:$0x1F300] =	vst v1;
	v1 =	vld [tilespmem:$0x1F000];
	_ =	sdelay $0x4  }
0x443: {  	v1 =	vsel vm12, $0x6D3, v1  }
0x444: {  	[tilespmem:$0x1F310] =	vst v1;
	v1 =	vld [tilespmem:$0x1F010];
	_ =	sdelay $0x4  }
0x445: {  	v1 =	vsel vm12, $0x7D3, v1  }
0x446: {  	[tilespmem:$0x1F320] =	vst v1;
	v1 =	vld [tilespmem:$0x1F020];
	_ =	sdelay $0x4  }
0x447: {  	v1 =	vsel vm12, $0x4DB, v1  }
0x448: {  	[tilespmem:$0x1F330] =	vst v1;
	v1 =	vld [tilespmem:$0x1F030];
	_ =	sdelay $0x4  }
0x449: {  	v1 =	vsel vm12, $0x5DB, v1  }
0x44a: {  	[tilespmem:$0x1F340] =	vst v1;
	v1 =	vld [tilespmem:$0x1F040];
	_ =	sdelay $0x4  }
0x44b: {  	v1 =	vsel vm12, $0x6DB, v1  }
0x44c: {  	[tilespmem:$0x1F350] =	vst v1;
	v1 =	vld [tilespmem:$0x1F050];
	_ =	sdelay $0x4  }
0x44d: {  	v1 =	vsel vm12, $0x7DB, v1  }
0x44e: {  	[tilespmem:$0x1F360] =	vst v1;
	v1 =	vld [tilespmem:$0x1F060];
	_ =	sdelay $0x4  }
0x44f: {  	v1 =	vsel vm12, $0x4E3, v1  }
0x450: {  	[tilespmem:$0x1F370] =	vst v1;
	v1 =	vld [tilespmem:$0x1F070];
	_ =	sdelay $0x4  }
0x451: {  	v1 =	vsel vm12, $0x5E3, v1  }
0x452: {  	[tilespmem:$0x1F380] =	vst v1;
	v1 =	vld [tilespmem:$0x1F080];
	_ =	sdelay $0x4  }
0x453: {  	v1 =	vsel vm12, $0x6E3, v1  }
0x454: {  	[tilespmem:$0x1F390] =	vst v1;
	v1 =	vld [tilespmem:$0x1F090];
	_ =	sdelay $0x4  }
0x455: {  	v1 =	vsel vm12, $0x7E3, v1  }
0x456: {  	vm13 =	vcmask $0x3330;
	v60 =	vsel vm14, $0x611, v60;
	[tilespmem:$0x1F3A0] =	vst v1;
	v1 =	vld [tilespmem:$0x1F0A0]  }
0x457: {  	v61 =	vsel vm14, $0x711, v61;
	v59 =	vsel vm15, $0x512, v59;
	v60 =	vsel vm15, $0x612, v60  }
0x458: {  	v61 =	vsel vm15, $0x712, v61;
	v59 =	vsel vm4, $0x513, v59;
	v60 =	vsel vm4, $0x613, v60  }
0x459: {  	v61 =	vsel vm4, $0x713, v61;
	v59 =	vsel vm5, $0x514, v59;
	v60 =	vsel vm5, $0x614, v60  }
0x45a: {  	v61 =	vsel vm5, $0x714, v61;
	v59 =	vsel vm6, $0x515, v59;
	v60 =	vsel vm6, $0x615, v60  }
0x45b: {  	v61 =	vsel vm6, $0x715, v61;
	v63 =	vsel vm14, $0x519, v63;
	v1 =	vsel vm12, $0x4EB, v1  }
0x45c: {  	v59 =	vsel vm7, $0x516, v59;
	v60 =	vsel vm7, $0x616, v60;
	v61 =	vsel vm7, $0x716, v61;
	[tilespmem:$0x1F3B0] =	vst v1;
	v1 =	vld [tilespmem:$0x1F0B0]  }
0x45d: {  	v63 =	vsel vm15, $0x51A, v63;
	v59 =	vsel vm8, $0x517, v59;
	v0 =	vsel vm10, $0x6F9, v0  }
0x45e: {  	v60 =	vsel vm8, $0x617, v60;
	v61 =	vsel vm8, $0x717, v61;
	v0 =	vsel vm11, $0x6FA, v0  }
0x45f: {  	v63 =	vsel vm4, $0x51B, v63;
	v59 =	vsel vm9, $0x590, v59;
	v60 =	vsel vm9, $0x690, v60;
	[tilespmem:$0x1F140] =	vst v0;
	v0 =	vld [tilespmem:$0x1EE30]  }
0x460: {  	v61 =	vsel vm9, $0x790, v61;
	v63 =	vsel vm5, $0x51C, v63;
	v59 =	vsel vm10, $0x591, v59  }
0x461: {  	v60 =	vsel vm10, $0x691, v60;
	v62 =	vsel vm14, $0x419, v62;
	v1 =	vsel vm12, $0x5EB, v1  }
0x462: {  	v61 =	vsel vm10, $0x791, v61;
	v63 =	vsel vm6, $0x51D, v63;
	v62 =	vsel vm15, $0x41A, v62;
	[tilespmem:$0x1F3C0] =	vst v1;
	v1 =	vld [tilespmem:$0x1F0C0]  }
0x463: {  	v59 =	vsel vm11, $0x592, v59;
	v60 =	vsel vm11, $0x692, v60;
	v62 =	vsel vm4, $0x41B, v62  }
0x464: {  	v63 =	vsel vm7, $0x51E, v63;
	v62 =	vsel vm5, $0x41C, v62;
	v0 =	vsel vm11, $0x7FA, v0  }
0x465: {  	v59 =	vsel vm12, $0x593, v59;
	v62 =	vsel vm6, $0x41D, v62;
	v0 =	vsel vm12, $0x7FB, v0  }
0x466: {  	v63 =	vsel vm8, $0x51F, v63;
	v62 =	vsel vm7, $0x41E, v62;
	[tilespmem:$0x1F460] =	vst v0;
	v0 =	vsel vm13, $0x594, v59  }
0x467: {  	v63 =	vsel vm9, $0x598, v63;
	v62 =	vsel vm8, $0x41F, v62;
	[tilespmem:$0x1F470] =	vst v0;
	v0 =	vld [tilespmem:$0x1F150];
	v1 =	vsel vm12, $0x6EB, v1  }
0x468: {  	v61 =	vsel vm11, $0x792, v61;
	v63 =	vsel vm10, $0x599, v63;
	v62 =	vsel vm9, $0x498, v62;
	[tilespmem:$0x1F3D0] =	vst v1;
	v1 =	vld [tilespmem:$0x1F0D0]  }
0x469: {  	v60 =	vsel vm12, $0x693, v60;
	v63 =	vsel vm11, $0x59A, v63;
	v62 =	vsel vm10, $0x499, v62  }
0x46a: {  	v61 =	vsel vm12, $0x793, v61;
	v63 =	vsel vm12, $0x59B, v63;
	v62 =	vsel vm11, $0x49A, v62  }
0x46b: {  	v62 =	vsel vm12, $0x49B, v62;
	v59 =	vsel vm13, $0x694, v60;
	v60 =	vsel vm13, $0x794, v61  }
0x46c: {  	v61 =	vsel vm13, $0x49C, v62;
	v62 =	vsel vm13, $0x59C, v63;
	v63 =	vsel vm13, $0x69C, v0;
	v0 =	vld [tilespmem:$0x1F160]  }
0x46d: {  	v1 =	vsel vm12, $0x7EB, v1  }
0x46e: {  	[tilespmem:$0x1F3E0] =	vst v1;
	v1 =	vld [tilespmem:$0x1F0E0];
	_ =	sdelay $0x2  }
0x46f: {  	v0 =	vsel vm13, $0x79C, v0  }
0x470: {  	v37 =	vsel vm15, $0x35A, v37;
	[tilespmem:$0x1F480] =	vst v0;
	v0 =	vld [tilespmem:$0x1F170]  }
0x471: {  	v37 =	vsel vm4, $0x35B, v37;
	v1 =	vsel vm12, $0x4F3, v1  }
0x472: {  	v37 =	vsel vm5, $0x35C, v37;
	[tilespmem:$0x1F3F0] =	vst v1;
	v1 =	vld [tilespmem:$0x1F0F0]  }
0x473: {  	v37 =	vsel vm6, $0x35D, v37  }
0x474: {  	v37 =	vsel vm7, $0x35E, v37  }
0x475: {  	v37 =	vsel vm8, $0x35F, v37;
	v43 =	vsel vm15, $0x36A, v43;
	v0 =	vsel vm13, $0x4A4, v0  }
0x476: {  	v37 =	vsel vm9, $0x3D8, v37;
	v43 =	vsel vm4, $0x36B, v43;
	[tilespmem:$0x1F490] =	vst v0;
	v0 =	vld [tilespmem:$0x1F180]  }
0x477: {  	v37 =	vsel vm10, $0x3D9, v37;
	v43 =	vsel vm5, $0x36C, v43;
	v1 =	vsel vm12, $0x5F3, v1  }
0x478: {  	v37 =	vsel vm11, $0x3DA, v37;
	v43 =	vsel vm6, $0x36D, v43;
	[tilespmem:$0x1F400] =	vst v1;
	v1 =	vld [tilespmem:$0x1F100]  }
0x479: {  	v37 =	vsel vm12, $0x3DB, v37;
	v43 =	vsel vm7, $0x36E, v43  }
0x47a: {  	v37 =	vsel vm13, $0x3DC, v37;
	v34 =	vsel vm15, $0x352, v34;
	v40 =	vsel vm15, $0x362, v40  }
0x47b: {  	v46 =	vsel vm15, $0x372, v46;
	v43 =	vsel vm8, $0x36F, v43;
	v0 =	vsel vm13, $0x5A4, v0  }
0x47c: {  	v34 =	vsel vm4, $0x353, v34;
	v40 =	vsel vm4, $0x363, v40;
	v46 =	vsel vm4, $0x373, v46;
	[tilespmem:$0x1F4A0] =	vst v0;
	v0 =	vld [tilespmem:$0x1F190]  }
0x47d: {  	v43 =	vsel vm9, $0x3E8, v43;
	v34 =	vsel vm5, $0x354, v34;
	v1 =	vsel vm12, $0x6F3, v1  }
0x47e: {  	v40 =	vsel vm5, $0x364, v40;
	v46 =	vsel vm5, $0x374, v46;
	v43 =	vsel vm10, $0x3E9, v43;
	[tilespmem:$0x1F410] =	vst v1;
	v1 =	vld [tilespmem:$0x1F110]  }
0x47f: {  	v34 =	vsel vm6, $0x355, v34;
	v40 =	vsel vm6, $0x365, v40;
	v46 =	vsel vm6, $0x375, v46  }
0x480: {  	v43 =	vsel vm11, $0x3EA, v43;
	v34 =	vsel vm7, $0x356, v34;
	v40 =	vsel vm7, $0x366, v40  }
0x481: {  	v46 =	vsel vm7, $0x376, v46;
	v43 =	vsel vm12, $0x3EB, v43;
	v0 =	vsel vm13, $0x6A4, v0  }
0x482: {  	v34 =	vsel vm8, $0x357, v34;
	v40 =	vsel vm8, $0x367, v40;
	v46 =	vsel vm8, $0x377, v46;
	[tilespmem:$0x1F4B0] =	vst v0;
	v0 =	vld [tilespmem:$0x1F1A0]  }
0x483: {  	v43 =	vsel vm13, $0x3EC, v43;
	v34 =	vsel vm9, $0x3D0, v34;
	v1 =	vsel vm12, $0x7F3, v1  }
0x484: {  	v40 =	vsel vm9, $0x3E0, v40;
	v46 =	vsel vm9, $0x3F0, v46;
	v54 =	vsel vm15, $0x40A, v54;
	[tilespmem:$0x1F420] =	vst v1;
	v1 =	vld [tilespmem:$0x1F120]  }
0x485: {  	v34 =	vsel vm10, $0x3D1, v34;
	v40 =	vsel vm10, $0x3E1, v40;
	v46 =	vsel vm10, $0x3F1, v46  }
0x486: {  	v49 =	vsel vm15, $0x37A, v49;
	v54 =	vsel vm4, $0x40B, v54;
	v34 =	vsel vm11, $0x3D2, v34  }
0x487: {  	v40 =	vsel vm11, $0x3E2, v40;
	v46 =	vsel vm11, $0x3F2, v46;
	v0 =	vsel vm13, $0x7A4, v0  }
0x488: {  	v52 =	vsel vm15, $0x602, v52;
	v49 =	vsel vm4, $0x37B, v49;
	v54 =	vsel vm5, $0x40C, v54;
	[tilespmem:$0x1F4C0] =	vst v0;
	v0 =	vld [tilespmem:$0x1F1B0]  }
0x489: {  	v34 =	vsel vm12, $0x3D3, v34;
	v40 =	vsel vm12, $0x3E3, v40;
	v1 =	vsel vm12, $0x4FB, v1  }
0x48a: {  	v46 =	vsel vm12, $0x3F3, v46;
	v52 =	vsel vm4, $0x603, v52;
	v49 =	vsel vm5, $0x37C, v49;
	[tilespmem:$0x1F430] =	vst v1;
	v1 =	vld [tilespmem:$0x1F130]  }
0x48b: {  	v54 =	vsel vm6, $0x40D, v54;
	v34 =	vsel vm13, $0x3D4, v34;
	v40 =	vsel vm13, $0x3E4, v40  }
0x48c: {  	v46 =	vsel vm13, $0x3F4, v46;
	v52 =	vsel vm5, $0x604, v52;
	v49 =	vsel vm6, $0x37D, v49  }
0x48d: {  	v54 =	vsel vm7, $0x40E, v54;
	v52 =	vsel vm6, $0x605, v52;
	v0 =	vsel vm13, $0x4AC, v0  }
0x48e: {  	v49 =	vsel vm7, $0x37E, v49;
	v54 =	vsel vm8, $0x40F, v54;
	v52 =	vsel vm7, $0x606, v52;
	[tilespmem:$0x1F4D0] =	vst v0;
	v0 =	vld [tilespmem:$0x1F1C0]  }
0x48f: {  	v49 =	vsel vm8, $0x37F, v49;
	v54 =	vsel vm9, $0x488, v54;
	v1 =	vsel vm12, $0x5FB, v1  }
0x490: {  	v52 =	vsel vm8, $0x607, v52;
	v49 =	vsel vm9, $0x3F8, v49;
	v54 =	vsel vm10, $0x489, v54;
	[tilespmem:$0x1F440] =	vst v1;
	v1 =	vld [tilespmem:$0x1F140]  }
0x491: {  	v52 =	vsel vm9, $0x680, v52;
	v49 =	vsel vm10, $0x3F9, v49;
	v54 =	vsel vm11, $0x48A, v54  }
0x492: {  	v52 =	vsel vm10, $0x681, v52;
	v49 =	vsel vm11, $0x3FA, v49;
	v32 =	vsel vm15, $0x152, v32  }
0x493: {  	v54 =	vsel vm12, $0x48B, v54;
	v32 =	vsel vm4, $0x153, v32;
	v0 =	vsel vm13, $0x5AC, v0  }
0x494: {  	v52 =	vsel vm11, $0x682, v52;
	v50 =	vsel vm15, $0x402, v50;
	v32 =	vsel vm5, $0x154, v32;
	[tilespmem:$0x1F4E0] =	vst v0;
	v0 =	vld [tilespmem:$0x1F1D0]  }
0x495: {  	v50 =	vsel vm4, $0x403, v50;
	v32 =	vsel vm6, $0x155, v32;
	v1 =	vsel vm12, $0x6FB, v1  }
0x496: {  	v49 =	vsel vm12, $0x3FB, v49;
	v50 =	vsel vm5, $0x404, v50;
	v32 =	vsel vm7, $0x156, v32;
	[tilespmem:$0x1F450] =	vst v1;
	v1 =	vld [tilespmem:$0x1F460]  }
0x497: {  	v54 =	vsel vm13, $0x48C, v54;
	v50 =	vsel vm6, $0x405, v50;
	v32 =	vsel vm8, $0x157, v32  }
0x498: {  	v52 =	vsel vm12, $0x683, v52;
	v50 =	vsel vm7, $0x406, v50;
	v32 =	vsel vm9, $0x1D0, v32  }
0x499: {  	v50 =	vsel vm8, $0x407, v50;
	v32 =	vsel vm10, $0x1D1, v32;
	v0 =	vsel vm13, $0x6AC, v0  }
0x49a: {  	v49 =	vsel vm13, $0x3FC, v49;
	v50 =	vsel vm9, $0x480, v50;
	v32 =	vsel vm11, $0x1D2, v32;
	[tilespmem:$0x1F4F0] =	vst v0;
	v0 =	vld [tilespmem:$0x1F1E0]  }
0x49b: {  	v50 =	vsel vm10, $0x481, v50;
	v32 =	vsel vm12, $0x1D3, v32;
	v1 =	vsel vm13, $0x7FC, v1  }
0x49c: {  	v50 =	vsel vm11, $0x482, v50;
	v32 =	vsel vm13, $0x1D4, v32;
	vm14 =	vcmask $0x3734;
	[tilespmem:$0x1F770] =	vst v1;
	v1 =	vld [tilespmem:$0x1F470]  }
0x49d: {  	v52 =	vsel vm13, $0x684, v52;
	v50 =	vsel vm12, $0x483, v50;
	v32 =	vsel vm14, $0x1D5, v32  }
0x49e: {  	v50 =	vsel vm13, $0x484, v50;
	[tilespmem:$0x1F960] =	vst v32;
	v32 =	vsel vm14, $0x3D5, v34;
	v34 =	vsel vm14, $0x3DD, v37  }
0x49f: {  	v37 =	vsel vm14, $0x3E5, v40;
	v40 =	vsel vm14, $0x3ED, v43;
	v0 =	vsel vm13, $0x7AC, v0  }
0x4a0: {  	v43 =	vsel vm14, $0x3F5, v46;
	v46 =	vsel vm14, $0x3FD, v49;
	v49 =	vsel vm14, $0x485, v50;
	[tilespmem:$0x1F500] =	vst v0;
	v0 =	vld [tilespmem:$0x1F1F0]  }
0x4a1: {  	v50 =	vsel vm14, $0x685, v52;
	v52 =	vsel vm14, $0x48D, v54;
	v54 =	vsel vm14, $0x595, v1;
	v1 =	vld [tilespmem:$0x1F480]  }
0x4a2: {  	v51 =	vsel vm15, $0x502, v51;
	v53 =	vsel vm15, $0x702, v53  }
0x4a3: {  	v51 =	vsel vm4, $0x503, v51;
	v53 =	vsel vm4, $0x703, v53  }
0x4a4: {  	v51 =	vsel vm5, $0x504, v51;
	v53 =	vsel vm5, $0x704, v53;
	v55 =	vsel vm15, $0x50A, v55  }
0x4a5: {  	v51 =	vsel vm6, $0x505, v51;
	v55 =	vsel vm4, $0x50B, v55;
	v0 =	vsel vm13, $0x4B4, v0  }
0x4a6: {  	v53 =	vsel vm6, $0x705, v53;
	v55 =	vsel vm5, $0x50C, v55;
	[tilespmem:$0x1F510] =	vst v0;
	v0 =	vld [tilespmem:$0x1F200];
	v1 =	vsel vm14, $0x79D, v1  }
0x4a7: {  	v51 =	vsel vm7, $0x506, v51;
	v53 =	vsel vm7, $0x706, v53;
	v55 =	vsel vm6, $0x50D, v55;
	[tilespmem:$0x1FBA0] =	vst v1;
	v1 =	vld [tilespmem:$0x1F490]  }
0x4a8: {  	v51 =	vsel vm8, $0x507, v51;
	v53 =	vsel vm8, $0x707, v53;
	v55 =	vsel vm7, $0x50E, v55  }
0x4a9: {  	v51 =	vsel vm9, $0x580, v51;
	v53 =	vsel vm9, $0x780, v53;
	v55 =	vsel vm8, $0x50F, v55  }
0x4aa: {  	v51 =	vsel vm10, $0x581, v51;
	v53 =	vsel vm10, $0x781, v53;
	v55 =	vsel vm9, $0x588, v55  }
0x4ab: {  	v55 =	vsel vm10, $0x589, v55;
	v0 =	vsel vm13, $0x5B4, v0;
	[tilespmem:$0x1FB30] =	vst v54;
	v54 =	vsel vm14, $0x695, v59  }
0x4ac: {  	v59 =	vsel vm14, $0x49D, v61;
	v61 =	vsel vm14, $0x69D, v63;
	v63 =	vsel vm14, $0x4A5, v1;
	v1 =	vld [tilespmem:$0x1F4A0]  }
0x4ad: {  	v51 =	vsel vm11, $0x582, v51;
	v53 =	vsel vm11, $0x782, v53;
	v55 =	vsel vm11, $0x58A, v55;
	[tilespmem:$0x1F520] =	vst v0;
	v0 =	vld [tilespmem:$0x1F210]  }
0x4ae: {  	v51 =	vsel vm12, $0x583, v51;
	v53 =	vsel vm12, $0x783, v53;
	v55 =	vsel vm12, $0x58B, v55  }
0x4af: {  	v51 =	vsel vm13, $0x584, v51;
	v53 =	vsel vm13, $0x784, v53;
	v55 =	vsel vm13, $0x58C, v55  }
0x4b0: {  	[tilespmem:$0x1FA90] =	vst v49;
	v49 =	vsel vm14, $0x585, v51;
	v51 =	vsel vm14, $0x785, v53;
	v53 =	vsel vm14, $0x58D, v55  }
0x4b1: {  	v55 =	vsel vm14, $0x795, v60;
	v60 =	vsel vm14, $0x59D, v62;
	v62 =	vsel vm14, $0x5A5, v1;
	v1 =	vld [tilespmem:$0x1F4B0]  }
0x4b2: {  	v0 =	vsel vm13, $0x6B4, v0  }
0x4b3: {  	[tilespmem:$0x1F530] =	vst v0;
	v0 =	vld [tilespmem:$0x1F220];
	_ =	sdelay $0x2  }
0x4b4: {  	v1 =	vsel vm14, $0x6A5, v1  }
0x4b5: {  	[tilespmem:$0x1FBE0] =	vst v1;
	v1 =	vld [tilespmem:$0x1F4C0]  }
0x4b6: {  	v0 =	vsel vm13, $0x7B4, v0  }
0x4b7: {  	[tilespmem:$0x1F540] =	vst v0;
	v0 =	vld [tilespmem:$0x1F230];
	_ =	sdelay $0x2  }
0x4b8: {  	v1 =	vsel vm14, $0x7A5, v1  }
0x4b9: {  	[tilespmem:$0x1FC00] =	vst v1;
	v1 =	vld [tilespmem:$0x1F4D0]  }
0x4ba: {  	v0 =	vsel vm13, $0x4BC, v0  }
0x4bb: {  	[tilespmem:$0x1F550] =	vst v0;
	v0 =	vld [tilespmem:$0x1F240];
	_ =	sdelay $0x2  }
0x4bc: {  	v1 =	vsel vm14, $0x4AD, v1  }
0x4bd: {  	[tilespmem:$0x1FC20] =	vst v1;
	v1 =	vld [tilespmem:$0x1F4E0]  }
0x4be: {  	v0 =	vsel vm13, $0x5BC, v0  }
0x4bf: {  	[tilespmem:$0x1F560] =	vst v0;
	v0 =	vld [tilespmem:$0x1F250];
	_ =	sdelay $0x2  }
0x4c0: {  	v1 =	vsel vm14, $0x5AD, v1  }
0x4c1: {  	[tilespmem:$0x1FC40] =	vst v1;
	v1 =	vld [tilespmem:$0x1F4F0]  }
0x4c2: {  	v0 =	vsel vm13, $0x6BC, v0  }
0x4c3: {  	[tilespmem:$0x1F570] =	vst v0;
	v0 =	vld [tilespmem:$0x1F260];
	_ =	sdelay $0x2  }
0x4c4: {  	v1 =	vsel vm14, $0x6AD, v1  }
0x4c5: {  	[tilespmem:$0x1FC50] =	vst v1;
	v1 =	vld [tilespmem:$0x1F500]  }
0x4c6: {  	v0 =	vsel vm13, $0x7BC, v0  }
0x4c7: {  	[tilespmem:$0x1F580] =	vst v0;
	v0 =	vld [tilespmem:$0x1F270];
	_ =	sdelay $0x2  }
0x4c8: {  	v1 =	vsel vm14, $0x7AD, v1  }
0x4c9: {  	[tilespmem:$0x1FC60] =	vst v1;
	v1 =	vld [tilespmem:$0x1F510]  }
0x4ca: {  	v0 =	vsel vm13, $0x4C4, v0  }
0x4cb: {  	[tilespmem:$0x1F590] =	vst v0;
	v0 =	vld [tilespmem:$0x1F280];
	_ =	sdelay $0x2  }
0x4cc: {  	v1 =	vsel vm14, $0x4B5, v1  }
0x4cd: {  	[tilespmem:$0x1FC70] =	vst v1;
	v1 =	vld [tilespmem:$0x1F520]  }
0x4ce: {  	v0 =	vsel vm13, $0x5C4, v0  }
0x4cf: {  	[tilespmem:$0x1F5A0] =	vst v0;
	v0 =	vld [tilespmem:$0x1F290];
	_ =	sdelay $0x2  }
0x4d0: {  	v1 =	vsel vm14, $0x5B5, v1  }
0x4d1: {  	[tilespmem:$0x1FC80] =	vst v1;
	v1 =	vld [tilespmem:$0x1F530]  }
0x4d2: {  	v0 =	vsel vm13, $0x6C4, v0  }
0x4d3: {  	[tilespmem:$0x1F5B0] =	vst v0;
	v0 =	vld [tilespmem:$0x1F2A0];
	_ =	sdelay $0x2  }
0x4d4: {  	v1 =	vsel vm14, $0x6B5, v1  }
0x4d5: {  	[tilespmem:$0x1FC90] =	vst v1;
	v1 =	vld [tilespmem:$0x1F540]  }
0x4d6: {  	v0 =	vsel vm13, $0x7C4, v0  }
0x4d7: {  	[tilespmem:$0x1F5C0] =	vst v0;
	v0 =	vld [tilespmem:$0x1F2B0];
	_ =	sdelay $0x2  }
0x4d8: {  	v1 =	vsel vm14, $0x7B5, v1  }
0x4d9: {  	[tilespmem:$0x1FCA0] =	vst v1;
	v1 =	vld [tilespmem:$0x1F550]  }
0x4da: {  	v0 =	vsel vm13, $0x4CC, v0  }
0x4db: {  	[tilespmem:$0x1F5D0] =	vst v0;
	v0 =	vld [tilespmem:$0x1F2C0];
	_ =	sdelay $0x2  }
0x4dc: {  	v1 =	vsel vm14, $0x4BD, v1  }
0x4dd: {  	[tilespmem:$0x1FCB0] =	vst v1;
	v1 =	vld [tilespmem:$0x1F560]  }
0x4de: {  	v0 =	vsel vm13, $0x5CC, v0  }
0x4df: {  	[tilespmem:$0x1F5E0] =	vst v0;
	v0 =	vld [tilespmem:$0x1F2D0];
	_ =	sdelay $0x2  }
0x4e0: {  	v1 =	vsel vm14, $0x5BD, v1  }
0x4e1: {  	[tilespmem:$0x1FCC0] =	vst v1;
	v1 =	vld [tilespmem:$0x1F570]  }
0x4e2: {  	v0 =	vsel vm13, $0x6CC, v0  }
0x4e3: {  	[tilespmem:$0x1F5F0] =	vst v0;
	v0 =	vld [tilespmem:$0x1F2E0];
	_ =	sdelay $0x2  }
0x4e4: {  	v1 =	vsel vm14, $0x6BD, v1  }
0x4e5: {  	v7 =	vsel vm15, $0x30A, v7;
	[tilespmem:$0x1FCD0] =	vst v1;
	v1 =	vld [tilespmem:$0x1F580]  }
0x4e6: {  	v13 =	vsel vm15, $0x31A, v13;
	v19 =	vsel vm15, $0x32A, v19;
	v0 =	vsel vm13, $0x7CC, v0  }
0x4e7: {  	v25 =	vsel vm15, $0x33A, v25;
	v31 =	vsel vm15, $0x34A, v31;
	v7 =	vsel vm4, $0x30B, v7;
	[tilespmem:$0x1F600] =	vst v0;
	v0 =	vld [tilespmem:$0x1F2F0]  }
0x4e8: {  	v13 =	vsel vm4, $0x31B, v13;
	v19 =	vsel vm4, $0x32B, v19;
	v25 =	vsel vm4, $0x33B, v25  }
0x4e9: {  	v31 =	vsel vm4, $0x34B, v31;
	v7 =	vsel vm5, $0x30C, v7;
	v13 =	vsel vm5, $0x31C, v13  }
0x4ea: {  	v19 =	vsel vm5, $0x32C, v19;
	v25 =	vsel vm5, $0x33C, v25;
	v1 =	vsel vm14, $0x7BD, v1  }
0x4eb: {  	v31 =	vsel vm5, $0x34C, v31;
	v7 =	vsel vm6, $0x30D, v7;
	v13 =	vsel vm6, $0x31D, v13;
	[tilespmem:$0x1FCE0] =	vst v1;
	v1 =	vld [tilespmem:$0x1F590]  }
0x4ec: {  	v19 =	vsel vm6, $0x32D, v19;
	v25 =	vsel vm6, $0x33D, v25;
	v0 =	vsel vm13, $0x4D4, v0  }
0x4ed: {  	v31 =	vsel vm6, $0x34D, v31;
	v7 =	vsel vm7, $0x30E, v7;
	v13 =	vsel vm7, $0x31E, v13;
	[tilespmem:$0x1F610] =	vst v0;
	v0 =	vld [tilespmem:$0x1F300]  }
0x4ee: {  	v19 =	vsel vm7, $0x32E, v19;
	v25 =	vsel vm7, $0x33E, v25;
	v31 =	vsel vm7, $0x34E, v31  }
0x4ef: {  	v7 =	vsel vm8, $0x30F, v7;
	v13 =	vsel vm8, $0x31F, v13;
	v19 =	vsel vm8, $0x32F, v19  }
0x4f0: {  	v25 =	vsel vm8, $0x33F, v25;
	v31 =	vsel vm8, $0x34F, v31;
	v1 =	vsel vm14, $0x4C5, v1  }
0x4f1: {  	v7 =	vsel vm9, $0x388, v7;
	v13 =	vsel vm9, $0x398, v13;
	v19 =	vsel vm9, $0x3A8, v19;
	[tilespmem:$0x1FCF0] =	vst v1;
	v1 =	vld [tilespmem:$0x1F5A0]  }
0x4f2: {  	v25 =	vsel vm9, $0x3B8, v25;
	v31 =	vsel vm9, $0x3C8, v31;
	v0 =	vsel vm13, $0x5D4, v0  }
0x4f3: {  	v7 =	vsel vm10, $0x389, v7;
	v13 =	vsel vm10, $0x399, v13;
	v19 =	vsel vm10, $0x3A9, v19;
	[tilespmem:$0x1F620] =	vst v0;
	v0 =	vld [tilespmem:$0x1F310]  }
0x4f4: {  	v25 =	vsel vm10, $0x3B9, v25;
	v31 =	vsel vm10, $0x3C9, v31;
	v7 =	vsel vm11, $0x38A, v7  }
0x4f5: {  	v13 =	vsel vm11, $0x39A, v13;
	v19 =	vsel vm11, $0x3AA, v19;
	v25 =	vsel vm11, $0x3BA, v25  }
0x4f6: {  	v31 =	vsel vm11, $0x3CA, v31;
	v7 =	vsel vm12, $0x38B, v7;
	v1 =	vsel vm14, $0x5C5, v1  }
0x4f7: {  	v13 =	vsel vm12, $0x39B, v13;
	v19 =	vsel vm12, $0x3AB, v19;
	v25 =	vsel vm12, $0x3BB, v25;
	[tilespmem:$0x1FD00] =	vst v1;
	v1 =	vld [tilespmem:$0x1F5B0]  }
0x4f8: {  	v31 =	vsel vm12, $0x3CB, v31;
	v6 =	vsel vm15, $0x20A, v6;
	v0 =	vsel vm13, $0x6D4, v0  }
0x4f9: {  	v12 =	vsel vm15, $0x21A, v12;
	v18 =	vsel vm15, $0x22A, v18;
	v24 =	vsel vm15, $0x23A, v24;
	[tilespmem:$0x1F630] =	vst v0;
	v0 =	vld [tilespmem:$0x1F320]  }
0x4fa: {  	v30 =	vsel vm15, $0x24A, v30;
	v36 =	vsel vm15, $0x25A, v36;
	v42 =	vsel vm15, $0x26A, v42  }
0x4fb: {  	v7 =	vsel vm13, $0x38C, v7;
	v13 =	vsel vm13, $0x39C, v13;
	v19 =	vsel vm13, $0x3AC, v19  }
0x4fc: {  	v25 =	vsel vm13, $0x3BC, v25;
	v31 =	vsel vm13, $0x3CC, v31;
	v1 =	vsel vm14, $0x6C5, v1  }
0x4fd: {  	v5 =	vsel vm15, $0x10A, v5;
	v11 =	vsel vm15, $0x11A, v11;
	v17 =	vsel vm15, $0x12A, v17;
	[tilespmem:$0x1FD10] =	vst v1;
	v1 =	vld [tilespmem:$0x1F5C0]  }
0x4fe: {  	v23 =	vsel vm15, $0x13A, v23;
	v29 =	vsel vm15, $0x14A, v29;
	v0 =	vsel vm13, $0x7D4, v0  }
0x4ff: {  	v35 =	vsel vm15, $0x15A, v35;
	v41 =	vsel vm15, $0x16A, v41;
	v6 =	vsel vm4, $0x20B, v6;
	[tilespmem:$0x1F640] =	vst v0;
	v0 =	vld [tilespmem:$0x1F330]  }
0x500: {  	v12 =	vsel vm4, $0x21B, v12;
	v18 =	vsel vm4, $0x22B, v18;
	v24 =	vsel vm4, $0x23B, v24  }
0x501: {  	v30 =	vsel vm4, $0x24B, v30;
	v36 =	vsel vm4, $0x25B, v36;
	v42 =	vsel vm4, $0x26B, v42  }
0x502: {  	v5 =	vsel vm4, $0x10B, v5;
	v11 =	vsel vm4, $0x11B, v11;
	v1 =	vsel vm14, $0x7C5, v1  }
0x503: {  	v17 =	vsel vm4, $0x12B, v17;
	v23 =	vsel vm4, $0x13B, v23;
	v29 =	vsel vm4, $0x14B, v29;
	[tilespmem:$0x1FD20] =	vst v1;
	v1 =	vld [tilespmem:$0x1F5D0]  }
0x504: {  	v35 =	vsel vm4, $0x15B, v35;
	v41 =	vsel vm4, $0x16B, v41;
	v0 =	vsel vm13, $0x4DC, v0  }
0x505: {  	v6 =	vsel vm5, $0x20C, v6;
	v12 =	vsel vm5, $0x21C, v12;
	v18 =	vsel vm5, $0x22C, v18;
	[tilespmem:$0x1F650] =	vst v0;
	v0 =	vld [tilespmem:$0x1F340]  }
0x506: {  	v24 =	vsel vm5, $0x23C, v24;
	v30 =	vsel vm5, $0x24C, v30;
	v36 =	vsel vm5, $0x25C, v36  }
0x507: {  	v42 =	vsel vm5, $0x26C, v42;
	v4 =	vsel vm15, $0x302, v4;
	v10 =	vsel vm15, $0x312, v10  }
0x508: {  	v16 =	vsel vm15, $0x322, v16;
	v22 =	vsel vm15, $0x332, v22;
	v1 =	vsel vm14, $0x4CD, v1  }
0x509: {  	v28 =	vsel vm15, $0x342, v28;
	v5 =	vsel vm5, $0x10C, v5;
	v11 =	vsel vm5, $0x11C, v11;
	[tilespmem:$0x1FD30] =	vst v1;
	v1 =	vld [tilespmem:$0x1F5E0]  }
0x50a: {  	v17 =	vsel vm5, $0x12C, v17;
	v23 =	vsel vm5, $0x13C, v23;
	v0 =	vsel vm13, $0x5DC, v0  }
0x50b: {  	v29 =	vsel vm5, $0x14C, v29;
	v35 =	vsel vm5, $0x15C, v35;
	v41 =	vsel vm5, $0x16C, v41;
	[tilespmem:$0x1F660] =	vst v0;
	v0 =	vld [tilespmem:$0x1F350]  }
0x50c: {  	v6 =	vsel vm6, $0x20D, v6;
	v12 =	vsel vm6, $0x21D, v12;
	v18 =	vsel vm6, $0x22D, v18  }
0x50d: {  	v24 =	vsel vm6, $0x23D, v24;
	v30 =	vsel vm6, $0x24D, v30;
	v36 =	vsel vm6, $0x25D, v36  }
0x50e: {  	v42 =	vsel vm6, $0x26D, v42;
	v3 =	vsel vm15, $0x202, v3;
	v1 =	vsel vm14, $0x5CD, v1  }
0x50f: {  	v9 =	vsel vm15, $0x212, v9;
	v15 =	vsel vm15, $0x222, v15;
	v21 =	vsel vm15, $0x232, v21;
	[tilespmem:$0x1FD40] =	vst v1;
	v1 =	vld [tilespmem:$0x1F5F0]  }
0x510: {  	v27 =	vsel vm15, $0x242, v27;
	v33 =	vsel vm15, $0x252, v33;
	v0 =	vsel vm13, $0x6DC, v0  }
0x511: {  	v39 =	vsel vm15, $0x262, v39;
	v45 =	vsel vm15, $0x272, v45;
	v4 =	vsel vm4, $0x303, v4;
	[tilespmem:$0x1F670] =	vst v0;
	v0 =	vld [tilespmem:$0x1F360]  }
0x512: {  	v10 =	vsel vm4, $0x313, v10;
	v16 =	vsel vm4, $0x323, v16;
	v22 =	vsel vm4, $0x333, v22  }
0x513: {  	v28 =	vsel vm4, $0x343, v28;
	v5 =	vsel vm6, $0x10D, v5;
	v11 =	vsel vm6, $0x11D, v11  }
0x514: {  	v17 =	vsel vm6, $0x12D, v17;
	v23 =	vsel vm6, $0x13D, v23;
	v1 =	vsel vm14, $0x6CD, v1  }
0x515: {  	v29 =	vsel vm6, $0x14D, v29;
	v35 =	vsel vm6, $0x15D, v35;
	v41 =	vsel vm6, $0x16D, v41;
	[tilespmem:$0x1FD50] =	vst v1;
	v1 =	vld [tilespmem:$0x1F600]  }
0x516: {  	v6 =	vsel vm7, $0x20E, v6;
	v12 =	vsel vm7, $0x21E, v12;
	v0 =	vsel vm13, $0x7DC, v0  }
0x517: {  	v18 =	vsel vm7, $0x22E, v18;
	v24 =	vsel vm7, $0x23E, v24;
	v30 =	vsel vm7, $0x24E, v30;
	[tilespmem:$0x1F680] =	vst v0;
	v0 =	vld [tilespmem:$0x1F370]  }
0x518: {  	v36 =	vsel vm7, $0x25E, v36;
	v42 =	vsel vm7, $0x26E, v42;
	v48 =	vsel vm15, $0x27A, v48  }
0x519: {  	v3 =	vsel vm4, $0x203, v3;
	v9 =	vsel vm4, $0x213, v9;
	v15 =	vsel vm4, $0x223, v15  }
0x51a: {  	v21 =	vsel vm4, $0x233, v21;
	v27 =	vsel vm4, $0x243, v27;
	v1 =	vsel vm14, $0x7CD, v1  }
0x51b: {  	v33 =	vsel vm4, $0x253, v33;
	v39 =	vsel vm4, $0x263, v39;
	v45 =	vsel vm4, $0x273, v45;
	[tilespmem:$0x1FD60] =	vst v1;
	v1 =	vld [tilespmem:$0x1F610]  }
0x51c: {  	v4 =	vsel vm5, $0x304, v4;
	v10 =	vsel vm5, $0x314, v10;
	v0 =	vsel vm13, $0x4E4, v0  }
0x51d: {  	v16 =	vsel vm5, $0x324, v16;
	v22 =	vsel vm5, $0x334, v22;
	v28 =	vsel vm5, $0x344, v28;
	[tilespmem:$0x1F690] =	vst v0;
	v0 =	vld [tilespmem:$0x1F380]  }
0x51e: {  	v5 =	vsel vm7, $0x10E, v5;
	v11 =	vsel vm7, $0x11E, v11;
	v17 =	vsel vm7, $0x12E, v17  }
0x51f: {  	v23 =	vsel vm7, $0x13E, v23;
	v29 =	vsel vm7, $0x14E, v29;
	v35 =	vsel vm7, $0x15E, v35  }
0x520: {  	v41 =	vsel vm7, $0x16E, v41;
	v6 =	vsel vm8, $0x20F, v6;
	v1 =	vsel vm14, $0x4D5, v1  }
0x521: {  	v12 =	vsel vm8, $0x21F, v12;
	v18 =	vsel vm8, $0x22F, v18;
	v24 =	vsel vm8, $0x23F, v24;
	[tilespmem:$0x1FD70] =	vst v1;
	v1 =	vld [tilespmem:$0x1F620]  }
0x522: {  	v30 =	vsel vm8, $0x24F, v30;
	v36 =	vsel vm8, $0x25F, v36;
	v0 =	vsel vm13, $0x5E4, v0  }
0x523: {  	v42 =	vsel vm8, $0x26F, v42;
	v48 =	vsel vm4, $0x27B, v48;
	v3 =	vsel vm5, $0x204, v3;
	[tilespmem:$0x1F6A0] =	vst v0;
	v0 =	vld [tilespmem:$0x1F390]  }
0x524: {  	v9 =	vsel vm5, $0x214, v9;
	v15 =	vsel vm5, $0x224, v15;
	v21 =	vsel vm5, $0x234, v21  }
0x525: {  	v27 =	vsel vm5, $0x244, v27;
	v33 =	vsel vm5, $0x254, v33;
	v39 =	vsel vm5, $0x264, v39  }
0x526: {  	v45 =	vsel vm5, $0x274, v45;
	v4 =	vsel vm6, $0x305, v4;
	v1 =	vsel vm14, $0x5D5, v1  }
0x527: {  	v10 =	vsel vm6, $0x315, v10;
	v16 =	vsel vm6, $0x325, v16;
	v22 =	vsel vm6, $0x335, v22;
	[tilespmem:$0x1FD80] =	vst v1;
	v1 =	vld [tilespmem:$0x1F630]  }
0x528: {  	v28 =	vsel vm6, $0x345, v28;
	v5 =	vsel vm8, $0x10F, v5;
	v0 =	vsel vm13, $0x6E4, v0  }
0x529: {  	v11 =	vsel vm8, $0x11F, v11;
	v17 =	vsel vm8, $0x12F, v17;
	v23 =	vsel vm8, $0x13F, v23;
	[tilespmem:$0x1F6B0] =	vst v0;
	v0 =	vld [tilespmem:$0x1F3A0]  }
0x52a: {  	v29 =	vsel vm8, $0x14F, v29;
	v35 =	vsel vm8, $0x15F, v35;
	v41 =	vsel vm8, $0x16F, v41  }
0x52b: {  	v6 =	vsel vm9, $0x288, v6;
	v12 =	vsel vm9, $0x298, v12;
	v18 =	vsel vm9, $0x2A8, v18  }
0x52c: {  	v24 =	vsel vm9, $0x2B8, v24;
	v30 =	vsel vm9, $0x2C8, v30;
	v1 =	vsel vm14, $0x6D5, v1  }
0x52d: {  	v36 =	vsel vm9, $0x2D8, v36;
	v42 =	vsel vm9, $0x2E8, v42;
	v48 =	vsel vm5, $0x27C, v48;
	[tilespmem:$0x1FD90] =	vst v1;
	v1 =	vld [tilespmem:$0x1F640]  }
0x52e: {  	v3 =	vsel vm6, $0x205, v3;
	v9 =	vsel vm6, $0x215, v9;
	v0 =	vsel vm13, $0x7E4, v0  }
0x52f: {  	v15 =	vsel vm6, $0x225, v15;
	v21 =	vsel vm6, $0x235, v21;
	v27 =	vsel vm6, $0x245, v27;
	[tilespmem:$0x1F6C0] =	vst v0;
	v0 =	vld [tilespmem:$0x1F3B0]  }
0x530: {  	v33 =	vsel vm6, $0x255, v33;
	v39 =	vsel vm6, $0x265, v39;
	v45 =	vsel vm6, $0x275, v45  }
0x531: {  	v4 =	vsel vm7, $0x306, v4;
	v10 =	vsel vm7, $0x316, v10;
	v16 =	vsel vm7, $0x326, v16  }
0x532: {  	v22 =	vsel vm7, $0x336, v22;
	v28 =	vsel vm7, $0x346, v28;
	v1 =	vsel vm14, $0x7D5, v1  }
0x533: {  	v5 =	vsel vm9, $0x188, v5;
	v11 =	vsel vm9, $0x198, v11;
	v17 =	vsel vm9, $0x1A8, v17;
	[tilespmem:$0x1FDA0] =	vst v1;
	v1 =	vld [tilespmem:$0x1F650]  }
0x534: {  	v23 =	vsel vm9, $0x1B8, v23;
	v29 =	vsel vm9, $0x1C8, v29;
	v0 =	vsel vm13, $0x4EC, v0  }
0x535: {  	v35 =	vsel vm9, $0x1D8, v35;
	v41 =	vsel vm9, $0x1E8, v41;
	v6 =	vsel vm10, $0x289, v6;
	[tilespmem:$0x1F6D0] =	vst v0;
	v0 =	vld [tilespmem:$0x1F3C0]  }
0x536: {  	v12 =	vsel vm10, $0x299, v12;
	v18 =	vsel vm10, $0x2A9, v18;
	v24 =	vsel vm10, $0x2B9, v24  }
0x537: {  	v30 =	vsel vm10, $0x2C9, v30;
	v36 =	vsel vm10, $0x2D9, v36;
	v42 =	vsel vm10, $0x2E9, v42  }
0x538: {  	v47 =	vsel vm15, $0x17A, v47;
	v48 =	vsel vm6, $0x27D, v48;
	v1 =	vsel vm14, $0x4DD, v1  }
0x539: {  	v3 =	vsel vm7, $0x206, v3;
	v9 =	vsel vm7, $0x216, v9;
	v15 =	vsel vm7, $0x226, v15;
	[tilespmem:$0x1FDB0] =	vst v1;
	v1 =	vld [tilespmem:$0x1F660]  }
0x53a: {  	v21 =	vsel vm7, $0x236, v21;
	v27 =	vsel vm7, $0x246, v27;
	v0 =	vsel vm13, $0x5EC, v0  }
0x53b: {  	v33 =	vsel vm7, $0x256, v33;
	v39 =	vsel vm7, $0x266, v39;
	v45 =	vsel vm7, $0x276, v45;
	[tilespmem:$0x1F6E0] =	vst v0;
	v0 =	vld [tilespmem:$0x1F3D0]  }
0x53c: {  	v4 =	vsel vm8, $0x307, v4;
	v10 =	vsel vm8, $0x317, v10;
	v16 =	vsel vm8, $0x327, v16  }
0x53d: {  	v22 =	vsel vm8, $0x337, v22;
	v28 =	vsel vm8, $0x347, v28;
	v5 =	vsel vm10, $0x189, v5  }
0x53e: {  	v11 =	vsel vm10, $0x199, v11;
	v17 =	vsel vm10, $0x1A9, v17;
	v1 =	vsel vm14, $0x5DD, v1  }
0x53f: {  	v23 =	vsel vm10, $0x1B9, v23;
	v29 =	vsel vm10, $0x1C9, v29;
	v35 =	vsel vm10, $0x1D9, v35;
	[tilespmem:$0x1FDC0] =	vst v1;
	v1 =	vld [tilespmem:$0x1F670]  }
0x540: {  	v41 =	vsel vm10, $0x1E9, v41;
	v6 =	vsel vm11, $0x28A, v6;
	v0 =	vsel vm13, $0x6EC, v0  }
0x541: {  	v12 =	vsel vm11, $0x29A, v12;
	v18 =	vsel vm11, $0x2AA, v18;
	v24 =	vsel vm11, $0x2BA, v24;
	[tilespmem:$0x1F6F0] =	vst v0;
	v0 =	vld [tilespmem:$0x1F3E0]  }
0x542: {  	v30 =	vsel vm11, $0x2CA, v30;
	v36 =	vsel vm11, $0x2DA, v36;
	v42 =	vsel vm11, $0x2EA, v42  }
0x543: {  	v47 =	vsel vm4, $0x17B, v47;
	v48 =	vsel vm7, $0x27E, v48;
	v3 =	vsel vm8, $0x207, v3  }
0x544: {  	v9 =	vsel vm8, $0x217, v9;
	v15 =	vsel vm8, $0x227, v15;
	v1 =	vsel vm14, $0x6DD, v1  }
0x545: {  	v21 =	vsel vm8, $0x237, v21;
	v27 =	vsel vm8, $0x247, v27;
	v33 =	vsel vm8, $0x257, v33;
	[tilespmem:$0x1FDD0] =	vst v1;
	v1 =	vld [tilespmem:$0x1F680]  }
0x546: {  	v39 =	vsel vm8, $0x267, v39;
	v45 =	vsel vm8, $0x277, v45;
	v0 =	vsel vm13, $0x7EC, v0  }
0x547: {  	v4 =	vsel vm9, $0x380, v4;
	v10 =	vsel vm9, $0x390, v10;
	v16 =	vsel vm9, $0x3A0, v16;
	[tilespmem:$0x1F700] =	vst v0;
	v0 =	vld [tilespmem:$0x1F3F0]  }
0x548: {  	v22 =	vsel vm9, $0x3B0, v22;
	v28 =	vsel vm9, $0x3C0, v28;
	v5 =	vsel vm11, $0x18A, v5  }
0x549: {  	v11 =	vsel vm11, $0x19A, v11;
	v17 =	vsel vm11, $0x1AA, v17;
	v23 =	vsel vm11, $0x1BA, v23  }
0x54a: {  	v29 =	vsel vm11, $0x1CA, v29;
	v35 =	vsel vm11, $0x1DA, v35;
	v1 =	vsel vm14, $0x7DD, v1  }
0x54b: {  	v41 =	vsel vm11, $0x1EA, v41;
	v6 =	vsel vm12, $0x28B, v6;
	v12 =	vsel vm12, $0x29B, v12;
	[tilespmem:$0x1FDE0] =	vst v1;
	v1 =	vld [tilespmem:$0x1F690]  }
0x54c: {  	v18 =	vsel vm12, $0x2AB, v18;
	v24 =	vsel vm12, $0x2BB, v24;
	v0 =	vsel vm13, $0x4F4, v0  }
0x54d: {  	v30 =	vsel vm12, $0x2CB, v30;
	v36 =	vsel vm12, $0x2DB, v36;
	v42 =	vsel vm12, $0x2EB, v42;
	[tilespmem:$0x1F710] =	vst v0;
	v0 =	vld [tilespmem:$0x1F400]  }
0x54e: {  	v47 =	vsel vm5, $0x17C, v47;
	v48 =	vsel vm8, $0x27F, v48;
	v3 =	vsel vm9, $0x280, v3  }
0x54f: {  	v9 =	vsel vm9, $0x290, v9;
	v15 =	vsel vm9, $0x2A0, v15;
	v21 =	vsel vm9, $0x2B0, v21  }
0x550: {  	v27 =	vsel vm9, $0x2C0, v27;
	v33 =	vsel vm9, $0x2D0, v33;
	v1 =	vsel vm14, $0x4E5, v1  }
0x551: {  	v39 =	vsel vm9, $0x2E0, v39;
	v45 =	vsel vm9, $0x2F0, v45;
	v4 =	vsel vm10, $0x381, v4;
	[tilespmem:$0x1FDF0] =	vst v1;
	v1 =	vld [tilespmem:$0x1F6A0]  }
0x552: {  	v10 =	vsel vm10, $0x391, v10;
	v16 =	vsel vm10, $0x3A1, v16;
	v0 =	vsel vm13, $0x5F4, v0  }
0x553: {  	v22 =	vsel vm10, $0x3B1, v22;
	v28 =	vsel vm10, $0x3C1, v28;
	v5 =	vsel vm12, $0x18B, v5;
	[tilespmem:$0x1F720] =	vst v0;
	v0 =	vld [tilespmem:$0x1F410]  }
0x554: {  	v11 =	vsel vm12, $0x19B, v11;
	v17 =	vsel vm12, $0x1AB, v17;
	v23 =	vsel vm12, $0x1BB, v23  }
0x555: {  	v29 =	vsel vm12, $0x1CB, v29;
	v35 =	vsel vm12, $0x1DB, v35;
	v41 =	vsel vm12, $0x1EB, v41  }
0x556: {  	v6 =	vsel vm13, $0x28C, v6;
	v12 =	vsel vm13, $0x29C, v12;
	v1 =	vsel vm14, $0x5E5, v1  }
0x557: {  	v18 =	vsel vm13, $0x2AC, v18;
	v24 =	vsel vm13, $0x2BC, v24;
	v30 =	vsel vm13, $0x2CC, v30;
	[tilespmem:$0x1FE00] =	vst v1;
	v1 =	vld [tilespmem:$0x1F6B0]  }
0x558: {  	v36 =	vsel vm13, $0x2DC, v36;
	v42 =	vsel vm13, $0x2EC, v42;
	v0 =	vsel vm13, $0x6F4, v0  }
0x559: {  	v57 =	vsel vm15, $0x70A, v57;
	v47 =	vsel vm6, $0x17D, v47;
	v48 =	vsel vm9, $0x2F8, v48;
	[tilespmem:$0x1F730] =	vst v0;
	v0 =	vld [tilespmem:$0x1F420]  }
0x55a: {  	v3 =	vsel vm10, $0x281, v3;
	v9 =	vsel vm10, $0x291, v9;
	v15 =	vsel vm10, $0x2A1, v15  }
0x55b: {  	v21 =	vsel vm10, $0x2B1, v21;
	v27 =	vsel vm10, $0x2C1, v27;
	v33 =	vsel vm10, $0x2D1, v33  }
0x55c: {  	v39 =	vsel vm10, $0x2E1, v39;
	v45 =	vsel vm10, $0x2F1, v45;
	v1 =	vsel vm14, $0x6E5, v1  }
0x55d: {  	v4 =	vsel vm11, $0x382, v4;
	v10 =	vsel vm11, $0x392, v10;
	v16 =	vsel vm11, $0x3A2, v16;
	[tilespmem:$0x1FE10] =	vst v1;
	v1 =	vld [tilespmem:$0x1F6C0]  }
0x55e: {  	v22 =	vsel vm11, $0x3B2, v22;
	v28 =	vsel vm11, $0x3C2, v28;
	v0 =	vsel vm13, $0x7F4, v0  }
0x55f: {  	v5 =	vsel vm13, $0x18C, v5;
	v11 =	vsel vm13, $0x19C, v11;
	v17 =	vsel vm13, $0x1AC, v17;
	[tilespmem:$0x1F740] =	vst v0;
	v0 =	vld [tilespmem:$0x1F430]  }
0x560: {  	v23 =	vsel vm13, $0x1BC, v23;
	v29 =	vsel vm13, $0x1CC, v29;
	v3 =	vsel vm11, $0x282, v3  }
0x561: {  	v9 =	vsel vm11, $0x292, v9;
	v15 =	vsel vm11, $0x2A2, v15;
	v21 =	vsel vm11, $0x2B2, v21  }
0x562: {  	v27 =	vsel vm11, $0x2C2, v27;
	v4 =	vsel vm12, $0x383, v4;
	v1 =	vsel vm14, $0x7E5, v1  }
0x563: {  	v10 =	vsel vm12, $0x393, v10;
	v16 =	vsel vm12, $0x3A3, v16;
	v22 =	vsel vm12, $0x3B3, v22;
	[tilespmem:$0x1FE20] =	vst v1;
	v1 =	vld [tilespmem:$0x1F6D0]  }
0x564: {  	v3 =	vsel vm12, $0x283, v3;
	v9 =	vsel vm12, $0x293, v9;
	v0 =	vsel vm13, $0x4FC, v0  }
0x565: {  	v15 =	vsel vm12, $0x2A3, v15;
	v21 =	vsel vm12, $0x2B3, v21;
	v4 =	vsel vm13, $0x384, v4;
	[tilespmem:$0x1F750] =	vst v0;
	v0 =	vld [tilespmem:$0x1F440]  }
0x566: {  	v10 =	vsel vm13, $0x394, v10;
	v16 =	vsel vm13, $0x3A4, v16;
	v3 =	vsel vm13, $0x284, v3  }
0x567: {  	v9 =	vsel vm13, $0x294, v9;
	v15 =	vsel vm13, $0x2A4, v15;
	v21 =	vsel vm13, $0x2B4, v21  }
0x568: {  	v2 =	vsel vm15, $0x102, v2;
	v8 =	vsel vm15, $0x112, v8;
	v1 =	vsel vm14, $0x4ED, v1  }
0x569: {  	v14 =	vsel vm15, $0x122, v14;
	v20 =	vsel vm15, $0x132, v20;
	v26 =	vsel vm15, $0x142, v26;
	[tilespmem:$0x1FE30] =	vst v1;
	v1 =	vld [tilespmem:$0x1F6E0]  }
0x56a: {  	v38 =	vsel vm15, $0x162, v38;
	v2 =	vsel vm4, $0x103, v2;
	v0 =	vsel vm13, $0x5FC, v0  }
0x56b: {  	v44 =	vsel vm15, $0x172, v44;
	v56 =	vsel vm15, $0x60A, v56;
	v2 =	vsel vm5, $0x104, v2;
	[tilespmem:$0x1F760] =	vst v0;
	v0 =	vld [tilespmem:$0x1F450]  }
0x56c: {  	v8 =	vsel vm4, $0x113, v8;
	v14 =	vsel vm4, $0x123, v14;
	v2 =	vsel vm6, $0x105, v2  }
0x56d: {  	v20 =	vsel vm4, $0x133, v20;
	v26 =	vsel vm4, $0x143, v26;
	v2 =	vsel vm7, $0x106, v2  }
0x56e: {  	v8 =	vsel vm5, $0x114, v8;
	v2 =	vsel vm8, $0x107, v2;
	v1 =	vsel vm14, $0x5ED, v1  }
0x56f: {  	v14 =	vsel vm5, $0x124, v14;
	v20 =	vsel vm5, $0x134, v20;
	v2 =	vsel vm9, $0x180, v2;
	[tilespmem:$0x1FE40] =	vst v1;
	v1 =	vld [tilespmem:$0x1F6F0]  }
0x570: {  	v26 =	vsel vm5, $0x144, v26;
	v2 =	vsel vm10, $0x181, v2;
	v0 =	vsel vm13, $0x6FC, v0  }
0x571: {  	v8 =	vsel vm6, $0x115, v8;
	v2 =	vsel vm11, $0x182, v2;
	v0 =	vsel vm14, $0x6FD, v0  }
0x572: {  	v8 =	vsel vm7, $0x116, v8;
	v2 =	vsel vm12, $0x183, v2;
	[tilespmem:$0x1FED0] =	vst v0;
	v0 =	vlaneseq.u32  }
0x573: {  	v58 =	vsel vm15, $0x412, v58;
	v2 =	vsel vm13, $0x184, v2;
	v0 =	vshrl.u32 v0, $0x3  }
0x574: {  	v2 =	vsel vm14, $0x185, v2;
	vm15 =	vcmask $0x3B38;
	[tilespmem:$0x1FF00] =	vst v0;
	v1 =	vsel vm14, $0x6ED, v1  }
0x575: {  	v8 =	vsel vm8, $0x117, v8;
	v3 =	vsel vm14, $0x285, v3;
	v0 =	vsel vm15, $0x186, v2;
	[tilespmem:$0x1FE50] =	vst v1;
	v1 =	vld [tilespmem:$0x1F700]  }
0x576: {  	v8 =	vsel vm9, $0x190, v8;
	v4 =	vsel vm14, $0x385, v4;
	[tilespmem:$0x1F780] =	vst v0;
	v0 =	vsel vm15, $0x286, v3  }
0x577: {  	v8 =	vsel vm10, $0x191, v8;
	v5 =	vsel vm14, $0x18D, v5;
	[tilespmem:$0x1F790] =	vst v0;
	v0 =	vsel vm15, $0x386, v4  }
0x578: {  	v8 =	vsel vm11, $0x192, v8;
	v6 =	vsel vm14, $0x28D, v6;
	[tilespmem:$0x1F7A0] =	vst v0;
	v0 =	vsel vm15, $0x18E, v5  }
0x579: {  	v14 =	vsel vm6, $0x125, v14;
	v8 =	vsel vm12, $0x193, v8;
	[tilespmem:$0x1F7B0] =	vst v0;
	v0 =	vsel vm15, $0x28E, v6  }
0x57a: {  	v8 =	vsel vm13, $0x194, v8;
	v7 =	vsel vm14, $0x38D, v7;
	[tilespmem:$0x1F7C0] =	vst v0;
	v1 =	vsel vm14, $0x7ED, v1  }
0x57b: {  	v14 =	vsel vm7, $0x126, v14;
	v8 =	vsel vm14, $0x195, v8;
	v0 =	vsel vm15, $0x38E, v7;
	[tilespmem:$0x1FE60] =	vst v1;
	v1 =	vld [tilespmem:$0x1F710]  }
0x57c: {  	v14 =	vsel vm8, $0x127, v14;
	v9 =	vsel vm14, $0x295, v9;
	[tilespmem:$0x1F7D0] =	vst v0;
	v0 =	vsel vm15, $0x196, v8  }
0x57d: {  	v14 =	vsel vm9, $0x1A0, v14;
	v10 =	vsel vm14, $0x395, v10;
	[tilespmem:$0x1F7E0] =	vst v0;
	v0 =	vsel vm15, $0x296, v9  }
0x57e: {  	v14 =	vsel vm10, $0x1A1, v14;
	v11 =	vsel vm14, $0x19D, v11;
	[tilespmem:$0x1F7F0] =	vst v0;
	v0 =	vsel vm15, $0x396, v10  }
0x57f: {  	v20 =	vsel vm6, $0x135, v20;
	v14 =	vsel vm11, $0x1A2, v14;
	[tilespmem:$0x1F800] =	vst v0;
	v0 =	vsel vm15, $0x19E, v11  }
0x580: {  	v14 =	vsel vm12, $0x1A3, v14;
	v12 =	vsel vm14, $0x29D, v12;
	[tilespmem:$0x1F810] =	vst v0;
	v1 =	vsel vm14, $0x4F5, v1  }
0x581: {  	v14 =	vsel vm13, $0x1A4, v14;
	v13 =	vsel vm14, $0x39D, v13;
	v0 =	vsel vm15, $0x29E, v12;
	[tilespmem:$0x1FE70] =	vst v1;
	v1 =	vld [tilespmem:$0x1F720]  }
0x582: {  	v20 =	vsel vm7, $0x136, v20;
	v14 =	vsel vm14, $0x1A5, v14;
	[tilespmem:$0x1F820] =	vst v0;
	v0 =	vsel vm15, $0x39E, v13  }
0x583: {  	v20 =	vsel vm8, $0x137, v20;
	v15 =	vsel vm14, $0x2A5, v15;
	[tilespmem:$0x1F830] =	vst v0;
	v0 =	vsel vm15, $0x1A6, v14  }
0x584: {  	v20 =	vsel vm9, $0x1B0, v20;
	v16 =	vsel vm14, $0x3A5, v16;
	[tilespmem:$0x1F840] =	vst v0;
	v0 =	vsel vm15, $0x2A6, v15  }
0x585: {  	v26 =	vsel vm6, $0x145, v26;
	v20 =	vsel vm10, $0x1B1, v20;
	[tilespmem:$0x1F850] =	vst v0;
	v0 =	vsel vm15, $0x3A6, v16  }
0x586: {  	v20 =	vsel vm11, $0x1B2, v20;
	v17 =	vsel vm14, $0x1AD, v17;
	[tilespmem:$0x1F860] =	vst v0;
	v1 =	vsel vm14, $0x5F5, v1  }
0x587: {  	v20 =	vsel vm12, $0x1B3, v20;
	v18 =	vsel vm14, $0x2AD, v18;
	v0 =	vsel vm15, $0x1AE, v17;
	[tilespmem:$0x1FE80] =	vst v1;
	v1 =	vld [tilespmem:$0x1F730]  }
0x588: {  	v20 =	vsel vm13, $0x1B4, v20;
	v19 =	vsel vm14, $0x3AD, v19;
	[tilespmem:$0x1F870] =	vst v0;
	v0 =	vsel vm15, $0x2AE, v18  }
0x589: {  	v26 =	vsel vm7, $0x146, v26;
	v20 =	vsel vm14, $0x1B5, v20;
	[tilespmem:$0x1F880] =	vst v0;
	v0 =	vsel vm15, $0x3AE, v19  }
0x58a: {  	v26 =	vsel vm8, $0x147, v26;
	v21 =	vsel vm14, $0x2B5, v21;
	[tilespmem:$0x1F890] =	vst v0;
	v0 =	vsel vm15, $0x1B6, v20  }
0x58b: {  	v22 =	vsel vm13, $0x3B4, v22;
	v26 =	vsel vm9, $0x1C0, v26;
	[tilespmem:$0x1F8A0] =	vst v0;
	v0 =	vsel vm15, $0x2B6, v21  }
0x58c: {  	v26 =	vsel vm10, $0x1C1, v26;
	v22 =	vsel vm14, $0x3B5, v22;
	[tilespmem:$0x1F8B0] =	vst v0;
	v1 =	vsel vm14, $0x6F5, v1  }
0x58d: {  	v26 =	vsel vm11, $0x1C2, v26;
	v23 =	vsel vm14, $0x1BD, v23;
	v0 =	vsel vm15, $0x3B6, v22;
	[tilespmem:$0x1FE90] =	vst v1;
	v1 =	vld [tilespmem:$0x1F740]  }
0x58e: {  	v26 =	vsel vm12, $0x1C3, v26;
	v24 =	vsel vm14, $0x2BD, v24;
	[tilespmem:$0x1F8C0] =	vst v0;
	v0 =	vsel vm15, $0x1BE, v23  }
0x58f: {  	v26 =	vsel vm13, $0x1C4, v26;
	v25 =	vsel vm14, $0x3BD, v25;
	[tilespmem:$0x1F8D0] =	vst v0;
	v0 =	vsel vm15, $0x2BE, v24  }
0x590: {  	v27 =	vsel vm12, $0x2C3, v27;
	v26 =	vsel vm14, $0x1C5, v26;
	[tilespmem:$0x1F8E0] =	vst v0;
	v0 =	vsel vm15, $0x3BE, v25  }
0x591: {  	v28 =	vsel vm12, $0x3C3, v28;
	v27 =	vsel vm13, $0x2C4, v27;
	[tilespmem:$0x1F8F0] =	vst v0;
	v0 =	vsel vm15, $0x1C6, v26  }
0x592: {  	v28 =	vsel vm13, $0x3C4, v28;
	v27 =	vsel vm14, $0x2C5, v27;
	[tilespmem:$0x1F900] =	vst v0;
	v1 =	vsel vm14, $0x7F5, v1  }
0x593: {  	v35 =	vsel vm13, $0x1DC, v35;
	v28 =	vsel vm14, $0x3C5, v28;
	v0 =	vsel vm15, $0x2C6, v27;
	[tilespmem:$0x1FEA0] =	vst v1;
	v1 =	vld [tilespmem:$0x1F750]  }
0x594: {  	v41 =	vsel vm13, $0x1EC, v41;
	v29 =	vsel vm14, $0x1CD, v29;
	[tilespmem:$0x1F910] =	vst v0;
	v0 =	vsel vm15, $0x3C6, v28  }
0x595: {  	v57 =	vsel vm4, $0x70B, v57;
	v30 =	vsel vm14, $0x2CD, v30;
	[tilespmem:$0x1F920] =	vst v0;
	v0 =	vsel vm15, $0x1CE, v29  }
0x596: {  	v47 =	vsel vm7, $0x17E, v47;
	v31 =	vsel vm14, $0x3CD, v31;
	[tilespmem:$0x1F930] =	vst v0;
	v0 =	vsel vm15, $0x2CE, v30  }
0x597: {  	v48 =	vsel vm10, $0x2F9, v48;
	v33 =	vsel vm11, $0x2D2, v33;
	[tilespmem:$0x1F940] =	vst v0;
	v0 =	vsel vm15, $0x3CE, v31  }
0x598: {  	v39 =	vsel vm11, $0x2E2, v39;
	v45 =	vsel vm11, $0x2F2, v45;
	[tilespmem:$0x1F950] =	vst v0;
	v0 =	vld [tilespmem:$0x1F960];
	v1 =	vsel vm14, $0x4FD, v1  }
0x599: {  	v57 =	vsel vm5, $0x70C, v57;
	v47 =	vsel vm8, $0x17F, v47;
	v48 =	vsel vm11, $0x2FA, v48;
	[tilespmem:$0x1FEB0] =	vst v1;
	v1 =	vld [tilespmem:$0x1F760]  }
0x59a: {  	v33 =	vsel vm12, $0x2D3, v33;
	v39 =	vsel vm12, $0x2E3, v39;
	v38 =	vsel vm4, $0x163, v38  }
0x59b: {  	v45 =	vsel vm12, $0x2F3, v45;
	v47 =	vsel vm9, $0x1F8, v47;
	v38 =	vsel vm5, $0x164, v38  }
0x59c: {  	v33 =	vsel vm13, $0x2D4, v33;
	v39 =	vsel vm13, $0x2E4, v39;
	v38 =	vsel vm6, $0x165, v38  }
0x59d: {  	v44 =	vsel vm4, $0x173, v44;
	v38 =	vsel vm7, $0x166, v38;
	v0 =	vsel vm15, $0x1D6, v0  }
0x59e: {  	v38 =	vsel vm8, $0x167, v38;
	v33 =	vsel vm14, $0x2D5, v33;
	[tilespmem:$0x1F970] =	vst v0;
	v1 =	vsel vm14, $0x5FD, v1  }
0x59f: {  	v44 =	vsel vm5, $0x174, v44;
	v38 =	vsel vm9, $0x1E0, v38;
	v0 =	vsel vm15, $0x2D6, v33;
	[tilespmem:$0x1FEC0] =	vst v1;
	v1 =	vld [tilespmem:$0x1F770]  }
0x5a0: {  	v38 =	vsel vm10, $0x1E1, v38;
	v35 =	vsel vm14, $0x1DD, v35;
	[tilespmem:$0x1F980] =	vst v0;
	v0 =	vsel vm15, $0x3D6, v32  }
0x5a1: {  	v38 =	vsel vm11, $0x1E2, v38;
	v36 =	vsel vm14, $0x2DD, v36;
	[tilespmem:$0x1F990] =	vst v0;
	v0 =	vsel vm15, $0x1DE, v35  }
0x5a2: {  	v44 =	vsel vm6, $0x175, v44;
	v38 =	vsel vm12, $0x1E3, v38;
	[tilespmem:$0x1F9A0] =	vst v0;
	v0 =	vsel vm15, $0x2DE, v36  }
0x5a3: {  	v44 =	vsel vm7, $0x176, v44;
	v38 =	vsel vm13, $0x1E4, v38;
	s4 =	rddreg [dreg:$0x0];
	[tilespmem:$0x1F9B0] =	vst v0;
	v0 =	vsel vm15, $0x3DE, v34  }
0x5a4: {  	s3 =	simm.s32 $0x0;
	v44 =	vsel vm8, $0x177, v44;
	v38 =	vsel vm14, $0x1E5, v38;
	s0 =	rddreg [dreg:$0x1];
	[tilespmem:$0x1F9C0] =	vst v0;
	v1 =	vsel vm14, $0x7FD, v1  }
0x5a5: {  	v44 =	vsel vm9, $0x1F0, v44;
	v39 =	vsel vm14, $0x2E5, v39;
	[smem:$0x7FF] =	sst s3;
	v0 =	vsel vm15, $0x1E6, v38;
	[tilespmem:$0x1FEE0] =	vst v1  }
0x5a6: {  	v45 =	vsel vm13, $0x2F4, v45;
	v44 =	vsel vm10, $0x1F1, v44;
	s5 =	rddreg [dreg:$0x2];
	_ =	strace $0x80000047;
	[tilespmem:$0x1F9D0] =	vst v0;
	v0 =	vsel vm15, $0x2E6, v39  }
0x5a7: {  	v44 =	vsel vm11, $0x1F2, v44;
	v41 =	vsel vm14, $0x1ED, v41;
	[tilespmem:$0x1F9E0] =	vst v0;
	v0 =	vsel vm15, $0x3E6, v37  }
0x5a8: {  	v44 =	vsel vm12, $0x1F3, v44;
	v42 =	vsel vm14, $0x2ED, v42;
	[tilespmem:$0x1F9F0] =	vst v0;
	v0 =	vsel vm15, $0x1EE, v41  }
0x5a9: {  	v47 =	vsel vm10, $0x1F9, v47;
	v44 =	vsel vm13, $0x1F4, v44;
	[tilespmem:$0x1FA00] =	vst v0;
	v0 =	vsel vm15, $0x2EE, v42  }
0x5aa: {  	v47 =	vsel vm11, $0x1FA, v47;
	v44 =	vsel vm14, $0x1F5, v44;
	[tilespmem:$0x1FA10] =	vst v0;
	v0 =	vsel vm15, $0x3EE, v40  }
0x5ab: {  	v47 =	vsel vm12, $0x1FB, v47;
	v45 =	vsel vm14, $0x2F5, v45;
	[tilespmem:$0x1FA20] =	vst v0;
	v0 =	vsel vm15, $0x1F6, v44  }
0x5ac: {  	v48 =	vsel vm12, $0x2FB, v48;
	v47 =	vsel vm13, $0x1FC, v47;
	[tilespmem:$0x1FA30] =	vst v0;
	v0 =	vsel vm15, $0x2F6, v45  }
0x5ad: {  	v48 =	vsel vm13, $0x2FC, v48;
	v47 =	vsel vm14, $0x1FD, v47;
	[tilespmem:$0x1FA40] =	vst v0;
	v0 =	vsel vm15, $0x3F6, v43  }
0x5ae: {  	v57 =	vsel vm6, $0x70D, v57;
	v48 =	vsel vm14, $0x2FD, v48;
	[tilespmem:$0x1FA50] =	vst v0;
	v0 =	vsel vm15, $0x1FE, v47  }
0x5af: {  	v57 =	vsel vm7, $0x70E, v57;
	[tilespmem:$0x1FA60] =	vst v0;
	v0 =	vsel vm15, $0x2FE, v48  }
0x5b0: {  	v57 =	vsel vm8, $0x70F, v57;
	[tilespmem:$0x1FA70] =	vst v0;
	v0 =	vsel vm15, $0x3FE, v46  }
0x5b1: {  	v57 =	vsel vm9, $0x788, v57;
	v56 =	vsel vm4, $0x60B, v56;
	[tilespmem:$0x1FA80] =	vst v0;
	v0 =	vld [tilespmem:$0x1FA90]  }
0x5b2: {  	v57 =	vsel vm10, $0x789, v57;
	v56 =	vsel vm5, $0x60C, v56  }
0x5b3: {  	v57 =	vsel vm11, $0x78A, v57;
	v56 =	vsel vm6, $0x60D, v56;
	v58 =	vsel vm4, $0x413, v58  }
0x5b4: {  	v57 =	vsel vm12, $0x78B, v57;
	v56 =	vsel vm7, $0x60E, v56;
	v58 =	vsel vm5, $0x414, v58  }
0x5b5: {  	v57 =	vsel vm13, $0x78C, v57;
	v56 =	vsel vm8, $0x60F, v56;
	v58 =	vsel vm6, $0x415, v58  }
0x5b6: {  	v56 =	vsel vm9, $0x688, v56;
	v58 =	vsel vm7, $0x416, v58;
	v0 =	vsel vm15, $0x486, v0  }
0x5b7: {  	v56 =	vsel vm10, $0x689, v56;
	v58 =	vsel vm8, $0x417, v58;
	[tilespmem:$0x1FAA0] =	vst v0;
	v0 =	vsel vm15, $0x586, v49  }
0x5b8: {  	v56 =	vsel vm11, $0x68A, v56;
	v58 =	vsel vm9, $0x490, v58;
	[tilespmem:$0x1FAB0] =	vst v0;
	v0 =	vsel vm15, $0x686, v50  }
0x5b9: {  	v56 =	vsel vm12, $0x68B, v56;
	v58 =	vsel vm10, $0x491, v58;
	[tilespmem:$0x1FAC0] =	vst v0;
	v0 =	vsel vm15, $0x786, v51  }
0x5ba: {  	v56 =	vsel vm13, $0x68C, v56;
	v58 =	vsel vm11, $0x492, v58;
	[tilespmem:$0x1FAD0] =	vst v0;
	v0 =	vsel vm15, $0x48E, v52  }
0x5bb: {  	v58 =	vsel vm12, $0x493, v58;
	v56 =	vsel vm14, $0x68D, v56;
	[tilespmem:$0x1FAE0] =	vst v0;
	v0 =	vsel vm15, $0x58E, v53  }
0x5bc: {  	v58 =	vsel vm13, $0x494, v58;
	v57 =	vsel vm14, $0x78D, v57;
	[tilespmem:$0x1FAF0] =	vst v0;
	v0 =	vsel vm15, $0x68E, v56  }
0x5bd: {  	v58 =	vsel vm14, $0x495, v58;
	[tilespmem:$0x1FB00] =	vst v0;
	v0 =	vsel vm15, $0x78E, v57  }
0x5be: {  	[tilespmem:$0x1FB10] =	vst v0;
	v0 =	vsel vm15, $0x496, v58  }
0x5bf: {  	[tilespmem:$0x1FB20] =	vst v0;
	v0 =	vld [tilespmem:$0x1FB30];
	_ =	sdelay $0x4  }
0x5c0: {  	v0 =	vsel vm15, $0x596, v0  }
0x5c1: {  	[tilespmem:$0x1FB40] =	vst v0;
	v0 =	vsel vm15, $0x696, v54  }
0x5c2: {  	[tilespmem:$0x1FB50] =	vst v0;
	v0 =	vsel vm15, $0x796, v55  }
0x5c3: {  	[tilespmem:$0x1FB60] =	vst v0;
	v0 =	vsel vm15, $0x49E, v59  }
0x5c4: {  	[tilespmem:$0x1FB70] =	vst v0;
	v0 =	vsel vm15, $0x59E, v60  }
0x5c5: {  	[tilespmem:$0x1FB80] =	vst v0;
	v0 =	vsel vm15, $0x69E, v61  }
0x5c6: {  	[tilespmem:$0x1FB90] =	vst v0;
	v0 =	vld [tilespmem:$0x1FBA0];
	_ =	sdelay $0x4  }
0x5c7: {  	v0 =	vsel vm15, $0x79E, v0  }
0x5c8: {  	[tilespmem:$0x1FBB0] =	vst v0;
	v0 =	vsel vm15, $0x4A6, v63  }
0x5c9: {  	[tilespmem:$0x1FBC0] =	vst v0;
	v0 =	vsel vm15, $0x5A6, v62  }
0x5ca: {  	[tilespmem:$0x1FBD0] =	vst v0;
	v0 =	vld [tilespmem:$0x1FBE0];
	_ =	sdelay $0x4  }
0x5cb: {  	v0 =	vsel vm15, $0x6A6, v0  }
0x5cc: {  	[tilespmem:$0x1FBF0] =	vst v0;
	v0 =	vld [tilespmem:$0x1FC00];
	_ =	sdelay $0x4  }
0x5cd: {  	v0 =	vsel vm15, $0x7A6, v0  }
0x5ce: {  	[tilespmem:$0x1FC10] =	vst v0;
	v0 =	vld [tilespmem:$0x1FC20];
	_ =	sdelay $0x4  }
0x5cf: {  	v0 =	vsel vm15, $0x4AE, v0  }
0x5d0: {  	[tilespmem:$0x1FC30] =	vst v0;
	v0 =	vld [tilespmem:$0x1FC40];
	_ =	sdelay $0x4  }
0x5d1: {  	v21 =	vsel vm15, $0x5AE, v0;
	v0 =	vld [tilespmem:$0x1FC50];
	_ =	sdelay $0x4  }
0x5d2: {  	v22 =	vsel vm15, $0x6AE, v0;
	v0 =	vld [tilespmem:$0x1FC60];
	_ =	sdelay $0x4  }
0x5d3: {  	v23 =	vsel vm15, $0x7AE, v0;
	v0 =	vld [tilespmem:$0x1FC70];
	_ =	sdelay $0x4  }
0x5d4: {  	v24 =	vsel vm15, $0x4B6, v0;
	v0 =	vld [tilespmem:$0x1FC80];
	_ =	sdelay $0x4  }
0x5d5: {  	v25 =	vsel vm15, $0x5B6, v0;
	v0 =	vld [tilespmem:$0x1FC90];
	_ =	sdelay $0x4  }
0x5d6: {  	v26 =	vsel vm15, $0x6B6, v0;
	v0 =	vld [tilespmem:$0x1FCA0];
	_ =	sdelay $0x4  }
0x5d7: {  	v27 =	vsel vm15, $0x7B6, v0;
	v0 =	vld [tilespmem:$0x1FCB0];
	_ =	sdelay $0x4  }
0x5d8: {  	v28 =	vsel vm15, $0x4BE, v0;
	v0 =	vld [tilespmem:$0x1FCC0];
	_ =	sdelay $0x4  }
0x5d9: {  	v29 =	vsel vm15, $0x5BE, v0;
	v0 =	vld [tilespmem:$0x1FCD0];
	_ =	sdelay $0x4  }
0x5da: {  	v30 =	vsel vm15, $0x6BE, v0;
	v0 =	vld [tilespmem:$0x1FCE0];
	_ =	sdelay $0x4  }
0x5db: {  	v31 =	vsel vm15, $0x7BE, v0;
	v0 =	vld [tilespmem:$0x1FCF0];
	_ =	sdelay $0x4  }
0x5dc: {  	v32 =	vsel vm15, $0x4C6, v0;
	v0 =	vld [tilespmem:$0x1FD00];
	_ =	sdelay $0x4  }
0x5dd: {  	v33 =	vsel vm15, $0x5C6, v0;
	v0 =	vld [tilespmem:$0x1FD10];
	_ =	sdelay $0x4  }
0x5de: {  	v34 =	vsel vm15, $0x6C6, v0;
	v0 =	vld [tilespmem:$0x1FD20];
	_ =	sdelay $0x4  }
0x5df: {  	v35 =	vsel vm15, $0x7C6, v0;
	v0 =	vld [tilespmem:$0x1FD30];
	_ =	sdelay $0x4  }
0x5e0: {  	v36 =	vsel vm15, $0x4CE, v0;
	v0 =	vld [tilespmem:$0x1FD40];
	_ =	sdelay $0x4  }
0x5e1: {  	v37 =	vsel vm15, $0x5CE, v0;
	v0 =	vld [tilespmem:$0x1FD50];
	_ =	sdelay $0x4  }
0x5e2: {  	v38 =	vsel vm15, $0x6CE, v0;
	v0 =	vld [tilespmem:$0x1FD60];
	_ =	sdelay $0x4  }
0x5e3: {  	v39 =	vsel vm15, $0x7CE, v0;
	v0 =	vld [tilespmem:$0x1FD70];
	_ =	sdelay $0x4  }
0x5e4: {  	v40 =	vsel vm15, $0x4D6, v0;
	v0 =	vld [tilespmem:$0x1FD80];
	_ =	sdelay $0x4  }
0x5e5: {  	v41 =	vsel vm15, $0x5D6, v0;
	v0 =	vld [tilespmem:$0x1FD90];
	_ =	sdelay $0x4  }
0x5e6: {  	v42 =	vsel vm15, $0x6D6, v0;
	v0 =	vld [tilespmem:$0x1FDA0];
	_ =	sdelay $0x4  }
0x5e7: {  	v43 =	vsel vm15, $0x7D6, v0;
	v0 =	vld [tilespmem:$0x1FDB0];
	_ =	sdelay $0x4  }
0x5e8: {  	v44 =	vsel vm15, $0x4DE, v0;
	v0 =	vld [tilespmem:$0x1FDC0];
	_ =	sdelay $0x4  }
0x5e9: {  	v45 =	vsel vm15, $0x5DE, v0;
	v0 =	vld [tilespmem:$0x1FDD0];
	_ =	sdelay $0x4  }
0x5ea: {  	v46 =	vsel vm15, $0x6DE, v0;
	v0 =	vld [tilespmem:$0x1FDE0];
	_ =	sdelay $0x4  }
0x5eb: {  	v47 =	vsel vm15, $0x7DE, v0;
	v0 =	vld [tilespmem:$0x1FDF0];
	_ =	sdelay $0x4  }
0x5ec: {  	v48 =	vsel vm15, $0x4E6, v0;
	v0 =	vld [tilespmem:$0x1FE00];
	_ =	sdelay $0x4  }
0x5ed: {  	v49 =	vsel vm15, $0x5E6, v0;
	v0 =	vld [tilespmem:$0x1FE10];
	_ =	sdelay $0x4  }
0x5ee: {  	v50 =	vsel vm15, $0x6E6, v0;
	v0 =	vld [tilespmem:$0x1FE20];
	_ =	sdelay $0x4  }
0x5ef: {  	v51 =	vsel vm15, $0x7E6, v0;
	v0 =	vld [tilespmem:$0x1FE30];
	_ =	sdelay $0x4  }
0x5f0: {  	v52 =	vsel vm15, $0x4EE, v0;
	v0 =	vld [tilespmem:$0x1FE40];
	_ =	sdelay $0x4  }
0x5f1: {  	v53 =	vsel vm15, $0x5EE, v0;
	v0 =	vld [tilespmem:$0x1FE50];
	_ =	sdelay $0x4  }
0x5f2: {  	v54 =	vsel vm15, $0x6EE, v0;
	v0 =	vld [tilespmem:$0x1FE60];
	_ =	sdelay $0x4  }
0x5f3: {  	v55 =	vsel vm15, $0x7EE, v0;
	v0 =	vld [tilespmem:$0x1FE70];
	_ =	sdelay $0x4  }
0x5f4: {  	v56 =	vsel vm15, $0x4F6, v0;
	v0 =	vld [tilespmem:$0x1FE80];
	_ =	sdelay $0x4  }
0x5f5: {  	v57 =	vsel vm15, $0x5F6, v0;
	v0 =	vld [tilespmem:$0x1FE90];
	_ =	sdelay $0x1  }
0x5f6: {  	s2 =	srdreg.scid;
	s1 =	stileid.u32  }
0x5f7: {  	s2 =	sand.u32 $0x1, s2;
	s6 =	sshll.u32 s1, $0x1  }
0x5f8: {  	s7 =	sshll.u32 s1, $0x9;
	s6 =	sor.u32 s2, s6  }
0x5f9: {  	s7 =	sand.u32 $0x1800, s7;
	s8 =	sshll.u32 s6, $0x8;
	v58 =	vsel vm15, $0x6F6, v0;
	v0 =	vld [tilespmem:$0x1FEA0]  }
0x5fa: {  	s6 =	sshll.u32 s6, $0xF;
	s8 =	sand.u32 $0x700, s8;
	s4 =	sadd.s32 s4, s7  }
0x5fb: {  	s7 =	sadd.s32 s8, s4;
	s4 =	sadd.s32 s5, s6  }
0x5fc: {  	s5 =	sadd.s32 $0x800, s4;
	[dreg:$0x4] =	wrdreg s7  }
0x5fd: {  	s24 =	sadd.s32 $0x1000, s4;
	[dreg:$0x5] =	wrdreg s5  }
0x5fe: {  	s25 =	sadd.s32 $0x1800, s4;
	[dreg:$0x6] =	wrdreg s24;
	v59 =	vsel vm15, $0x7F6, v0;
	v0 =	vld [tilespmem:$0x1FEB0]  }
0x5ff: {  	s17 =	simm.s32 $0x800;
	s26 =	sadd.s32 $0x2000, s4;
	[dreg:$0x7] =	wrdreg s25;
	v1 =	vld [tilespmem:$0x1FF00]  }
0x600: {  	s18 =	simm.s32 $0x880;
	s1 =	sadd.s32 $0x2800, s4;
	[dreg:$0x8] =	wrdreg s26;
	v2 =	vld [tilespmem:$0x1FF10]  }
0x601: {  	s19 =	simm.s32 $0x900;
	s6 =	sadd.s32 $0x3000, s4;
	[dreg:$0x9] =	wrdreg s1;
	v3 =	vld [tilespmem:$0x1FF20]  }
0x602: {  	s20 =	simm.s32 $0x980;
	s8 =	sadd.s32 $0x4000, s4;
	[dreg:$0xa] =	wrdreg s6;
	v4 =	vld [tilespmem:$0x1FF30]  }
0x603: {  	s21 =	simm.s32 $0xA00;
	s9 =	sadd.s32 $0x4800, s4;
	[dreg:$0xc] =	wrdreg s8;
	v60 =	vsel vm15, $0x4FE, v0;
	v0 =	vld [tilespmem:$0x1FEC0]  }
0x604: {  	s22 =	simm.s32 $0xA80;
	s10 =	sadd.s32 $0x5000, s4;
	[dreg:$0xd] =	wrdreg s9;
	v5 =	vld [tilespmem:$0x1FF40]  }
0x605: {  	s23 =	simm.s32 $0xB00;
	s11 =	sadd.s32 $0x5800, s4;
	[dreg:$0xe] =	wrdreg s10;
	v6 =	vld [tilespmem:$0x1FF50]  }
0x606: {  	s28 =	simm.s32 $0xD80;
	s12 =	sadd.s32 $0x6000, s4;
	[dreg:$0xf] =	wrdreg s11;
	v7 =	vld [tilespmem:$0x1FF60]  }
0x607: {  	s29 =	simm.s32 $0xE00;
	s13 =	sadd.s32 $0x6800, s4;
	[dreg:$0x10] =	wrdreg s12;
	v8 =	vld [tilespmem:$0x1FF70]  }
0x608: {  	s30 =	simm.s32 $0xE80;
	s15 =	sadd.s32 $0x7000, s4;
	[dreg:$0x11] =	wrdreg s13;
	v61 =	vsel vm15, $0x5FE, v0;
	v0 =	vld [tilespmem:$0x1FED0]  }
0x609: {  	s2 =	ssub.s32 $0x2, s2;
	s16 =	sadd.s32 $0x7800, s4;
	[dreg:$0x12] =	wrdreg s15;
	v9 =	vld [tilespmem:$0x1FF80]  }
0x60a: {  	s31 =	simm.s32 $0xF00;
	s14 =	sshrl.u32 s2, $0x1;
	[dreg:$0x13] =	wrdreg s16;
	v10 =	vld [tilespmem:$0x1FF90]  }
0x60b: {  	s2 =	ssub.s32 s2, s14;
	s14 =	simm.s32 $0x1;
	[dreg:$0x14] =	wrdreg s17;
	v11 =	vld [tilespmem:$0x1FFA0]  }
0x60c: {  	s7 =	sadd.s32 $0x3800, s4;
	s5 =	smax.u32 s2, $0x1;
	[dreg:$0x15] =	wrdreg s18;
	v12 =	vld [tilespmem:$0x1FFB0]  }
0x60d: {  	s6 =	simm.s32 $0xD;
	s8 =	simm.s32 $0x1000;
	[dreg:$0x16] =	wrdreg s19;
	v62 =	vsel vm15, $0x6FE, v0;
	v0 =	vld [tilespmem:$0x1FEE0]  }
0x60e: {  	s9 =	simm.s32 $0x5000;
	[dreg:$0x17] =	wrdreg s20;
	s10 =	simm.s32 $0x9000;
	v13 =	vld [tilespmem:$0x1FFC0]  }
0x60f: {  	[dreg:$0x18] =	wrdreg s21;
	s11 =	simm.s32 $0xD000;
	s12 =	simm.s32 $0x11000;
	v14 =	vld [tilespmem:$0x1FFD0]  }
0x610: {  	[dreg:$0x19] =	wrdreg s22;
	s13 =	simm.s32 $0x15000;
	s15 =	simm.s32 $0x7;
	v15 =	vld [tilespmem:$0x1FFE0]  }
0x611: {  	[dreg:$0x1a] =	wrdreg s23;
	s24 =	simm.s32 $0xB80;
	s16 =	simm.s32 $0x2;
	v16 =	vld [tilespmem:$0x1FFF0];
	v1 =	vmul.u32 $0x186A0, v1;
	v2 =	vand.u32 $0xFF, v2;
	v3 =	vand.u32 $0xFF, v3  }
0x612: {  	s17 =	simm.s32 $0x8;
	s18 =	simm.s32 $0x3;
	s19 =	simm.s32 $0x9;
	v4 =	vand.u32 $0xFF, v4;
	v5 =	vand.u32 $0xFF, v5;
	v63 =	vsel vm15, $0x7FE, v0;
	v0 =	vld [tilespmem:$0x1FEF0]  }
0x613: {  	s25 =	simm.s32 $0xC00;
	s20 =	simm.s32 $0x4;
	[dreg:$0xb] =	wrdreg s7;
	v6 =	vand.u32 $0xFF, v6;
	v7 =	vand.u32 $0xFF, v7;
	v8 =	vand.u32 $0xFF, v8  }
0x614: {  	s26 =	simm.s32 $0xC80;
	s21 =	simm.s32 $0xA;
	[dreg:$0x1b] =	wrdreg s24;
	v9 =	vand.u32 $0xFF, v9;
	v10 =	vand.u32 $0xFF, v10;
	v11 =	vand.u32 $0xFF, v11  }
0x615: {  	s22 =	simm.s32 $0x5;
	s23 =	simm.s32 $0xB;
	[dreg:$0x1c] =	wrdreg s25;
	v12 =	vand.u32 $0xFF, v12;
	v13 =	vand.u32 $0xFF, v13;
	v14 =	vand.u32 $0xFF, v14  }
0x616: {  	s2 =	simm.s32 $0xF80;
	s7 =	simm.s32 $0x80;
	[dreg:$0x1d] =	wrdreg s26;
	v15 =	vand.u32 $0xFF, v15;
	v16 =	vand.u32 $0xFF, v16;
	v17 =	vadd.s32 $0x30D40, v1  }
0x617: {  	s24 =	simm.s32 $0xD00;
	s25 =	simm.s32 $0x6;
	s26 =	simm.s32 $0xC;
	v18 =	vadd.s32 $0x61A80, v1;
	v19 =	vadd.s32 $0x927C0, v1;
	v0 =	vand.u32 $0xFF, v0  }
.LBB2_1:
0x618: {  	s1 =	rddreg [dreg:$0x4]  }
0x619: {  	[tilespmem:s3], [sflag:$0xD] =	stream.linear.gather [hbm4b:s1+s3], $0x800, $0x38;
	[tilespmem:$0x19000] =	vst v63  }
0x61a: {  	_ =	swait.ge [sflag:s6], $0x800  }
0x61b: {  	[sflag:s6] =	ssyncset.done $0x0  }
0x61c: {  	[sflag:s6] =	ssyncadd.s32 $0xFFFFF800  }
0x61d: {  	v20 =	vld.idx.msk [tilespmem:v0+s3+$0x0], $0xffff;
	_ =	sdelay $0x4  }
0x61e: {  	v20 =	vadd.s32 v1, v20  }
0x61f: {  	[tilespmem:$0x800] =	vst v20;
	v20 =	vld [tilespmem:$0x1F780];
	_ =	sdelay $0x7  }
0x620: {  	v20 =	vld.idx.msk [tilespmem:v20+s3+$0x0], $0xffff;
	_ =	sdelay $0x4  }
0x621: {  	v20 =	vadd.s32 v17, v20  }
0x622: {  	[tilespmem:$0x810] =	vst v20;
	v20 =	vld [tilespmem:$0x1F790];
	_ =	sdelay $0x7  }
0x623: {  	v20 =	vld.idx.msk [tilespmem:v20+s3+$0x0], $0xffff;
	_ =	sdelay $0x4  }
0x624: {  	v20 =	vadd.s32 v18, v20  }
0x625: {  	[tilespmem:$0x820] =	vst v20;
	v20 =	vld [tilespmem:$0x1F7A0];
	_ =	sdelay $0x7  }
0x626: {  	v20 =	vld.idx.msk [tilespmem:v20+s3+$0x0], $0xffff;
	_ =	sdelay $0x4  }
0x627: {  	v20 =	vadd.s32 v19, v20  }
0x628: {  	[tilespmem:$0x830] =	vst v20  }
0x629: {  	v20 =	vld.idx.msk [tilespmem:v2+s3+$0x0], $0xffff;
	_ =	sdelay $0x4  }
0x62a: {  	v20 =	vadd.s32 v1, v20  }
0x62b: {  	[tilespmem:$0x840] =	vst v20;
	v20 =	vld [tilespmem:$0x1F7B0];
	_ =	sdelay $0x7  }
0x62c: {  	v20 =	vld.idx.msk [tilespmem:v20+s3+$0x0], $0xffff;
	_ =	sdelay $0x4  }
0x62d: {  	v20 =	vadd.s32 v17, v20  }
0x62e: {  	[tilespmem:$0x850] =	vst v20;
	v20 =	vld [tilespmem:$0x1F7C0];
	_ =	sdelay $0x7  }
0x62f: {  	v20 =	vld.idx.msk [tilespmem:v20+s3+$0x0], $0xffff;
	_ =	sdelay $0x4  }
0x630: {  	v20 =	vadd.s32 v18, v20  }
0x631: {  	[tilespmem:$0x860] =	vst v20;
	v20 =	vld [tilespmem:$0x1F7D0];
	_ =	sdelay $0x7  }
0x632: {  	v20 =	vld.idx.msk [tilespmem:v20+s3+$0x0], $0xffff;
	_ =	sdelay $0x4  }
0x633: {  	v20 =	vadd.s32 v19, v20  }
0x634: {  	s1 =	rddreg [dreg:$0x14];
	[tilespmem:$0x870] =	vst v20  }
0x635: {  	[tilespmem:s8], [sflag:$0x1] =	stream.indirect.gather [hbm4b:s0+s7], $0x80, s1, s7, $0xb8;
	[tilespmem:$0x19000] =	vst v63  }
0x636: {  	v20 =	vld.idx.msk [tilespmem:v3+s3+$0x0], $0xffff;
	_ =	sdelay $0x4  }
0x637: {  	v20 =	vadd.s32 v1, v20  }
0x638: {  	[tilespmem:$0x880] =	vst v20;
	v20 =	vld [tilespmem:$0x1F7E0];
	_ =	sdelay $0x7  }
0x639: {  	v20 =	vld.idx.msk [tilespmem:v20+s3+$0x0], $0xffff;
	_ =	sdelay $0x4  }
0x63a: {  	v20 =	vadd.s32 v17, v20  }
0x63b: {  	[tilespmem:$0x890] =	vst v20;
	v20 =	vld [tilespmem:$0x1F7F0];
	_ =	sdelay $0x7  }
0x63c: {  	v20 =	vld.idx.msk [tilespmem:v20+s3+$0x0], $0xffff;
	_ =	sdelay $0x4  }
0x63d: {  	v20 =	vadd.s32 v18, v20  }
0x63e: {  	[tilespmem:$0x8A0] =	vst v20;
	v20 =	vld [tilespmem:$0x1F800];
	_ =	sdelay $0x7  }
0x63f: {  	v20 =	vld.idx.msk [tilespmem:v20+s3+$0x0], $0xffff;
	_ =	sdelay $0x4  }
0x640: {  	v20 =	vadd.s32 v19, v20  }
0x641: {  	[tilespmem:$0x8B0] =	vst v20  }
0x642: {  	v20 =	vld.idx.msk [tilespmem:v4+s3+$0x0], $0xffff;
	_ =	sdelay $0x4  }
0x643: {  	v20 =	vadd.s32 v1, v20  }
0x644: {  	[tilespmem:$0x8C0] =	vst v20;
	v20 =	vld [tilespmem:$0x1F810];
	_ =	sdelay $0x7  }
0x645: {  	v20 =	vld.idx.msk [tilespmem:v20+s3+$0x0], $0xffff;
	_ =	sdelay $0x4  }
0x646: {  	v20 =	vadd.s32 v17, v20  }
0x647: {  	[tilespmem:$0x8D0] =	vst v20;
	v20 =	vld [tilespmem:$0x1F820];
	_ =	sdelay $0x7  }
0x648: {  	v20 =	vld.idx.msk [tilespmem:v20+s3+$0x0], $0xffff;
	_ =	sdelay $0x4  }
0x649: {  	v20 =	vadd.s32 v18, v20  }
0x64a: {  	[tilespmem:$0x8E0] =	vst v20;
	v20 =	vld [tilespmem:$0x1F830];
	_ =	sdelay $0x7  }
0x64b: {  	v20 =	vld.idx.msk [tilespmem:v20+s3+$0x0], $0xffff;
	_ =	sdelay $0x4  }
0x64c: {  	v20 =	vadd.s32 v19, v20  }
0x64d: {  	s1 =	rddreg [dreg:$0x15];
	[tilespmem:$0x8F0] =	vst v20  }
0x64e: {  	[tilespmem:s9], [sflag:$0x2] =	stream.indirect.gather [hbm4b:s0+s7], $0x80, s1, s7, $0xb8;
	[tilespmem:$0x19000] =	vst v63  }
0x64f: {  	v20 =	vld.idx.msk [tilespmem:v5+s3+$0x0], $0xffff;
	_ =	sdelay $0x4  }
0x650: {  	v20 =	vadd.s32 v1, v20  }
0x651: {  	[tilespmem:$0x900] =	vst v20;
	v20 =	vld [tilespmem:$0x1F840];
	_ =	sdelay $0x7  }
0x652: {  	v20 =	vld.idx.msk [tilespmem:v20+s3+$0x0], $0xffff;
	_ =	sdelay $0x4  }
0x653: {  	v20 =	vadd.s32 v17, v20  }
0x654: {  	[tilespmem:$0x910] =	vst v20;
	v20 =	vld [tilespmem:$0x1F850];
	_ =	sdelay $0x7  }
0x655: {  	v20 =	vld.idx.msk [tilespmem:v20+s3+$0x0], $0xffff;
	_ =	sdelay $0x4  }
0x656: {  	v20 =	vadd.s32 v18, v20  }
0x657: {  	[tilespmem:$0x920] =	vst v20;
	v20 =	vld [tilespmem:$0x1F860];
	_ =	sdelay $0x7  }
0x658: {  	v20 =	vld.idx.msk [tilespmem:v20+s3+$0x0], $0xffff;
	_ =	sdelay $0x4  }
0x659: {  	v20 =	vadd.s32 v19, v20  }
0x65a: {  	[tilespmem:$0x930] =	vst v20  }
0x65b: {  	v20 =	vld.idx.msk [tilespmem:v6+s3+$0x0], $0xffff;
	_ =	sdelay $0x4  }
0x65c: {  	v20 =	vadd.s32 v1, v20  }
0x65d: {  	[tilespmem:$0x940] =	vst v20;
	v20 =	vld [tilespmem:$0x1F870];
	_ =	sdelay $0x7  }
0x65e: {  	v20 =	vld.idx.msk [tilespmem:v20+s3+$0x0], $0xffff;
	_ =	sdelay $0x4  }
0x65f: {  	v20 =	vadd.s32 v17, v20  }
0x660: {  	[tilespmem:$0x950] =	vst v20;
	v20 =	vld [tilespmem:$0x1F880];
	_ =	sdelay $0x7  }
0x661: {  	v20 =	vld.idx.msk [tilespmem:v20+s3+$0x0], $0xffff;
	_ =	sdelay $0x4  }
0x662: {  	v20 =	vadd.s32 v18, v20  }
0x663: {  	[tilespmem:$0x960] =	vst v20;
	v20 =	vld [tilespmem:$0x1F890];
	_ =	sdelay $0x7  }
0x664: {  	v20 =	vld.idx.msk [tilespmem:v20+s3+$0x0], $0xffff;
	_ =	sdelay $0x4  }
0x665: {  	v20 =	vadd.s32 v19, v20  }
0x666: {  	s1 =	rddreg [dreg:$0x16];
	[tilespmem:$0x970] =	vst v20  }
0x667: {  	[tilespmem:s10], [sflag:$0x3] =	stream.indirect.gather [hbm4b:s0+s7], $0x80, s1, s7, $0xb8;
	[tilespmem:$0x19000] =	vst v63  }
0x668: {  	v20 =	vld.idx.msk [tilespmem:v7+s3+$0x0], $0xffff;
	_ =	sdelay $0x4  }
0x669: {  	v20 =	vadd.s32 v1, v20  }
0x66a: {  	[tilespmem:$0x980] =	vst v20;
	v20 =	vld [tilespmem:$0x1F8A0];
	_ =	sdelay $0x7  }
0x66b: {  	v20 =	vld.idx.msk [tilespmem:v20+s3+$0x0], $0xffff;
	_ =	sdelay $0x4  }
0x66c: {  	v20 =	vadd.s32 v17, v20  }
0x66d: {  	[tilespmem:$0x990] =	vst v20;
	v20 =	vld [tilespmem:$0x1F8B0];
	_ =	sdelay $0x7  }
0x66e: {  	v20 =	vld.idx.msk [tilespmem:v20+s3+$0x0], $0xffff;
	_ =	sdelay $0x4  }
0x66f: {  	v20 =	vadd.s32 v18, v20  }
0x670: {  	[tilespmem:$0x9A0] =	vst v20;
	v20 =	vld [tilespmem:$0x1F8C0];
	_ =	sdelay $0x7  }
0x671: {  	v20 =	vld.idx.msk [tilespmem:v20+s3+$0x0], $0xffff;
	_ =	sdelay $0x4  }
0x672: {  	v20 =	vadd.s32 v19, v20  }
0x673: {  	[tilespmem:$0x9B0] =	vst v20  }
0x674: {  	v20 =	vld.idx.msk [tilespmem:v8+s3+$0x0], $0xffff;
	_ =	sdelay $0x4  }
0x675: {  	v20 =	vadd.s32 v1, v20  }
0x676: {  	[tilespmem:$0x9C0] =	vst v20;
	v20 =	vld [tilespmem:$0x1F8D0];
	_ =	sdelay $0x7  }
0x677: {  	v20 =	vld.idx.msk [tilespmem:v20+s3+$0x0], $0xffff;
	_ =	sdelay $0x4  }
0x678: {  	v20 =	vadd.s32 v17, v20  }
0x679: {  	[tilespmem:$0x9D0] =	vst v20;
	v20 =	vld [tilespmem:$0x1F8E0];
	_ =	sdelay $0x7  }
0x67a: {  	v20 =	vld.idx.msk [tilespmem:v20+s3+$0x0], $0xffff;
	_ =	sdelay $0x4  }
0x67b: {  	v20 =	vadd.s32 v18, v20  }
0x67c: {  	[tilespmem:$0x9E0] =	vst v20;
	v20 =	vld [tilespmem:$0x1F8F0];
	_ =	sdelay $0x7  }
0x67d: {  	v20 =	vld.idx.msk [tilespmem:v20+s3+$0x0], $0xffff;
	_ =	sdelay $0x4  }
0x67e: {  	v20 =	vadd.s32 v19, v20  }
0x67f: {  	s1 =	rddreg [dreg:$0x17];
	[tilespmem:$0x9F0] =	vst v20  }
0x680: {  	[tilespmem:s11], [sflag:$0x4] =	stream.indirect.gather [hbm4b:s0+s7], $0x80, s1, s7, $0xb8;
	[tilespmem:$0x19000] =	vst v63  }
0x681: {  	v20 =	vld.idx.msk [tilespmem:v9+s3+$0x0], $0xffff;
	_ =	sdelay $0x4  }
0x682: {  	v20 =	vadd.s32 v1, v20  }
0x683: {  	[tilespmem:$0xA00] =	vst v20;
	v20 =	vld [tilespmem:$0x1F900];
	_ =	sdelay $0x7  }
0x684: {  	v20 =	vld.idx.msk [tilespmem:v20+s3+$0x0], $0xffff;
	_ =	sdelay $0x4  }
0x685: {  	v20 =	vadd.s32 v17, v20  }
0x686: {  	[tilespmem:$0xA10] =	vst v20;
	v20 =	vld [tilespmem:$0x1F910];
	_ =	sdelay $0x7  }
0x687: {  	v20 =	vld.idx.msk [tilespmem:v20+s3+$0x0], $0xffff;
	_ =	sdelay $0x4  }
0x688: {  	v20 =	vadd.s32 v18, v20  }
0x689: {  	[tilespmem:$0xA20] =	vst v20;
	v20 =	vld [tilespmem:$0x1F920];
	_ =	sdelay $0x7  }
0x68a: {  	v20 =	vld.idx.msk [tilespmem:v20+s3+$0x0], $0xffff;
	_ =	sdelay $0x4  }
0x68b: {  	v20 =	vadd.s32 v19, v20  }
0x68c: {  	[tilespmem:$0xA30] =	vst v20  }
0x68d: {  	v20 =	vld.idx.msk [tilespmem:v10+s3+$0x0], $0xffff;
	_ =	sdelay $0x4  }
0x68e: {  	v20 =	vadd.s32 v1, v20  }
0x68f: {  	[tilespmem:$0xA40] =	vst v20;
	v20 =	vld [tilespmem:$0x1F930];
	_ =	sdelay $0x7  }
0x690: {  	v20 =	vld.idx.msk [tilespmem:v20+s3+$0x0], $0xffff;
	_ =	sdelay $0x4  }
0x691: {  	v20 =	vadd.s32 v17, v20  }
0x692: {  	[tilespmem:$0xA50] =	vst v20;
	v20 =	vld [tilespmem:$0x1F940];
	_ =	sdelay $0x7  }
0x693: {  	v20 =	vld.idx.msk [tilespmem:v20+s3+$0x0], $0xffff;
	_ =	sdelay $0x4  }
0x694: {  	v20 =	vadd.s32 v18, v20  }
0x695: {  	[tilespmem:$0xA60] =	vst v20;
	v20 =	vld [tilespmem:$0x1F950];
	_ =	sdelay $0x7  }
0x696: {  	v20 =	vld.idx.msk [tilespmem:v20+s3+$0x0], $0xffff;
	_ =	sdelay $0x4  }
0x697: {  	v20 =	vadd.s32 v19, v20  }
0x698: {  	s1 =	rddreg [dreg:$0x18];
	[tilespmem:$0xA70] =	vst v20  }
0x699: {  	[tilespmem:s12], [sflag:$0x5] =	stream.indirect.gather [hbm4b:s0+s7], $0x80, s1, s7, $0xb8;
	[tilespmem:$0x19000] =	vst v63  }
0x69a: {  	v20 =	vld.idx.msk [tilespmem:v11+s3+$0x0], $0xffff;
	_ =	sdelay $0x4  }
0x69b: {  	v20 =	vadd.s32 v1, v20  }
0x69c: {  	[tilespmem:$0xA80] =	vst v20;
	v20 =	vld [tilespmem:$0x1F970];
	_ =	sdelay $0x7  }
0x69d: {  	v20 =	vld.idx.msk [tilespmem:v20+s3+$0x0], $0xffff;
	_ =	sdelay $0x4  }
0x69e: {  	v20 =	vadd.s32 v17, v20  }
0x69f: {  	[tilespmem:$0xA90] =	vst v20;
	v20 =	vld [tilespmem:$0x1F980];
	_ =	sdelay $0x7  }
0x6a0: {  	v20 =	vld.idx.msk [tilespmem:v20+s3+$0x0], $0xffff;
	_ =	sdelay $0x4  }
0x6a1: {  	v20 =	vadd.s32 v18, v20  }
0x6a2: {  	[tilespmem:$0xAA0] =	vst v20;
	v20 =	vld [tilespmem:$0x1F990];
	_ =	sdelay $0x7  }
0x6a3: {  	v20 =	vld.idx.msk [tilespmem:v20+s3+$0x0], $0xffff;
	_ =	sdelay $0x4  }
0x6a4: {  	v20 =	vadd.s32 v19, v20  }
0x6a5: {  	[tilespmem:$0xAB0] =	vst v20  }
0x6a6: {  	v20 =	vld.idx.msk [tilespmem:v12+s3+$0x0], $0xffff;
	_ =	sdelay $0x4  }
0x6a7: {  	v20 =	vadd.s32 v1, v20  }
0x6a8: {  	[tilespmem:$0xAC0] =	vst v20;
	v20 =	vld [tilespmem:$0x1F9A0];
	_ =	sdelay $0x7  }
0x6a9: {  	v20 =	vld.idx.msk [tilespmem:v20+s3+$0x0], $0xffff;
	_ =	sdelay $0x4  }
0x6aa: {  	v20 =	vadd.s32 v17, v20  }
0x6ab: {  	[tilespmem:$0xAD0] =	vst v20;
	v20 =	vld [tilespmem:$0x1F9B0];
	_ =	sdelay $0x7  }
0x6ac: {  	v20 =	vld.idx.msk [tilespmem:v20+s3+$0x0], $0xffff;
	_ =	sdelay $0x4  }
0x6ad: {  	v20 =	vadd.s32 v18, v20  }
0x6ae: {  	[tilespmem:$0xAE0] =	vst v20;
	v20 =	vld [tilespmem:$0x1F9C0];
	_ =	sdelay $0x7  }
0x6af: {  	v20 =	vld.idx.msk [tilespmem:v20+s3+$0x0], $0xffff;
	_ =	sdelay $0x4  }
0x6b0: {  	v20 =	vadd.s32 v19, v20  }
0x6b1: {  	s1 =	rddreg [dreg:$0x19];
	[tilespmem:$0xAF0] =	vst v20  }
0x6b2: {  	[tilespmem:s13], [sflag:$0x6] =	stream.indirect.gather [hbm4b:s0+s7], $0x80, s1, s7, $0xb8;
	[tilespmem:$0x19000] =	vst v63  }
0x6b3: {  	_ =	swait.ge [sflag:s14], $0x4000  }
0x6b4: {  	[sflag:s14] =	ssyncset.done $0x0  }
0x6b5: {  	[sflag:s14] =	ssyncadd.s32 $0xFFFFC000  }
0x6b6: {  	[hbm4b:s4+s3] =	stream.linear.scatter [tilespmem:s8], [sflag:$0x7], $0x4000, $0x38;
	[tilespmem:$0x19000] =	vst v63  }
0x6b7: {  	v20 =	vld.idx.msk [tilespmem:v13+s3+$0x0], $0xffff;
	_ =	sdelay $0x4  }
0x6b8: {  	v20 =	vadd.s32 v1, v20  }
0x6b9: {  	[tilespmem:$0xB00] =	vst v20;
	v20 =	vld [tilespmem:$0x1F9D0];
	_ =	sdelay $0x7  }
0x6ba: {  	v20 =	vld.idx.msk [tilespmem:v20+s3+$0x0], $0xffff;
	_ =	sdelay $0x4  }
0x6bb: {  	v20 =	vadd.s32 v17, v20  }
0x6bc: {  	[tilespmem:$0xB10] =	vst v20;
	v20 =	vld [tilespmem:$0x1F9E0];
	_ =	sdelay $0x7  }
0x6bd: {  	v20 =	vld.idx.msk [tilespmem:v20+s3+$0x0], $0xffff;
	_ =	sdelay $0x4  }
0x6be: {  	v20 =	vadd.s32 v18, v20  }
0x6bf: {  	[tilespmem:$0xB20] =	vst v20;
	v20 =	vld [tilespmem:$0x1F9F0];
	_ =	sdelay $0x7  }
0x6c0: {  	v20 =	vld.idx.msk [tilespmem:v20+s3+$0x0], $0xffff;
	_ =	sdelay $0x4  }
0x6c1: {  	v20 =	vadd.s32 v19, v20  }
0x6c2: {  	[tilespmem:$0xB30] =	vst v20  }
0x6c3: {  	v20 =	vld.idx.msk [tilespmem:v14+s3+$0x0], $0xffff;
	_ =	sdelay $0x4  }
0x6c4: {  	v20 =	vadd.s32 v1, v20  }
0x6c5: {  	[tilespmem:$0xB40] =	vst v20;
	v20 =	vld [tilespmem:$0x1FA00];
	_ =	sdelay $0x7  }
0x6c6: {  	v20 =	vld.idx.msk [tilespmem:v20+s3+$0x0], $0xffff;
	_ =	sdelay $0x4  }
0x6c7: {  	v20 =	vadd.s32 v17, v20  }
0x6c8: {  	[tilespmem:$0xB50] =	vst v20;
	v20 =	vld [tilespmem:$0x1FA10];
	_ =	sdelay $0x7  }
0x6c9: {  	v20 =	vld.idx.msk [tilespmem:v20+s3+$0x0], $0xffff;
	_ =	sdelay $0x4  }
0x6ca: {  	v20 =	vadd.s32 v18, v20  }
0x6cb: {  	[tilespmem:$0xB60] =	vst v20;
	v20 =	vld [tilespmem:$0x1FA20];
	_ =	sdelay $0x7  }
0x6cc: {  	v20 =	vld.idx.msk [tilespmem:v20+s3+$0x0], $0xffff;
	_ =	sdelay $0x4  }
0x6cd: {  	v20 =	vadd.s32 v19, v20  }
0x6ce: {  	[tilespmem:$0xB70] =	vst v20  }
0x6cf: {  	_ =	swait.ge [sflag:s15], $0x4000  }
0x6d0: {  	[sflag:s15] =	ssyncset.done $0x0  }
0x6d1: {  	s1 =	rddreg [dreg:$0x1a];
	[sflag:s15] =	ssyncadd.s32 $0xFFFFC000  }
0x6d2: {  	[tilespmem:s8], [sflag:$0x1] =	stream.indirect.gather [hbm4b:s0+s7], $0x80, s1, s7, $0xb8;
	[tilespmem:$0x19000] =	vst v63  }
0x6d3: {  	_ =	swait.ge [sflag:s16], $0x4000  }
0x6d4: {  	[sflag:s16] =	ssyncset.done $0x0  }
0x6d5: {  	s1 =	rddreg [dreg:$0x5];
	[sflag:s16] =	ssyncadd.s32 $0xFFFFC000  }
0x6d6: {  	[hbm4b:s1+s3] =	stream.linear.scatter [tilespmem:s9], [sflag:$0x8], $0x4000, $0x38;
	[tilespmem:$0x19000] =	vst v63  }
0x6d7: {  	v20 =	vld.idx.msk [tilespmem:v15+s3+$0x0], $0xffff;
	_ =	sdelay $0x4  }
0x6d8: {  	v20 =	vadd.s32 v1, v20  }
0x6d9: {  	[tilespmem:$0xB80] =	vst v20;
	v20 =	vld [tilespmem:$0x1FA30];
	_ =	sdelay $0x7  }
0x6da: {  	v20 =	vld.idx.msk [tilespmem:v20+s3+$0x0], $0xffff;
	_ =	sdelay $0x4  }
0x6db: {  	v20 =	vadd.s32 v17, v20  }
0x6dc: {  	[tilespmem:$0xB90] =	vst v20;
	v20 =	vld [tilespmem:$0x1FA40];
	_ =	sdelay $0x7  }
0x6dd: {  	v20 =	vld.idx.msk [tilespmem:v20+s3+$0x0], $0xffff;
	_ =	sdelay $0x4  }
0x6de: {  	v20 =	vadd.s32 v18, v20  }
0x6df: {  	[tilespmem:$0xBA0] =	vst v20;
	v20 =	vld [tilespmem:$0x1FA50];
	_ =	sdelay $0x7  }
0x6e0: {  	v20 =	vld.idx.msk [tilespmem:v20+s3+$0x0], $0xffff;
	_ =	sdelay $0x4  }
0x6e1: {  	v20 =	vadd.s32 v19, v20  }
0x6e2: {  	[tilespmem:$0xBB0] =	vst v20  }
0x6e3: {  	v20 =	vld.idx.msk [tilespmem:v16+s3+$0x0], $0xffff;
	_ =	sdelay $0x4  }
0x6e4: {  	v20 =	vadd.s32 v1, v20  }
0x6e5: {  	[tilespmem:$0xBC0] =	vst v20;
	v20 =	vld [tilespmem:$0x1FA60];
	_ =	sdelay $0x7  }
0x6e6: {  	v20 =	vld.idx.msk [tilespmem:v20+s3+$0x0], $0xffff;
	_ =	sdelay $0x4  }
0x6e7: {  	v20 =	vadd.s32 v17, v20  }
0x6e8: {  	[tilespmem:$0xBD0] =	vst v20;
	v20 =	vld [tilespmem:$0x1FA70];
	_ =	sdelay $0x7  }
0x6e9: {  	v20 =	vld.idx.msk [tilespmem:v20+s3+$0x0], $0xffff;
	_ =	sdelay $0x4  }
0x6ea: {  	v20 =	vadd.s32 v18, v20  }
0x6eb: {  	[tilespmem:$0xBE0] =	vst v20;
	v20 =	vld [tilespmem:$0x1FA80];
	_ =	sdelay $0x7  }
0x6ec: {  	v20 =	vld.idx.msk [tilespmem:v20+s3+$0x0], $0xffff;
	_ =	sdelay $0x4  }
0x6ed: {  	v20 =	vadd.s32 v19, v20  }
0x6ee: {  	[tilespmem:$0xBF0] =	vst v20  }
0x6ef: {  	_ =	swait.ge [sflag:s17], $0x4000  }
0x6f0: {  	[sflag:s17] =	ssyncset.done $0x0  }
0x6f1: {  	s1 =	rddreg [dreg:$0x1b];
	[sflag:s17] =	ssyncadd.s32 $0xFFFFC000  }
0x6f2: {  	[tilespmem:s9], [sflag:$0x2] =	stream.indirect.gather [hbm4b:s0+s7], $0x80, s1, s7, $0xb8;
	[tilespmem:$0x19000] =	vst v63  }
0x6f3: {  	_ =	swait.ge [sflag:s18], $0x4000  }
0x6f4: {  	v20 =	vld [tilespmem:$0x1FAA0];
	_ =	sdelay $0x4  }
0x6f5: {  	[sflag:s18] =	ssyncset.done $0x0  }
0x6f6: {  	s1 =	rddreg [dreg:$0x6];
	[sflag:s18] =	ssyncadd.s32 $0xFFFFC000  }
0x6f7: {  	[hbm4b:s1+s3] =	stream.linear.scatter [tilespmem:s10], [sflag:$0x9], $0x4000, $0x38;
	[tilespmem:$0x19000] =	vst v63  }
0x6f8: {  	v20 =	vld.idx.msk [tilespmem:v20+s3+$0x0], $0xffff;
	_ =	sdelay $0x4  }
0x6f9: {  	v20 =	vadd.s32 v1, v20  }
0x6fa: {  	[tilespmem:$0xC00] =	vst v20;
	v20 =	vld [tilespmem:$0x1FAB0];
	_ =	sdelay $0x7  }
0x6fb: {  	v20 =	vld.idx.msk [tilespmem:v20+s3+$0x0], $0xffff;
	_ =	sdelay $0x4  }
0x6fc: {  	v20 =	vadd.s32 v17, v20  }
0x6fd: {  	[tilespmem:$0xC10] =	vst v20;
	v20 =	vld [tilespmem:$0x1FAC0];
	_ =	sdelay $0x7  }
0x6fe: {  	v20 =	vld.idx.msk [tilespmem:v20+s3+$0x0], $0xffff;
	_ =	sdelay $0x4  }
0x6ff: {  	v20 =	vadd.s32 v18, v20  }
0x700: {  	[tilespmem:$0xC20] =	vst v20;
	v20 =	vld [tilespmem:$0x1FAD0];
	_ =	sdelay $0x7  }
0x701: {  	v20 =	vld.idx.msk [tilespmem:v20+s3+$0x0], $0xffff;
	_ =	sdelay $0x4  }
0x702: {  	v20 =	vadd.s32 v19, v20  }
0x703: {  	[tilespmem:$0xC30] =	vst v20;
	v20 =	vld [tilespmem:$0x1FAE0];
	_ =	sdelay $0x7  }
0x704: {  	v20 =	vld.idx.msk [tilespmem:v20+s3+$0x0], $0xffff;
	_ =	sdelay $0x4  }
0x705: {  	v20 =	vadd.s32 v1, v20  }
0x706: {  	[tilespmem:$0xC40] =	vst v20;
	v20 =	vld [tilespmem:$0x1FAF0];
	_ =	sdelay $0x7  }
0x707: {  	v20 =	vld.idx.msk [tilespmem:v20+s3+$0x0], $0xffff;
	_ =	sdelay $0x4  }
0x708: {  	v20 =	vadd.s32 v17, v20  }
0x709: {  	[tilespmem:$0xC50] =	vst v20;
	v20 =	vld [tilespmem:$0x1FB00];
	_ =	sdelay $0x7  }
0x70a: {  	v20 =	vld.idx.msk [tilespmem:v20+s3+$0x0], $0xffff;
	_ =	sdelay $0x4  }
0x70b: {  	v20 =	vadd.s32 v18, v20  }
0x70c: {  	[tilespmem:$0xC60] =	vst v20;
	v20 =	vld [tilespmem:$0x1FB10];
	_ =	sdelay $0x7  }
0x70d: {  	v20 =	vld.idx.msk [tilespmem:v20+s3+$0x0], $0xffff;
	_ =	sdelay $0x4  }
0x70e: {  	v20 =	vadd.s32 v19, v20  }
0x70f: {  	[tilespmem:$0xC70] =	vst v20  }
0x710: {  	_ =	swait.ge [sflag:s19], $0x4000  }
0x711: {  	[sflag:s19] =	ssyncset.done $0x0  }
0x712: {  	s1 =	rddreg [dreg:$0x1c];
	[sflag:s19] =	ssyncadd.s32 $0xFFFFC000  }
0x713: {  	[tilespmem:s10], [sflag:$0x3] =	stream.indirect.gather [hbm4b:s0+s7], $0x80, s1, s7, $0xb8;
	[tilespmem:$0x19000] =	vst v63  }
0x714: {  	_ =	swait.ge [sflag:s20], $0x4000  }
0x715: {  	v20 =	vld [tilespmem:$0x1FB20];
	_ =	sdelay $0x4  }
0x716: {  	[sflag:s20] =	ssyncset.done $0x0  }
0x717: {  	s1 =	rddreg [dreg:$0x7];
	[sflag:s20] =	ssyncadd.s32 $0xFFFFC000  }
0x718: {  	[hbm4b:s1+s3] =	stream.linear.scatter [tilespmem:s11], [sflag:$0xA], $0x4000, $0x38;
	[tilespmem:$0x19000] =	vst v63  }
0x719: {  	v20 =	vld.idx.msk [tilespmem:v20+s3+$0x0], $0xffff;
	_ =	sdelay $0x4  }
0x71a: {  	v20 =	vadd.s32 v1, v20  }
0x71b: {  	[tilespmem:$0xC80] =	vst v20;
	v20 =	vld [tilespmem:$0x1FB40];
	_ =	sdelay $0x7  }
0x71c: {  	v20 =	vld.idx.msk [tilespmem:v20+s3+$0x0], $0xffff;
	_ =	sdelay $0x4  }
0x71d: {  	v20 =	vadd.s32 v17, v20  }
0x71e: {  	[tilespmem:$0xC90] =	vst v20;
	v20 =	vld [tilespmem:$0x1FB50];
	_ =	sdelay $0x7  }
0x71f: {  	v20 =	vld.idx.msk [tilespmem:v20+s3+$0x0], $0xffff;
	_ =	sdelay $0x4  }
0x720: {  	v20 =	vadd.s32 v18, v20  }
0x721: {  	[tilespmem:$0xCA0] =	vst v20;
	v20 =	vld [tilespmem:$0x1FB60];
	_ =	sdelay $0x7  }
0x722: {  	v20 =	vld.idx.msk [tilespmem:v20+s3+$0x0], $0xffff;
	_ =	sdelay $0x4  }
0x723: {  	v20 =	vadd.s32 v19, v20  }
0x724: {  	[tilespmem:$0xCB0] =	vst v20;
	v20 =	vld [tilespmem:$0x1FB70];
	_ =	sdelay $0x7  }
0x725: {  	v20 =	vld.idx.msk [tilespmem:v20+s3+$0x0], $0xffff;
	_ =	sdelay $0x4  }
0x726: {  	v20 =	vadd.s32 v1, v20  }
0x727: {  	[tilespmem:$0xCC0] =	vst v20;
	v20 =	vld [tilespmem:$0x1FB80];
	_ =	sdelay $0x7  }
0x728: {  	v20 =	vld.idx.msk [tilespmem:v20+s3+$0x0], $0xffff;
	_ =	sdelay $0x4  }
0x729: {  	v20 =	vadd.s32 v17, v20  }
0x72a: {  	[tilespmem:$0xCD0] =	vst v20;
	v20 =	vld [tilespmem:$0x1FB90];
	_ =	sdelay $0x7  }
0x72b: {  	v20 =	vld.idx.msk [tilespmem:v20+s3+$0x0], $0xffff;
	_ =	sdelay $0x4  }
0x72c: {  	v20 =	vadd.s32 v18, v20  }
0x72d: {  	[tilespmem:$0xCE0] =	vst v20;
	v20 =	vld [tilespmem:$0x1FBB0];
	_ =	sdelay $0x7  }
0x72e: {  	v20 =	vld.idx.msk [tilespmem:v20+s3+$0x0], $0xffff;
	_ =	sdelay $0x4  }
0x72f: {  	v20 =	vadd.s32 v19, v20  }
0x730: {  	[tilespmem:$0xCF0] =	vst v20  }
0x731: {  	_ =	swait.ge [sflag:s21], $0x4000  }
0x732: {  	[sflag:s21] =	ssyncset.done $0x0  }
0x733: {  	s1 =	rddreg [dreg:$0x1d];
	[sflag:s21] =	ssyncadd.s32 $0xFFFFC000  }
0x734: {  	[tilespmem:s11], [sflag:$0x4] =	stream.indirect.gather [hbm4b:s0+s7], $0x80, s1, s7, $0xb8;
	[tilespmem:$0x19000] =	vst v63  }
0x735: {  	_ =	swait.ge [sflag:s22], $0x4000  }
0x736: {  	v20 =	vld [tilespmem:$0x1FBC0];
	_ =	sdelay $0x4  }
0x737: {  	[sflag:s22] =	ssyncset.done $0x0  }
0x738: {  	s1 =	rddreg [dreg:$0x8];
	[sflag:s22] =	ssyncadd.s32 $0xFFFFC000  }
0x739: {  	[hbm4b:s1+s3] =	stream.linear.scatter [tilespmem:s12], [sflag:$0xB], $0x4000, $0x38;
	[tilespmem:$0x19000] =	vst v63  }
0x73a: {  	v20 =	vld.idx.msk [tilespmem:v20+s3+$0x0], $0xffff;
	_ =	sdelay $0x4  }
0x73b: {  	v20 =	vadd.s32 v1, v20  }
0x73c: {  	[tilespmem:$0xD00] =	vst v20;
	v20 =	vld [tilespmem:$0x1FBD0];
	_ =	sdelay $0x7  }
0x73d: {  	v20 =	vld.idx.msk [tilespmem:v20+s3+$0x0], $0xffff;
	_ =	sdelay $0x4  }
0x73e: {  	v20 =	vadd.s32 v17, v20  }
0x73f: {  	[tilespmem:$0xD10] =	vst v20;
	v20 =	vld [tilespmem:$0x1FBF0];
	_ =	sdelay $0x7  }
0x740: {  	v20 =	vld.idx.msk [tilespmem:v20+s3+$0x0], $0xffff;
	_ =	sdelay $0x4  }
0x741: {  	v20 =	vadd.s32 v18, v20  }
0x742: {  	[tilespmem:$0xD20] =	vst v20;
	v20 =	vld [tilespmem:$0x1FC10];
	_ =	sdelay $0x7  }
0x743: {  	v20 =	vld.idx.msk [tilespmem:v20+s3+$0x0], $0xffff;
	_ =	sdelay $0x4  }
0x744: {  	v20 =	vadd.s32 v19, v20  }
0x745: {  	[tilespmem:$0xD30] =	vst v20;
	v20 =	vld [tilespmem:$0x1FC30];
	_ =	sdelay $0x7  }
0x746: {  	v20 =	vld.idx.msk [tilespmem:v20+s3+$0x0], $0xffff;
	_ =	sdelay $0x4  }
0x747: {  	v20 =	vadd.s32 v1, v20  }
0x748: {  	[tilespmem:$0xD40] =	vst v20  }
0x749: {  	v20 =	vld.idx.msk [tilespmem:v21+s3+$0x0], $0xffff;
	_ =	sdelay $0x4  }
0x74a: {  	v20 =	vadd.s32 v17, v20  }
0x74b: {  	[tilespmem:$0xD50] =	vst v20  }
0x74c: {  	v20 =	vld.idx.msk [tilespmem:v22+s3+$0x0], $0xffff;
	_ =	sdelay $0x4  }
0x74d: {  	v20 =	vadd.s32 v18, v20  }
0x74e: {  	[tilespmem:$0xD60] =	vst v20  }
0x74f: {  	v20 =	vld.idx.msk [tilespmem:v23+s3+$0x0], $0xffff;
	_ =	sdelay $0x4  }
0x750: {  	v20 =	vadd.s32 v19, v20  }
0x751: {  	[tilespmem:$0xD70] =	vst v20  }
0x752: {  	_ =	swait.ge [sflag:s23], $0x4000  }
0x753: {  	[sflag:s23] =	ssyncset.done $0x0  }
0x754: {  	[sflag:s23] =	ssyncadd.s32 $0xFFFFC000  }
0x755: {  	[tilespmem:s12], [sflag:$0x5] =	stream.indirect.gather [hbm4b:s0+s7], $0x80, s24, s7, $0xb8;
	[tilespmem:$0x19000] =	vst v63  }
0x756: {  	_ =	swait.ge [sflag:s25], $0x4000  }
0x757: {  	[sflag:s25] =	ssyncset.done $0x0  }
0x758: {  	s1 =	rddreg [dreg:$0x9];
	[sflag:s25] =	ssyncadd.s32 $0xFFFFC000  }
0x759: {  	[hbm4b:s1+s3] =	stream.linear.scatter [tilespmem:s13], [sflag:$0xC], $0x4000, $0x38;
	[tilespmem:$0x19000] =	vst v63  }
0x75a: {  	v20 =	vld.idx.msk [tilespmem:v24+s3+$0x0], $0xffff;
	_ =	sdelay $0x4  }
0x75b: {  	v20 =	vadd.s32 v1, v20  }
0x75c: {  	[tilespmem:$0xD80] =	vst v20  }
0x75d: {  	v20 =	vld.idx.msk [tilespmem:v25+s3+$0x0], $0xffff;
	_ =	sdelay $0x4  }
0x75e: {  	v20 =	vadd.s32 v17, v20  }
0x75f: {  	[tilespmem:$0xD90] =	vst v20  }
0x760: {  	v20 =	vld.idx.msk [tilespmem:v26+s3+$0x0], $0xffff;
	_ =	sdelay $0x4  }
0x761: {  	v20 =	vadd.s32 v18, v20  }
0x762: {  	[tilespmem:$0xDA0] =	vst v20  }
0x763: {  	v20 =	vld.idx.msk [tilespmem:v27+s3+$0x0], $0xffff;
	_ =	sdelay $0x4  }
0x764: {  	v20 =	vadd.s32 v19, v20  }
0x765: {  	[tilespmem:$0xDB0] =	vst v20  }
0x766: {  	v20 =	vld.idx.msk [tilespmem:v28+s3+$0x0], $0xffff;
	_ =	sdelay $0x4  }
0x767: {  	v20 =	vadd.s32 v1, v20  }
0x768: {  	[tilespmem:$0xDC0] =	vst v20  }
0x769: {  	v20 =	vld.idx.msk [tilespmem:v29+s3+$0x0], $0xffff;
	_ =	sdelay $0x4  }
0x76a: {  	v20 =	vadd.s32 v17, v20  }
0x76b: {  	[tilespmem:$0xDD0] =	vst v20  }
0x76c: {  	v20 =	vld.idx.msk [tilespmem:v30+s3+$0x0], $0xffff;
	_ =	sdelay $0x4  }
0x76d: {  	v20 =	vadd.s32 v18, v20  }
0x76e: {  	[tilespmem:$0xDE0] =	vst v20  }
0x76f: {  	v20 =	vld.idx.msk [tilespmem:v31+s3+$0x0], $0xffff;
	_ =	sdelay $0x4  }
0x770: {  	v20 =	vadd.s32 v19, v20  }
0x771: {  	[tilespmem:$0xDF0] =	vst v20  }
0x772: {  	_ =	swait.ge [sflag:s26], $0x4000  }
0x773: {  	[sflag:s26] =	ssyncset.done $0x0  }
0x774: {  	[sflag:s26] =	ssyncadd.s32 $0xFFFFC000  }
0x775: {  	[tilespmem:s13], [sflag:$0x6] =	stream.indirect.gather [hbm4b:s0+s7], $0x80, s28, s7, $0xb8;
	[tilespmem:$0x19000] =	vst v63  }
0x776: {  	_ =	swait.ge [sflag:s14], $0x4000  }
0x777: {  	[sflag:s14] =	ssyncset.done $0x0  }
0x778: {  	s1 =	rddreg [dreg:$0xa];
	[sflag:s14] =	ssyncadd.s32 $0xFFFFC000  }
0x779: {  	[hbm4b:s1+s3] =	stream.linear.scatter [tilespmem:s8], [sflag:$0x7], $0x4000, $0x38;
	[tilespmem:$0x19000] =	vst v63  }
0x77a: {  	v20 =	vld.idx.msk [tilespmem:v32+s3+$0x0], $0xffff;
	_ =	sdelay $0x4  }
0x77b: {  	v20 =	vadd.s32 v1, v20  }
0x77c: {  	[tilespmem:$0xE00] =	vst v20  }
0x77d: {  	v20 =	vld.idx.msk [tilespmem:v33+s3+$0x0], $0xffff;
	_ =	sdelay $0x4  }
0x77e: {  	v20 =	vadd.s32 v17, v20  }
0x77f: {  	[tilespmem:$0xE10] =	vst v20  }
0x780: {  	v20 =	vld.idx.msk [tilespmem:v34+s3+$0x0], $0xffff;
	_ =	sdelay $0x4  }
0x781: {  	v20 =	vadd.s32 v18, v20  }
0x782: {  	[tilespmem:$0xE20] =	vst v20  }
0x783: {  	v20 =	vld.idx.msk [tilespmem:v35+s3+$0x0], $0xffff;
	_ =	sdelay $0x4  }
0x784: {  	v20 =	vadd.s32 v19, v20  }
0x785: {  	[tilespmem:$0xE30] =	vst v20  }
0x786: {  	v20 =	vld.idx.msk [tilespmem:v36+s3+$0x0], $0xffff;
	_ =	sdelay $0x4  }
0x787: {  	v20 =	vadd.s32 v1, v20  }
0x788: {  	[tilespmem:$0xE40] =	vst v20  }
0x789: {  	v20 =	vld.idx.msk [tilespmem:v37+s3+$0x0], $0xffff;
	_ =	sdelay $0x4  }
0x78a: {  	v20 =	vadd.s32 v17, v20  }
0x78b: {  	[tilespmem:$0xE50] =	vst v20  }
0x78c: {  	v20 =	vld.idx.msk [tilespmem:v38+s3+$0x0], $0xffff;
	_ =	sdelay $0x4  }
0x78d: {  	v20 =	vadd.s32 v18, v20  }
0x78e: {  	[tilespmem:$0xE60] =	vst v20  }
0x78f: {  	v20 =	vld.idx.msk [tilespmem:v39+s3+$0x0], $0xffff;
	_ =	sdelay $0x4  }
0x790: {  	v20 =	vadd.s32 v19, v20  }
0x791: {  	[tilespmem:$0xE70] =	vst v20  }
0x792: {  	_ =	swait.ge [sflag:s15], $0x4000  }
0x793: {  	[sflag:s15] =	ssyncset.done $0x0  }
0x794: {  	[sflag:s15] =	ssyncadd.s32 $0xFFFFC000  }
0x795: {  	[tilespmem:s8], [sflag:$0x1] =	stream.indirect.gather [hbm4b:s0+s7], $0x80, s29, s7, $0xb8;
	[tilespmem:$0x19000] =	vst v63  }
0x796: {  	_ =	swait.ge [sflag:s16], $0x4000  }
0x797: {  	[sflag:s16] =	ssyncset.done $0x0  }
0x798: {  	s1 =	rddreg [dreg:$0xb];
	[sflag:s16] =	ssyncadd.s32 $0xFFFFC000  }
0x799: {  	[hbm4b:s1+s3] =	stream.linear.scatter [tilespmem:s9], [sflag:$0x8], $0x4000, $0x38;
	[tilespmem:$0x19000] =	vst v63  }
0x79a: {  	v20 =	vld.idx.msk [tilespmem:v40+s3+$0x0], $0xffff;
	_ =	sdelay $0x4  }
0x79b: {  	v20 =	vadd.s32 v1, v20  }
0x79c: {  	[tilespmem:$0xE80] =	vst v20  }
0x79d: {  	v20 =	vld.idx.msk [tilespmem:v41+s3+$0x0], $0xffff;
	_ =	sdelay $0x4  }
0x79e: {  	v20 =	vadd.s32 v17, v20  }
0x79f: {  	[tilespmem:$0xE90] =	vst v20  }
0x7a0: {  	v20 =	vld.idx.msk [tilespmem:v42+s3+$0x0], $0xffff;
	_ =	sdelay $0x4  }
0x7a1: {  	v20 =	vadd.s32 v18, v20  }
0x7a2: {  	[tilespmem:$0xEA0] =	vst v20  }
0x7a3: {  	v20 =	vld.idx.msk [tilespmem:v43+s3+$0x0], $0xffff;
	_ =	sdelay $0x4  }
0x7a4: {  	v20 =	vadd.s32 v19, v20  }
0x7a5: {  	[tilespmem:$0xEB0] =	vst v20  }
0x7a6: {  	v20 =	vld.idx.msk [tilespmem:v44+s3+$0x0], $0xffff;
	_ =	sdelay $0x4  }
0x7a7: {  	v20 =	vadd.s32 v1, v20  }
0x7a8: {  	[tilespmem:$0xEC0] =	vst v20  }
0x7a9: {  	v20 =	vld.idx.msk [tilespmem:v45+s3+$0x0], $0xffff;
	_ =	sdelay $0x4  }
0x7aa: {  	v20 =	vadd.s32 v17, v20  }
0x7ab: {  	[tilespmem:$0xED0] =	vst v20  }
0x7ac: {  	v20 =	vld.idx.msk [tilespmem:v46+s3+$0x0], $0xffff;
	_ =	sdelay $0x4  }
0x7ad: {  	v20 =	vadd.s32 v18, v20  }
0x7ae: {  	[tilespmem:$0xEE0] =	vst v20  }
0x7af: {  	v20 =	vld.idx.msk [tilespmem:v47+s3+$0x0], $0xffff;
	_ =	sdelay $0x4  }
0x7b0: {  	v20 =	vadd.s32 v19, v20  }
0x7b1: {  	[tilespmem:$0xEF0] =	vst v20  }
0x7b2: {  	_ =	swait.ge [sflag:s17], $0x4000  }
0x7b3: {  	[sflag:s17] =	ssyncset.done $0x0  }
0x7b4: {  	[sflag:s17] =	ssyncadd.s32 $0xFFFFC000  }
0x7b5: {  	[tilespmem:s9], [sflag:$0x2] =	stream.indirect.gather [hbm4b:s0+s7], $0x80, s30, s7, $0xb8;
	[tilespmem:$0x19000] =	vst v63  }
0x7b6: {  	_ =	swait.ge [sflag:s18], $0x4000  }
0x7b7: {  	[sflag:s18] =	ssyncset.done $0x0  }
0x7b8: {  	s1 =	rddreg [dreg:$0xc];
	[sflag:s18] =	ssyncadd.s32 $0xFFFFC000  }
0x7b9: {  	[hbm4b:s1+s3] =	stream.linear.scatter [tilespmem:s10], [sflag:$0x9], $0x4000, $0x38;
	[tilespmem:$0x19000] =	vst v63  }
0x7ba: {  	v20 =	vld.idx.msk [tilespmem:v48+s3+$0x0], $0xffff;
	_ =	sdelay $0x4  }
0x7bb: {  	v20 =	vadd.s32 v1, v20  }
0x7bc: {  	[tilespmem:$0xF00] =	vst v20  }
0x7bd: {  	v20 =	vld.idx.msk [tilespmem:v49+s3+$0x0], $0xffff;
	_ =	sdelay $0x4  }
0x7be: {  	v20 =	vadd.s32 v17, v20  }
0x7bf: {  	[tilespmem:$0xF10] =	vst v20  }
0x7c0: {  	v20 =	vld.idx.msk [tilespmem:v50+s3+$0x0], $0xffff;
	_ =	sdelay $0x4  }
0x7c1: {  	v20 =	vadd.s32 v18, v20  }
0x7c2: {  	[tilespmem:$0xF20] =	vst v20  }
0x7c3: {  	v20 =	vld.idx.msk [tilespmem:v51+s3+$0x0], $0xffff;
	_ =	sdelay $0x4  }
0x7c4: {  	v20 =	vadd.s32 v19, v20  }
0x7c5: {  	[tilespmem:$0xF30] =	vst v20  }
0x7c6: {  	v20 =	vld.idx.msk [tilespmem:v52+s3+$0x0], $0xffff;
	_ =	sdelay $0x4  }
0x7c7: {  	v20 =	vadd.s32 v1, v20  }
0x7c8: {  	[tilespmem:$0xF40] =	vst v20  }
0x7c9: {  	v20 =	vld.idx.msk [tilespmem:v53+s3+$0x0], $0xffff;
	_ =	sdelay $0x4  }
0x7ca: {  	v20 =	vadd.s32 v17, v20  }
0x7cb: {  	[tilespmem:$0xF50] =	vst v20  }
0x7cc: {  	v20 =	vld.idx.msk [tilespmem:v54+s3+$0x0], $0xffff;
	_ =	sdelay $0x4  }
0x7cd: {  	v20 =	vadd.s32 v18, v20  }
0x7ce: {  	[tilespmem:$0xF60] =	vst v20  }
0x7cf: {  	v20 =	vld.idx.msk [tilespmem:v55+s3+$0x0], $0xffff;
	_ =	sdelay $0x4  }
0x7d0: {  	v20 =	vadd.s32 v19, v20  }
0x7d1: {  	[tilespmem:$0xF70] =	vst v20  }
0x7d2: {  	_ =	swait.ge [sflag:s19], $0x4000  }
0x7d3: {  	[sflag:s19] =	ssyncset.done $0x0  }
0x7d4: {  	[sflag:s19] =	ssyncadd.s32 $0xFFFFC000  }
0x7d5: {  	[tilespmem:s10], [sflag:$0x3] =	stream.indirect.gather [hbm4b:s0+s7], $0x80, s31, s7, $0xb8;
	[tilespmem:$0x19000] =	vst v63  }
0x7d6: {  	_ =	swait.ge [sflag:s20], $0x4000  }
0x7d7: {  	[sflag:s20] =	ssyncset.done $0x0  }
0x7d8: {  	s1 =	rddreg [dreg:$0xd];
	[sflag:s20] =	ssyncadd.s32 $0xFFFFC000  }
0x7d9: {  	[hbm4b:s1+s3] =	stream.linear.scatter [tilespmem:s11], [sflag:$0xA], $0x4000, $0x38;
	[tilespmem:$0x19000] =	vst v63  }
0x7da: {  	v20 =	vld.idx.msk [tilespmem:v56+s3+$0x0], $0xffff;
	_ =	sdelay $0x4  }
0x7db: {  	v20 =	vadd.s32 v1, v20  }
0x7dc: {  	[tilespmem:$0xF80] =	vst v20  }
0x7dd: {  	v20 =	vld.idx.msk [tilespmem:v57+s3+$0x0], $0xffff;
	_ =	sdelay $0x4  }
0x7de: {  	v20 =	vadd.s32 v17, v20  }
0x7df: {  	[tilespmem:$0xF90] =	vst v20  }
0x7e0: {  	v20 =	vld.idx.msk [tilespmem:v58+s3+$0x0], $0xffff;
	_ =	sdelay $0x4  }
0x7e1: {  	v20 =	vadd.s32 v18, v20  }
0x7e2: {  	[tilespmem:$0xFA0] =	vst v20  }
0x7e3: {  	v20 =	vld.idx.msk [tilespmem:v59+s3+$0x0], $0xffff;
	_ =	sdelay $0x4  }
0x7e4: {  	v20 =	vadd.s32 v19, v20  }
0x7e5: {  	[tilespmem:$0xFB0] =	vst v20  }
0x7e6: {  	v20 =	vld.idx.msk [tilespmem:v60+s3+$0x0], $0xffff;
	_ =	sdelay $0x4  }
0x7e7: {  	v20 =	vadd.s32 v1, v20  }
0x7e8: {  	[tilespmem:$0xFC0] =	vst v20  }
0x7e9: {  	v20 =	vld.idx.msk [tilespmem:v61+s3+$0x0], $0xffff;
	_ =	sdelay $0x4  }
0x7ea: {  	v20 =	vadd.s32 v17, v20  }
0x7eb: {  	[tilespmem:$0xFD0] =	vst v20  }
0x7ec: {  	v20 =	vld.idx.msk [tilespmem:v62+s3+$0x0], $0xffff;
	_ =	sdelay $0x4  }
0x7ed: {  	v20 =	vadd.s32 v18, v20  }
0x7ee: {  	[tilespmem:$0xFE0] =	vst v20  }
0x7ef: {  	v20 =	vld.idx.msk [tilespmem:v63+s3+$0x0], $0xffff;
	_ =	sdelay $0x4  }
0x7f0: {  	v20 =	vadd.s32 v19, v20  }
0x7f1: {  	[tilespmem:$0xFF0] =	vst v20  }
0x7f2: {  	_ =	swait.ge [sflag:s21], $0x4000  }
0x7f3: {  	[sflag:s21] =	ssyncset.done $0x0  }
0x7f4: {  	[sflag:s21] =	ssyncadd.s32 $0xFFFFC000  }
0x7f5: {  	[tilespmem:s11], [sflag:$0x4] =	stream.indirect.gather [hbm4b:s0+s7], $0x80, s2, s7, $0xb8;
	[tilespmem:$0x19000] =	vst v63  }
0x7f6: {  	_ =	swait.ge [sflag:s22], $0x4000  }
0x7f7: {  	[sflag:s22] =	ssyncset.done $0x0  }
0x7f8: {  	s1 =	rddreg [dreg:$0xe];
	[sflag:s22] =	ssyncadd.s32 $0xFFFFC000  }
0x7f9: {  	[hbm4b:s1+s3] =	stream.linear.scatter [tilespmem:s12], [sflag:$0xB], $0x4000, $0x38;
	[tilespmem:$0x19000] =	vst v63  }
0x7fa: {  	_ =	swait.ge [sflag:s25], $0x4000  }
0x7fb: {  	[sflag:s25] =	ssyncset.done $0x0  }
0x7fc: {  	s1 =	rddreg [dreg:$0xf];
	[sflag:s25] =	ssyncadd.s32 $0xFFFFC000  }
0x7fd: {  	[hbm4b:s1+s3] =	stream.linear.scatter [tilespmem:s13], [sflag:$0xC], $0x4000, $0x38;
	[tilespmem:$0x19000] =	vst v63  }
0x7fe: {  	_ =	swait.ge [sflag:s14], $0x4000  }
0x7ff: {  	[sflag:s14] =	ssyncset.done $0x0  }
0x800: {  	s1 =	rddreg [dreg:$0x10];
	[sflag:s14] =	ssyncadd.s32 $0xFFFFC000  }
0x801: {  	[hbm4b:s1+s3] =	stream.linear.scatter [tilespmem:s8], [sflag:$0x7], $0x4000, $0x38;
	[tilespmem:$0x19000] =	vst v63  }
0x802: {  	_ =	swait.ge [sflag:s16], $0x4000  }
0x803: {  	[sflag:s16] =	ssyncset.done $0x0  }
0x804: {  	s1 =	rddreg [dreg:$0x11];
	[sflag:s16] =	ssyncadd.s32 $0xFFFFC000  }
0x805: {  	[hbm4b:s1+s3] =	stream.linear.scatter [tilespmem:s9], [sflag:$0x8], $0x4000, $0x38;
	[tilespmem:$0x19000] =	vst v63  }
0x806: {  	_ =	swait.ge [sflag:s18], $0x4000  }
0x807: {  	[sflag:s18] =	ssyncset.done $0x0  }
0x808: {  	s1 =	rddreg [dreg:$0x12];
	[sflag:s18] =	ssyncadd.s32 $0xFFFFC000  }
0x809: {  	[hbm4b:s1+s3] =	stream.linear.scatter [tilespmem:s10], [sflag:$0x9], $0x4000, $0x38;
	[tilespmem:$0x19000] =	vst v63  }
0x80a: {  	_ =	swait.ge [sflag:s20], $0x4000  }
0x80b: {  	[sflag:s20] =	ssyncset.done $0x0  }
0x80c: {  	s1 =	rddreg [dreg:$0x13];
	[sflag:s20] =	ssyncadd.s32 $0xFFFFC000  }
0x80d: {  	[hbm4b:s1+s3] =	stream.linear.scatter [tilespmem:s11], [sflag:$0xA], $0x4000, $0x38;
	[tilespmem:$0x19000] =	vst v63  }
0x80e: {  	_ =	swait.ge [sflag:s23], $0x4000  }
0x80f: {  	[sflag:s23] =	ssyncset.done $0x0  }
0x810: {  	[sflag:s23] =	ssyncadd.s32 $0xFFFFC000  }
0x811: {  	_ =	swait.ge [sflag:s26], $0x4000  }
0x812: {  	[sflag:s26] =	ssyncset.done $0x0  }
0x813: {  	[sflag:s26] =	ssyncadd.s32 $0xFFFFC000  }
0x814: {  	_ =	swait.ge [sflag:s15], $0x4000  }
0x815: {  	[sflag:s15] =	ssyncset.done $0x0  }
0x816: {  	[sflag:s15] =	ssyncadd.s32 $0xFFFFC000  }
0x817: {  	_ =	swait.ge [sflag:s17], $0x4000  }
0x818: {  	[sflag:s17] =	ssyncset.done $0x0  }
0x819: {  	[sflag:s17] =	ssyncadd.s32 $0xFFFFC000  }
0x81a: {  	p0 =	sne.s32 s5, $0x1;
	_ =	swait.ge [sflag:s19], $0x4000  }
.Ltmp0:
0x81b: {  	[sflag:s19] =	ssyncset.done $0x0;
	(pc) =	sbr.rel @p0 .LBB2_1-.Ltmp0, $4  }
0x81c: {  	[sflag:s19] =	ssyncadd.s32 $0xFFFFC000  }
0x81d: {  	_ =	swait.ge [sflag:s21], $0x4000  }
0x81e: {  	[sflag:s21] =	ssyncset.done $0x0  }
0x81f: {  	s5 =	sadd.s32 $0xFFFFFFFF, s5;
	[sflag:s21] =	ssyncadd.s32 $0xFFFFC000  }
0x820: {  	_ =	sfence.sel $0x180000  }
0x821: {  	[bflag:$0x0] =	sbarrier.arrive $0xFFFF  }
0x822: {  	_ =	strace $0x90000047  }
0x823: {  	s0 =	stileid.u32;
	[bflag:$0x2] =	sbarrier.arrive $0xFFFF  }
0x824: {  	p0 =	sne.s32 s0, $0x0;
	s0 =	rddreg [dreg:$0x3]  }
0x825: {  	s0 =	sadd.s32 @!p0 $0x100000, s0  }
0x826: {  	[sflag:s0] =	ssyncadd.tile.s32 @!p0 $0x1;
	_ =	shalt  }
.Lfunc_end2:
_tile_overlayer_lowered:
.L_overlay_start_2:
0x827: {  	(tag) =	ssettag $0x2  }
0x828: {  	s0 =	rddreg [dreg:$0x0];
	s2 =	stileid.u32  }
0x829: {  	s1 =	rddreg [dreg:$0x1];
	p0 =	sne.s32 s2, $0x0  }
0x82a: {  	s3 =	rddreg [dreg:$0x2];
	[bflag:$0x3] =	sbarrier.arrive $0xFFFF;
	s2 =	simm.s32 @!p0 $0x1C0D  }
0x82b: {  	[timem:s3], [sflag:s2] =	dma.local @!p0 [hbm:s0], s1  }
0x82c: {  	s0 =	simm.s32 @!p0 $0xD  }
0x82d: {  	_ =	swait.ge @!p0 [sflag:s0], s1  }
0x82e: {  	s1 =	ssub.s32 @!p0 $0x0, s1;
	[sflag:s0] =	ssyncset.done @!p0 $0x0  }
0x82f: {  	[sflag:s0] =	ssyncadd.s32 @!p0 s1  }
0x830: {  	[bflag:$0x3] =	sbarrier.arrive $0xFFFF  }
0x831: {  	_ =	shalt  }

</sc_bundles>
